<compile_context>
chip_gen: v7x
topology: tpu7x:2x2x1
jax: 0.10.2.dev20260603
libtpu: 0.0.44.dev20260713+nightly
codegen_flags: <defaults>
</compile_context>

<pallas_src>
import functools

import jax
import jax.numpy as jnp
import numpy as np
from jax import lax
from jax.experimental import pallas as pl
from jax.experimental.pallas import tpu as pltpu
from jax.experimental.pallas import tpu_sc as plsc

_THRESH = np.float32(0.1)
_SENTINEL = np.float32(-1.0)



def _make_sc_stats(n_sc, H, W):
    SUB_PER_SAMPLE = 32 // n_sc
    SUB_ROWS = H // SUB_PER_SAMPLE
    CHUNK_ROWS = 16
    n_chunks = SUB_ROWS // CHUNK_ROWS
    UNROLL = 4
    n_iter = CHUNK_ROWS * W // (16 * UNROLL)
    grp_per_row = W // 16
    assert SUB_ROWS % CHUNK_ROWS == 0 and grp_per_row == 32
    assert 32 % n_sc == 0

    mesh = plsc.VectorSubcoreMesh(core_axis_name="c", subcore_axis_name="s")

    @functools.partial(
        pl.kernel,
        out_type=jax.ShapeDtypeStruct((32, 8, 128), jnp.float32),
        mesh=mesh,
        scratch_types=[pltpu.VMEM((3, CHUNK_ROWS, W), jnp.float32)
                       for _ in range(5)]
        + [pltpu.VMEM((8, 128), jnp.float32), pltpu.SemaphoreType.DMA],
        compiler_params=pltpu.CompilerParams(use_tc_tiling_on_sc=True),
    )
    def sc_stats(gr_h, ga_h, pr_h, pa_h, cf_h, out_h,
                 vgr, vga, vpr, vpa, vcf, vacc, sem):
        wid = lax.axis_index("s") * 2 + lax.axis_index("c")
        sample = lax.div(wid, SUB_PER_SAMPLE)
        row0 = lax.rem(wid, SUB_PER_SAMPLE) * SUB_ROWS
        hbm = (gr_h, ga_h, pr_h, pa_h, cf_h)
        bufs = (vgr, vga, vpr, vpa, vcf)

        NBUF = 3

        def start(j):
            rs = pl.ds(row0 + j * CHUNK_ROWS, CHUNK_ROWS)
            return [pltpu.async_copy(h.at[sample, rs, :], v.at[j % NBUF], sem)
                    for h, v in zip(hbm, bufs)]

        zero = jnp.zeros((16,), jnp.float32)
        accs = (zero, zero, zero, zero, zero, zero)
        pending = [start(j) for j in range(NBUF - 1)]
        for j in range(n_chunks):
            for cp in pending.pop(0):
                cp.wait()
            if j + NBUF - 1 < n_chunks:
                pending.append(start(j + NBUF - 1))
            slot = j % NBUF

            def body(i, acc, slot=slot):
                npr, psr, tsr, npa, psa, tsa = acc
                r = lax.shift_right_logical(i, 3)
                c0 = lax.shift_left(lax.bitwise_and(i, 7), 6)
                for u in range(UNROLL):
                    sl = pl.ds(pl.multiple_of(c0 + u * 16, 16), 16)
                    g_r = vgr[slot, r, sl]
                    g_a = vga[slot, r, sl]
                    p_r = vpr[slot, r, sl]
                    p_a = vpa[slot, r, sl]
                    c = vcf[slot, r, sl]
                    d_r = p_r - g_r
                    l_r = d_r * d_r * c
                    d_a = p_a - g_a
                    l_a = d_a * d_a * c
                    m_r = g_r >= _THRESH
                    m_a = g_a >= _THRESH
                    npr = npr + jnp.where(m_r, np.float32(1.0), np.float32(0.0))
                    psr = psr + jnp.where(m_r, l_r, np.float32(0.0))
                    tsr = tsr + l_r
                    npa = npa + jnp.where(m_a, np.float32(1.0), np.float32(0.0))
                    psa = psa + jnp.where(m_a, l_a, np.float32(0.0))
                    tsa = tsa + l_a
                return (npr, psr, tsr, npa, psa, tsa)

            accs = lax.fori_loop(0, n_iter, body, accs)

        for q in range(6):
            vacc[q, pl.ds(0, 16)] = accs[q]
        pltpu.sync_copy(vacc, out_h.at[wid])

    return sc_stats



def _make_tc_stats(first, n, H, W):
    one = np.float32(1.0)
    zero = np.float32(0.0)

    def body(gr, ga, pr, pa, cf, out_ref):
        c = cf[0]
        rows = []
        for g, p in ((gr[0], pr[0]), (ga[0], pa[0])):
            d = p - g
            l = d * d * c
            m = g >= _THRESH
            rows.append(jnp.sum(jnp.where(m, one, zero)))
            rows.append(jnp.sum(jnp.where(m, l, zero)))
            rows.append(jnp.sum(l))
        block = jnp.concatenate(
            [jnp.full((1, 128), v, jnp.float32) for v in rows]
            + [jnp.zeros((2, 128), jnp.float32)], axis=0)
        out_ref[0] = block

    def run(gt_r, gt_a, p_r, p_a, cf):
        return pl.pallas_call(
            body,
            grid=(n,),
            in_specs=[pl.BlockSpec((1, H, W), lambda i: (i + first, 0, 0))
                      for _ in range(5)],
            out_specs=pl.BlockSpec((1, 8, 128), lambda i: (i, 0, 0)),
            out_shape=jax.ShapeDtypeStruct((n, 8, 128), jnp.float32),
        )(gt_r, gt_a, p_r, p_a, cf)

    return run



def _fb_body(P, gt_ref, pd_ref, cf_ref, out_ref):
    g = gt_ref[0, 0]
    p = pd_ref[0, 0]
    c = cf_ref[0]
    d = p - g
    l = d * d * c
    m = g >= _THRESH
    one = np.float32(1.0)
    zero = np.float32(0.0)
    npos = jnp.sum(jnp.where(m, one, zero))
    possum = jnp.sum(jnp.where(m, l, zero))
    negsum = jnp.sum(jnp.where(m, zero, l))
    nneg = np.float32(P) - npos
    k = np.float32(3.0) * npos
    neg_vals = jnp.where(m, _SENTINEL, l)

    def topsum(vals, kk):
        def bis(_, lohi):
            lo, hi = lohi
            mid = (lo + hi) * np.float32(0.5)
            cnt = jnp.sum(jnp.where(vals > mid, one, zero))
            take = cnt >= kk
            return (jnp.where(take, mid, lo), jnp.where(take, hi, mid))

        lo, hi = lax.fori_loop(
            0, 220, bis, (np.float32(-2.0), np.float32(2.0)))
        vk = hi
        gt_m = vals > vk
        cnt = jnp.sum(jnp.where(gt_m, one, zero))
        s = jnp.sum(jnp.where(gt_m, vals, zero))
        return s + (kk - cnt) * vk

    k_eff = jnp.clip(k, one, np.float32(P))
    topk_sum = topsum(neg_vals, k_eff)
    top500_sum = topsum(l, np.float32(500.0))

    pos_loss = possum / jnp.maximum(npos, one)
    neg_mean_all = negsum / jnp.maximum(nneg, one)
    topk_mean = topk_sum / jnp.maximum(k, one)
    negative_loss = jnp.where(nneg < k, neg_mean_all, topk_mean)
    contrib = jnp.where(
        npos > zero, pos_loss + negative_loss, top500_sum / np.float32(500.0))
    out_ref[0, 0, 0, :] = jnp.full((128,), contrib, jnp.float32)


def _make_fallback(B, H, W):
    P = H * W

    def fallback(gt_r, gt_a, p_r, p_a, cf):
        gt = jnp.stack([gt_r, gt_a])
        pd = jnp.stack([p_r, p_a])
        out = pl.pallas_call(
            functools.partial(_fb_body, P),
            grid=(2, B),
            in_specs=[
                pl.BlockSpec((1, 1, H, W), lambda t, s: (t, s, 0, 0)),
                pl.BlockSpec((1, 1, H, W), lambda t, s: (t, s, 0, 0)),
                pl.BlockSpec((1, H, W), lambda t, s: (s, 0, 0)),
            ],
            out_specs=pl.BlockSpec((1, 1, 1, 128), lambda t, s: (t, s, 0, 0)),
            out_shape=jax.ShapeDtypeStruct((2, B, 1, 128), jnp.float32),
        )(gt, pd, cf)
        return jnp.sum(out[:, :, 0, 0]) / np.float32(B)

    return fallback



def kernel(gt_region_scores, gt_affinity_scores, pred_region_scores,
           pred_affinity_scores, confidence_mask):
    B, H, W = gt_region_scores.shape
    P = H * W

    n_sc = B // 2
    sc_stats = _make_sc_stats(n_sc, H, W)
    tc_stats = _make_tc_stats(n_sc, B - n_sc, H, W)
    args = (gt_region_scores, gt_affinity_scores, pred_region_scores,
            pred_affinity_scores, confidence_mask)
    sc_out = sc_stats(*args)
    tc_out = tc_stats(*args)

    sub = 32 // n_sc
    st_sc = sc_out.reshape(n_sc, sub, 8, 128)[:, :, :6, :16].sum(axis=(1, 3))
    st_tc = tc_out[:, :6, 0]
    st = jnp.concatenate([st_sc, st_tc], axis=0)
    one = np.float32(1.0)
    cheap_total = np.float32(0.0)
    need = False
    for t in range(2):
        npos = st[:, 3 * t + 0]
        possum = st[:, 3 * t + 1]
        negsum = st[:, 3 * t + 2] - possum
        nneg = np.float32(P) - npos
        k = np.float32(3.0) * npos
        need = jnp.logical_or(need, jnp.any(
            jnp.logical_or(npos < np.float32(0.5), nneg >= k)))
        contrib = possum / jnp.maximum(npos, one) + negsum / jnp.maximum(nneg, one)
        cheap_total = cheap_total + jnp.sum(contrib)
    cheap = cheap_total / np.float32(B)

    fallback = _make_fallback(B, H, W)
    return lax.cond(
        need,
        lambda: fallback(gt_region_scores, gt_affinity_scores,
                         pred_region_scores, pred_affinity_scores,
                         confidence_mask),
        lambda: cheap,
    )

# --- scband reference (transcript-rebuilt; emitter-appended) ---
"""Pipeline reference for scband-loss-23467701305783 (READ-ONLY COPY).

The authoritative reference and input builder live on the scoring server;
editing this copy changes nothing except your own understanding.
"""

import jax, jax.numpy as jnp
import numpy as np


def _filter_one(pl, ll):
    # pl, ll: [P] flattened per-sample loss and label maps
    P = pl.shape[0]
    pos = ll >= 0.1
    n_pos = jnp.sum(pos)
    n_neg = P - n_pos
    pos_sum = jnp.sum(jnp.where(pos, pl, 0.0))
    positive_loss = pos_sum / jnp.maximum(n_pos, 1)
    neg_sum = jnp.sum(jnp.where(pos, 0.0, pl))
    neg_mean_all = neg_sum / jnp.maximum(n_neg, 1)
    # top-(3*n_pos) of negative pixels: sort descending with sentinel for positives
    neg_vals = jnp.where(pos, -1.0, pl)  # pl >= 0 (masked MSE), so -1 sinks positives
    sorted_neg = jnp.sort(neg_vals)[::-1]
    k = 3 * n_pos
    idx = jnp.arange(P)
    topk_sum = jnp.sum(jnp.where(idx < k, sorted_neg, 0.0))
    topk_mean = topk_sum / jnp.maximum(k, 1)
    negative_loss = jnp.where(n_neg < k, neg_mean_all, topk_mean)
    # n_pos == 0 branch: mean of top-500 of all pixels
    top500 = jax.lax.top_k(pl, 500)[0]
    top500_mean = jnp.mean(top500)
    return jnp.where(n_pos > 0, positive_loss + negative_loss, top500_mean)


def _filter_loss(pred_loss, loss_label):
    B = pred_loss.shape[0]
    pl = pred_loss.reshape(B, -1)
    ll = loss_label.reshape(B, -1)
    contribs = jax.vmap(_filter_one)(pl, ll)
    return jnp.sum(contribs)


def setup_inputs(seed: int = 0) -> dict:
    key = jax.random.key(seed)
    ks = jax.random.split(key, 5)
    shape = (16, 512, 512)
    return {
        "gt_region_scores": jax.random.uniform(ks[0], shape, dtype=jnp.float32),
        "gt_affinity_scores": jax.random.uniform(ks[1], shape, dtype=jnp.float32),
        "pred_region_scores": jax.random.uniform(ks[2], shape, dtype=jnp.float32),
        "pred_affinity_scores": jax.random.uniform(ks[3], shape, dtype=jnp.float32),
        "confidence_mask": jax.random.uniform(ks[4], shape, dtype=jnp.float32),
    }


def reference(gt_region_scores, gt_affinity_scores, pred_region_scores, pred_affinity_scores, confidence_mask):
    # elementwise MSE (reduce=False)
    loss1 = (pred_region_scores - gt_region_scores) ** 2
    loss2 = (pred_affinity_scores - gt_affinity_scores) ** 2
    loss_r = loss1 * confidence_mask
    loss_a = loss2 * confidence_mask
    r_loss = _filter_loss(loss_r, gt_region_scores)
    a_loss = _filter_loss(loss_a, gt_affinity_scores)
    B = loss_r.shape[0]
    return r_loss / B + a_loss / B

if __name__ == "__main__":
    import jax
    _d = setup_inputs()
    print(jax.jit(kernel)(*tuple(_d.values())))

</pallas_src>

<mosaic_0001>
#map = affine_map<(d0, d1) -> (0, 0, 0)>
module attributes {stable_mosaic.version = 14 : i64} {
  func.func @sc_stats(%arg0: i32, %arg1: i32, %arg2: memref<16x512x512xf32, #tpu.memory_space<hbm>>, %arg3: memref<16x512x512xf32, #tpu.memory_space<hbm>>, %arg4: memref<16x512x512xf32, #tpu.memory_space<hbm>>, %arg5: memref<16x512x512xf32, #tpu.memory_space<hbm>>, %arg6: memref<16x512x512xf32, #tpu.memory_space<hbm>>, %arg7: memref<32x8x128xf32, #tpu.memory_space<hbm>>, %arg8: memref<3x16x512xf32, #tpu.memory_space<vmem>>, %arg9: memref<3x16x512xf32, #tpu.memory_space<vmem>>, %arg10: memref<3x16x512xf32, #tpu.memory_space<vmem>>, %arg11: memref<3x16x512xf32, #tpu.memory_space<vmem>>, %arg12: memref<3x16x512xf32, #tpu.memory_space<vmem>>, %arg13: memref<8x128xf32, #tpu.memory_space<vmem>>, %arg14: memref<!tpu.dma_semaphore, #tpu.memory_space<semaphore_mem>>) attributes {dimension_semantics = [#tpu.dimension_semantics<core_parallel>, #tpu.dimension_semantics<subcore_parallel>], iteration_bounds = array<i64: 2, 16>, scalar_prefetch = 0 : i64, scratch_operands = 7 : i64, tpu.core_type = #tpu.core_type<sc_vector_subcore>, window_params = [{transform_indices = #map}, {transform_indices = #map}, {transform_indices = #map}, {transform_indices = #map}, {transform_indices = #map}, {transform_indices = #map}]} {
    %mul3A = arith.constant 2 : i32
    %mul3A_0 = arith.muli %arg1, %mul3A : i32
    %add3A = arith.addi %mul3A_0, %arg0 : i32
    %div3A = arith.constant 4 : i32
    %div3A_1 = arith.divsi %add3A, %div3A : i32
    %rem3A = arith.constant 4 : i32
    %rem3A_2 = arith.remsi %add3A, %rem3A : i32
    %mul3A_3 = arith.constant 128 : i32
    %mul3A_4 = arith.muli %rem3A_2, %mul3A_3 : i32
    %broadcast_in_dim3A = arith.constant 0.000000e+00 : f32
    %broadcast_in_dim3A_5 = vector.broadcast %broadcast_in_dim3A : f32 to vector<16xf32>
    %add3A_6 = arith.constant 0 : i32
    %add3A_7 = arith.addi %mul3A_4, %add3A_6 : i32
    %dma_start3A = arith.constant 0 : i32
    %dma_start3A_8 = arith.constant 0 : i32
    %dma_start3A_9 = arith.constant 0 : i32
    %dma_start3A_10 = tpu.memref_slice %arg8[%dma_start3A, %dma_start3A_8, %dma_start3A_9] : memref<3x16x512xf32, #tpu.memory_space<vmem>> -> memref<1x16x512xf32, #tpu.memory_space<vmem>>
    %dma_start3A_11 = tpu.memref_squeeze %dma_start3A_10 : memref<1x16x512xf32, #tpu.memory_space<vmem>> -> memref<16x512xf32, #tpu.memory_space<vmem>>
    %dma_start3A_12 = arith.constant 0 : i32
    %dma_start3A_13 = tpu.memref_slice %arg2[%div3A_1, %add3A_7, %dma_start3A_12] : memref<16x512x512xf32, #tpu.memory_space<hbm>> -> memref<1x16x512xf32, #tpu.memory_space<hbm>>
    %dma_start3A_14 = tpu.memref_squeeze %dma_start3A_13 : memref<1x16x512xf32, #tpu.memory_space<hbm>> -> memref<16x512xf32, #tpu.memory_space<hbm>>
    %dma_start3A_15 = arith.constant 0 : i32
    %dma_start3A_16 = arith.constant 0 : i32
    %dma_start3A_17 = tpu.memref_slice %arg8[%dma_start3A, %dma_start3A_15, %dma_start3A_16] : memref<3x16x512xf32, #tpu.memory_space<vmem>> -> memref<1x16x512xf32, #tpu.memory_space<vmem>>
    %dma_start3A_18 = tpu.memref_squeeze %dma_start3A_17 : memref<1x16x512xf32, #tpu.memory_space<vmem>> -> memref<16x512xf32, #tpu.memory_space<vmem>>
    %dma_start3A_19 = arith.constant 0 : i32
    %dma_start3A_20 = tpu.memref_slice %arg2[%div3A_1, %add3A_7, %dma_start3A_19] : memref<16x512x512xf32, #tpu.memory_space<hbm>> -> memref<1x16x512xf32, #tpu.memory_space<hbm>>
    %dma_start3A_21 = tpu.memref_squeeze %dma_start3A_20 : memref<1x16x512xf32, #tpu.memory_space<hbm>> -> memref<16x512xf32, #tpu.memory_space<hbm>>
    tpu.enqueue_dma source(%dma_start3A_21 : memref<16x512xf32, #tpu.memory_space<hbm>>) target(%dma_start3A_18 : memref<16x512xf32, #tpu.memory_space<vmem>>) target_semaphore(%arg14 : memref<!tpu.dma_semaphore, #tpu.memory_space<semaphore_mem>>)
    %dma_start3A_22 = arith.constant 0 : i32
    %dma_start3A_23 = arith.constant 0 : i32
    %dma_start3A_24 = arith.constant 0 : i32
    %dma_start3A_25 = tpu.memref_slice %arg9[%dma_start3A_22, %dma_start3A_23, %dma_start3A_24] : memref<3x16x512xf32, #tpu.memory_space<vmem>> -> memref<1x16x512xf32, #tpu.memory_space<vmem>>
    %dma_start3A_26 = tpu.memref_squeeze %dma_start3A_25 : memref<1x16x512xf32, #tpu.memory_space<vmem>> -> memref<16x512xf32, #tpu.memory_space<vmem>>
    %dma_start3A_27 = arith.constant 0 : i32
    %dma_start3A_28 = tpu.memref_slice %arg3[%div3A_1, %add3A_7, %dma_start3A_27] : memref<16x512x512xf32, #tpu.memory_space<hbm>> -> memref<1x16x512xf32, #tpu.memory_space<hbm>>
    %dma_start3A_29 = tpu.memref_squeeze %dma_start3A_28 : memref<1x16x512xf32, #tpu.memory_space<hbm>> -> memref<16x512xf32, #tpu.memory_space<hbm>>
    %dma_start3A_30 = arith.constant 0 : i32
    %dma_start3A_31 = arith.constant 0 : i32
    %dma_start3A_32 = tpu.memref_slice %arg9[%dma_start3A_22, %dma_start3A_30, %dma_start3A_31] : memref<3x16x512xf32, #tpu.memory_space<vmem>> -> memref<1x16x512xf32, #tpu.memory_space<vmem>>
    %dma_start3A_33 = tpu.memref_squeeze %dma_start3A_32 : memref<1x16x512xf32, #tpu.memory_space<vmem>> -> memref<16x512xf32, #tpu.memory_space<vmem>>
    %dma_start3A_34 = arith.constant 0 : i32
    %dma_start3A_35 = tpu.memref_slice %arg3[%div3A_1, %add3A_7, %dma_start3A_34] : memref<16x512x512xf32, #tpu.memory_space<hbm>> -> memref<1x16x512xf32, #tpu.memory_space<hbm>>
    %dma_start3A_36 = tpu.memref_squeeze %dma_start3A_35 : memref<1x16x512xf32, #tpu.memory_space<hbm>> -> memref<16x512xf32, #tpu.memory_space<hbm>>
    tpu.enqueue_dma source(%dma_start3A_36 : memref<16x512xf32, #tpu.memory_space<hbm>>) target(%dma_start3A_33 : memref<16x512xf32, #tpu.memory_space<vmem>>) target_semaphore(%arg14 : memref<!tpu.dma_semaphore, #tpu.memory_space<semaphore_mem>>)
    %dma_start3A_37 = arith.constant 0 : i32
    %dma_start3A_38 = arith.constant 0 : i32
    %dma_start3A_39 = arith.constant 0 : i32
    %dma_start3A_40 = tpu.memref_slice %arg10[%dma_start3A_37, %dma_start3A_38, %dma_start3A_39] : memref<3x16x512xf32, #tpu.memory_space<vmem>> -> memref<1x16x512xf32, #tpu.memory_space<vmem>>
    %dma_start3A_41 = tpu.memref_squeeze %dma_start3A_40 : memref<1x16x512xf32, #tpu.memory_space<vmem>> -> memref<16x512xf32, #tpu.memory_space<vmem>>
    %dma_start3A_42 = arith.constant 0 : i32
    %dma_start3A_43 = tpu.memref_slice %arg4[%div3A_1, %add3A_7, %dma_start3A_42] : memref<16x512x512xf32, #tpu.memory_space<hbm>> -> memref<1x16x512xf32, #tpu.memory_space<hbm>>
    %dma_start3A_44 = tpu.memref_squeeze %dma_start3A_43 : memref<1x16x512xf32, #tpu.memory_space<hbm>> -> memref<16x512xf32, #tpu.memory_space<hbm>>
    %dma_start3A_45 = arith.constant 0 : i32
    %dma_start3A_46 = arith.constant 0 : i32
    %dma_start3A_47 = tpu.memref_slice %arg10[%dma_start3A_37, %dma_start3A_45, %dma_start3A_46] : memref<3x16x512xf32, #tpu.memory_space<vmem>> -> memref<1x16x512xf32, #tpu.memory_space<vmem>>
    %dma_start3A_48 = tpu.memref_squeeze %dma_start3A_47 : memref<1x16x512xf32, #tpu.memory_space<vmem>> -> memref<16x512xf32, #tpu.memory_space<vmem>>
    %dma_start3A_49 = arith.constant 0 : i32
    %dma_start3A_50 = tpu.memref_slice %arg4[%div3A_1, %add3A_7, %dma_start3A_49] : memref<16x512x512xf32, #tpu.memory_space<hbm>> -> memref<1x16x512xf32, #tpu.memory_space<hbm>>
    %dma_start3A_51 = tpu.memref_squeeze %dma_start3A_50 : memref<1x16x512xf32, #tpu.memory_space<hbm>> -> memref<16x512xf32, #tpu.memory_space<hbm>>
    tpu.enqueue_dma source(%dma_start3A_51 : memref<16x512xf32, #tpu.memory_space<hbm>>) target(%dma_start3A_48 : memref<16x512xf32, #tpu.memory_space<vmem>>) target_semaphore(%arg14 : memref<!tpu.dma_semaphore, #tpu.memory_space<semaphore_mem>>)
    %dma_start3A_52 = arith.constant 0 : i32
    %dma_start3A_53 = arith.constant 0 : i32
    %dma_start3A_54 = arith.constant 0 : i32
    %dma_start3A_55 = tpu.memref_slice %arg11[%dma_start3A_52, %dma_start3A_53, %dma_start3A_54] : memref<3x16x512xf32, #tpu.memory_space<vmem>> -> memref<1x16x512xf32, #tpu.memory_space<vmem>>
    %dma_start3A_56 = tpu.memref_squeeze %dma_start3A_55 : memref<1x16x512xf32, #tpu.memory_space<vmem>> -> memref<16x512xf32, #tpu.memory_space<vmem>>
    %dma_start3A_57 = arith.constant 0 : i32
    %dma_start3A_58 = tpu.memref_slice %arg5[%div3A_1, %add3A_7, %dma_start3A_57] : memref<16x512x512xf32, #tpu.memory_space<hbm>> -> memref<1x16x512xf32, #tpu.memory_space<hbm>>
    %dma_start3A_59 = tpu.memref_squeeze %dma_start3A_58 : memref<1x16x512xf32, #tpu.memory_space<hbm>> -> memref<16x512xf32, #tpu.memory_space<hbm>>
    %dma_start3A_60 = arith.constant 0 : i32
    %dma_start3A_61 = arith.constant 0 : i32
    %dma_start3A_62 = tpu.memref_slice %arg11[%dma_start3A_52, %dma_start3A_60, %dma_start3A_61] : memref<3x16x512xf32, #tpu.memory_space<vmem>> -> memref<1x16x512xf32, #tpu.memory_space<vmem>>
    %dma_start3A_63 = tpu.memref_squeeze %dma_start3A_62 : memref<1x16x512xf32, #tpu.memory_space<vmem>> -> memref<16x512xf32, #tpu.memory_space<vmem>>
    %dma_start3A_64 = arith.constant 0 : i32
    %dma_start3A_65 = tpu.memref_slice %arg5[%div3A_1, %add3A_7, %dma_start3A_64] : memref<16x512x512xf32, #tpu.memory_space<hbm>> -> memref<1x16x512xf32, #tpu.memory_space<hbm>>
    %dma_start3A_66 = tpu.memref_squeeze %dma_start3A_65 : memref<1x16x512xf32, #tpu.memory_space<hbm>> -> memref<16x512xf32, #tpu.memory_space<hbm>>
    tpu.enqueue_dma source(%dma_start3A_66 : memref<16x512xf32, #tpu.memory_space<hbm>>) target(%dma_start3A_63 : memref<16x512xf32, #tpu.memory_space<vmem>>) target_semaphore(%arg14 : memref<!tpu.dma_semaphore, #tpu.memory_space<semaphore_mem>>)
    %dma_start3A_67 = arith.constant 0 : i32
    %dma_start3A_68 = arith.constant 0 : i32
    %dma_start3A_69 = arith.constant 0 : i32
    %dma_start3A_70 = tpu.memref_slice %arg12[%dma_start3A_67, %dma_start3A_68, %dma_start3A_69] : memref<3x16x512xf32, #tpu.memory_space<vmem>> -> memref<1x16x512xf32, #tpu.memory_space<vmem>>
    %dma_start3A_71 = tpu.memref_squeeze %dma_start3A_70 : memref<1x16x512xf32, #tpu.memory_space<vmem>> -> memref<16x512xf32, #tpu.memory_space<vmem>>
    %dma_start3A_72 = arith.constant 0 : i32
    %dma_start3A_73 = tpu.memref_slice %arg6[%div3A_1, %add3A_7, %dma_start3A_72] : memref<16x512x512xf32, #tpu.memory_space<hbm>> -> memref<1x16x512xf32, #tpu.memory_space<hbm>>
    %dma_start3A_74 = tpu.memref_squeeze %dma_start3A_73 : memref<1x16x512xf32, #tpu.memory_space<hbm>> -> memref<16x512xf32, #tpu.memory_space<hbm>>
    %dma_start3A_75 = arith.constant 0 : i32
    %dma_start3A_76 = arith.constant 0 : i32
    %dma_start3A_77 = tpu.memref_slice %arg12[%dma_start3A_67, %dma_start3A_75, %dma_start3A_76] : memref<3x16x512xf32, #tpu.memory_space<vmem>> -> memref<1x16x512xf32, #tpu.memory_space<vmem>>
    %dma_start3A_78 = tpu.memref_squeeze %dma_start3A_77 : memref<1x16x512xf32, #tpu.memory_space<vmem>> -> memref<16x512xf32, #tpu.memory_space<vmem>>
    %dma_start3A_79 = arith.constant 0 : i32
    %dma_start3A_80 = tpu.memref_slice %arg6[%div3A_1, %add3A_7, %dma_start3A_79] : memref<16x512x512xf32, #tpu.memory_space<hbm>> -> memref<1x16x512xf32, #tpu.memory_space<hbm>>
    %dma_start3A_81 = tpu.memref_squeeze %dma_start3A_80 : memref<1x16x512xf32, #tpu.memory_space<hbm>> -> memref<16x512xf32, #tpu.memory_space<hbm>>
    tpu.enqueue_dma source(%dma_start3A_81 : memref<16x512xf32, #tpu.memory_space<hbm>>) target(%dma_start3A_78 : memref<16x512xf32, #tpu.memory_space<vmem>>) target_semaphore(%arg14 : memref<!tpu.dma_semaphore, #tpu.memory_space<semaphore_mem>>)
    %add3A_82 = arith.constant 16 : i32
    %add3A_83 = arith.addi %mul3A_4, %add3A_82 : i32
    %dma_start3A_84 = arith.constant 1 : i32
    %dma_start3A_85 = arith.constant 0 : i32
    %dma_start3A_86 = arith.constant 0 : i32
    %dma_start3A_87 = tpu.memref_slice %arg8[%dma_start3A_84, %dma_start3A_85, %dma_start3A_86] : memref<3x16x512xf32, #tpu.memory_space<vmem>> -> memref<1x16x512xf32, #tpu.memory_space<vmem>>
    %dma_start3A_88 = tpu.memref_squeeze %dma_start3A_87 : memref<1x16x512xf32, #tpu.memory_space<vmem>> -> memref<16x512xf32, #tpu.memory_space<vmem>>
    %dma_start3A_89 = arith.constant 0 : i32
    %dma_start3A_90 = tpu.memref_slice %arg2[%div3A_1, %add3A_83, %dma_start3A_89] : memref<16x512x512xf32, #tpu.memory_space<hbm>> -> memref<1x16x512xf32, #tpu.memory_space<hbm>>
    %dma_start3A_91 = tpu.memref_squeeze %dma_start3A_90 : memref<1x16x512xf32, #tpu.memory_space<hbm>> -> memref<16x512xf32, #tpu.memory_space<hbm>>
    %dma_start3A_92 = arith.constant 0 : i32
    %dma_start3A_93 = arith.constant 0 : i32
    %dma_start3A_94 = tpu.memref_slice %arg8[%dma_start3A_84, %dma_start3A_92, %dma_start3A_93] : memref<3x16x512xf32, #tpu.memory_space<vmem>> -> memref<1x16x512xf32, #tpu.memory_space<vmem>>
    %dma_start3A_95 = tpu.memref_squeeze %dma_start3A_94 : memref<1x16x512xf32, #tpu.memory_space<vmem>> -> memref<16x512xf32, #tpu.memory_space<vmem>>
    %dma_start3A_96 = arith.constant 0 : i32
    %dma_start3A_97 = tpu.memref_slice %arg2[%div3A_1, %add3A_83, %dma_start3A_96] : memref<16x512x512xf32, #tpu.memory_space<hbm>> -> memref<1x16x512xf32, #tpu.memory_space<hbm>>
    %dma_start3A_98 = tpu.memref_squeeze %dma_start3A_97 : memref<1x16x512xf32, #tpu.memory_space<hbm>> -> memref<16x512xf32, #tpu.memory_space<hbm>>
    tpu.enqueue_dma source(%dma_start3A_98 : memref<16x512xf32, #tpu.memory_space<hbm>>) target(%dma_start3A_95 : memref<16x512xf32, #tpu.memory_space<vmem>>) target_semaphore(%arg14 : memref<!tpu.dma_semaphore, #tpu.memory_space<semaphore_mem>>)
    %dma_start3A_99 = arith.constant 1 : i32
    %dma_start3A_100 = arith.constant 0 : i32
    %dma_start3A_101 = arith.constant 0 : i32
    %dma_start3A_102 = tpu.memref_slice %arg9[%dma_start3A_99, %dma_start3A_100, %dma_start3A_101] : memref<3x16x512xf32, #tpu.memory_space<vmem>> -> memref<1x16x512xf32, #tpu.memory_space<vmem>>
    %dma_start3A_103 = tpu.memref_squeeze %dma_start3A_102 : memref<1x16x512xf32, #tpu.memory_space<vmem>> -> memref<16x512xf32, #tpu.memory_space<vmem>>
    %dma_start3A_104 = arith.constant 0 : i32
    %dma_start3A_105 = tpu.memref_slice %arg3[%div3A_1, %add3A_83, %dma_start3A_104] : memref<16x512x512xf32, #tpu.memory_space<hbm>> -> memref<1x16x512xf32, #tpu.memory_space<hbm>>
    %dma_start3A_106 = tpu.memref_squeeze %dma_start3A_105 : memref<1x16x512xf32, #tpu.memory_space<hbm>> -> memref<16x512xf32, #tpu.memory_space<hbm>>
    %dma_start3A_107 = arith.constant 0 : i32
    %dma_start3A_108 = arith.constant 0 : i32
    %dma_start3A_109 = tpu.memref_slice %arg9[%dma_start3A_99, %dma_start3A_107, %dma_start3A_108] : memref<3x16x512xf32, #tpu.memory_space<vmem>> -> memref<1x16x512xf32, #tpu.memory_space<vmem>>
    %dma_start3A_110 = tpu.memref_squeeze %dma_start3A_109 : memref<1x16x512xf32, #tpu.memory_space<vmem>> -> memref<16x512xf32, #tpu.memory_space<vmem>>
    %dma_start3A_111 = arith.constant 0 : i32
    %dma_start3A_112 = tpu.memref_slice %arg3[%div3A_1, %add3A_83, %dma_start3A_111] : memref<16x512x512xf32, #tpu.memory_space<hbm>> -> memref<1x16x512xf32, #tpu.memory_space<hbm>>
    %dma_start3A_113 = tpu.memref_squeeze %dma_start3A_112 : memref<1x16x512xf32, #tpu.memory_space<hbm>> -> memref<16x512xf32, #tpu.memory_space<hbm>>
    tpu.enqueue_dma source(%dma_start3A_113 : memref<16x512xf32, #tpu.memory_space<hbm>>) target(%dma_start3A_110 : memref<16x512xf32, #tpu.memory_space<vmem>>) target_semaphore(%arg14 : memref<!tpu.dma_semaphore, #tpu.memory_space<semaphore_mem>>)
    %dma_start3A_114 = arith.constant 1 : i32
    %dma_start3A_115 = arith.constant 0 : i32
    %dma_start3A_116 = arith.constant 0 : i32
    %dma_start3A_117 = tpu.memref_slice %arg10[%dma_start3A_114, %dma_start3A_115, %dma_start3A_116] : memref<3x16x512xf32, #tpu.memory_space<vmem>> -> memref<1x16x512xf32, #tpu.memory_space<vmem>>
    %dma_start3A_118 = tpu.memref_squeeze %dma_start3A_117 : memref<1x16x512xf32, #tpu.memory_space<vmem>> -> memref<16x512xf32, #tpu.memory_space<vmem>>
    %dma_start3A_119 = arith.constant 0 : i32
    %dma_start3A_120 = tpu.memref_slice %arg4[%div3A_1, %add3A_83, %dma_start3A_119] : memref<16x512x512xf32, #tpu.memory_space<hbm>> -> memref<1x16x512xf32, #tpu.memory_space<hbm>>
    %dma_start3A_121 = tpu.memref_squeeze %dma_start3A_120 : memref<1x16x512xf32, #tpu.memory_space<hbm>> -> memref<16x512xf32, #tpu.memory_space<hbm>>
    %dma_start3A_122 = arith.constant 0 : i32
    %dma_start3A_123 = arith.constant 0 : i32
    %dma_start3A_124 = tpu.memref_slice %arg10[%dma_start3A_114, %dma_start3A_122, %dma_start3A_123] : memref<3x16x512xf32, #tpu.memory_space<vmem>> -> memref<1x16x512xf32, #tpu.memory_space<vmem>>
    %dma_start3A_125 = tpu.memref_squeeze %dma_start3A_124 : memref<1x16x512xf32, #tpu.memory_space<vmem>> -> memref<16x512xf32, #tpu.memory_space<vmem>>
    %dma_start3A_126 = arith.constant 0 : i32
    %dma_start3A_127 = tpu.memref_slice %arg4[%div3A_1, %add3A_83, %dma_start3A_126] : memref<16x512x512xf32, #tpu.memory_space<hbm>> -> memref<1x16x512xf32, #tpu.memory_space<hbm>>
    %dma_start3A_128 = tpu.memref_squeeze %dma_start3A_127 : memref<1x16x512xf32, #tpu.memory_space<hbm>> -> memref<16x512xf32, #tpu.memory_space<hbm>>
    tpu.enqueue_dma source(%dma_start3A_128 : memref<16x512xf32, #tpu.memory_space<hbm>>) target(%dma_start3A_125 : memref<16x512xf32, #tpu.memory_space<vmem>>) target_semaphore(%arg14 : memref<!tpu.dma_semaphore, #tpu.memory_space<semaphore_mem>>)
    %dma_start3A_129 = arith.constant 1 : i32
    %dma_start3A_130 = arith.constant 0 : i32
    %dma_start3A_131 = arith.constant 0 : i32
    %dma_start3A_132 = tpu.memref_slice %arg11[%dma_start3A_129, %dma_start3A_130, %dma_start3A_131] : memref<3x16x512xf32, #tpu.memory_space<vmem>> -> memref<1x16x512xf32, #tpu.memory_space<vmem>>
    %dma_start3A_133 = tpu.memref_squeeze %dma_start3A_132 : memref<1x16x512xf32, #tpu.memory_space<vmem>> -> memref<16x512xf32, #tpu.memory_space<vmem>>
    %dma_start3A_134 = arith.constant 0 : i32
    %dma_start3A_135 = tpu.memref_slice %arg5[%div3A_1, %add3A_83, %dma_start3A_134] : memref<16x512x512xf32, #tpu.memory_space<hbm>> -> memref<1x16x512xf32, #tpu.memory_space<hbm>>
    %dma_start3A_136 = tpu.memref_squeeze %dma_start3A_135 : memref<1x16x512xf32, #tpu.memory_space<hbm>> -> memref<16x512xf32, #tpu.memory_space<hbm>>
    %dma_start3A_137 = arith.constant 0 : i32
    %dma_start3A_138 = arith.constant 0 : i32
    %dma_start3A_139 = tpu.memref_slice %arg11[%dma_start3A_129, %dma_start3A_137, %dma_start3A_138] : memref<3x16x512xf32, #tpu.memory_space<vmem>> -> memref<1x16x512xf32, #tpu.memory_space<vmem>>
    %dma_start3A_140 = tpu.memref_squeeze %dma_start3A_139 : memref<1x16x512xf32, #tpu.memory_space<vmem>> -> memref<16x512xf32, #tpu.memory_space<vmem>>
    %dma_start3A_141 = arith.constant 0 : i32
    %dma_start3A_142 = tpu.memref_slice %arg5[%div3A_1, %add3A_83, %dma_start3A_141] : memref<16x512x512xf32, #tpu.memory_space<hbm>> -> memref<1x16x512xf32, #tpu.memory_space<hbm>>
    %dma_start3A_143 = tpu.memref_squeeze %dma_start3A_142 : memref<1x16x512xf32, #tpu.memory_space<hbm>> -> memref<16x512xf32, #tpu.memory_space<hbm>>
    tpu.enqueue_dma source(%dma_start3A_143 : memref<16x512xf32, #tpu.memory_space<hbm>>) target(%dma_start3A_140 : memref<16x512xf32, #tpu.memory_space<vmem>>) target_semaphore(%arg14 : memref<!tpu.dma_semaphore, #tpu.memory_space<semaphore_mem>>)
    %dma_start3A_144 = arith.constant 1 : i32
    %dma_start3A_145 = arith.constant 0 : i32
    %dma_start3A_146 = arith.constant 0 : i32
    %dma_start3A_147 = tpu.memref_slice %arg12[%dma_start3A_144, %dma_start3A_145, %dma_start3A_146] : memref<3x16x512xf32, #tpu.memory_space<vmem>> -> memref<1x16x512xf32, #tpu.memory_space<vmem>>
    %dma_start3A_148 = tpu.memref_squeeze %dma_start3A_147 : memref<1x16x512xf32, #tpu.memory_space<vmem>> -> memref<16x512xf32, #tpu.memory_space<vmem>>
    %dma_start3A_149 = arith.constant 0 : i32
    %dma_start3A_150 = tpu.memref_slice %arg6[%div3A_1, %add3A_83, %dma_start3A_149] : memref<16x512x512xf32, #tpu.memory_space<hbm>> -> memref<1x16x512xf32, #tpu.memory_space<hbm>>
    %dma_start3A_151 = tpu.memref_squeeze %dma_start3A_150 : memref<1x16x512xf32, #tpu.memory_space<hbm>> -> memref<16x512xf32, #tpu.memory_space<hbm>>
    %dma_start3A_152 = arith.constant 0 : i32
    %dma_start3A_153 = arith.constant 0 : i32
    %dma_start3A_154 = tpu.memref_slice %arg12[%dma_start3A_144, %dma_start3A_152, %dma_start3A_153] : memref<3x16x512xf32, #tpu.memory_space<vmem>> -> memref<1x16x512xf32, #tpu.memory_space<vmem>>
    %dma_start3A_155 = tpu.memref_squeeze %dma_start3A_154 : memref<1x16x512xf32, #tpu.memory_space<vmem>> -> memref<16x512xf32, #tpu.memory_space<vmem>>
    %dma_start3A_156 = arith.constant 0 : i32
    %dma_start3A_157 = tpu.memref_slice %arg6[%div3A_1, %add3A_83, %dma_start3A_156] : memref<16x512x512xf32, #tpu.memory_space<hbm>> -> memref<1x16x512xf32, #tpu.memory_space<hbm>>
    %dma_start3A_158 = tpu.memref_squeeze %dma_start3A_157 : memref<1x16x512xf32, #tpu.memory_space<hbm>> -> memref<16x512xf32, #tpu.memory_space<hbm>>
    tpu.enqueue_dma source(%dma_start3A_158 : memref<16x512xf32, #tpu.memory_space<hbm>>) target(%dma_start3A_155 : memref<16x512xf32, #tpu.memory_space<vmem>>) target_semaphore(%arg14 : memref<!tpu.dma_semaphore, #tpu.memory_space<semaphore_mem>>)
    %dma_wait3A = arith.constant 0 : i32
    %dma_wait3A_159 = arith.constant 0 : i32
    %dma_wait3A_160 = arith.constant 0 : i32
    %dma_wait3A_161 = tpu.memref_slice %arg8[%dma_wait3A, %dma_wait3A_159, %dma_wait3A_160] : memref<3x16x512xf32, #tpu.memory_space<vmem>> -> memref<1x16x512xf32, #tpu.memory_space<vmem>>
    %dma_wait3A_162 = tpu.memref_squeeze %dma_wait3A_161 : memref<1x16x512xf32, #tpu.memory_space<vmem>> -> memref<16x512xf32, #tpu.memory_space<vmem>>
    %dma_wait3A_163 = arith.constant 0 : i32
    %dma_wait3A_164 = tpu.memref_slice %arg2[%div3A_1, %add3A_7, %dma_wait3A_163] : memref<16x512x512xf32, #tpu.memory_space<hbm>> -> memref<1x16x512xf32, #tpu.memory_space<hbm>>
    %dma_wait3A_165 = tpu.memref_squeeze %dma_wait3A_164 : memref<1x16x512xf32, #tpu.memory_space<hbm>> -> memref<16x512xf32, #tpu.memory_space<hbm>>
    %dma_wait3A_166 = arith.constant 0 : i32
    %dma_wait3A_167 = arith.constant 0 : i32
    %dma_wait3A_168 = tpu.memref_slice %arg8[%dma_wait3A, %dma_wait3A_166, %dma_wait3A_167] : memref<3x16x512xf32, #tpu.memory_space<vmem>> -> memref<1x16x512xf32, #tpu.memory_space<vmem>>
    %dma_wait3A_169 = tpu.memref_squeeze %dma_wait3A_168 : memref<1x16x512xf32, #tpu.memory_space<vmem>> -> memref<16x512xf32, #tpu.memory_space<vmem>>
    %dma_wait3A_170 = arith.constant 0 : i32
    %dma_wait3A_171 = tpu.memref_slice %arg2[%div3A_1, %add3A_7, %dma_wait3A_170] : memref<16x512x512xf32, #tpu.memory_space<hbm>> -> memref<1x16x512xf32, #tpu.memory_space<hbm>>
    %dma_wait3A_172 = tpu.memref_squeeze %dma_wait3A_171 : memref<1x16x512xf32, #tpu.memory_space<hbm>> -> memref<16x512xf32, #tpu.memory_space<hbm>>
    tpu.wait_dma2 semaphore(%arg14 : memref<!tpu.dma_semaphore, #tpu.memory_space<semaphore_mem>>) src(%dma_wait3A_172 : memref<16x512xf32, #tpu.memory_space<hbm>>) dst(%dma_wait3A_169 : memref<16x512xf32, #tpu.memory_space<vmem>>)
    %dma_wait3A_173 = arith.constant 0 : i32
    %dma_wait3A_174 = arith.constant 0 : i32
    %dma_wait3A_175 = arith.constant 0 : i32
    %dma_wait3A_176 = tpu.memref_slice %arg9[%dma_wait3A_173, %dma_wait3A_174, %dma_wait3A_175] : memref<3x16x512xf32, #tpu.memory_space<vmem>> -> memref<1x16x512xf32, #tpu.memory_space<vmem>>
    %dma_wait3A_177 = tpu.memref_squeeze %dma_wait3A_176 : memref<1x16x512xf32, #tpu.memory_space<vmem>> -> memref<16x512xf32, #tpu.memory_space<vmem>>
    %dma_wait3A_178 = arith.constant 0 : i32
    %dma_wait3A_179 = tpu.memref_slice %arg3[%div3A_1, %add3A_7, %dma_wait3A_178] : memref<16x512x512xf32, #tpu.memory_space<hbm>> -> memref<1x16x512xf32, #tpu.memory_space<hbm>>
    %dma_wait3A_180 = tpu.memref_squeeze %dma_wait3A_179 : memref<1x16x512xf32, #tpu.memory_space<hbm>> -> memref<16x512xf32, #tpu.memory_space<hbm>>
    %dma_wait3A_181 = arith.constant 0 : i32
    %dma_wait3A_182 = arith.constant 0 : i32
    %dma_wait3A_183 = tpu.memref_slice %arg9[%dma_wait3A_173, %dma_wait3A_181, %dma_wait3A_182] : memref<3x16x512xf32, #tpu.memory_space<vmem>> -> memref<1x16x512xf32, #tpu.memory_space<vmem>>
    %dma_wait3A_184 = tpu.memref_squeeze %dma_wait3A_183 : memref<1x16x512xf32, #tpu.memory_space<vmem>> -> memref<16x512xf32, #tpu.memory_space<vmem>>
    %dma_wait3A_185 = arith.constant 0 : i32
    %dma_wait3A_186 = tpu.memref_slice %arg3[%div3A_1, %add3A_7, %dma_wait3A_185] : memref<16x512x512xf32, #tpu.memory_space<hbm>> -> memref<1x16x512xf32, #tpu.memory_space<hbm>>
    %dma_wait3A_187 = tpu.memref_squeeze %dma_wait3A_186 : memref<1x16x512xf32, #tpu.memory_space<hbm>> -> memref<16x512xf32, #tpu.memory_space<hbm>>
    tpu.wait_dma2 semaphore(%arg14 : memref<!tpu.dma_semaphore, #tpu.memory_space<semaphore_mem>>) src(%dma_wait3A_187 : memref<16x512xf32, #tpu.memory_space<hbm>>) dst(%dma_wait3A_184 : memref<16x512xf32, #tpu.memory_space<vmem>>)
    %dma_wait3A_188 = arith.constant 0 : i32
    %dma_wait3A_189 = arith.constant 0 : i32
    %dma_wait3A_190 = arith.constant 0 : i32
    %dma_wait3A_191 = tpu.memref_slice %arg10[%dma_wait3A_188, %dma_wait3A_189, %dma_wait3A_190] : memref<3x16x512xf32, #tpu.memory_space<vmem>> -> memref<1x16x512xf32, #tpu.memory_space<vmem>>
    %dma_wait3A_192 = tpu.memref_squeeze %dma_wait3A_191 : memref<1x16x512xf32, #tpu.memory_space<vmem>> -> memref<16x512xf32, #tpu.memory_space<vmem>>
    %dma_wait3A_193 = arith.constant 0 : i32
    %dma_wait3A_194 = tpu.memref_slice %arg4[%div3A_1, %add3A_7, %dma_wait3A_193] : memref<16x512x512xf32, #tpu.memory_space<hbm>> -> memref<1x16x512xf32, #tpu.memory_space<hbm>>
    %dma_wait3A_195 = tpu.memref_squeeze %dma_wait3A_194 : memref<1x16x512xf32, #tpu.memory_space<hbm>> -> memref<16x512xf32, #tpu.memory_space<hbm>>
    %dma_wait3A_196 = arith.constant 0 : i32
    %dma_wait3A_197 = arith.constant 0 : i32
    %dma_wait3A_198 = tpu.memref_slice %arg10[%dma_wait3A_188, %dma_wait3A_196, %dma_wait3A_197] : memref<3x16x512xf32, #tpu.memory_space<vmem>> -> memref<1x16x512xf32, #tpu.memory_space<vmem>>
    %dma_wait3A_199 = tpu.memref_squeeze %dma_wait3A_198 : memref<1x16x512xf32, #tpu.memory_space<vmem>> -> memref<16x512xf32, #tpu.memory_space<vmem>>
    %dma_wait3A_200 = arith.constant 0 : i32
    %dma_wait3A_201 = tpu.memref_slice %arg4[%div3A_1, %add3A_7, %dma_wait3A_200] : memref<16x512x512xf32, #tpu.memory_space<hbm>> -> memref<1x16x512xf32, #tpu.memory_space<hbm>>
    %dma_wait3A_202 = tpu.memref_squeeze %dma_wait3A_201 : memref<1x16x512xf32, #tpu.memory_space<hbm>> -> memref<16x512xf32, #tpu.memory_space<hbm>>
    tpu.wait_dma2 semaphore(%arg14 : memref<!tpu.dma_semaphore, #tpu.memory_space<semaphore_mem>>) src(%dma_wait3A_202 : memref<16x512xf32, #tpu.memory_space<hbm>>) dst(%dma_wait3A_199 : memref<16x512xf32, #tpu.memory_space<vmem>>)
    %dma_wait3A_203 = arith.constant 0 : i32
    %dma_wait3A_204 = arith.constant 0 : i32
    %dma_wait3A_205 = arith.constant 0 : i32
    %dma_wait3A_206 = tpu.memref_slice %arg11[%dma_wait3A_203, %dma_wait3A_204, %dma_wait3A_205] : memref<3x16x512xf32, #tpu.memory_space<vmem>> -> memref<1x16x512xf32, #tpu.memory_space<vmem>>
    %dma_wait3A_207 = tpu.memref_squeeze %dma_wait3A_206 : memref<1x16x512xf32, #tpu.memory_space<vmem>> -> memref<16x512xf32, #tpu.memory_space<vmem>>
    %dma_wait3A_208 = arith.constant 0 : i32
    %dma_wait3A_209 = tpu.memref_slice %arg5[%div3A_1, %add3A_7, %dma_wait3A_208] : memref<16x512x512xf32, #tpu.memory_space<hbm>> -> memref<1x16x512xf32, #tpu.memory_space<hbm>>
    %dma_wait3A_210 = tpu.memref_squeeze %dma_wait3A_209 : memref<1x16x512xf32, #tpu.memory_space<hbm>> -> memref<16x512xf32, #tpu.memory_space<hbm>>
    %dma_wait3A_211 = arith.constant 0 : i32
    %dma_wait3A_212 = arith.constant 0 : i32
    %dma_wait3A_213 = tpu.memref_slice %arg11[%dma_wait3A_203, %dma_wait3A_211, %dma_wait3A_212] : memref<3x16x512xf32, #tpu.memory_space<vmem>> -> memref<1x16x512xf32, #tpu.memory_space<vmem>>
    %dma_wait3A_214 = tpu.memref_squeeze %dma_wait3A_213 : memref<1x16x512xf32, #tpu.memory_space<vmem>> -> memref<16x512xf32, #tpu.memory_space<vmem>>
    %dma_wait3A_215 = arith.constant 0 : i32
    %dma_wait3A_216 = tpu.memref_slice %arg5[%div3A_1, %add3A_7, %dma_wait3A_215] : memref<16x512x512xf32, #tpu.memory_space<hbm>> -> memref<1x16x512xf32, #tpu.memory_space<hbm>>
    %dma_wait3A_217 = tpu.memref_squeeze %dma_wait3A_216 : memref<1x16x512xf32, #tpu.memory_space<hbm>> -> memref<16x512xf32, #tpu.memory_space<hbm>>
    tpu.wait_dma2 semaphore(%arg14 : memref<!tpu.dma_semaphore, #tpu.memory_space<semaphore_mem>>) src(%dma_wait3A_217 : memref<16x512xf32, #tpu.memory_space<hbm>>) dst(%dma_wait3A_214 : memref<16x512xf32, #tpu.memory_space<vmem>>)
    %dma_wait3A_218 = arith.constant 0 : i32
    %dma_wait3A_219 = arith.constant 0 : i32
    %dma_wait3A_220 = arith.constant 0 : i32
    %dma_wait3A_221 = tpu.memref_slice %arg12[%dma_wait3A_218, %dma_wait3A_219, %dma_wait3A_220] : memref<3x16x512xf32, #tpu.memory_space<vmem>> -> memref<1x16x512xf32, #tpu.memory_space<vmem>>
    %dma_wait3A_222 = tpu.memref_squeeze %dma_wait3A_221 : memref<1x16x512xf32, #tpu.memory_space<vmem>> -> memref<16x512xf32, #tpu.memory_space<vmem>>
    %dma_wait3A_223 = arith.constant 0 : i32
    %dma_wait3A_224 = tpu.memref_slice %arg6[%div3A_1, %add3A_7, %dma_wait3A_223] : memref<16x512x512xf32, #tpu.memory_space<hbm>> -> memref<1x16x512xf32, #tpu.memory_space<hbm>>
    %dma_wait3A_225 = tpu.memref_squeeze %dma_wait3A_224 : memref<1x16x512xf32, #tpu.memory_space<hbm>> -> memref<16x512xf32, #tpu.memory_space<hbm>>
    %dma_wait3A_226 = arith.constant 0 : i32
    %dma_wait3A_227 = arith.constant 0 : i32
    %dma_wait3A_228 = tpu.memref_slice %arg12[%dma_wait3A_218, %dma_wait3A_226, %dma_wait3A_227] : memref<3x16x512xf32, #tpu.memory_space<vmem>> -> memref<1x16x512xf32, #tpu.memory_space<vmem>>
    %dma_wait3A_229 = tpu.memref_squeeze %dma_wait3A_228 : memref<1x16x512xf32, #tpu.memory_space<vmem>> -> memref<16x512xf32, #tpu.memory_space<vmem>>
    %dma_wait3A_230 = arith.constant 0 : i32
    %dma_wait3A_231 = tpu.memref_slice %arg6[%div3A_1, %add3A_7, %dma_wait3A_230] : memref<16x512x512xf32, #tpu.memory_space<hbm>> -> memref<1x16x512xf32, #tpu.memory_space<hbm>>
    %dma_wait3A_232 = tpu.memref_squeeze %dma_wait3A_231 : memref<1x16x512xf32, #tpu.memory_space<hbm>> -> memref<16x512xf32, #tpu.memory_space<hbm>>
    tpu.wait_dma2 semaphore(%arg14 : memref<!tpu.dma_semaphore, #tpu.memory_space<semaphore_mem>>) src(%dma_wait3A_232 : memref<16x512xf32, #tpu.memory_space<hbm>>) dst(%dma_wait3A_229 : memref<16x512xf32, #tpu.memory_space<vmem>>)
    %add3A_233 = arith.constant 32 : i32
    %add3A_234 = arith.addi %mul3A_4, %add3A_233 : i32
    %dma_start3A_235 = arith.constant 2 : i32
    %dma_start3A_236 = arith.constant 0 : i32
    %dma_start3A_237 = arith.constant 0 : i32
    %dma_start3A_238 = tpu.memref_slice %arg8[%dma_start3A_235, %dma_start3A_236, %dma_start3A_237] : memref<3x16x512xf32, #tpu.memory_space<vmem>> -> memref<1x16x512xf32, #tpu.memory_space<vmem>>
    %dma_start3A_239 = tpu.memref_squeeze %dma_start3A_238 : memref<1x16x512xf32, #tpu.memory_space<vmem>> -> memref<16x512xf32, #tpu.memory_space<vmem>>
    %dma_start3A_240 = arith.constant 0 : i32
    %dma_start3A_241 = tpu.memref_slice %arg2[%div3A_1, %add3A_234, %dma_start3A_240] : memref<16x512x512xf32, #tpu.memory_space<hbm>> -> memref<1x16x512xf32, #tpu.memory_space<hbm>>
    %dma_start3A_242 = tpu.memref_squeeze %dma_start3A_241 : memref<1x16x512xf32, #tpu.memory_space<hbm>> -> memref<16x512xf32, #tpu.memory_space<hbm>>
    %dma_start3A_243 = arith.constant 0 : i32
    %dma_start3A_244 = arith.constant 0 : i32
    %dma_start3A_245 = tpu.memref_slice %arg8[%dma_start3A_235, %dma_start3A_243, %dma_start3A_244] : memref<3x16x512xf32, #tpu.memory_space<vmem>> -> memref<1x16x512xf32, #tpu.memory_space<vmem>>
    %dma_start3A_246 = tpu.memref_squeeze %dma_start3A_245 : memref<1x16x512xf32, #tpu.memory_space<vmem>> -> memref<16x512xf32, #tpu.memory_space<vmem>>
    %dma_start3A_247 = arith.constant 0 : i32
    %dma_start3A_248 = tpu.memref_slice %arg2[%div3A_1, %add3A_234, %dma_start3A_247] : memref<16x512x512xf32, #tpu.memory_space<hbm>> -> memref<1x16x512xf32, #tpu.memory_space<hbm>>
    %dma_start3A_249 = tpu.memref_squeeze %dma_start3A_248 : memref<1x16x512xf32, #tpu.memory_space<hbm>> -> memref<16x512xf32, #tpu.memory_space<hbm>>
    tpu.enqueue_dma source(%dma_start3A_249 : memref<16x512xf32, #tpu.memory_space<hbm>>) target(%dma_start3A_246 : memref<16x512xf32, #tpu.memory_space<vmem>>) target_semaphore(%arg14 : memref<!tpu.dma_semaphore, #tpu.memory_space<semaphore_mem>>)
    %dma_start3A_250 = arith.constant 2 : i32
    %dma_start3A_251 = arith.constant 0 : i32
    %dma_start3A_252 = arith.constant 0 : i32
    %dma_start3A_253 = tpu.memref_slice %arg9[%dma_start3A_250, %dma_start3A_251, %dma_start3A_252] : memref<3x16x512xf32, #tpu.memory_space<vmem>> -> memref<1x16x512xf32, #tpu.memory_space<vmem>>
    %dma_start3A_254 = tpu.memref_squeeze %dma_start3A_253 : memref<1x16x512xf32, #tpu.memory_space<vmem>> -> memref<16x512xf32, #tpu.memory_space<vmem>>
    %dma_start3A_255 = arith.constant 0 : i32
    %dma_start3A_256 = tpu.memref_slice %arg3[%div3A_1, %add3A_234, %dma_start3A_255] : memref<16x512x512xf32, #tpu.memory_space<hbm>> -> memref<1x16x512xf32, #tpu.memory_space<hbm>>
    %dma_start3A_257 = tpu.memref_squeeze %dma_start3A_256 : memref<1x16x512xf32, #tpu.memory_space<hbm>> -> memref<16x512xf32, #tpu.memory_space<hbm>>
    %dma_start3A_258 = arith.constant 0 : i32
    %dma_start3A_259 = arith.constant 0 : i32
    %dma_start3A_260 = tpu.memref_slice %arg9[%dma_start3A_250, %dma_start3A_258, %dma_start3A_259] : memref<3x16x512xf32, #tpu.memory_space<vmem>> -> memref<1x16x512xf32, #tpu.memory_space<vmem>>
    %dma_start3A_261 = tpu.memref_squeeze %dma_start3A_260 : memref<1x16x512xf32, #tpu.memory_space<vmem>> -> memref<16x512xf32, #tpu.memory_space<vmem>>
    %dma_start3A_262 = arith.constant 0 : i32
    %dma_start3A_263 = tpu.memref_slice %arg3[%div3A_1, %add3A_234, %dma_start3A_262] : memref<16x512x512xf32, #tpu.memory_space<hbm>> -> memref<1x16x512xf32, #tpu.memory_space<hbm>>
    %dma_start3A_264 = tpu.memref_squeeze %dma_start3A_263 : memref<1x16x512xf32, #tpu.memory_space<hbm>> -> memref<16x512xf32, #tpu.memory_space<hbm>>
    tpu.enqueue_dma source(%dma_start3A_264 : memref<16x512xf32, #tpu.memory_space<hbm>>) target(%dma_start3A_261 : memref<16x512xf32, #tpu.memory_space<vmem>>) target_semaphore(%arg14 : memref<!tpu.dma_semaphore, #tpu.memory_space<semaphore_mem>>)
    %dma_start3A_265 = arith.constant 2 : i32
    %dma_start3A_266 = arith.constant 0 : i32
    %dma_start3A_267 = arith.constant 0 : i32
    %dma_start3A_268 = tpu.memref_slice %arg10[%dma_start3A_265, %dma_start3A_266, %dma_start3A_267] : memref<3x16x512xf32, #tpu.memory_space<vmem>> -> memref<1x16x512xf32, #tpu.memory_space<vmem>>
    %dma_start3A_269 = tpu.memref_squeeze %dma_start3A_268 : memref<1x16x512xf32, #tpu.memory_space<vmem>> -> memref<16x512xf32, #tpu.memory_space<vmem>>
    %dma_start3A_270 = arith.constant 0 : i32
    %dma_start3A_271 = tpu.memref_slice %arg4[%div3A_1, %add3A_234, %dma_start3A_270] : memref<16x512x512xf32, #tpu.memory_space<hbm>> -> memref<1x16x512xf32, #tpu.memory_space<hbm>>
    %dma_start3A_272 = tpu.memref_squeeze %dma_start3A_271 : memref<1x16x512xf32, #tpu.memory_space<hbm>> -> memref<16x512xf32, #tpu.memory_space<hbm>>
    %dma_start3A_273 = arith.constant 0 : i32
    %dma_start3A_274 = arith.constant 0 : i32
    %dma_start3A_275 = tpu.memref_slice %arg10[%dma_start3A_265, %dma_start3A_273, %dma_start3A_274] : memref<3x16x512xf32, #tpu.memory_space<vmem>> -> memref<1x16x512xf32, #tpu.memory_space<vmem>>
    %dma_start3A_276 = tpu.memref_squeeze %dma_start3A_275 : memref<1x16x512xf32, #tpu.memory_space<vmem>> -> memref<16x512xf32, #tpu.memory_space<vmem>>
    %dma_start3A_277 = arith.constant 0 : i32
    %dma_start3A_278 = tpu.memref_slice %arg4[%div3A_1, %add3A_234, %dma_start3A_277] : memref<16x512x512xf32, #tpu.memory_space<hbm>> -> memref<1x16x512xf32, #tpu.memory_space<hbm>>
    %dma_start3A_279 = tpu.memref_squeeze %dma_start3A_278 : memref<1x16x512xf32, #tpu.memory_space<hbm>> -> memref<16x512xf32, #tpu.memory_space<hbm>>
    tpu.enqueue_dma source(%dma_start3A_279 : memref<16x512xf32, #tpu.memory_space<hbm>>) target(%dma_start3A_276 : memref<16x512xf32, #tpu.memory_space<vmem>>) target_semaphore(%arg14 : memref<!tpu.dma_semaphore, #tpu.memory_space<semaphore_mem>>)
    %dma_start3A_280 = arith.constant 2 : i32
    %dma_start3A_281 = arith.constant 0 : i32
    %dma_start3A_282 = arith.constant 0 : i32
    %dma_start3A_283 = tpu.memref_slice %arg11[%dma_start3A_280, %dma_start3A_281, %dma_start3A_282] : memref<3x16x512xf32, #tpu.memory_space<vmem>> -> memref<1x16x512xf32, #tpu.memory_space<vmem>>
    %dma_start3A_284 = tpu.memref_squeeze %dma_start3A_283 : memref<1x16x512xf32, #tpu.memory_space<vmem>> -> memref<16x512xf32, #tpu.memory_space<vmem>>
    %dma_start3A_285 = arith.constant 0 : i32
    %dma_start3A_286 = tpu.memref_slice %arg5[%div3A_1, %add3A_234, %dma_start3A_285] : memref<16x512x512xf32, #tpu.memory_space<hbm>> -> memref<1x16x512xf32, #tpu.memory_space<hbm>>
    %dma_start3A_287 = tpu.memref_squeeze %dma_start3A_286 : memref<1x16x512xf32, #tpu.memory_space<hbm>> -> memref<16x512xf32, #tpu.memory_space<hbm>>
    %dma_start3A_288 = arith.constant 0 : i32
    %dma_start3A_289 = arith.constant 0 : i32
    %dma_start3A_290 = tpu.memref_slice %arg11[%dma_start3A_280, %dma_start3A_288, %dma_start3A_289] : memref<3x16x512xf32, #tpu.memory_space<vmem>> -> memref<1x16x512xf32, #tpu.memory_space<vmem>>
    %dma_start3A_291 = tpu.memref_squeeze %dma_start3A_290 : memref<1x16x512xf32, #tpu.memory_space<vmem>> -> memref<16x512xf32, #tpu.memory_space<vmem>>
    %dma_start3A_292 = arith.constant 0 : i32
    %dma_start3A_293 = tpu.memref_slice %arg5[%div3A_1, %add3A_234, %dma_start3A_292] : memref<16x512x512xf32, #tpu.memory_space<hbm>> -> memref<1x16x512xf32, #tpu.memory_space<hbm>>
    %dma_start3A_294 = tpu.memref_squeeze %dma_start3A_293 : memref<1x16x512xf32, #tpu.memory_space<hbm>> -> memref<16x512xf32, #tpu.memory_space<hbm>>
    tpu.enqueue_dma source(%dma_start3A_294 : memref<16x512xf32, #tpu.memory_space<hbm>>) target(%dma_start3A_291 : memref<16x512xf32, #tpu.memory_space<vmem>>) target_semaphore(%arg14 : memref<!tpu.dma_semaphore, #tpu.memory_space<semaphore_mem>>)
    %dma_start3A_295 = arith.constant 2 : i32
    %dma_start3A_296 = arith.constant 0 : i32
    %dma_start3A_297 = arith.constant 0 : i32
    %dma_start3A_298 = tpu.memref_slice %arg12[%dma_start3A_295, %dma_start3A_296, %dma_start3A_297] : memref<3x16x512xf32, #tpu.memory_space<vmem>> -> memref<1x16x512xf32, #tpu.memory_space<vmem>>
    %dma_start3A_299 = tpu.memref_squeeze %dma_start3A_298 : memref<1x16x512xf32, #tpu.memory_space<vmem>> -> memref<16x512xf32, #tpu.memory_space<vmem>>
    %dma_start3A_300 = arith.constant 0 : i32
    %dma_start3A_301 = tpu.memref_slice %arg6[%div3A_1, %add3A_234, %dma_start3A_300] : memref<16x512x512xf32, #tpu.memory_space<hbm>> -> memref<1x16x512xf32, #tpu.memory_space<hbm>>
    %dma_start3A_302 = tpu.memref_squeeze %dma_start3A_301 : memref<1x16x512xf32, #tpu.memory_space<hbm>> -> memref<16x512xf32, #tpu.memory_space<hbm>>
    %dma_start3A_303 = arith.constant 0 : i32
    %dma_start3A_304 = arith.constant 0 : i32
    %dma_start3A_305 = tpu.memref_slice %arg12[%dma_start3A_295, %dma_start3A_303, %dma_start3A_304] : memref<3x16x512xf32, #tpu.memory_space<vmem>> -> memref<1x16x512xf32, #tpu.memory_space<vmem>>
    %dma_start3A_306 = tpu.memref_squeeze %dma_start3A_305 : memref<1x16x512xf32, #tpu.memory_space<vmem>> -> memref<16x512xf32, #tpu.memory_space<vmem>>
    %dma_start3A_307 = arith.constant 0 : i32
    %dma_start3A_308 = tpu.memref_slice %arg6[%div3A_1, %add3A_234, %dma_start3A_307] : memref<16x512x512xf32, #tpu.memory_space<hbm>> -> memref<1x16x512xf32, #tpu.memory_space<hbm>>
    %dma_start3A_309 = tpu.memref_squeeze %dma_start3A_308 : memref<1x16x512xf32, #tpu.memory_space<hbm>> -> memref<16x512xf32, #tpu.memory_space<hbm>>
    tpu.enqueue_dma source(%dma_start3A_309 : memref<16x512xf32, #tpu.memory_space<hbm>>) target(%dma_start3A_306 : memref<16x512xf32, #tpu.memory_space<vmem>>) target_semaphore(%arg14 : memref<!tpu.dma_semaphore, #tpu.memory_space<semaphore_mem>>)
    %scan3A = arith.constant 0 : i32
    %scan3A_310 = arith.constant 128 : i32
    %scan3A_311 = arith.addi %scan3A, %scan3A_310 : i32
    %scan3A_312 = arith.constant 1 : i32
    %scan3A_313:6 = scf.for %scan3A_1302 = %scan3A to %scan3A_311 step %scan3A_312 iter_args(%scan3A_1303 = %broadcast_in_dim3A_5, %scan3A_1304 = %broadcast_in_dim3A_5, %scan3A_1305 = %broadcast_in_dim3A_5, %scan3A_1306 = %broadcast_in_dim3A_5, %scan3A_1307 = %broadcast_in_dim3A_5, %scan3A_1308 = %broadcast_in_dim3A_5) -> (vector<16xf32>, vector<16xf32>, vector<16xf32>, vector<16xf32>, vector<16xf32>, vector<16xf32>)  : i32 {
      %shift_right_logical3A = arith.constant 3 : i32
      %shift_right_logical3A_1309 = arith.shrui %scan3A_1302, %shift_right_logical3A : i32
      %and3A = arith.constant 7 : i32
      %and3A_1310 = arith.andi %scan3A_1302, %and3A : i32
      %shift_left3A = arith.constant 6 : i32
      %shift_left3A_1311 = arith.shli %and3A_1310, %shift_left3A : i32
      %add3A_1312 = arith.constant 0 : i32
      %add3A_1313 = arith.addi %shift_left3A_1311, %add3A_1312 : i32
      %multiple_of3A = tpu.assume_multiple %add3A_1313, 16 : i32
      %get3A = arith.constant 0 : i32
      %get3A_1314 = arith.index_cast %get3A : i32 to index
      %get3A_1315 = arith.index_cast %shift_right_logical3A_1309 : i32 to index
      %get3A_1316 = arith.index_cast %multiple_of3A : i32 to index
      %get3A_1317 = tpu.vector_load %arg8[%get3A_1314, %get3A_1315, %get3A_1316] {strides = array<i32>} : memref<3x16x512xf32, #tpu.memory_space<vmem>>, vector<1x1x16xf32>,
      %get3A_1318 = vector.shape_cast %get3A_1317 : vector<1x1x16xf32> to vector<16xf32>
      %get3A_1319 = arith.constant 0 : i32
      %get3A_1320 = arith.index_cast %get3A_1319 : i32 to index
      %get3A_1321 = arith.index_cast %shift_right_logical3A_1309 : i32 to index
      %get3A_1322 = arith.index_cast %multiple_of3A : i32 to index
      %get3A_1323 = tpu.vector_load %arg9[%get3A_1320, %get3A_1321, %get3A_1322] {strides = array<i32>} : memref<3x16x512xf32, #tpu.memory_space<vmem>>, vector<1x1x16xf32>,
      %get3A_1324 = vector.shape_cast %get3A_1323 : vector<1x1x16xf32> to vector<16xf32>
      %get3A_1325 = arith.constant 0 : i32
      %get3A_1326 = arith.index_cast %get3A_1325 : i32 to index
      %get3A_1327 = arith.index_cast %shift_right_logical3A_1309 : i32 to index
      %get3A_1328 = arith.index_cast %multiple_of3A : i32 to index
      %get3A_1329 = tpu.vector_load %arg10[%get3A_1326, %get3A_1327, %get3A_1328] {strides = array<i32>} : memref<3x16x512xf32, #tpu.memory_space<vmem>>, vector<1x1x16xf32>,
      %get3A_1330 = vector.shape_cast %get3A_1329 : vector<1x1x16xf32> to vector<16xf32>
      %get3A_1331 = arith.constant 0 : i32
      %get3A_1332 = arith.index_cast %get3A_1331 : i32 to index
      %get3A_1333 = arith.index_cast %shift_right_logical3A_1309 : i32 to index
      %get3A_1334 = arith.index_cast %multiple_of3A : i32 to index
      %get3A_1335 = tpu.vector_load %arg11[%get3A_1332, %get3A_1333, %get3A_1334] {strides = array<i32>} : memref<3x16x512xf32, #tpu.memory_space<vmem>>, vector<1x1x16xf32>,
      %get3A_1336 = vector.shape_cast %get3A_1335 : vector<1x1x16xf32> to vector<16xf32>
      %get3A_1337 = arith.constant 0 : i32
      %get3A_1338 = arith.index_cast %get3A_1337 : i32 to index
      %get3A_1339 = arith.index_cast %shift_right_logical3A_1309 : i32 to index
      %get3A_1340 = arith.index_cast %multiple_of3A : i32 to index
      %get3A_1341 = tpu.vector_load %arg12[%get3A_1338, %get3A_1339, %get3A_1340] {strides = array<i32>} : memref<3x16x512xf32, #tpu.memory_space<vmem>>, vector<1x1x16xf32>,
      %get3A_1342 = vector.shape_cast %get3A_1341 : vector<1x1x16xf32> to vector<16xf32>
      %sub3A = arith.subf %get3A_1330, %get3A_1318 : vector<16xf32>
      %mul3A_1343 = arith.mulf %sub3A, %sub3A : vector<16xf32>
      %mul3A_1344 = arith.mulf %mul3A_1343, %get3A_1342 : vector<16xf32>
      %sub3A_1345 = arith.subf %get3A_1336, %get3A_1324 : vector<16xf32>
      %mul3A_1346 = arith.mulf %sub3A_1345, %sub3A_1345 : vector<16xf32>
      %mul3A_1347 = arith.mulf %mul3A_1346, %get3A_1342 : vector<16xf32>
      %ge3A = arith.constant 1.000000e-01 : f32
      %ge3A_1348 = vector.broadcast %ge3A : f32 to vector<16xf32>
      %ge3A_1349 = arith.cmpf oge, %get3A_1318, %ge3A_1348 : vector<16xf32>
      %ge3A_1350 = arith.constant 1.000000e-01 : f32
      %ge3A_1351 = vector.broadcast %ge3A_1350 : f32 to vector<16xf32>
      %ge3A_1352 = arith.cmpf oge, %get3A_1324, %ge3A_1351 : vector<16xf32>
      %jit3A = arith.constant 1.000000e+00 : f32
      %jit3A_1353 = arith.constant 0.000000e+00 : f32
      %broadcast_in_dim3A_1354 = vector.broadcast %jit3A : f32 to vector<16xf32>
      %broadcast_in_dim3A_1355 = vector.broadcast %jit3A_1353 : f32 to vector<16xf32>
      %select_n3A = arith.select %ge3A_1349, %broadcast_in_dim3A_1354, %broadcast_in_dim3A_1355 : vector<16xi1>, vector<16xf32>
      %add3A_1356 = arith.addf %scan3A_1303, %select_n3A : vector<16xf32>
      %jit3A_1357 = arith.constant 0.000000e+00 : f32
      %broadcast_in_dim3A_1358 = vector.broadcast %jit3A_1357 : f32 to vector<16xf32>
      %select_n3A_1359 = arith.select %ge3A_1349, %mul3A_1344, %broadcast_in_dim3A_1358 : vector<16xi1>, vector<16xf32>
      %add3A_1360 = arith.addf %scan3A_1304, %select_n3A_1359 : vector<16xf32>
      %add3A_1361 = arith.addf %scan3A_1305, %mul3A_1344 : vector<16xf32>
      %jit3A_1362 = arith.constant 1.000000e+00 : f32
      %jit3A_1363 = arith.constant 0.000000e+00 : f32
      %broadcast_in_dim3A_1364 = vector.broadcast %jit3A_1362 : f32 to vector<16xf32>
      %broadcast_in_dim3A_1365 = vector.broadcast %jit3A_1363 : f32 to vector<16xf32>
      %select_n3A_1366 = arith.select %ge3A_1352, %broadcast_in_dim3A_1364, %broadcast_in_dim3A_1365 : vector<16xi1>, vector<16xf32>
      %add3A_1367 = arith.addf %scan3A_1306, %select_n3A_1366 : vector<16xf32>
      %jit3A_1368 = arith.constant 0.000000e+00 : f32
      %broadcast_in_dim3A_1369 = vector.broadcast %jit3A_1368 : f32 to vector<16xf32>
      %select_n3A_1370 = arith.select %ge3A_1352, %mul3A_1347, %broadcast_in_dim3A_1369 : vector<16xi1>, vector<16xf32>
      %add3A_1371 = arith.addf %scan3A_1307, %select_n3A_1370 : vector<16xf32>
      %add3A_1372 = arith.addf %scan3A_1308, %mul3A_1347 : vector<16xf32>
      %add3A_1373 = arith.constant 16 : i32
      %add3A_1374 = arith.addi %shift_left3A_1311, %add3A_1373 : i32
      %multiple_of3A_1375 = tpu.assume_multiple %add3A_1374, 16 : i32
      %get3A_1376 = arith.constant 0 : i32
      %get3A_1377 = arith.index_cast %get3A_1376 : i32 to index
      %get3A_1378 = arith.index_cast %shift_right_logical3A_1309 : i32 to index
      %get3A_1379 = arith.index_cast %multiple_of3A_1375 : i32 to index
      %get3A_1380 = tpu.vector_load %arg8[%get3A_1377, %get3A_1378, %get3A_1379] {strides = array<i32>} : memref<3x16x512xf32, #tpu.memory_space<vmem>>, vector<1x1x16xf32>,
      %get3A_1381 = vector.shape_cast %get3A_1380 : vector<1x1x16xf32> to vector<16xf32>
      %get3A_1382 = arith.constant 0 : i32
      %get3A_1383 = arith.index_cast %get3A_1382 : i32 to index
      %get3A_1384 = arith.index_cast %shift_right_logical3A_1309 : i32 to index
      %get3A_1385 = arith.index_cast %multiple_of3A_1375 : i32 to index
      %get3A_1386 = tpu.vector_load %arg9[%get3A_1383, %get3A_1384, %get3A_1385] {strides = array<i32>} : memref<3x16x512xf32, #tpu.memory_space<vmem>>, vector<1x1x16xf32>,
      %get3A_1387 = vector.shape_cast %get3A_1386 : vector<1x1x16xf32> to vector<16xf32>
      %get3A_1388 = arith.constant 0 : i32
      %get3A_1389 = arith.index_cast %get3A_1388 : i32 to index
      %get3A_1390 = arith.index_cast %shift_right_logical3A_1309 : i32 to index
      %get3A_1391 = arith.index_cast %multiple_of3A_1375 : i32 to index
      %get3A_1392 = tpu.vector_load %arg10[%get3A_1389, %get3A_1390, %get3A_1391] {strides = array<i32>} : memref<3x16x512xf32, #tpu.memory_space<vmem>>, vector<1x1x16xf32>,
      %get3A_1393 = vector.shape_cast %get3A_1392 : vector<1x1x16xf32> to vector<16xf32>
      %get3A_1394 = arith.constant 0 : i32
      %get3A_1395 = arith.index_cast %get3A_1394 : i32 to index
      %get3A_1396 = arith.index_cast %shift_right_logical3A_1309 : i32 to index
      %get3A_1397 = arith.index_cast %multiple_of3A_1375 : i32 to index
      %get3A_1398 = tpu.vector_load %arg11[%get3A_1395, %get3A_1396, %get3A_1397] {strides = array<i32>} : memref<3x16x512xf32, #tpu.memory_space<vmem>>, vector<1x1x16xf32>,
      %get3A_1399 = vector.shape_cast %get3A_1398 : vector<1x1x16xf32> to vector<16xf32>
      %get3A_1400 = arith.constant 0 : i32
      %get3A_1401 = arith.index_cast %get3A_1400 : i32 to index
      %get3A_1402 = arith.index_cast %shift_right_logical3A_1309 : i32 to index
      %get3A_1403 = arith.index_cast %multiple_of3A_1375 : i32 to index
      %get3A_1404 = tpu.vector_load %arg12[%get3A_1401, %get3A_1402, %get3A_1403] {strides = array<i32>} : memref<3x16x512xf32, #tpu.memory_space<vmem>>, vector<1x1x16xf32>,
      %get3A_1405 = vector.shape_cast %get3A_1404 : vector<1x1x16xf32> to vector<16xf32>
      %sub3A_1406 = arith.subf %get3A_1393, %get3A_1381 : vector<16xf32>
      %mul3A_1407 = arith.mulf %sub3A_1406, %sub3A_1406 : vector<16xf32>
      %mul3A_1408 = arith.mulf %mul3A_1407, %get3A_1405 : vector<16xf32>
      %sub3A_1409 = arith.subf %get3A_1399, %get3A_1387 : vector<16xf32>
      %mul3A_1410 = arith.mulf %sub3A_1409, %sub3A_1409 : vector<16xf32>
      %mul3A_1411 = arith.mulf %mul3A_1410, %get3A_1405 : vector<16xf32>
      %ge3A_1412 = arith.constant 1.000000e-01 : f32
      %ge3A_1413 = vector.broadcast %ge3A_1412 : f32 to vector<16xf32>
      %ge3A_1414 = arith.cmpf oge, %get3A_1381, %ge3A_1413 : vector<16xf32>
      %ge3A_1415 = arith.constant 1.000000e-01 : f32
      %ge3A_1416 = vector.broadcast %ge3A_1415 : f32 to vector<16xf32>
      %ge3A_1417 = arith.cmpf oge, %get3A_1387, %ge3A_1416 : vector<16xf32>
      %jit3A_1418 = arith.constant 1.000000e+00 : f32
      %jit3A_1419 = arith.constant 0.000000e+00 : f32
      %broadcast_in_dim3A_1420 = vector.broadcast %jit3A_1418 : f32 to vector<16xf32>
      %broadcast_in_dim3A_1421 = vector.broadcast %jit3A_1419 : f32 to vector<16xf32>
      %select_n3A_1422 = arith.select %ge3A_1414, %broadcast_in_dim3A_1420, %broadcast_in_dim3A_1421 : vector<16xi1>, vector<16xf32>
      %add3A_1423 = arith.addf %add3A_1356, %select_n3A_1422 : vector<16xf32>
      %jit3A_1424 = arith.constant 0.000000e+00 : f32
      %broadcast_in_dim3A_1425 = vector.broadcast %jit3A_1424 : f32 to vector<16xf32>
      %select_n3A_1426 = arith.select %ge3A_1414, %mul3A_1408, %broadcast_in_dim3A_1425 : vector<16xi1>, vector<16xf32>
      %add3A_1427 = arith.addf %add3A_1360, %select_n3A_1426 : vector<16xf32>
      %add3A_1428 = arith.addf %add3A_1361, %mul3A_1408 : vector<16xf32>
      %jit3A_1429 = arith.constant 1.000000e+00 : f32
      %jit3A_1430 = arith.constant 0.000000e+00 : f32
      %broadcast_in_dim3A_1431 = vector.broadcast %jit3A_1429 : f32 to vector<16xf32>
      %broadcast_in_dim3A_1432 = vector.broadcast %jit3A_1430 : f32 to vector<16xf32>
      %select_n3A_1433 = arith.select %ge3A_1417, %broadcast_in_dim3A_1431, %broadcast_in_dim3A_1432 : vector<16xi1>, vector<16xf32>
      %add3A_1434 = arith.addf %add3A_1367, %select_n3A_1433 : vector<16xf32>
      %jit3A_1435 = arith.constant 0.000000e+00 : f32
      %broadcast_in_dim3A_1436 = vector.broadcast %jit3A_1435 : f32 to vector<16xf32>
      %select_n3A_1437 = arith.select %ge3A_1417, %mul3A_1411, %broadcast_in_dim3A_1436 : vector<16xi1>, vector<16xf32>
      %add3A_1438 = arith.addf %add3A_1371, %select_n3A_1437 : vector<16xf32>
      %add3A_1439 = arith.addf %add3A_1372, %mul3A_1411 : vector<16xf32>
      %add3A_1440 = arith.constant 32 : i32
      %add3A_1441 = arith.addi %shift_left3A_1311, %add3A_1440 : i32
      %multiple_of3A_1442 = tpu.assume_multiple %add3A_1441, 16 : i32
      %get3A_1443 = arith.constant 0 : i32
      %get3A_1444 = arith.index_cast %get3A_1443 : i32 to index
      %get3A_1445 = arith.index_cast %shift_right_logical3A_1309 : i32 to index
      %get3A_1446 = arith.index_cast %multiple_of3A_1442 : i32 to index
      %get3A_1447 = tpu.vector_load %arg8[%get3A_1444, %get3A_1445, %get3A_1446] {strides = array<i32>} : memref<3x16x512xf32, #tpu.memory_space<vmem>>, vector<1x1x16xf32>,
      %get3A_1448 = vector.shape_cast %get3A_1447 : vector<1x1x16xf32> to vector<16xf32>
      %get3A_1449 = arith.constant 0 : i32
      %get3A_1450 = arith.index_cast %get3A_1449 : i32 to index
      %get3A_1451 = arith.index_cast %shift_right_logical3A_1309 : i32 to index
      %get3A_1452 = arith.index_cast %multiple_of3A_1442 : i32 to index
      %get3A_1453 = tpu.vector_load %arg9[%get3A_1450, %get3A_1451, %get3A_1452] {strides = array<i32>} : memref<3x16x512xf32, #tpu.memory_space<vmem>>, vector<1x1x16xf32>,
      %get3A_1454 = vector.shape_cast %get3A_1453 : vector<1x1x16xf32> to vector<16xf32>
      %get3A_1455 = arith.constant 0 : i32
      %get3A_1456 = arith.index_cast %get3A_1455 : i32 to index
      %get3A_1457 = arith.index_cast %shift_right_logical3A_1309 : i32 to index
      %get3A_1458 = arith.index_cast %multiple_of3A_1442 : i32 to index
      %get3A_1459 = tpu.vector_load %arg10[%get3A_1456, %get3A_1457, %get3A_1458] {strides = array<i32>} : memref<3x16x512xf32, #tpu.memory_space<vmem>>, vector<1x1x16xf32>,
      %get3A_1460 = vector.shape_cast %get3A_1459 : vector<1x1x16xf32> to vector<16xf32>
      %get3A_1461 = arith.constant 0 : i32
      %get3A_1462 = arith.index_cast %get3A_1461 : i32 to index
      %get3A_1463 = arith.index_cast %shift_right_logical3A_1309 : i32 to index
      %get3A_1464 = arith.index_cast %multiple_of3A_1442 : i32 to index
      %get3A_1465 = tpu.vector_load %arg11[%get3A_1462, %get3A_1463, %get3A_1464] {strides = array<i32>} : memref<3x16x512xf32, #tpu.memory_space<vmem>>, vector<1x1x16xf32>,
      %get3A_1466 = vector.shape_cast %get3A_1465 : vector<1x1x16xf32> to vector<16xf32>
      %get3A_1467 = arith.constant 0 : i32
      %get3A_1468 = arith.index_cast %get3A_1467 : i32 to index
      %get3A_1469 = arith.index_cast %shift_right_logical3A_1309 : i32 to index
      %get3A_1470 = arith.index_cast %multiple_of3A_1442 : i32 to index
      %get3A_1471 = tpu.vector_load %arg12[%get3A_1468, %get3A_1469, %get3A_1470] {strides = array<i32>} : memref<3x16x512xf32, #tpu.memory_space<vmem>>, vector<1x1x16xf32>,
      %get3A_1472 = vector.shape_cast %get3A_1471 : vector<1x1x16xf32> to vector<16xf32>
      %sub3A_1473 = arith.subf %get3A_1460, %get3A_1448 : vector<16xf32>
      %mul3A_1474 = arith.mulf %sub3A_1473, %sub3A_1473 : vector<16xf32>
      %mul3A_1475 = arith.mulf %mul3A_1474, %get3A_1472 : vector<16xf32>
      %sub3A_1476 = arith.subf %get3A_1466, %get3A_1454 : vector<16xf32>
      %mul3A_1477 = arith.mulf %sub3A_1476, %sub3A_1476 : vector<16xf32>
      %mul3A_1478 = arith.mulf %mul3A_1477, %get3A_1472 : vector<16xf32>
      %ge3A_1479 = arith.constant 1.000000e-01 : f32
      %ge3A_1480 = vector.broadcast %ge3A_1479 : f32 to vector<16xf32>
      %ge3A_1481 = arith.cmpf oge, %get3A_1448, %ge3A_1480 : vector<16xf32>
      %ge3A_1482 = arith.constant 1.000000e-01 : f32
      %ge3A_1483 = vector.broadcast %ge3A_1482 : f32 to vector<16xf32>
      %ge3A_1484 = arith.cmpf oge, %get3A_1454, %ge3A_1483 : vector<16xf32>
      %jit3A_1485 = arith.constant 1.000000e+00 : f32
      %jit3A_1486 = arith.constant 0.000000e+00 : f32
      %broadcast_in_dim3A_1487 = vector.broadcast %jit3A_1485 : f32 to vector<16xf32>
      %broadcast_in_dim3A_1488 = vector.broadcast %jit3A_1486 : f32 to vector<16xf32>
      %select_n3A_1489 = arith.select %ge3A_1481, %broadcast_in_dim3A_1487, %broadcast_in_dim3A_1488 : vector<16xi1>, vector<16xf32>
      %add3A_1490 = arith.addf %add3A_1423, %select_n3A_1489 : vector<16xf32>
      %jit3A_1491 = arith.constant 0.000000e+00 : f32
      %broadcast_in_dim3A_1492 = vector.broadcast %jit3A_1491 : f32 to vector<16xf32>
      %select_n3A_1493 = arith.select %ge3A_1481, %mul3A_1475, %broadcast_in_dim3A_1492 : vector<16xi1>, vector<16xf32>
      %add3A_1494 = arith.addf %add3A_1427, %select_n3A_1493 : vector<16xf32>
      %add3A_1495 = arith.addf %add3A_1428, %mul3A_1475 : vector<16xf32>
      %jit3A_1496 = arith.constant 1.000000e+00 : f32
      %jit3A_1497 = arith.constant 0.000000e+00 : f32
      %broadcast_in_dim3A_1498 = vector.broadcast %jit3A_1496 : f32 to vector<16xf32>
      %broadcast_in_dim3A_1499 = vector.broadcast %jit3A_1497 : f32 to vector<16xf32>
      %select_n3A_1500 = arith.select %ge3A_1484, %broadcast_in_dim3A_1498, %broadcast_in_dim3A_1499 : vector<16xi1>, vector<16xf32>
      %add3A_1501 = arith.addf %add3A_1434, %select_n3A_1500 : vector<16xf32>
      %jit3A_1502 = arith.constant 0.000000e+00 : f32
      %broadcast_in_dim3A_1503 = vector.broadcast %jit3A_1502 : f32 to vector<16xf32>
      %select_n3A_1504 = arith.select %ge3A_1484, %mul3A_1478, %broadcast_in_dim3A_1503 : vector<16xi1>, vector<16xf32>
      %add3A_1505 = arith.addf %add3A_1438, %select_n3A_1504 : vector<16xf32>
      %add3A_1506 = arith.addf %add3A_1439, %mul3A_1478 : vector<16xf32>
      %add3A_1507 = arith.constant 48 : i32
      %add3A_1508 = arith.addi %shift_left3A_1311, %add3A_1507 : i32
      %multiple_of3A_1509 = tpu.assume_multiple %add3A_1508, 16 : i32
      %get3A_1510 = arith.constant 0 : i32
      %get3A_1511 = arith.index_cast %get3A_1510 : i32 to index
      %get3A_1512 = arith.index_cast %shift_right_logical3A_1309 : i32 to index
      %get3A_1513 = arith.index_cast %multiple_of3A_1509 : i32 to index
      %get3A_1514 = tpu.vector_load %arg8[%get3A_1511, %get3A_1512, %get3A_1513] {strides = array<i32>} : memref<3x16x512xf32, #tpu.memory_space<vmem>>, vector<1x1x16xf32>,
      %get3A_1515 = vector.shape_cast %get3A_1514 : vector<1x1x16xf32> to vector<16xf32>
      %get3A_1516 = arith.constant 0 : i32
      %get3A_1517 = arith.index_cast %get3A_1516 : i32 to index
      %get3A_1518 = arith.index_cast %shift_right_logical3A_1309 : i32 to index
      %get3A_1519 = arith.index_cast %multiple_of3A_1509 : i32 to index
      %get3A_1520 = tpu.vector_load %arg9[%get3A_1517, %get3A_1518, %get3A_1519] {strides = array<i32>} : memref<3x16x512xf32, #tpu.memory_space<vmem>>, vector<1x1x16xf32>,
      %get3A_1521 = vector.shape_cast %get3A_1520 : vector<1x1x16xf32> to vector<16xf32>
      %get3A_1522 = arith.constant 0 : i32
      %get3A_1523 = arith.index_cast %get3A_1522 : i32 to index
      %get3A_1524 = arith.index_cast %shift_right_logical3A_1309 : i32 to index
      %get3A_1525 = arith.index_cast %multiple_of3A_1509 : i32 to index
      %get3A_1526 = tpu.vector_load %arg10[%get3A_1523, %get3A_1524, %get3A_1525] {strides = array<i32>} : memref<3x16x512xf32, #tpu.memory_space<vmem>>, vector<1x1x16xf32>,
      %get3A_1527 = vector.shape_cast %get3A_1526 : vector<1x1x16xf32> to vector<16xf32>
      %get3A_1528 = arith.constant 0 : i32
      %get3A_1529 = arith.index_cast %get3A_1528 : i32 to index
      %get3A_1530 = arith.index_cast %shift_right_logical3A_1309 : i32 to index
      %get3A_1531 = arith.index_cast %multiple_of3A_1509 : i32 to index
      %get3A_1532 = tpu.vector_load %arg11[%get3A_1529, %get3A_1530, %get3A_1531] {strides = array<i32>} : memref<3x16x512xf32, #tpu.memory_space<vmem>>, vector<1x1x16xf32>,
      %get3A_1533 = vector.shape_cast %get3A_1532 : vector<1x1x16xf32> to vector<16xf32>
      %get3A_1534 = arith.constant 0 : i32
      %get3A_1535 = arith.index_cast %get3A_1534 : i32 to index
      %get3A_1536 = arith.index_cast %shift_right_logical3A_1309 : i32 to index
      %get3A_1537 = arith.index_cast %multiple_of3A_1509 : i32 to index
      %get3A_1538 = tpu.vector_load %arg12[%get3A_1535, %get3A_1536, %get3A_1537] {strides = array<i32>} : memref<3x16x512xf32, #tpu.memory_space<vmem>>, vector<1x1x16xf32>,
      %get3A_1539 = vector.shape_cast %get3A_1538 : vector<1x1x16xf32> to vector<16xf32>
      %sub3A_1540 = arith.subf %get3A_1527, %get3A_1515 : vector<16xf32>
      %mul3A_1541 = arith.mulf %sub3A_1540, %sub3A_1540 : vector<16xf32>
      %mul3A_1542 = arith.mulf %mul3A_1541, %get3A_1539 : vector<16xf32>
      %sub3A_1543 = arith.subf %get3A_1533, %get3A_1521 : vector<16xf32>
      %mul3A_1544 = arith.mulf %sub3A_1543, %sub3A_1543 : vector<16xf32>
      %mul3A_1545 = arith.mulf %mul3A_1544, %get3A_1539 : vector<16xf32>
      %ge3A_1546 = arith.constant 1.000000e-01 : f32
      %ge3A_1547 = vector.broadcast %ge3A_1546 : f32 to vector<16xf32>
      %ge3A_1548 = arith.cmpf oge, %get3A_1515, %ge3A_1547 : vector<16xf32>
      %ge3A_1549 = arith.constant 1.000000e-01 : f32
      %ge3A_1550 = vector.broadcast %ge3A_1549 : f32 to vector<16xf32>
      %ge3A_1551 = arith.cmpf oge, %get3A_1521, %ge3A_1550 : vector<16xf32>
      %jit3A_1552 = arith.constant 1.000000e+00 : f32
      %jit3A_1553 = arith.constant 0.000000e+00 : f32
      %broadcast_in_dim3A_1554 = vector.broadcast %jit3A_1552 : f32 to vector<16xf32>
      %broadcast_in_dim3A_1555 = vector.broadcast %jit3A_1553 : f32 to vector<16xf32>
      %select_n3A_1556 = arith.select %ge3A_1548, %broadcast_in_dim3A_1554, %broadcast_in_dim3A_1555 : vector<16xi1>, vector<16xf32>
      %add3A_1557 = arith.addf %add3A_1490, %select_n3A_1556 : vector<16xf32>
      %jit3A_1558 = arith.constant 0.000000e+00 : f32
      %broadcast_in_dim3A_1559 = vector.broadcast %jit3A_1558 : f32 to vector<16xf32>
      %select_n3A_1560 = arith.select %ge3A_1548, %mul3A_1542, %broadcast_in_dim3A_1559 : vector<16xi1>, vector<16xf32>
      %add3A_1561 = arith.addf %add3A_1494, %select_n3A_1560 : vector<16xf32>
      %add3A_1562 = arith.addf %add3A_1495, %mul3A_1542 : vector<16xf32>
      %jit3A_1563 = arith.constant 1.000000e+00 : f32
      %jit3A_1564 = arith.constant 0.000000e+00 : f32
      %broadcast_in_dim3A_1565 = vector.broadcast %jit3A_1563 : f32 to vector<16xf32>
      %broadcast_in_dim3A_1566 = vector.broadcast %jit3A_1564 : f32 to vector<16xf32>
      %select_n3A_1567 = arith.select %ge3A_1551, %broadcast_in_dim3A_1565, %broadcast_in_dim3A_1566 : vector<16xi1>, vector<16xf32>
      %add3A_1568 = arith.addf %add3A_1501, %select_n3A_1567 : vector<16xf32>
      %jit3A_1569 = arith.constant 0.000000e+00 : f32
      %broadcast_in_dim3A_1570 = vector.broadcast %jit3A_1569 : f32 to vector<16xf32>
      %select_n3A_1571 = arith.select %ge3A_1551, %mul3A_1545, %broadcast_in_dim3A_1570 : vector<16xi1>, vector<16xf32>
      %add3A_1572 = arith.addf %add3A_1505, %select_n3A_1571 : vector<16xf32>
      %add3A_1573 = arith.addf %add3A_1506, %mul3A_1545 : vector<16xf32>
      scf.yield %add3A_1557, %add3A_1561, %add3A_1562, %add3A_1568, %add3A_1572, %add3A_1573 : vector<16xf32>, vector<16xf32>, vector<16xf32>, vector<16xf32>, vector<16xf32>, vector<16xf32>
    }
    %scan3A_314 = arith.constant 128 : i32
    %dma_wait3A_315 = arith.constant 1 : i32
    %dma_wait3A_316 = arith.constant 0 : i32
    %dma_wait3A_317 = arith.constant 0 : i32
    %dma_wait3A_318 = tpu.memref_slice %arg8[%dma_wait3A_315, %dma_wait3A_316, %dma_wait3A_317] : memref<3x16x512xf32, #tpu.memory_space<vmem>> -> memref<1x16x512xf32, #tpu.memory_space<vmem>>
    %dma_wait3A_319 = tpu.memref_squeeze %dma_wait3A_318 : memref<1x16x512xf32, #tpu.memory_space<vmem>> -> memref<16x512xf32, #tpu.memory_space<vmem>>
    %dma_wait3A_320 = arith.constant 0 : i32
    %dma_wait3A_321 = tpu.memref_slice %arg2[%div3A_1, %add3A_83, %dma_wait3A_320] : memref<16x512x512xf32, #tpu.memory_space<hbm>> -> memref<1x16x512xf32, #tpu.memory_space<hbm>>
    %dma_wait3A_322 = tpu.memref_squeeze %dma_wait3A_321 : memref<1x16x512xf32, #tpu.memory_space<hbm>> -> memref<16x512xf32, #tpu.memory_space<hbm>>
    %dma_wait3A_323 = arith.constant 0 : i32
    %dma_wait3A_324 = arith.constant 0 : i32
    %dma_wait3A_325 = tpu.memref_slice %arg8[%dma_wait3A_315, %dma_wait3A_323, %dma_wait3A_324] : memref<3x16x512xf32, #tpu.memory_space<vmem>> -> memref<1x16x512xf32, #tpu.memory_space<vmem>>
    %dma_wait3A_326 = tpu.memref_squeeze %dma_wait3A_325 : memref<1x16x512xf32, #tpu.memory_space<vmem>> -> memref<16x512xf32, #tpu.memory_space<vmem>>
    %dma_wait3A_327 = arith.constant 0 : i32
    %dma_wait3A_328 = tpu.memref_slice %arg2[%div3A_1, %add3A_83, %dma_wait3A_327] : memref<16x512x512xf32, #tpu.memory_space<hbm>> -> memref<1x16x512xf32, #tpu.memory_space<hbm>>
    %dma_wait3A_329 = tpu.memref_squeeze %dma_wait3A_328 : memref<1x16x512xf32, #tpu.memory_space<hbm>> -> memref<16x512xf32, #tpu.memory_space<hbm>>
    tpu.wait_dma2 semaphore(%arg14 : memref<!tpu.dma_semaphore, #tpu.memory_space<semaphore_mem>>) src(%dma_wait3A_329 : memref<16x512xf32, #tpu.memory_space<hbm>>) dst(%dma_wait3A_326 : memref<16x512xf32, #tpu.memory_space<vmem>>)
    %dma_wait3A_330 = arith.constant 1 : i32
    %dma_wait3A_331 = arith.constant 0 : i32
    %dma_wait3A_332 = arith.constant 0 : i32
    %dma_wait3A_333 = tpu.memref_slice %arg9[%dma_wait3A_330, %dma_wait3A_331, %dma_wait3A_332] : memref<3x16x512xf32, #tpu.memory_space<vmem>> -> memref<1x16x512xf32, #tpu.memory_space<vmem>>
    %dma_wait3A_334 = tpu.memref_squeeze %dma_wait3A_333 : memref<1x16x512xf32, #tpu.memory_space<vmem>> -> memref<16x512xf32, #tpu.memory_space<vmem>>
    %dma_wait3A_335 = arith.constant 0 : i32
    %dma_wait3A_336 = tpu.memref_slice %arg3[%div3A_1, %add3A_83, %dma_wait3A_335] : memref<16x512x512xf32, #tpu.memory_space<hbm>> -> memref<1x16x512xf32, #tpu.memory_space<hbm>>
    %dma_wait3A_337 = tpu.memref_squeeze %dma_wait3A_336 : memref<1x16x512xf32, #tpu.memory_space<hbm>> -> memref<16x512xf32, #tpu.memory_space<hbm>>
    %dma_wait3A_338 = arith.constant 0 : i32
    %dma_wait3A_339 = arith.constant 0 : i32
    %dma_wait3A_340 = tpu.memref_slice %arg9[%dma_wait3A_330, %dma_wait3A_338, %dma_wait3A_339] : memref<3x16x512xf32, #tpu.memory_space<vmem>> -> memref<1x16x512xf32, #tpu.memory_space<vmem>>
    %dma_wait3A_341 = tpu.memref_squeeze %dma_wait3A_340 : memref<1x16x512xf32, #tpu.memory_space<vmem>> -> memref<16x512xf32, #tpu.memory_space<vmem>>
    %dma_wait3A_342 = arith.constant 0 : i32
    %dma_wait3A_343 = tpu.memref_slice %arg3[%div3A_1, %add3A_83, %dma_wait3A_342] : memref<16x512x512xf32, #tpu.memory_space<hbm>> -> memref<1x16x512xf32, #tpu.memory_space<hbm>>
    %dma_wait3A_344 = tpu.memref_squeeze %dma_wait3A_343 : memref<1x16x512xf32, #tpu.memory_space<hbm>> -> memref<16x512xf32, #tpu.memory_space<hbm>>
    tpu.wait_dma2 semaphore(%arg14 : memref<!tpu.dma_semaphore, #tpu.memory_space<semaphore_mem>>) src(%dma_wait3A_344 : memref<16x512xf32, #tpu.memory_space<hbm>>) dst(%dma_wait3A_341 : memref<16x512xf32, #tpu.memory_space<vmem>>)
    %dma_wait3A_345 = arith.constant 1 : i32
    %dma_wait3A_346 = arith.constant 0 : i32
    %dma_wait3A_347 = arith.constant 0 : i32
    %dma_wait3A_348 = tpu.memref_slice %arg10[%dma_wait3A_345, %dma_wait3A_346, %dma_wait3A_347] : memref<3x16x512xf32, #tpu.memory_space<vmem>> -> memref<1x16x512xf32, #tpu.memory_space<vmem>>
    %dma_wait3A_349 = tpu.memref_squeeze %dma_wait3A_348 : memref<1x16x512xf32, #tpu.memory_space<vmem>> -> memref<16x512xf32, #tpu.memory_space<vmem>>
    %dma_wait3A_350 = arith.constant 0 : i32
    %dma_wait3A_351 = tpu.memref_slice %arg4[%div3A_1, %add3A_83, %dma_wait3A_350] : memref<16x512x512xf32, #tpu.memory_space<hbm>> -> memref<1x16x512xf32, #tpu.memory_space<hbm>>
    %dma_wait3A_352 = tpu.memref_squeeze %dma_wait3A_351 : memref<1x16x512xf32, #tpu.memory_space<hbm>> -> memref<16x512xf32, #tpu.memory_space<hbm>>
    %dma_wait3A_353 = arith.constant 0 : i32
    %dma_wait3A_354 = arith.constant 0 : i32
    %dma_wait3A_355 = tpu.memref_slice %arg10[%dma_wait3A_345, %dma_wait3A_353, %dma_wait3A_354] : memref<3x16x512xf32, #tpu.memory_space<vmem>> -> memref<1x16x512xf32, #tpu.memory_space<vmem>>
    %dma_wait3A_356 = tpu.memref_squeeze %dma_wait3A_355 : memref<1x16x512xf32, #tpu.memory_space<vmem>> -> memref<16x512xf32, #tpu.memory_space<vmem>>
    %dma_wait3A_357 = arith.constant 0 : i32
    %dma_wait3A_358 = tpu.memref_slice %arg4[%div3A_1, %add3A_83, %dma_wait3A_357] : memref<16x512x512xf32, #tpu.memory_space<hbm>> -> memref<1x16x512xf32, #tpu.memory_space<hbm>>
    %dma_wait3A_359 = tpu.memref_squeeze %dma_wait3A_358 : memref<1x16x512xf32, #tpu.memory_space<hbm>> -> memref<16x512xf32, #tpu.memory_space<hbm>>
    tpu.wait_dma2 semaphore(%arg14 : memref<!tpu.dma_semaphore, #tpu.memory_space<semaphore_mem>>) src(%dma_wait3A_359 : memref<16x512xf32, #tpu.memory_space<hbm>>) dst(%dma_wait3A_356 : memref<16x512xf32, #tpu.memory_space<vmem>>)
    %dma_wait3A_360 = arith.constant 1 : i32
    %dma_wait3A_361 = arith.constant 0 : i32
    %dma_wait3A_362 = arith.constant 0 : i32
    %dma_wait3A_363 = tpu.memref_slice %arg11[%dma_wait3A_360, %dma_wait3A_361, %dma_wait3A_362] : memref<3x16x512xf32, #tpu.memory_space<vmem>> -> memref<1x16x512xf32, #tpu.memory_space<vmem>>
    %dma_wait3A_364 = tpu.memref_squeeze %dma_wait3A_363 : memref<1x16x512xf32, #tpu.memory_space<vmem>> -> memref<16x512xf32, #tpu.memory_space<vmem>>
    %dma_wait3A_365 = arith.constant 0 : i32
    %dma_wait3A_366 = tpu.memref_slice %arg5[%div3A_1, %add3A_83, %dma_wait3A_365] : memref<16x512x512xf32, #tpu.memory_space<hbm>> -> memref<1x16x512xf32, #tpu.memory_space<hbm>>
    %dma_wait3A_367 = tpu.memref_squeeze %dma_wait3A_366 : memref<1x16x512xf32, #tpu.memory_space<hbm>> -> memref<16x512xf32, #tpu.memory_space<hbm>>
    %dma_wait3A_368 = arith.constant 0 : i32
    %dma_wait3A_369 = arith.constant 0 : i32
    %dma_wait3A_370 = tpu.memref_slice %arg11[%dma_wait3A_360, %dma_wait3A_368, %dma_wait3A_369] : memref<3x16x512xf32, #tpu.memory_space<vmem>> -> memref<1x16x512xf32, #tpu.memory_space<vmem>>
    %dma_wait3A_371 = tpu.memref_squeeze %dma_wait3A_370 : memref<1x16x512xf32, #tpu.memory_space<vmem>> -> memref<16x512xf32, #tpu.memory_space<vmem>>
    %dma_wait3A_372 = arith.constant 0 : i32
    %dma_wait3A_373 = tpu.memref_slice %arg5[%div3A_1, %add3A_83, %dma_wait3A_372] : memref<16x512x512xf32, #tpu.memory_space<hbm>> -> memref<1x16x512xf32, #tpu.memory_space<hbm>>
    %dma_wait3A_374 = tpu.memref_squeeze %dma_wait3A_373 : memref<1x16x512xf32, #tpu.memory_space<hbm>> -> memref<16x512xf32, #tpu.memory_space<hbm>>
    tpu.wait_dma2 semaphore(%arg14 : memref<!tpu.dma_semaphore, #tpu.memory_space<semaphore_mem>>) src(%dma_wait3A_374 : memref<16x512xf32, #tpu.memory_space<hbm>>) dst(%dma_wait3A_371 : memref<16x512xf32, #tpu.memory_space<vmem>>)
    %dma_wait3A_375 = arith.constant 1 : i32
    %dma_wait3A_376 = arith.constant 0 : i32
    %dma_wait3A_377 = arith.constant 0 : i32
    %dma_wait3A_378 = tpu.memref_slice %arg12[%dma_wait3A_375, %dma_wait3A_376, %dma_wait3A_377] : memref<3x16x512xf32, #tpu.memory_space<vmem>> -> memref<1x16x512xf32, #tpu.memory_space<vmem>>
    %dma_wait3A_379 = tpu.memref_squeeze %dma_wait3A_378 : memref<1x16x512xf32, #tpu.memory_space<vmem>> -> memref<16x512xf32, #tpu.memory_space<vmem>>
    %dma_wait3A_380 = arith.constant 0 : i32
    %dma_wait3A_381 = tpu.memref_slice %arg6[%div3A_1, %add3A_83, %dma_wait3A_380] : memref<16x512x512xf32, #tpu.memory_space<hbm>> -> memref<1x16x512xf32, #tpu.memory_space<hbm>>
    %dma_wait3A_382 = tpu.memref_squeeze %dma_wait3A_381 : memref<1x16x512xf32, #tpu.memory_space<hbm>> -> memref<16x512xf32, #tpu.memory_space<hbm>>
    %dma_wait3A_383 = arith.constant 0 : i32
    %dma_wait3A_384 = arith.constant 0 : i32
    %dma_wait3A_385 = tpu.memref_slice %arg12[%dma_wait3A_375, %dma_wait3A_383, %dma_wait3A_384] : memref<3x16x512xf32, #tpu.memory_space<vmem>> -> memref<1x16x512xf32, #tpu.memory_space<vmem>>
    %dma_wait3A_386 = tpu.memref_squeeze %dma_wait3A_385 : memref<1x16x512xf32, #tpu.memory_space<vmem>> -> memref<16x512xf32, #tpu.memory_space<vmem>>
    %dma_wait3A_387 = arith.constant 0 : i32
    %dma_wait3A_388 = tpu.memref_slice %arg6[%div3A_1, %add3A_83, %dma_wait3A_387] : memref<16x512x512xf32, #tpu.memory_space<hbm>> -> memref<1x16x512xf32, #tpu.memory_space<hbm>>
    %dma_wait3A_389 = tpu.memref_squeeze %dma_wait3A_388 : memref<1x16x512xf32, #tpu.memory_space<hbm>> -> memref<16x512xf32, #tpu.memory_space<hbm>>
    tpu.wait_dma2 semaphore(%arg14 : memref<!tpu.dma_semaphore, #tpu.memory_space<semaphore_mem>>) src(%dma_wait3A_389 : memref<16x512xf32, #tpu.memory_space<hbm>>) dst(%dma_wait3A_386 : memref<16x512xf32, #tpu.memory_space<vmem>>)
    %add3A_390 = arith.constant 48 : i32
    %add3A_391 = arith.addi %mul3A_4, %add3A_390 : i32
    %dma_start3A_392 = arith.constant 0 : i32
    %dma_start3A_393 = arith.constant 0 : i32
    %dma_start3A_394 = arith.constant 0 : i32
    %dma_start3A_395 = tpu.memref_slice %arg8[%dma_start3A_392, %dma_start3A_393, %dma_start3A_394] : memref<3x16x512xf32, #tpu.memory_space<vmem>> -> memref<1x16x512xf32, #tpu.memory_space<vmem>>
    %dma_start3A_396 = tpu.memref_squeeze %dma_start3A_395 : memref<1x16x512xf32, #tpu.memory_space<vmem>> -> memref<16x512xf32, #tpu.memory_space<vmem>>
    %dma_start3A_397 = arith.constant 0 : i32
    %dma_start3A_398 = tpu.memref_slice %arg2[%div3A_1, %add3A_391, %dma_start3A_397] : memref<16x512x512xf32, #tpu.memory_space<hbm>> -> memref<1x16x512xf32, #tpu.memory_space<hbm>>
    %dma_start3A_399 = tpu.memref_squeeze %dma_start3A_398 : memref<1x16x512xf32, #tpu.memory_space<hbm>> -> memref<16x512xf32, #tpu.memory_space<hbm>>
    %dma_start3A_400 = arith.constant 0 : i32
    %dma_start3A_401 = arith.constant 0 : i32
    %dma_start3A_402 = tpu.memref_slice %arg8[%dma_start3A_392, %dma_start3A_400, %dma_start3A_401] : memref<3x16x512xf32, #tpu.memory_space<vmem>> -> memref<1x16x512xf32, #tpu.memory_space<vmem>>
    %dma_start3A_403 = tpu.memref_squeeze %dma_start3A_402 : memref<1x16x512xf32, #tpu.memory_space<vmem>> -> memref<16x512xf32, #tpu.memory_space<vmem>>
    %dma_start3A_404 = arith.constant 0 : i32
    %dma_start3A_405 = tpu.memref_slice %arg2[%div3A_1, %add3A_391, %dma_start3A_404] : memref<16x512x512xf32, #tpu.memory_space<hbm>> -> memref<1x16x512xf32, #tpu.memory_space<hbm>>
    %dma_start3A_406 = tpu.memref_squeeze %dma_start3A_405 : memref<1x16x512xf32, #tpu.memory_space<hbm>> -> memref<16x512xf32, #tpu.memory_space<hbm>>
    tpu.enqueue_dma source(%dma_start3A_406 : memref<16x512xf32, #tpu.memory_space<hbm>>) target(%dma_start3A_403 : memref<16x512xf32, #tpu.memory_space<vmem>>) target_semaphore(%arg14 : memref<!tpu.dma_semaphore, #tpu.memory_space<semaphore_mem>>)
    %dma_start3A_407 = arith.constant 0 : i32
    %dma_start3A_408 = arith.constant 0 : i32
    %dma_start3A_409 = arith.constant 0 : i32
    %dma_start3A_410 = tpu.memref_slice %arg9[%dma_start3A_407, %dma_start3A_408, %dma_start3A_409] : memref<3x16x512xf32, #tpu.memory_space<vmem>> -> memref<1x16x512xf32, #tpu.memory_space<vmem>>
    %dma_start3A_411 = tpu.memref_squeeze %dma_start3A_410 : memref<1x16x512xf32, #tpu.memory_space<vmem>> -> memref<16x512xf32, #tpu.memory_space<vmem>>
    %dma_start3A_412 = arith.constant 0 : i32
    %dma_start3A_413 = tpu.memref_slice %arg3[%div3A_1, %add3A_391, %dma_start3A_412] : memref<16x512x512xf32, #tpu.memory_space<hbm>> -> memref<1x16x512xf32, #tpu.memory_space<hbm>>
    %dma_start3A_414 = tpu.memref_squeeze %dma_start3A_413 : memref<1x16x512xf32, #tpu.memory_space<hbm>> -> memref<16x512xf32, #tpu.memory_space<hbm>>
    %dma_start3A_415 = arith.constant 0 : i32
    %dma_start3A_416 = arith.constant 0 : i32
    %dma_start3A_417 = tpu.memref_slice %arg9[%dma_start3A_407, %dma_start3A_415, %dma_start3A_416] : memref<3x16x512xf32, #tpu.memory_space<vmem>> -> memref<1x16x512xf32, #tpu.memory_space<vmem>>
    %dma_start3A_418 = tpu.memref_squeeze %dma_start3A_417 : memref<1x16x512xf32, #tpu.memory_space<vmem>> -> memref<16x512xf32, #tpu.memory_space<vmem>>
    %dma_start3A_419 = arith.constant 0 : i32
    %dma_start3A_420 = tpu.memref_slice %arg3[%div3A_1, %add3A_391, %dma_start3A_419] : memref<16x512x512xf32, #tpu.memory_space<hbm>> -> memref<1x16x512xf32, #tpu.memory_space<hbm>>
    %dma_start3A_421 = tpu.memref_squeeze %dma_start3A_420 : memref<1x16x512xf32, #tpu.memory_space<hbm>> -> memref<16x512xf32, #tpu.memory_space<hbm>>
    tpu.enqueue_dma source(%dma_start3A_421 : memref<16x512xf32, #tpu.memory_space<hbm>>) target(%dma_start3A_418 : memref<16x512xf32, #tpu.memory_space<vmem>>) target_semaphore(%arg14 : memref<!tpu.dma_semaphore, #tpu.memory_space<semaphore_mem>>)
    %dma_start3A_422 = arith.constant 0 : i32
    %dma_start3A_423 = arith.constant 0 : i32
    %dma_start3A_424 = arith.constant 0 : i32
    %dma_start3A_425 = tpu.memref_slice %arg10[%dma_start3A_422, %dma_start3A_423, %dma_start3A_424] : memref<3x16x512xf32, #tpu.memory_space<vmem>> -> memref<1x16x512xf32, #tpu.memory_space<vmem>>
    %dma_start3A_426 = tpu.memref_squeeze %dma_start3A_425 : memref<1x16x512xf32, #tpu.memory_space<vmem>> -> memref<16x512xf32, #tpu.memory_space<vmem>>
    %dma_start3A_427 = arith.constant 0 : i32
    %dma_start3A_428 = tpu.memref_slice %arg4[%div3A_1, %add3A_391, %dma_start3A_427] : memref<16x512x512xf32, #tpu.memory_space<hbm>> -> memref<1x16x512xf32, #tpu.memory_space<hbm>>
    %dma_start3A_429 = tpu.memref_squeeze %dma_start3A_428 : memref<1x16x512xf32, #tpu.memory_space<hbm>> -> memref<16x512xf32, #tpu.memory_space<hbm>>
    %dma_start3A_430 = arith.constant 0 : i32
    %dma_start3A_431 = arith.constant 0 : i32
    %dma_start3A_432 = tpu.memref_slice %arg10[%dma_start3A_422, %dma_start3A_430, %dma_start3A_431] : memref<3x16x512xf32, #tpu.memory_space<vmem>> -> memref<1x16x512xf32, #tpu.memory_space<vmem>>
    %dma_start3A_433 = tpu.memref_squeeze %dma_start3A_432 : memref<1x16x512xf32, #tpu.memory_space<vmem>> -> memref<16x512xf32, #tpu.memory_space<vmem>>
    %dma_start3A_434 = arith.constant 0 : i32
    %dma_start3A_435 = tpu.memref_slice %arg4[%div3A_1, %add3A_391, %dma_start3A_434] : memref<16x512x512xf32, #tpu.memory_space<hbm>> -> memref<1x16x512xf32, #tpu.memory_space<hbm>>
    %dma_start3A_436 = tpu.memref_squeeze %dma_start3A_435 : memref<1x16x512xf32, #tpu.memory_space<hbm>> -> memref<16x512xf32, #tpu.memory_space<hbm>>
    tpu.enqueue_dma source(%dma_start3A_436 : memref<16x512xf32, #tpu.memory_space<hbm>>) target(%dma_start3A_433 : memref<16x512xf32, #tpu.memory_space<vmem>>) target_semaphore(%arg14 : memref<!tpu.dma_semaphore, #tpu.memory_space<semaphore_mem>>)
    %dma_start3A_437 = arith.constant 0 : i32
    %dma_start3A_438 = arith.constant 0 : i32
    %dma_start3A_439 = arith.constant 0 : i32
    %dma_start3A_440 = tpu.memref_slice %arg11[%dma_start3A_437, %dma_start3A_438, %dma_start3A_439] : memref<3x16x512xf32, #tpu.memory_space<vmem>> -> memref<1x16x512xf32, #tpu.memory_space<vmem>>
    %dma_start3A_441 = tpu.memref_squeeze %dma_start3A_440 : memref<1x16x512xf32, #tpu.memory_space<vmem>> -> memref<16x512xf32, #tpu.memory_space<vmem>>
    %dma_start3A_442 = arith.constant 0 : i32
    %dma_start3A_443 = tpu.memref_slice %arg5[%div3A_1, %add3A_391, %dma_start3A_442] : memref<16x512x512xf32, #tpu.memory_space<hbm>> -> memref<1x16x512xf32, #tpu.memory_space<hbm>>
    %dma_start3A_444 = tpu.memref_squeeze %dma_start3A_443 : memref<1x16x512xf32, #tpu.memory_space<hbm>> -> memref<16x512xf32, #tpu.memory_space<hbm>>
    %dma_start3A_445 = arith.constant 0 : i32
    %dma_start3A_446 = arith.constant 0 : i32
    %dma_start3A_447 = tpu.memref_slice %arg11[%dma_start3A_437, %dma_start3A_445, %dma_start3A_446] : memref<3x16x512xf32, #tpu.memory_space<vmem>> -> memref<1x16x512xf32, #tpu.memory_space<vmem>>
    %dma_start3A_448 = tpu.memref_squeeze %dma_start3A_447 : memref<1x16x512xf32, #tpu.memory_space<vmem>> -> memref<16x512xf32, #tpu.memory_space<vmem>>
    %dma_start3A_449 = arith.constant 0 : i32
    %dma_start3A_450 = tpu.memref_slice %arg5[%div3A_1, %add3A_391, %dma_start3A_449] : memref<16x512x512xf32, #tpu.memory_space<hbm>> -> memref<1x16x512xf32, #tpu.memory_space<hbm>>
    %dma_start3A_451 = tpu.memref_squeeze %dma_start3A_450 : memref<1x16x512xf32, #tpu.memory_space<hbm>> -> memref<16x512xf32, #tpu.memory_space<hbm>>
    tpu.enqueue_dma source(%dma_start3A_451 : memref<16x512xf32, #tpu.memory_space<hbm>>) target(%dma_start3A_448 : memref<16x512xf32, #tpu.memory_space<vmem>>) target_semaphore(%arg14 : memref<!tpu.dma_semaphore, #tpu.memory_space<semaphore_mem>>)
    %dma_start3A_452 = arith.constant 0 : i32
    %dma_start3A_453 = arith.constant 0 : i32
    %dma_start3A_454 = arith.constant 0 : i32
    %dma_start3A_455 = tpu.memref_slice %arg12[%dma_start3A_452, %dma_start3A_453, %dma_start3A_454] : memref<3x16x512xf32, #tpu.memory_space<vmem>> -> memref<1x16x512xf32, #tpu.memory_space<vmem>>
    %dma_start3A_456 = tpu.memref_squeeze %dma_start3A_455 : memref<1x16x512xf32, #tpu.memory_space<vmem>> -> memref<16x512xf32, #tpu.memory_space<vmem>>
    %dma_start3A_457 = arith.constant 0 : i32
    %dma_start3A_458 = tpu.memref_slice %arg6[%div3A_1, %add3A_391, %dma_start3A_457] : memref<16x512x512xf32, #tpu.memory_space<hbm>> -> memref<1x16x512xf32, #tpu.memory_space<hbm>>
    %dma_start3A_459 = tpu.memref_squeeze %dma_start3A_458 : memref<1x16x512xf32, #tpu.memory_space<hbm>> -> memref<16x512xf32, #tpu.memory_space<hbm>>
    %dma_start3A_460 = arith.constant 0 : i32
    %dma_start3A_461 = arith.constant 0 : i32
    %dma_start3A_462 = tpu.memref_slice %arg12[%dma_start3A_452, %dma_start3A_460, %dma_start3A_461] : memref<3x16x512xf32, #tpu.memory_space<vmem>> -> memref<1x16x512xf32, #tpu.memory_space<vmem>>
    %dma_start3A_463 = tpu.memref_squeeze %dma_start3A_462 : memref<1x16x512xf32, #tpu.memory_space<vmem>> -> memref<16x512xf32, #tpu.memory_space<vmem>>
    %dma_start3A_464 = arith.constant 0 : i32
    %dma_start3A_465 = tpu.memref_slice %arg6[%div3A_1, %add3A_391, %dma_start3A_464] : memref<16x512x512xf32, #tpu.memory_space<hbm>> -> memref<1x16x512xf32, #tpu.memory_space<hbm>>
    %dma_start3A_466 = tpu.memref_squeeze %dma_start3A_465 : memref<1x16x512xf32, #tpu.memory_space<hbm>> -> memref<16x512xf32, #tpu.memory_space<hbm>>
    tpu.enqueue_dma source(%dma_start3A_466 : memref<16x512xf32, #tpu.memory_space<hbm>>) target(%dma_start3A_463 : memref<16x512xf32, #tpu.memory_space<vmem>>) target_semaphore(%arg14 : memref<!tpu.dma_semaphore, #tpu.memory_space<semaphore_mem>>)
    %scan3A_467 = arith.constant 0 : i32
    %scan3A_468 = arith.constant 128 : i32
    %scan3A_469 = arith.addi %scan3A_467, %scan3A_468 : i32
    %scan3A_470 = arith.constant 1 : i32
    %scan3A_471:6 = scf.for %scan3A_1302 = %scan3A_467 to %scan3A_469 step %scan3A_470 iter_args(%scan3A_1303 = %scan3A_313#0, %scan3A_1304 = %scan3A_313#1, %scan3A_1305 = %scan3A_313#2, %scan3A_1306 = %scan3A_313#3, %scan3A_1307 = %scan3A_313#4, %scan3A_1308 = %scan3A_313#5) -> (vector<16xf32>, vector<16xf32>, vector<16xf32>, vector<16xf32>, vector<16xf32>, vector<16xf32>)  : i32 {
      %shift_right_logical3A = arith.constant 3 : i32
      %shift_right_logical3A_1309 = arith.shrui %scan3A_1302, %shift_right_logical3A : i32
      %and3A = arith.constant 7 : i32
      %and3A_1310 = arith.andi %scan3A_1302, %and3A : i32
      %shift_left3A = arith.constant 6 : i32
      %shift_left3A_1311 = arith.shli %and3A_1310, %shift_left3A : i32
      %add3A_1312 = arith.constant 0 : i32
      %add3A_1313 = arith.addi %shift_left3A_1311, %add3A_1312 : i32
      %multiple_of3A = tpu.assume_multiple %add3A_1313, 16 : i32
      %get3A = arith.constant 1 : i32
      %get3A_1314 = arith.index_cast %get3A : i32 to index
      %get3A_1315 = arith.index_cast %shift_right_logical3A_1309 : i32 to index
      %get3A_1316 = arith.index_cast %multiple_of3A : i32 to index
      %get3A_1317 = tpu.vector_load %arg8[%get3A_1314, %get3A_1315, %get3A_1316] {strides = array<i32>} : memref<3x16x512xf32, #tpu.memory_space<vmem>>, vector<1x1x16xf32>,
      %get3A_1318 = vector.shape_cast %get3A_1317 : vector<1x1x16xf32> to vector<16xf32>
      %get3A_1319 = arith.constant 1 : i32
      %get3A_1320 = arith.index_cast %get3A_1319 : i32 to index
      %get3A_1321 = arith.index_cast %shift_right_logical3A_1309 : i32 to index
      %get3A_1322 = arith.index_cast %multiple_of3A : i32 to index
      %get3A_1323 = tpu.vector_load %arg9[%get3A_1320, %get3A_1321, %get3A_1322] {strides = array<i32>} : memref<3x16x512xf32, #tpu.memory_space<vmem>>, vector<1x1x16xf32>,
      %get3A_1324 = vector.shape_cast %get3A_1323 : vector<1x1x16xf32> to vector<16xf32>
      %get3A_1325 = arith.constant 1 : i32
      %get3A_1326 = arith.index_cast %get3A_1325 : i32 to index
      %get3A_1327 = arith.index_cast %shift_right_logical3A_1309 : i32 to index
      %get3A_1328 = arith.index_cast %multiple_of3A : i32 to index
      %get3A_1329 = tpu.vector_load %arg10[%get3A_1326, %get3A_1327, %get3A_1328] {strides = array<i32>} : memref<3x16x512xf32, #tpu.memory_space<vmem>>, vector<1x1x16xf32>,
      %get3A_1330 = vector.shape_cast %get3A_1329 : vector<1x1x16xf32> to vector<16xf32>
      %get3A_1331 = arith.constant 1 : i32
      %get3A_1332 = arith.index_cast %get3A_1331 : i32 to index
      %get3A_1333 = arith.index_cast %shift_right_logical3A_1309 : i32 to index
      %get3A_1334 = arith.index_cast %multiple_of3A : i32 to index
      %get3A_1335 = tpu.vector_load %arg11[%get3A_1332, %get3A_1333, %get3A_1334] {strides = array<i32>} : memref<3x16x512xf32, #tpu.memory_space<vmem>>, vector<1x1x16xf32>,
      %get3A_1336 = vector.shape_cast %get3A_1335 : vector<1x1x16xf32> to vector<16xf32>
      %get3A_1337 = arith.constant 1 : i32
      %get3A_1338 = arith.index_cast %get3A_1337 : i32 to index
      %get3A_1339 = arith.index_cast %shift_right_logical3A_1309 : i32 to index
      %get3A_1340 = arith.index_cast %multiple_of3A : i32 to index
      %get3A_1341 = tpu.vector_load %arg12[%get3A_1338, %get3A_1339, %get3A_1340] {strides = array<i32>} : memref<3x16x512xf32, #tpu.memory_space<vmem>>, vector<1x1x16xf32>,
      %get3A_1342 = vector.shape_cast %get3A_1341 : vector<1x1x16xf32> to vector<16xf32>
      %sub3A = arith.subf %get3A_1330, %get3A_1318 : vector<16xf32>
      %mul3A_1343 = arith.mulf %sub3A, %sub3A : vector<16xf32>
      %mul3A_1344 = arith.mulf %mul3A_1343, %get3A_1342 : vector<16xf32>
      %sub3A_1345 = arith.subf %get3A_1336, %get3A_1324 : vector<16xf32>
      %mul3A_1346 = arith.mulf %sub3A_1345, %sub3A_1345 : vector<16xf32>
      %mul3A_1347 = arith.mulf %mul3A_1346, %get3A_1342 : vector<16xf32>
      %ge3A = arith.constant 1.000000e-01 : f32
      %ge3A_1348 = vector.broadcast %ge3A : f32 to vector<16xf32>
      %ge3A_1349 = arith.cmpf oge, %get3A_1318, %ge3A_1348 : vector<16xf32>
      %ge3A_1350 = arith.constant 1.000000e-01 : f32
      %ge3A_1351 = vector.broadcast %ge3A_1350 : f32 to vector<16xf32>
      %ge3A_1352 = arith.cmpf oge, %get3A_1324, %ge3A_1351 : vector<16xf32>
      %jit3A = arith.constant 1.000000e+00 : f32
      %jit3A_1353 = arith.constant 0.000000e+00 : f32
      %broadcast_in_dim3A_1354 = vector.broadcast %jit3A : f32 to vector<16xf32>
      %broadcast_in_dim3A_1355 = vector.broadcast %jit3A_1353 : f32 to vector<16xf32>
      %select_n3A = arith.select %ge3A_1349, %broadcast_in_dim3A_1354, %broadcast_in_dim3A_1355 : vector<16xi1>, vector<16xf32>
      %add3A_1356 = arith.addf %scan3A_1303, %select_n3A : vector<16xf32>
      %jit3A_1357 = arith.constant 0.000000e+00 : f32
      %broadcast_in_dim3A_1358 = vector.broadcast %jit3A_1357 : f32 to vector<16xf32>
      %select_n3A_1359 = arith.select %ge3A_1349, %mul3A_1344, %broadcast_in_dim3A_1358 : vector<16xi1>, vector<16xf32>
      %add3A_1360 = arith.addf %scan3A_1304, %select_n3A_1359 : vector<16xf32>
      %add3A_1361 = arith.addf %scan3A_1305, %mul3A_1344 : vector<16xf32>
      %jit3A_1362 = arith.constant 1.000000e+00 : f32
      %jit3A_1363 = arith.constant 0.000000e+00 : f32
      %broadcast_in_dim3A_1364 = vector.broadcast %jit3A_1362 : f32 to vector<16xf32>
      %broadcast_in_dim3A_1365 = vector.broadcast %jit3A_1363 : f32 to vector<16xf32>
      %select_n3A_1366 = arith.select %ge3A_1352, %broadcast_in_dim3A_1364, %broadcast_in_dim3A_1365 : vector<16xi1>, vector<16xf32>
      %add3A_1367 = arith.addf %scan3A_1306, %select_n3A_1366 : vector<16xf32>
      %jit3A_1368 = arith.constant 0.000000e+00 : f32
      %broadcast_in_dim3A_1369 = vector.broadcast %jit3A_1368 : f32 to vector<16xf32>
      %select_n3A_1370 = arith.select %ge3A_1352, %mul3A_1347, %broadcast_in_dim3A_1369 : vector<16xi1>, vector<16xf32>
      %add3A_1371 = arith.addf %scan3A_1307, %select_n3A_1370 : vector<16xf32>
      %add3A_1372 = arith.addf %scan3A_1308, %mul3A_1347 : vector<16xf32>
      %add3A_1373 = arith.constant 16 : i32
      %add3A_1374 = arith.addi %shift_left3A_1311, %add3A_1373 : i32
      %multiple_of3A_1375 = tpu.assume_multiple %add3A_1374, 16 : i32
      %get3A_1376 = arith.constant 1 : i32
      %get3A_1377 = arith.index_cast %get3A_1376 : i32 to index
      %get3A_1378 = arith.index_cast %shift_right_logical3A_1309 : i32 to index
      %get3A_1379 = arith.index_cast %multiple_of3A_1375 : i32 to index
      %get3A_1380 = tpu.vector_load %arg8[%get3A_1377, %get3A_1378, %get3A_1379] {strides = array<i32>} : memref<3x16x512xf32, #tpu.memory_space<vmem>>, vector<1x1x16xf32>,
      %get3A_1381 = vector.shape_cast %get3A_1380 : vector<1x1x16xf32> to vector<16xf32>
      %get3A_1382 = arith.constant 1 : i32
      %get3A_1383 = arith.index_cast %get3A_1382 : i32 to index
      %get3A_1384 = arith.index_cast %shift_right_logical3A_1309 : i32 to index
      %get3A_1385 = arith.index_cast %multiple_of3A_1375 : i32 to index
      %get3A_1386 = tpu.vector_load %arg9[%get3A_1383, %get3A_1384, %get3A_1385] {strides = array<i32>} : memref<3x16x512xf32, #tpu.memory_space<vmem>>, vector<1x1x16xf32>,
      %get3A_1387 = vector.shape_cast %get3A_1386 : vector<1x1x16xf32> to vector<16xf32>
      %get3A_1388 = arith.constant 1 : i32
      %get3A_1389 = arith.index_cast %get3A_1388 : i32 to index
      %get3A_1390 = arith.index_cast %shift_right_logical3A_1309 : i32 to index
      %get3A_1391 = arith.index_cast %multiple_of3A_1375 : i32 to index
      %get3A_1392 = tpu.vector_load %arg10[%get3A_1389, %get3A_1390, %get3A_1391] {strides = array<i32>} : memref<3x16x512xf32, #tpu.memory_space<vmem>>, vector<1x1x16xf32>,
      %get3A_1393 = vector.shape_cast %get3A_1392 : vector<1x1x16xf32> to vector<16xf32>
      %get3A_1394 = arith.constant 1 : i32
      %get3A_1395 = arith.index_cast %get3A_1394 : i32 to index
      %get3A_1396 = arith.index_cast %shift_right_logical3A_1309 : i32 to index
      %get3A_1397 = arith.index_cast %multiple_of3A_1375 : i32 to index
      %get3A_1398 = tpu.vector_load %arg11[%get3A_1395, %get3A_1396, %get3A_1397] {strides = array<i32>} : memref<3x16x512xf32, #tpu.memory_space<vmem>>, vector<1x1x16xf32>,
      %get3A_1399 = vector.shape_cast %get3A_1398 : vector<1x1x16xf32> to vector<16xf32>
      %get3A_1400 = arith.constant 1 : i32
      %get3A_1401 = arith.index_cast %get3A_1400 : i32 to index
      %get3A_1402 = arith.index_cast %shift_right_logical3A_1309 : i32 to index
      %get3A_1403 = arith.index_cast %multiple_of3A_1375 : i32 to index
      %get3A_1404 = tpu.vector_load %arg12[%get3A_1401, %get3A_1402, %get3A_1403] {strides = array<i32>} : memref<3x16x512xf32, #tpu.memory_space<vmem>>, vector<1x1x16xf32>,
      %get3A_1405 = vector.shape_cast %get3A_1404 : vector<1x1x16xf32> to vector<16xf32>
      %sub3A_1406 = arith.subf %get3A_1393, %get3A_1381 : vector<16xf32>
      %mul3A_1407 = arith.mulf %sub3A_1406, %sub3A_1406 : vector<16xf32>
      %mul3A_1408 = arith.mulf %mul3A_1407, %get3A_1405 : vector<16xf32>
      %sub3A_1409 = arith.subf %get3A_1399, %get3A_1387 : vector<16xf32>
      %mul3A_1410 = arith.mulf %sub3A_1409, %sub3A_1409 : vector<16xf32>
      %mul3A_1411 = arith.mulf %mul3A_1410, %get3A_1405 : vector<16xf32>
      %ge3A_1412 = arith.constant 1.000000e-01 : f32
      %ge3A_1413 = vector.broadcast %ge3A_1412 : f32 to vector<16xf32>
      %ge3A_1414 = arith.cmpf oge, %get3A_1381, %ge3A_1413 : vector<16xf32>
      %ge3A_1415 = arith.constant 1.000000e-01 : f32
      %ge3A_1416 = vector.broadcast %ge3A_1415 : f32 to vector<16xf32>
      %ge3A_1417 = arith.cmpf oge, %get3A_1387, %ge3A_1416 : vector<16xf32>
      %jit3A_1418 = arith.constant 1.000000e+00 : f32
      %jit3A_1419 = arith.constant 0.000000e+00 : f32
      %broadcast_in_dim3A_1420 = vector.broadcast %jit3A_1418 : f32 to vector<16xf32>
      %broadcast_in_dim3A_1421 = vector.broadcast %jit3A_1419 : f32 to vector<16xf32>
      %select_n3A_1422 = arith.select %ge3A_1414, %broadcast_in_dim3A_1420, %broadcast_in_dim3A_1421 : vector<16xi1>, vector<16xf32>
      %add3A_1423 = arith.addf %add3A_1356, %select_n3A_1422 : vector<16xf32>
      %jit3A_1424 = arith.constant 0.000000e+00 : f32
      %broadcast_in_dim3A_1425 = vector.broadcast %jit3A_1424 : f32 to vector<16xf32>
      %select_n3A_1426 = arith.select %ge3A_1414, %mul3A_1408, %broadcast_in_dim3A_1425 : vector<16xi1>, vector<16xf32>
      %add3A_1427 = arith.addf %add3A_1360, %select_n3A_1426 : vector<16xf32>
      %add3A_1428 = arith.addf %add3A_1361, %mul3A_1408 : vector<16xf32>
      %jit3A_1429 = arith.constant 1.000000e+00 : f32
      %jit3A_1430 = arith.constant 0.000000e+00 : f32
      %broadcast_in_dim3A_1431 = vector.broadcast %jit3A_1429 : f32 to vector<16xf32>
      %broadcast_in_dim3A_1432 = vector.broadcast %jit3A_1430 : f32 to vector<16xf32>
      %select_n3A_1433 = arith.select %ge3A_1417, %broadcast_in_dim3A_1431, %broadcast_in_dim3A_1432 : vector<16xi1>, vector<16xf32>
      %add3A_1434 = arith.addf %add3A_1367, %select_n3A_1433 : vector<16xf32>
      %jit3A_1435 = arith.constant 0.000000e+00 : f32
      %broadcast_in_dim3A_1436 = vector.broadcast %jit3A_1435 : f32 to vector<16xf32>
      %select_n3A_1437 = arith.select %ge3A_1417, %mul3A_1411, %broadcast_in_dim3A_1436 : vector<16xi1>, vector<16xf32>
      %add3A_1438 = arith.addf %add3A_1371, %select_n3A_1437 : vector<16xf32>
      %add3A_1439 = arith.addf %add3A_1372, %mul3A_1411 : vector<16xf32>
      %add3A_1440 = arith.constant 32 : i32
      %add3A_1441 = arith.addi %shift_left3A_1311, %add3A_1440 : i32
      %multiple_of3A_1442 = tpu.assume_multiple %add3A_1441, 16 : i32
      %get3A_1443 = arith.constant 1 : i32
      %get3A_1444 = arith.index_cast %get3A_1443 : i32 to index
      %get3A_1445 = arith.index_cast %shift_right_logical3A_1309 : i32 to index
      %get3A_1446 = arith.index_cast %multiple_of3A_1442 : i32 to index
      %get3A_1447 = tpu.vector_load %arg8[%get3A_1444, %get3A_1445, %get3A_1446] {strides = array<i32>} : memref<3x16x512xf32, #tpu.memory_space<vmem>>, vector<1x1x16xf32>,
      %get3A_1448 = vector.shape_cast %get3A_1447 : vector<1x1x16xf32> to vector<16xf32>
      %get3A_1449 = arith.constant 1 : i32
      %get3A_1450 = arith.index_cast %get3A_1449 : i32 to index
      %get3A_1451 = arith.index_cast %shift_right_logical3A_1309 : i32 to index
      %get3A_1452 = arith.index_cast %multiple_of3A_1442 : i32 to index
      %get3A_1453 = tpu.vector_load %arg9[%get3A_1450, %get3A_1451, %get3A_1452] {strides = array<i32>} : memref<3x16x512xf32, #tpu.memory_space<vmem>>, vector<1x1x16xf32>,
      %get3A_1454 = vector.shape_cast %get3A_1453 : vector<1x1x16xf32> to vector<16xf32>
      %get3A_1455 = arith.constant 1 : i32
      %get3A_1456 = arith.index_cast %get3A_1455 : i32 to index
      %get3A_1457 = arith.index_cast %shift_right_logical3A_1309 : i32 to index
      %get3A_1458 = arith.index_cast %multiple_of3A_1442 : i32 to index
      %get3A_1459 = tpu.vector_load %arg10[%get3A_1456, %get3A_1457, %get3A_1458] {strides = array<i32>} : memref<3x16x512xf32, #tpu.memory_space<vmem>>, vector<1x1x16xf32>,
      %get3A_1460 = vector.shape_cast %get3A_1459 : vector<1x1x16xf32> to vector<16xf32>
      %get3A_1461 = arith.constant 1 : i32
      %get3A_1462 = arith.index_cast %get3A_1461 : i32 to index
      %get3A_1463 = arith.index_cast %shift_right_logical3A_1309 : i32 to index
      %get3A_1464 = arith.index_cast %multiple_of3A_1442 : i32 to index
      %get3A_1465 = tpu.vector_load %arg11[%get3A_1462, %get3A_1463, %get3A_1464] {strides = array<i32>} : memref<3x16x512xf32, #tpu.memory_space<vmem>>, vector<1x1x16xf32>,
      %get3A_1466 = vector.shape_cast %get3A_1465 : vector<1x1x16xf32> to vector<16xf32>
      %get3A_1467 = arith.constant 1 : i32
      %get3A_1468 = arith.index_cast %get3A_1467 : i32 to index
      %get3A_1469 = arith.index_cast %shift_right_logical3A_1309 : i32 to index
      %get3A_1470 = arith.index_cast %multiple_of3A_1442 : i32 to index
      %get3A_1471 = tpu.vector_load %arg12[%get3A_1468, %get3A_1469, %get3A_1470] {strides = array<i32>} : memref<3x16x512xf32, #tpu.memory_space<vmem>>, vector<1x1x16xf32>,
      %get3A_1472 = vector.shape_cast %get3A_1471 : vector<1x1x16xf32> to vector<16xf32>
      %sub3A_1473 = arith.subf %get3A_1460, %get3A_1448 : vector<16xf32>
      %mul3A_1474 = arith.mulf %sub3A_1473, %sub3A_1473 : vector<16xf32>
      %mul3A_1475 = arith.mulf %mul3A_1474, %get3A_1472 : vector<16xf32>
      %sub3A_1476 = arith.subf %get3A_1466, %get3A_1454 : vector<16xf32>
      %mul3A_1477 = arith.mulf %sub3A_1476, %sub3A_1476 : vector<16xf32>
      %mul3A_1478 = arith.mulf %mul3A_1477, %get3A_1472 : vector<16xf32>
      %ge3A_1479 = arith.constant 1.000000e-01 : f32
      %ge3A_1480 = vector.broadcast %ge3A_1479 : f32 to vector<16xf32>
      %ge3A_1481 = arith.cmpf oge, %get3A_1448, %ge3A_1480 : vector<16xf32>
      %ge3A_1482 = arith.constant 1.000000e-01 : f32
      %ge3A_1483 = vector.broadcast %ge3A_1482 : f32 to vector<16xf32>
      %ge3A_1484 = arith.cmpf oge, %get3A_1454, %ge3A_1483 : vector<16xf32>
      %jit3A_1485 = arith.constant 1.000000e+00 : f32
      %jit3A_1486 = arith.constant 0.000000e+00 : f32
      %broadcast_in_dim3A_1487 = vector.broadcast %jit3A_1485 : f32 to vector<16xf32>
      %broadcast_in_dim3A_1488 = vector.broadcast %jit3A_1486 : f32 to vector<16xf32>
      %select_n3A_1489 = arith.select %ge3A_1481, %broadcast_in_dim3A_1487, %broadcast_in_dim3A_1488 : vector<16xi1>, vector<16xf32>
      %add3A_1490 = arith.addf %add3A_1423, %select_n3A_1489 : vector<16xf32>
      %jit3A_1491 = arith.constant 0.000000e+00 : f32
      %broadcast_in_dim3A_1492 = vector.broadcast %jit3A_1491 : f32 to vector<16xf32>
      %select_n3A_1493 = arith.select %ge3A_1481, %mul3A_1475, %broadcast_in_dim3A_1492 : vector<16xi1>, vector<16xf32>
      %add3A_1494 = arith.addf %add3A_1427, %select_n3A_1493 : vector<16xf32>
      %add3A_1495 = arith.addf %add3A_1428, %mul3A_1475 : vector<16xf32>
      %jit3A_1496 = arith.constant 1.000000e+00 : f32
      %jit3A_1497 = arith.constant 0.000000e+00 : f32
      %broadcast_in_dim3A_1498 = vector.broadcast %jit3A_1496 : f32 to vector<16xf32>
      %broadcast_in_dim3A_1499 = vector.broadcast %jit3A_1497 : f32 to vector<16xf32>
      %select_n3A_1500 = arith.select %ge3A_1484, %broadcast_in_dim3A_1498, %broadcast_in_dim3A_1499 : vector<16xi1>, vector<16xf32>
      %add3A_1501 = arith.addf %add3A_1434, %select_n3A_1500 : vector<16xf32>
      %jit3A_1502 = arith.constant 0.000000e+00 : f32
      %broadcast_in_dim3A_1503 = vector.broadcast %jit3A_1502 : f32 to vector<16xf32>
      %select_n3A_1504 = arith.select %ge3A_1484, %mul3A_1478, %broadcast_in_dim3A_1503 : vector<16xi1>, vector<16xf32>
      %add3A_1505 = arith.addf %add3A_1438, %select_n3A_1504 : vector<16xf32>
      %add3A_1506 = arith.addf %add3A_1439, %mul3A_1478 : vector<16xf32>
      %add3A_1507 = arith.constant 48 : i32
      %add3A_1508 = arith.addi %shift_left3A_1311, %add3A_1507 : i32
      %multiple_of3A_1509 = tpu.assume_multiple %add3A_1508, 16 : i32
      %get3A_1510 = arith.constant 1 : i32
      %get3A_1511 = arith.index_cast %get3A_1510 : i32 to index
      %get3A_1512 = arith.index_cast %shift_right_logical3A_1309 : i32 to index
      %get3A_1513 = arith.index_cast %multiple_of3A_1509 : i32 to index
      %get3A_1514 = tpu.vector_load %arg8[%get3A_1511, %get3A_1512, %get3A_1513] {strides = array<i32>} : memref<3x16x512xf32, #tpu.memory_space<vmem>>, vector<1x1x16xf32>,
      %get3A_1515 = vector.shape_cast %get3A_1514 : vector<1x1x16xf32> to vector<16xf32>
      %get3A_1516 = arith.constant 1 : i32
      %get3A_1517 = arith.index_cast %get3A_1516 : i32 to index
      %get3A_1518 = arith.index_cast %shift_right_logical3A_1309 : i32 to index
      %get3A_1519 = arith.index_cast %multiple_of3A_1509 : i32 to index
      %get3A_1520 = tpu.vector_load %arg9[%get3A_1517, %get3A_1518, %get3A_1519] {strides = array<i32>} : memref<3x16x512xf32, #tpu.memory_space<vmem>>, vector<1x1x16xf32>,
      %get3A_1521 = vector.shape_cast %get3A_1520 : vector<1x1x16xf32> to vector<16xf32>
      %get3A_1522 = arith.constant 1 : i32
      %get3A_1523 = arith.index_cast %get3A_1522 : i32 to index
      %get3A_1524 = arith.index_cast %shift_right_logical3A_1309 : i32 to index
      %get3A_1525 = arith.index_cast %multiple_of3A_1509 : i32 to index
      %get3A_1526 = tpu.vector_load %arg10[%get3A_1523, %get3A_1524, %get3A_1525] {strides = array<i32>} : memref<3x16x512xf32, #tpu.memory_space<vmem>>, vector<1x1x16xf32>,
      %get3A_1527 = vector.shape_cast %get3A_1526 : vector<1x1x16xf32> to vector<16xf32>
      %get3A_1528 = arith.constant 1 : i32
      %get3A_1529 = arith.index_cast %get3A_1528 : i32 to index
      %get3A_1530 = arith.index_cast %shift_right_logical3A_1309 : i32 to index
      %get3A_1531 = arith.index_cast %multiple_of3A_1509 : i32 to index
      %get3A_1532 = tpu.vector_load %arg11[%get3A_1529, %get3A_1530, %get3A_1531] {strides = array<i32>} : memref<3x16x512xf32, #tpu.memory_space<vmem>>, vector<1x1x16xf32>,
      %get3A_1533 = vector.shape_cast %get3A_1532 : vector<1x1x16xf32> to vector<16xf32>
      %get3A_1534 = arith.constant 1 : i32
      %get3A_1535 = arith.index_cast %get3A_1534 : i32 to index
      %get3A_1536 = arith.index_cast %shift_right_logical3A_1309 : i32 to index
      %get3A_1537 = arith.index_cast %multiple_of3A_1509 : i32 to index
      %get3A_1538 = tpu.vector_load %arg12[%get3A_1535, %get3A_1536, %get3A_1537] {strides = array<i32>} : memref<3x16x512xf32, #tpu.memory_space<vmem>>, vector<1x1x16xf32>,
      %get3A_1539 = vector.shape_cast %get3A_1538 : vector<1x1x16xf32> to vector<16xf32>
      %sub3A_1540 = arith.subf %get3A_1527, %get3A_1515 : vector<16xf32>
      %mul3A_1541 = arith.mulf %sub3A_1540, %sub3A_1540 : vector<16xf32>
      %mul3A_1542 = arith.mulf %mul3A_1541, %get3A_1539 : vector<16xf32>
      %sub3A_1543 = arith.subf %get3A_1533, %get3A_1521 : vector<16xf32>
      %mul3A_1544 = arith.mulf %sub3A_1543, %sub3A_1543 : vector<16xf32>
      %mul3A_1545 = arith.mulf %mul3A_1544, %get3A_1539 : vector<16xf32>
      %ge3A_1546 = arith.constant 1.000000e-01 : f32
      %ge3A_1547 = vector.broadcast %ge3A_1546 : f32 to vector<16xf32>
      %ge3A_1548 = arith.cmpf oge, %get3A_1515, %ge3A_1547 : vector<16xf32>
      %ge3A_1549 = arith.constant 1.000000e-01 : f32
      %ge3A_1550 = vector.broadcast %ge3A_1549 : f32 to vector<16xf32>
      %ge3A_1551 = arith.cmpf oge, %get3A_1521, %ge3A_1550 : vector<16xf32>
      %jit3A_1552 = arith.constant 1.000000e+00 : f32
      %jit3A_1553 = arith.constant 0.000000e+00 : f32
      %broadcast_in_dim3A_1554 = vector.broadcast %jit3A_1552 : f32 to vector<16xf32>
      %broadcast_in_dim3A_1555 = vector.broadcast %jit3A_1553 : f32 to vector<16xf32>
      %select_n3A_1556 = arith.select %ge3A_1548, %broadcast_in_dim3A_1554, %broadcast_in_dim3A_1555 : vector<16xi1>, vector<16xf32>
      %add3A_1557 = arith.addf %add3A_1490, %select_n3A_1556 : vector<16xf32>
      %jit3A_1558 = arith.constant 0.000000e+00 : f32
      %broadcast_in_dim3A_1559 = vector.broadcast %jit3A_1558 : f32 to vector<16xf32>
      %select_n3A_1560 = arith.select %ge3A_1548, %mul3A_1542, %broadcast_in_dim3A_1559 : vector<16xi1>, vector<16xf32>
      %add3A_1561 = arith.addf %add3A_1494, %select_n3A_1560 : vector<16xf32>
      %add3A_1562 = arith.addf %add3A_1495, %mul3A_1542 : vector<16xf32>
      %jit3A_1563 = arith.constant 1.000000e+00 : f32
      %jit3A_1564 = arith.constant 0.000000e+00 : f32
      %broadcast_in_dim3A_1565 = vector.broadcast %jit3A_1563 : f32 to vector<16xf32>
      %broadcast_in_dim3A_1566 = vector.broadcast %jit3A_1564 : f32 to vector<16xf32>
      %select_n3A_1567 = arith.select %ge3A_1551, %broadcast_in_dim3A_1565, %broadcast_in_dim3A_1566 : vector<16xi1>, vector<16xf32>
      %add3A_1568 = arith.addf %add3A_1501, %select_n3A_1567 : vector<16xf32>
      %jit3A_1569 = arith.constant 0.000000e+00 : f32
      %broadcast_in_dim3A_1570 = vector.broadcast %jit3A_1569 : f32 to vector<16xf32>
      %select_n3A_1571 = arith.select %ge3A_1551, %mul3A_1545, %broadcast_in_dim3A_1570 : vector<16xi1>, vector<16xf32>
      %add3A_1572 = arith.addf %add3A_1505, %select_n3A_1571 : vector<16xf32>
      %add3A_1573 = arith.addf %add3A_1506, %mul3A_1545 : vector<16xf32>
      scf.yield %add3A_1557, %add3A_1561, %add3A_1562, %add3A_1568, %add3A_1572, %add3A_1573 : vector<16xf32>, vector<16xf32>, vector<16xf32>, vector<16xf32>, vector<16xf32>, vector<16xf32>
    }
    %scan3A_472 = arith.constant 128 : i32
    %dma_wait3A_473 = arith.constant 2 : i32
    %dma_wait3A_474 = arith.constant 0 : i32
    %dma_wait3A_475 = arith.constant 0 : i32
    %dma_wait3A_476 = tpu.memref_slice %arg8[%dma_wait3A_473, %dma_wait3A_474, %dma_wait3A_475] : memref<3x16x512xf32, #tpu.memory_space<vmem>> -> memref<1x16x512xf32, #tpu.memory_space<vmem>>
    %dma_wait3A_477 = tpu.memref_squeeze %dma_wait3A_476 : memref<1x16x512xf32, #tpu.memory_space<vmem>> -> memref<16x512xf32, #tpu.memory_space<vmem>>
    %dma_wait3A_478 = arith.constant 0 : i32
    %dma_wait3A_479 = tpu.memref_slice %arg2[%div3A_1, %add3A_234, %dma_wait3A_478] : memref<16x512x512xf32, #tpu.memory_space<hbm>> -> memref<1x16x512xf32, #tpu.memory_space<hbm>>
    %dma_wait3A_480 = tpu.memref_squeeze %dma_wait3A_479 : memref<1x16x512xf32, #tpu.memory_space<hbm>> -> memref<16x512xf32, #tpu.memory_space<hbm>>
    %dma_wait3A_481 = arith.constant 0 : i32
    %dma_wait3A_482 = arith.constant 0 : i32
    %dma_wait3A_483 = tpu.memref_slice %arg8[%dma_wait3A_473, %dma_wait3A_481, %dma_wait3A_482] : memref<3x16x512xf32, #tpu.memory_space<vmem>> -> memref<1x16x512xf32, #tpu.memory_space<vmem>>
    %dma_wait3A_484 = tpu.memref_squeeze %dma_wait3A_483 : memref<1x16x512xf32, #tpu.memory_space<vmem>> -> memref<16x512xf32, #tpu.memory_space<vmem>>
    %dma_wait3A_485 = arith.constant 0 : i32
    %dma_wait3A_486 = tpu.memref_slice %arg2[%div3A_1, %add3A_234, %dma_wait3A_485] : memref<16x512x512xf32, #tpu.memory_space<hbm>> -> memref<1x16x512xf32, #tpu.memory_space<hbm>>
    %dma_wait3A_487 = tpu.memref_squeeze %dma_wait3A_486 : memref<1x16x512xf32, #tpu.memory_space<hbm>> -> memref<16x512xf32, #tpu.memory_space<hbm>>
    tpu.wait_dma2 semaphore(%arg14 : memref<!tpu.dma_semaphore, #tpu.memory_space<semaphore_mem>>) src(%dma_wait3A_487 : memref<16x512xf32, #tpu.memory_space<hbm>>) dst(%dma_wait3A_484 : memref<16x512xf32, #tpu.memory_space<vmem>>)
    %dma_wait3A_488 = arith.constant 2 : i32
    %dma_wait3A_489 = arith.constant 0 : i32
    %dma_wait3A_490 = arith.constant 0 : i32
    %dma_wait3A_491 = tpu.memref_slice %arg9[%dma_wait3A_488, %dma_wait3A_489, %dma_wait3A_490] : memref<3x16x512xf32, #tpu.memory_space<vmem>> -> memref<1x16x512xf32, #tpu.memory_space<vmem>>
    %dma_wait3A_492 = tpu.memref_squeeze %dma_wait3A_491 : memref<1x16x512xf32, #tpu.memory_space<vmem>> -> memref<16x512xf32, #tpu.memory_space<vmem>>
    %dma_wait3A_493 = arith.constant 0 : i32
    %dma_wait3A_494 = tpu.memref_slice %arg3[%div3A_1, %add3A_234, %dma_wait3A_493] : memref<16x512x512xf32, #tpu.memory_space<hbm>> -> memref<1x16x512xf32, #tpu.memory_space<hbm>>
    %dma_wait3A_495 = tpu.memref_squeeze %dma_wait3A_494 : memref<1x16x512xf32, #tpu.memory_space<hbm>> -> memref<16x512xf32, #tpu.memory_space<hbm>>
    %dma_wait3A_496 = arith.constant 0 : i32
    %dma_wait3A_497 = arith.constant 0 : i32
    %dma_wait3A_498 = tpu.memref_slice %arg9[%dma_wait3A_488, %dma_wait3A_496, %dma_wait3A_497] : memref<3x16x512xf32, #tpu.memory_space<vmem>> -> memref<1x16x512xf32, #tpu.memory_space<vmem>>
    %dma_wait3A_499 = tpu.memref_squeeze %dma_wait3A_498 : memref<1x16x512xf32, #tpu.memory_space<vmem>> -> memref<16x512xf32, #tpu.memory_space<vmem>>
    %dma_wait3A_500 = arith.constant 0 : i32
    %dma_wait3A_501 = tpu.memref_slice %arg3[%div3A_1, %add3A_234, %dma_wait3A_500] : memref<16x512x512xf32, #tpu.memory_space<hbm>> -> memref<1x16x512xf32, #tpu.memory_space<hbm>>
    %dma_wait3A_502 = tpu.memref_squeeze %dma_wait3A_501 : memref<1x16x512xf32, #tpu.memory_space<hbm>> -> memref<16x512xf32, #tpu.memory_space<hbm>>
    tpu.wait_dma2 semaphore(%arg14 : memref<!tpu.dma_semaphore, #tpu.memory_space<semaphore_mem>>) src(%dma_wait3A_502 : memref<16x512xf32, #tpu.memory_space<hbm>>) dst(%dma_wait3A_499 : memref<16x512xf32, #tpu.memory_space<vmem>>)
    %dma_wait3A_503 = arith.constant 2 : i32
    %dma_wait3A_504 = arith.constant 0 : i32
    %dma_wait3A_505 = arith.constant 0 : i32
    %dma_wait3A_506 = tpu.memref_slice %arg10[%dma_wait3A_503, %dma_wait3A_504, %dma_wait3A_505] : memref<3x16x512xf32, #tpu.memory_space<vmem>> -> memref<1x16x512xf32, #tpu.memory_space<vmem>>
    %dma_wait3A_507 = tpu.memref_squeeze %dma_wait3A_506 : memref<1x16x512xf32, #tpu.memory_space<vmem>> -> memref<16x512xf32, #tpu.memory_space<vmem>>
    %dma_wait3A_508 = arith.constant 0 : i32
    %dma_wait3A_509 = tpu.memref_slice %arg4[%div3A_1, %add3A_234, %dma_wait3A_508] : memref<16x512x512xf32, #tpu.memory_space<hbm>> -> memref<1x16x512xf32, #tpu.memory_space<hbm>>
    %dma_wait3A_510 = tpu.memref_squeeze %dma_wait3A_509 : memref<1x16x512xf32, #tpu.memory_space<hbm>> -> memref<16x512xf32, #tpu.memory_space<hbm>>
    %dma_wait3A_511 = arith.constant 0 : i32
    %dma_wait3A_512 = arith.constant 0 : i32
    %dma_wait3A_513 = tpu.memref_slice %arg10[%dma_wait3A_503, %dma_wait3A_511, %dma_wait3A_512] : memref<3x16x512xf32, #tpu.memory_space<vmem>> -> memref<1x16x512xf32, #tpu.memory_space<vmem>>
    %dma_wait3A_514 = tpu.memref_squeeze %dma_wait3A_513 : memref<1x16x512xf32, #tpu.memory_space<vmem>> -> memref<16x512xf32, #tpu.memory_space<vmem>>
    %dma_wait3A_515 = arith.constant 0 : i32
    %dma_wait3A_516 = tpu.memref_slice %arg4[%div3A_1, %add3A_234, %dma_wait3A_515] : memref<16x512x512xf32, #tpu.memory_space<hbm>> -> memref<1x16x512xf32, #tpu.memory_space<hbm>>
    %dma_wait3A_517 = tpu.memref_squeeze %dma_wait3A_516 : memref<1x16x512xf32, #tpu.memory_space<hbm>> -> memref<16x512xf32, #tpu.memory_space<hbm>>
    tpu.wait_dma2 semaphore(%arg14 : memref<!tpu.dma_semaphore, #tpu.memory_space<semaphore_mem>>) src(%dma_wait3A_517 : memref<16x512xf32, #tpu.memory_space<hbm>>) dst(%dma_wait3A_514 : memref<16x512xf32, #tpu.memory_space<vmem>>)
    %dma_wait3A_518 = arith.constant 2 : i32
    %dma_wait3A_519 = arith.constant 0 : i32
    %dma_wait3A_520 = arith.constant 0 : i32
    %dma_wait3A_521 = tpu.memref_slice %arg11[%dma_wait3A_518, %dma_wait3A_519, %dma_wait3A_520] : memref<3x16x512xf32, #tpu.memory_space<vmem>> -> memref<1x16x512xf32, #tpu.memory_space<vmem>>
    %dma_wait3A_522 = tpu.memref_squeeze %dma_wait3A_521 : memref<1x16x512xf32, #tpu.memory_space<vmem>> -> memref<16x512xf32, #tpu.memory_space<vmem>>
    %dma_wait3A_523 = arith.constant 0 : i32
    %dma_wait3A_524 = tpu.memref_slice %arg5[%div3A_1, %add3A_234, %dma_wait3A_523] : memref<16x512x512xf32, #tpu.memory_space<hbm>> -> memref<1x16x512xf32, #tpu.memory_space<hbm>>
    %dma_wait3A_525 = tpu.memref_squeeze %dma_wait3A_524 : memref<1x16x512xf32, #tpu.memory_space<hbm>> -> memref<16x512xf32, #tpu.memory_space<hbm>>
    %dma_wait3A_526 = arith.constant 0 : i32
    %dma_wait3A_527 = arith.constant 0 : i32
    %dma_wait3A_528 = tpu.memref_slice %arg11[%dma_wait3A_518, %dma_wait3A_526, %dma_wait3A_527] : memref<3x16x512xf32, #tpu.memory_space<vmem>> -> memref<1x16x512xf32, #tpu.memory_space<vmem>>
    %dma_wait3A_529 = tpu.memref_squeeze %dma_wait3A_528 : memref<1x16x512xf32, #tpu.memory_space<vmem>> -> memref<16x512xf32, #tpu.memory_space<vmem>>
    %dma_wait3A_530 = arith.constant 0 : i32
    %dma_wait3A_531 = tpu.memref_slice %arg5[%div3A_1, %add3A_234, %dma_wait3A_530] : memref<16x512x512xf32, #tpu.memory_space<hbm>> -> memref<1x16x512xf32, #tpu.memory_space<hbm>>
    %dma_wait3A_532 = tpu.memref_squeeze %dma_wait3A_531 : memref<1x16x512xf32, #tpu.memory_space<hbm>> -> memref<16x512xf32, #tpu.memory_space<hbm>>
    tpu.wait_dma2 semaphore(%arg14 : memref<!tpu.dma_semaphore, #tpu.memory_space<semaphore_mem>>) src(%dma_wait3A_532 : memref<16x512xf32, #tpu.memory_space<hbm>>) dst(%dma_wait3A_529 : memref<16x512xf32, #tpu.memory_space<vmem>>)
    %dma_wait3A_533 = arith.constant 2 : i32
    %dma_wait3A_534 = arith.constant 0 : i32
    %dma_wait3A_535 = arith.constant 0 : i32
    %dma_wait3A_536 = tpu.memref_slice %arg12[%dma_wait3A_533, %dma_wait3A_534, %dma_wait3A_535] : memref<3x16x512xf32, #tpu.memory_space<vmem>> -> memref<1x16x512xf32, #tpu.memory_space<vmem>>
    %dma_wait3A_537 = tpu.memref_squeeze %dma_wait3A_536 : memref<1x16x512xf32, #tpu.memory_space<vmem>> -> memref<16x512xf32, #tpu.memory_space<vmem>>
    %dma_wait3A_538 = arith.constant 0 : i32
    %dma_wait3A_539 = tpu.memref_slice %arg6[%div3A_1, %add3A_234, %dma_wait3A_538] : memref<16x512x512xf32, #tpu.memory_space<hbm>> -> memref<1x16x512xf32, #tpu.memory_space<hbm>>
    %dma_wait3A_540 = tpu.memref_squeeze %dma_wait3A_539 : memref<1x16x512xf32, #tpu.memory_space<hbm>> -> memref<16x512xf32, #tpu.memory_space<hbm>>
    %dma_wait3A_541 = arith.constant 0 : i32
    %dma_wait3A_542 = arith.constant 0 : i32
    %dma_wait3A_543 = tpu.memref_slice %arg12[%dma_wait3A_533, %dma_wait3A_541, %dma_wait3A_542] : memref<3x16x512xf32, #tpu.memory_space<vmem>> -> memref<1x16x512xf32, #tpu.memory_space<vmem>>
    %dma_wait3A_544 = tpu.memref_squeeze %dma_wait3A_543 : memref<1x16x512xf32, #tpu.memory_space<vmem>> -> memref<16x512xf32, #tpu.memory_space<vmem>>
    %dma_wait3A_545 = arith.constant 0 : i32
    %dma_wait3A_546 = tpu.memref_slice %arg6[%div3A_1, %add3A_234, %dma_wait3A_545] : memref<16x512x512xf32, #tpu.memory_space<hbm>> -> memref<1x16x512xf32, #tpu.memory_space<hbm>>
    %dma_wait3A_547 = tpu.memref_squeeze %dma_wait3A_546 : memref<1x16x512xf32, #tpu.memory_space<hbm>> -> memref<16x512xf32, #tpu.memory_space<hbm>>
    tpu.wait_dma2 semaphore(%arg14 : memref<!tpu.dma_semaphore, #tpu.memory_space<semaphore_mem>>) src(%dma_wait3A_547 : memref<16x512xf32, #tpu.memory_space<hbm>>) dst(%dma_wait3A_544 : memref<16x512xf32, #tpu.memory_space<vmem>>)
    %add3A_548 = arith.constant 64 : i32
    %add3A_549 = arith.addi %mul3A_4, %add3A_548 : i32
    %dma_start3A_550 = arith.constant 1 : i32
    %dma_start3A_551 = arith.constant 0 : i32
    %dma_start3A_552 = arith.constant 0 : i32
    %dma_start3A_553 = tpu.memref_slice %arg8[%dma_start3A_550, %dma_start3A_551, %dma_start3A_552] : memref<3x16x512xf32, #tpu.memory_space<vmem>> -> memref<1x16x512xf32, #tpu.memory_space<vmem>>
    %dma_start3A_554 = tpu.memref_squeeze %dma_start3A_553 : memref<1x16x512xf32, #tpu.memory_space<vmem>> -> memref<16x512xf32, #tpu.memory_space<vmem>>
    %dma_start3A_555 = arith.constant 0 : i32
    %dma_start3A_556 = tpu.memref_slice %arg2[%div3A_1, %add3A_549, %dma_start3A_555] : memref<16x512x512xf32, #tpu.memory_space<hbm>> -> memref<1x16x512xf32, #tpu.memory_space<hbm>>
    %dma_start3A_557 = tpu.memref_squeeze %dma_start3A_556 : memref<1x16x512xf32, #tpu.memory_space<hbm>> -> memref<16x512xf32, #tpu.memory_space<hbm>>
    %dma_start3A_558 = arith.constant 0 : i32
    %dma_start3A_559 = arith.constant 0 : i32
    %dma_start3A_560 = tpu.memref_slice %arg8[%dma_start3A_550, %dma_start3A_558, %dma_start3A_559] : memref<3x16x512xf32, #tpu.memory_space<vmem>> -> memref<1x16x512xf32, #tpu.memory_space<vmem>>
    %dma_start3A_561 = tpu.memref_squeeze %dma_start3A_560 : memref<1x16x512xf32, #tpu.memory_space<vmem>> -> memref<16x512xf32, #tpu.memory_space<vmem>>
    %dma_start3A_562 = arith.constant 0 : i32
    %dma_start3A_563 = tpu.memref_slice %arg2[%div3A_1, %add3A_549, %dma_start3A_562] : memref<16x512x512xf32, #tpu.memory_space<hbm>> -> memref<1x16x512xf32, #tpu.memory_space<hbm>>
    %dma_start3A_564 = tpu.memref_squeeze %dma_start3A_563 : memref<1x16x512xf32, #tpu.memory_space<hbm>> -> memref<16x512xf32, #tpu.memory_space<hbm>>
    tpu.enqueue_dma source(%dma_start3A_564 : memref<16x512xf32, #tpu.memory_space<hbm>>) target(%dma_start3A_561 : memref<16x512xf32, #tpu.memory_space<vmem>>) target_semaphore(%arg14 : memref<!tpu.dma_semaphore, #tpu.memory_space<semaphore_mem>>)
    %dma_start3A_565 = arith.constant 1 : i32
    %dma_start3A_566 = arith.constant 0 : i32
    %dma_start3A_567 = arith.constant 0 : i32
    %dma_start3A_568 = tpu.memref_slice %arg9[%dma_start3A_565, %dma_start3A_566, %dma_start3A_567] : memref<3x16x512xf32, #tpu.memory_space<vmem>> -> memref<1x16x512xf32, #tpu.memory_space<vmem>>
    %dma_start3A_569 = tpu.memref_squeeze %dma_start3A_568 : memref<1x16x512xf32, #tpu.memory_space<vmem>> -> memref<16x512xf32, #tpu.memory_space<vmem>>
    %dma_start3A_570 = arith.constant 0 : i32
    %dma_start3A_571 = tpu.memref_slice %arg3[%div3A_1, %add3A_549, %dma_start3A_570] : memref<16x512x512xf32, #tpu.memory_space<hbm>> -> memref<1x16x512xf32, #tpu.memory_space<hbm>>
    %dma_start3A_572 = tpu.memref_squeeze %dma_start3A_571 : memref<1x16x512xf32, #tpu.memory_space<hbm>> -> memref<16x512xf32, #tpu.memory_space<hbm>>
    %dma_start3A_573 = arith.constant 0 : i32
    %dma_start3A_574 = arith.constant 0 : i32
    %dma_start3A_575 = tpu.memref_slice %arg9[%dma_start3A_565, %dma_start3A_573, %dma_start3A_574] : memref<3x16x512xf32, #tpu.memory_space<vmem>> -> memref<1x16x512xf32, #tpu.memory_space<vmem>>
    %dma_start3A_576 = tpu.memref_squeeze %dma_start3A_575 : memref<1x16x512xf32, #tpu.memory_space<vmem>> -> memref<16x512xf32, #tpu.memory_space<vmem>>
    %dma_start3A_577 = arith.constant 0 : i32
    %dma_start3A_578 = tpu.memref_slice %arg3[%div3A_1, %add3A_549, %dma_start3A_577] : memref<16x512x512xf32, #tpu.memory_space<hbm>> -> memref<1x16x512xf32, #tpu.memory_space<hbm>>
    %dma_start3A_579 = tpu.memref_squeeze %dma_start3A_578 : memref<1x16x512xf32, #tpu.memory_space<hbm>> -> memref<16x512xf32, #tpu.memory_space<hbm>>
    tpu.enqueue_dma source(%dma_start3A_579 : memref<16x512xf32, #tpu.memory_space<hbm>>) target(%dma_start3A_576 : memref<16x512xf32, #tpu.memory_space<vmem>>) target_semaphore(%arg14 : memref<!tpu.dma_semaphore, #tpu.memory_space<semaphore_mem>>)
    %dma_start3A_580 = arith.constant 1 : i32
    %dma_start3A_581 = arith.constant 0 : i32
    %dma_start3A_582 = arith.constant 0 : i32
    %dma_start3A_583 = tpu.memref_slice %arg10[%dma_start3A_580, %dma_start3A_581, %dma_start3A_582] : memref<3x16x512xf32, #tpu.memory_space<vmem>> -> memref<1x16x512xf32, #tpu.memory_space<vmem>>
    %dma_start3A_584 = tpu.memref_squeeze %dma_start3A_583 : memref<1x16x512xf32, #tpu.memory_space<vmem>> -> memref<16x512xf32, #tpu.memory_space<vmem>>
    %dma_start3A_585 = arith.constant 0 : i32
    %dma_start3A_586 = tpu.memref_slice %arg4[%div3A_1, %add3A_549, %dma_start3A_585] : memref<16x512x512xf32, #tpu.memory_space<hbm>> -> memref<1x16x512xf32, #tpu.memory_space<hbm>>
    %dma_start3A_587 = tpu.memref_squeeze %dma_start3A_586 : memref<1x16x512xf32, #tpu.memory_space<hbm>> -> memref<16x512xf32, #tpu.memory_space<hbm>>
    %dma_start3A_588 = arith.constant 0 : i32
    %dma_start3A_589 = arith.constant 0 : i32
    %dma_start3A_590 = tpu.memref_slice %arg10[%dma_start3A_580, %dma_start3A_588, %dma_start3A_589] : memref<3x16x512xf32, #tpu.memory_space<vmem>> -> memref<1x16x512xf32, #tpu.memory_space<vmem>>
    %dma_start3A_591 = tpu.memref_squeeze %dma_start3A_590 : memref<1x16x512xf32, #tpu.memory_space<vmem>> -> memref<16x512xf32, #tpu.memory_space<vmem>>
    %dma_start3A_592 = arith.constant 0 : i32
    %dma_start3A_593 = tpu.memref_slice %arg4[%div3A_1, %add3A_549, %dma_start3A_592] : memref<16x512x512xf32, #tpu.memory_space<hbm>> -> memref<1x16x512xf32, #tpu.memory_space<hbm>>
    %dma_start3A_594 = tpu.memref_squeeze %dma_start3A_593 : memref<1x16x512xf32, #tpu.memory_space<hbm>> -> memref<16x512xf32, #tpu.memory_space<hbm>>
    tpu.enqueue_dma source(%dma_start3A_594 : memref<16x512xf32, #tpu.memory_space<hbm>>) target(%dma_start3A_591 : memref<16x512xf32, #tpu.memory_space<vmem>>) target_semaphore(%arg14 : memref<!tpu.dma_semaphore, #tpu.memory_space<semaphore_mem>>)
    %dma_start3A_595 = arith.constant 1 : i32
    %dma_start3A_596 = arith.constant 0 : i32
    %dma_start3A_597 = arith.constant 0 : i32
    %dma_start3A_598 = tpu.memref_slice %arg11[%dma_start3A_595, %dma_start3A_596, %dma_start3A_597] : memref<3x16x512xf32, #tpu.memory_space<vmem>> -> memref<1x16x512xf32, #tpu.memory_space<vmem>>
    %dma_start3A_599 = tpu.memref_squeeze %dma_start3A_598 : memref<1x16x512xf32, #tpu.memory_space<vmem>> -> memref<16x512xf32, #tpu.memory_space<vmem>>
    %dma_start3A_600 = arith.constant 0 : i32
    %dma_start3A_601 = tpu.memref_slice %arg5[%div3A_1, %add3A_549, %dma_start3A_600] : memref<16x512x512xf32, #tpu.memory_space<hbm>> -> memref<1x16x512xf32, #tpu.memory_space<hbm>>
    %dma_start3A_602 = tpu.memref_squeeze %dma_start3A_601 : memref<1x16x512xf32, #tpu.memory_space<hbm>> -> memref<16x512xf32, #tpu.memory_space<hbm>>
    %dma_start3A_603 = arith.constant 0 : i32
    %dma_start3A_604 = arith.constant 0 : i32
    %dma_start3A_605 = tpu.memref_slice %arg11[%dma_start3A_595, %dma_start3A_603, %dma_start3A_604] : memref<3x16x512xf32, #tpu.memory_space<vmem>> -> memref<1x16x512xf32, #tpu.memory_space<vmem>>
    %dma_start3A_606 = tpu.memref_squeeze %dma_start3A_605 : memref<1x16x512xf32, #tpu.memory_space<vmem>> -> memref<16x512xf32, #tpu.memory_space<vmem>>
    %dma_start3A_607 = arith.constant 0 : i32
    %dma_start3A_608 = tpu.memref_slice %arg5[%div3A_1, %add3A_549, %dma_start3A_607] : memref<16x512x512xf32, #tpu.memory_space<hbm>> -> memref<1x16x512xf32, #tpu.memory_space<hbm>>
    %dma_start3A_609 = tpu.memref_squeeze %dma_start3A_608 : memref<1x16x512xf32, #tpu.memory_space<hbm>> -> memref<16x512xf32, #tpu.memory_space<hbm>>
    tpu.enqueue_dma source(%dma_start3A_609 : memref<16x512xf32, #tpu.memory_space<hbm>>) target(%dma_start3A_606 : memref<16x512xf32, #tpu.memory_space<vmem>>) target_semaphore(%arg14 : memref<!tpu.dma_semaphore, #tpu.memory_space<semaphore_mem>>)
    %dma_start3A_610 = arith.constant 1 : i32
    %dma_start3A_611 = arith.constant 0 : i32
    %dma_start3A_612 = arith.constant 0 : i32
    %dma_start3A_613 = tpu.memref_slice %arg12[%dma_start3A_610, %dma_start3A_611, %dma_start3A_612] : memref<3x16x512xf32, #tpu.memory_space<vmem>> -> memref<1x16x512xf32, #tpu.memory_space<vmem>>
    %dma_start3A_614 = tpu.memref_squeeze %dma_start3A_613 : memref<1x16x512xf32, #tpu.memory_space<vmem>> -> memref<16x512xf32, #tpu.memory_space<vmem>>
    %dma_start3A_615 = arith.constant 0 : i32
    %dma_start3A_616 = tpu.memref_slice %arg6[%div3A_1, %add3A_549, %dma_start3A_615] : memref<16x512x512xf32, #tpu.memory_space<hbm>> -> memref<1x16x512xf32, #tpu.memory_space<hbm>>
    %dma_start3A_617 = tpu.memref_squeeze %dma_start3A_616 : memref<1x16x512xf32, #tpu.memory_space<hbm>> -> memref<16x512xf32, #tpu.memory_space<hbm>>
    %dma_start3A_618 = arith.constant 0 : i32
    %dma_start3A_619 = arith.constant 0 : i32
    %dma_start3A_620 = tpu.memref_slice %arg12[%dma_start3A_610, %dma_start3A_618, %dma_start3A_619] : memref<3x16x512xf32, #tpu.memory_space<vmem>> -> memref<1x16x512xf32, #tpu.memory_space<vmem>>
    %dma_start3A_621 = tpu.memref_squeeze %dma_start3A_620 : memref<1x16x512xf32, #tpu.memory_space<vmem>> -> memref<16x512xf32, #tpu.memory_space<vmem>>
    %dma_start3A_622 = arith.constant 0 : i32
    %dma_start3A_623 = tpu.memref_slice %arg6[%div3A_1, %add3A_549, %dma_start3A_622] : memref<16x512x512xf32, #tpu.memory_space<hbm>> -> memref<1x16x512xf32, #tpu.memory_space<hbm>>
    %dma_start3A_624 = tpu.memref_squeeze %dma_start3A_623 : memref<1x16x512xf32, #tpu.memory_space<hbm>> -> memref<16x512xf32, #tpu.memory_space<hbm>>
    tpu.enqueue_dma source(%dma_start3A_624 : memref<16x512xf32, #tpu.memory_space<hbm>>) target(%dma_start3A_621 : memref<16x512xf32, #tpu.memory_space<vmem>>) target_semaphore(%arg14 : memref<!tpu.dma_semaphore, #tpu.memory_space<semaphore_mem>>)
    %scan3A_625 = arith.constant 0 : i32
    %scan3A_626 = arith.constant 128 : i32
    %scan3A_627 = arith.addi %scan3A_625, %scan3A_626 : i32
    %scan3A_628 = arith.constant 1 : i32
    %scan3A_629:6 = scf.for %scan3A_1302 = %scan3A_625 to %scan3A_627 step %scan3A_628 iter_args(%scan3A_1303 = %scan3A_471#0, %scan3A_1304 = %scan3A_471#1, %scan3A_1305 = %scan3A_471#2, %scan3A_1306 = %scan3A_471#3, %scan3A_1307 = %scan3A_471#4, %scan3A_1308 = %scan3A_471#5) -> (vector<16xf32>, vector<16xf32>, vector<16xf32>, vector<16xf32>, vector<16xf32>, vector<16xf32>)  : i32 {
      %shift_right_logical3A = arith.constant 3 : i32
      %shift_right_logical3A_1309 = arith.shrui %scan3A_1302, %shift_right_logical3A : i32
      %and3A = arith.constant 7 : i32
      %and3A_1310 = arith.andi %scan3A_1302, %and3A : i32
      %shift_left3A = arith.constant 6 : i32
      %shift_left3A_1311 = arith.shli %and3A_1310, %shift_left3A : i32
      %add3A_1312 = arith.constant 0 : i32
      %add3A_1313 = arith.addi %shift_left3A_1311, %add3A_1312 : i32
      %multiple_of3A = tpu.assume_multiple %add3A_1313, 16 : i32
      %get3A = arith.constant 2 : i32
      %get3A_1314 = arith.index_cast %get3A : i32 to index
      %get3A_1315 = arith.index_cast %shift_right_logical3A_1309 : i32 to index
      %get3A_1316 = arith.index_cast %multiple_of3A : i32 to index
      %get3A_1317 = tpu.vector_load %arg8[%get3A_1314, %get3A_1315, %get3A_1316] {strides = array<i32>} : memref<3x16x512xf32, #tpu.memory_space<vmem>>, vector<1x1x16xf32>,
      %get3A_1318 = vector.shape_cast %get3A_1317 : vector<1x1x16xf32> to vector<16xf32>
      %get3A_1319 = arith.constant 2 : i32
      %get3A_1320 = arith.index_cast %get3A_1319 : i32 to index
      %get3A_1321 = arith.index_cast %shift_right_logical3A_1309 : i32 to index
      %get3A_1322 = arith.index_cast %multiple_of3A : i32 to index
      %get3A_1323 = tpu.vector_load %arg9[%get3A_1320, %get3A_1321, %get3A_1322] {strides = array<i32>} : memref<3x16x512xf32, #tpu.memory_space<vmem>>, vector<1x1x16xf32>,
      %get3A_1324 = vector.shape_cast %get3A_1323 : vector<1x1x16xf32> to vector<16xf32>
      %get3A_1325 = arith.constant 2 : i32
      %get3A_1326 = arith.index_cast %get3A_1325 : i32 to index
      %get3A_1327 = arith.index_cast %shift_right_logical3A_1309 : i32 to index
      %get3A_1328 = arith.index_cast %multiple_of3A : i32 to index
      %get3A_1329 = tpu.vector_load %arg10[%get3A_1326, %get3A_1327, %get3A_1328] {strides = array<i32>} : memref<3x16x512xf32, #tpu.memory_space<vmem>>, vector<1x1x16xf32>,
      %get3A_1330 = vector.shape_cast %get3A_1329 : vector<1x1x16xf32> to vector<16xf32>
      %get3A_1331 = arith.constant 2 : i32
      %get3A_1332 = arith.index_cast %get3A_1331 : i32 to index
      %get3A_1333 = arith.index_cast %shift_right_logical3A_1309 : i32 to index
      %get3A_1334 = arith.index_cast %multiple_of3A : i32 to index
      %get3A_1335 = tpu.vector_load %arg11[%get3A_1332, %get3A_1333, %get3A_1334] {strides = array<i32>} : memref<3x16x512xf32, #tpu.memory_space<vmem>>, vector<1x1x16xf32>,
      %get3A_1336 = vector.shape_cast %get3A_1335 : vector<1x1x16xf32> to vector<16xf32>
      %get3A_1337 = arith.constant 2 : i32
      %get3A_1338 = arith.index_cast %get3A_1337 : i32 to index
      %get3A_1339 = arith.index_cast %shift_right_logical3A_1309 : i32 to index
      %get3A_1340 = arith.index_cast %multiple_of3A : i32 to index
      %get3A_1341 = tpu.vector_load %arg12[%get3A_1338, %get3A_1339, %get3A_1340] {strides = array<i32>} : memref<3x16x512xf32, #tpu.memory_space<vmem>>, vector<1x1x16xf32>,
      %get3A_1342 = vector.shape_cast %get3A_1341 : vector<1x1x16xf32> to vector<16xf32>
      %sub3A = arith.subf %get3A_1330, %get3A_1318 : vector<16xf32>
      %mul3A_1343 = arith.mulf %sub3A, %sub3A : vector<16xf32>
      %mul3A_1344 = arith.mulf %mul3A_1343, %get3A_1342 : vector<16xf32>
      %sub3A_1345 = arith.subf %get3A_1336, %get3A_1324 : vector<16xf32>
      %mul3A_1346 = arith.mulf %sub3A_1345, %sub3A_1345 : vector<16xf32>
      %mul3A_1347 = arith.mulf %mul3A_1346, %get3A_1342 : vector<16xf32>
      %ge3A = arith.constant 1.000000e-01 : f32
      %ge3A_1348 = vector.broadcast %ge3A : f32 to vector<16xf32>
      %ge3A_1349 = arith.cmpf oge, %get3A_1318, %ge3A_1348 : vector<16xf32>
      %ge3A_1350 = arith.constant 1.000000e-01 : f32
      %ge3A_1351 = vector.broadcast %ge3A_1350 : f32 to vector<16xf32>
      %ge3A_1352 = arith.cmpf oge, %get3A_1324, %ge3A_1351 : vector<16xf32>
      %jit3A = arith.constant 1.000000e+00 : f32
      %jit3A_1353 = arith.constant 0.000000e+00 : f32
      %broadcast_in_dim3A_1354 = vector.broadcast %jit3A : f32 to vector<16xf32>
      %broadcast_in_dim3A_1355 = vector.broadcast %jit3A_1353 : f32 to vector<16xf32>
      %select_n3A = arith.select %ge3A_1349, %broadcast_in_dim3A_1354, %broadcast_in_dim3A_1355 : vector<16xi1>, vector<16xf32>
      %add3A_1356 = arith.addf %scan3A_1303, %select_n3A : vector<16xf32>
      %jit3A_1357 = arith.constant 0.000000e+00 : f32
      %broadcast_in_dim3A_1358 = vector.broadcast %jit3A_1357 : f32 to vector<16xf32>
      %select_n3A_1359 = arith.select %ge3A_1349, %mul3A_1344, %broadcast_in_dim3A_1358 : vector<16xi1>, vector<16xf32>
      %add3A_1360 = arith.addf %scan3A_1304, %select_n3A_1359 : vector<16xf32>
      %add3A_1361 = arith.addf %scan3A_1305, %mul3A_1344 : vector<16xf32>
      %jit3A_1362 = arith.constant 1.000000e+00 : f32
      %jit3A_1363 = arith.constant 0.000000e+00 : f32
      %broadcast_in_dim3A_1364 = vector.broadcast %jit3A_1362 : f32 to vector<16xf32>
      %broadcast_in_dim3A_1365 = vector.broadcast %jit3A_1363 : f32 to vector<16xf32>
      %select_n3A_1366 = arith.select %ge3A_1352, %broadcast_in_dim3A_1364, %broadcast_in_dim3A_1365 : vector<16xi1>, vector<16xf32>
      %add3A_1367 = arith.addf %scan3A_1306, %select_n3A_1366 : vector<16xf32>
      %jit3A_1368 = arith.constant 0.000000e+00 : f32
      %broadcast_in_dim3A_1369 = vector.broadcast %jit3A_1368 : f32 to vector<16xf32>
      %select_n3A_1370 = arith.select %ge3A_1352, %mul3A_1347, %broadcast_in_dim3A_1369 : vector<16xi1>, vector<16xf32>
      %add3A_1371 = arith.addf %scan3A_1307, %select_n3A_1370 : vector<16xf32>
      %add3A_1372 = arith.addf %scan3A_1308, %mul3A_1347 : vector<16xf32>
      %add3A_1373 = arith.constant 16 : i32
      %add3A_1374 = arith.addi %shift_left3A_1311, %add3A_1373 : i32
      %multiple_of3A_1375 = tpu.assume_multiple %add3A_1374, 16 : i32
      %get3A_1376 = arith.constant 2 : i32
      %get3A_1377 = arith.index_cast %get3A_1376 : i32 to index
      %get3A_1378 = arith.index_cast %shift_right_logical3A_1309 : i32 to index
      %get3A_1379 = arith.index_cast %multiple_of3A_1375 : i32 to index
      %get3A_1380 = tpu.vector_load %arg8[%get3A_1377, %get3A_1378, %get3A_1379] {strides = array<i32>} : memref<3x16x512xf32, #tpu.memory_space<vmem>>, vector<1x1x16xf32>,
      %get3A_1381 = vector.shape_cast %get3A_1380 : vector<1x1x16xf32> to vector<16xf32>
      %get3A_1382 = arith.constant 2 : i32
      %get3A_1383 = arith.index_cast %get3A_1382 : i32 to index
      %get3A_1384 = arith.index_cast %shift_right_logical3A_1309 : i32 to index
      %get3A_1385 = arith.index_cast %multiple_of3A_1375 : i32 to index
      %get3A_1386 = tpu.vector_load %arg9[%get3A_1383, %get3A_1384, %get3A_1385] {strides = array<i32>} : memref<3x16x512xf32, #tpu.memory_space<vmem>>, vector<1x1x16xf32>,
      %get3A_1387 = vector.shape_cast %get3A_1386 : vector<1x1x16xf32> to vector<16xf32>
      %get3A_1388 = arith.constant 2 : i32
      %get3A_1389 = arith.index_cast %get3A_1388 : i32 to index
      %get3A_1390 = arith.index_cast %shift_right_logical3A_1309 : i32 to index
      %get3A_1391 = arith.index_cast %multiple_of3A_1375 : i32 to index
      %get3A_1392 = tpu.vector_load %arg10[%get3A_1389, %get3A_1390, %get3A_1391] {strides = array<i32>} : memref<3x16x512xf32, #tpu.memory_space<vmem>>, vector<1x1x16xf32>,
      %get3A_1393 = vector.shape_cast %get3A_1392 : vector<1x1x16xf32> to vector<16xf32>
      %get3A_1394 = arith.constant 2 : i32
      %get3A_1395 = arith.index_cast %get3A_1394 : i32 to index
      %get3A_1396 = arith.index_cast %shift_right_logical3A_1309 : i32 to index
      %get3A_1397 = arith.index_cast %multiple_of3A_1375 : i32 to index
      %get3A_1398 = tpu.vector_load %arg11[%get3A_1395, %get3A_1396, %get3A_1397] {strides = array<i32>} : memref<3x16x512xf32, #tpu.memory_space<vmem>>, vector<1x1x16xf32>,
      %get3A_1399 = vector.shape_cast %get3A_1398 : vector<1x1x16xf32> to vector<16xf32>
      %get3A_1400 = arith.constant 2 : i32
      %get3A_1401 = arith.index_cast %get3A_1400 : i32 to index
      %get3A_1402 = arith.index_cast %shift_right_logical3A_1309 : i32 to index
      %get3A_1403 = arith.index_cast %multiple_of3A_1375 : i32 to index
      %get3A_1404 = tpu.vector_load %arg12[%get3A_1401, %get3A_1402, %get3A_1403] {strides = array<i32>} : memref<3x16x512xf32, #tpu.memory_space<vmem>>, vector<1x1x16xf32>,
      %get3A_1405 = vector.shape_cast %get3A_1404 : vector<1x1x16xf32> to vector<16xf32>
      %sub3A_1406 = arith.subf %get3A_1393, %get3A_1381 : vector<16xf32>
      %mul3A_1407 = arith.mulf %sub3A_1406, %sub3A_1406 : vector<16xf32>
      %mul3A_1408 = arith.mulf %mul3A_1407, %get3A_1405 : vector<16xf32>
      %sub3A_1409 = arith.subf %get3A_1399, %get3A_1387 : vector<16xf32>
      %mul3A_1410 = arith.mulf %sub3A_1409, %sub3A_1409 : vector<16xf32>
      %mul3A_1411 = arith.mulf %mul3A_1410, %get3A_1405 : vector<16xf32>
      %ge3A_1412 = arith.constant 1.000000e-01 : f32
      %ge3A_1413 = vector.broadcast %ge3A_1412 : f32 to vector<16xf32>
      %ge3A_1414 = arith.cmpf oge, %get3A_1381, %ge3A_1413 : vector<16xf32>
      %ge3A_1415 = arith.constant 1.000000e-01 : f32
      %ge3A_1416 = vector.broadcast %ge3A_1415 : f32 to vector<16xf32>
      %ge3A_1417 = arith.cmpf oge, %get3A_1387, %ge3A_1416 : vector<16xf32>
      %jit3A_1418 = arith.constant 1.000000e+00 : f32
      %jit3A_1419 = arith.constant 0.000000e+00 : f32
      %broadcast_in_dim3A_1420 = vector.broadcast %jit3A_1418 : f32 to vector<16xf32>
      %broadcast_in_dim3A_1421 = vector.broadcast %jit3A_1419 : f32 to vector<16xf32>
      %select_n3A_1422 = arith.select %ge3A_1414, %broadcast_in_dim3A_1420, %broadcast_in_dim3A_1421 : vector<16xi1>, vector<16xf32>
      %add3A_1423 = arith.addf %add3A_1356, %select_n3A_1422 : vector<16xf32>
      %jit3A_1424 = arith.constant 0.000000e+00 : f32
      %broadcast_in_dim3A_1425 = vector.broadcast %jit3A_1424 : f32 to vector<16xf32>
      %select_n3A_1426 = arith.select %ge3A_1414, %mul3A_1408, %broadcast_in_dim3A_1425 : vector<16xi1>, vector<16xf32>
      %add3A_1427 = arith.addf %add3A_1360, %select_n3A_1426 : vector<16xf32>
      %add3A_1428 = arith.addf %add3A_1361, %mul3A_1408 : vector<16xf32>
      %jit3A_1429 = arith.constant 1.000000e+00 : f32
      %jit3A_1430 = arith.constant 0.000000e+00 : f32
      %broadcast_in_dim3A_1431 = vector.broadcast %jit3A_1429 : f32 to vector<16xf32>
      %broadcast_in_dim3A_1432 = vector.broadcast %jit3A_1430 : f32 to vector<16xf32>
      %select_n3A_1433 = arith.select %ge3A_1417, %broadcast_in_dim3A_1431, %broadcast_in_dim3A_1432 : vector<16xi1>, vector<16xf32>
      %add3A_1434 = arith.addf %add3A_1367, %select_n3A_1433 : vector<16xf32>
      %jit3A_1435 = arith.constant 0.000000e+00 : f32
      %broadcast_in_dim3A_1436 = vector.broadcast %jit3A_1435 : f32 to vector<16xf32>
      %select_n3A_1437 = arith.select %ge3A_1417, %mul3A_1411, %broadcast_in_dim3A_1436 : vector<16xi1>, vector<16xf32>
      %add3A_1438 = arith.addf %add3A_1371, %select_n3A_1437 : vector<16xf32>
      %add3A_1439 = arith.addf %add3A_1372, %mul3A_1411 : vector<16xf32>
      %add3A_1440 = arith.constant 32 : i32
      %add3A_1441 = arith.addi %shift_left3A_1311, %add3A_1440 : i32
      %multiple_of3A_1442 = tpu.assume_multiple %add3A_1441, 16 : i32
      %get3A_1443 = arith.constant 2 : i32
      %get3A_1444 = arith.index_cast %get3A_1443 : i32 to index
      %get3A_1445 = arith.index_cast %shift_right_logical3A_1309 : i32 to index
      %get3A_1446 = arith.index_cast %multiple_of3A_1442 : i32 to index
      %get3A_1447 = tpu.vector_load %arg8[%get3A_1444, %get3A_1445, %get3A_1446] {strides = array<i32>} : memref<3x16x512xf32, #tpu.memory_space<vmem>>, vector<1x1x16xf32>,
      %get3A_1448 = vector.shape_cast %get3A_1447 : vector<1x1x16xf32> to vector<16xf32>
      %get3A_1449 = arith.constant 2 : i32
      %get3A_1450 = arith.index_cast %get3A_1449 : i32 to index
      %get3A_1451 = arith.index_cast %shift_right_logical3A_1309 : i32 to index
      %get3A_1452 = arith.index_cast %multiple_of3A_1442 : i32 to index
      %get3A_1453 = tpu.vector_load %arg9[%get3A_1450, %get3A_1451, %get3A_1452] {strides = array<i32>} : memref<3x16x512xf32, #tpu.memory_space<vmem>>, vector<1x1x16xf32>,
      %get3A_1454 = vector.shape_cast %get3A_1453 : vector<1x1x16xf32> to vector<16xf32>
      %get3A_1455 = arith.constant 2 : i32
      %get3A_1456 = arith.index_cast %get3A_1455 : i32 to index
      %get3A_1457 = arith.index_cast %shift_right_logical3A_1309 : i32 to index
      %get3A_1458 = arith.index_cast %multiple_of3A_1442 : i32 to index
      %get3A_1459 = tpu.vector_load %arg10[%get3A_1456, %get3A_1457, %get3A_1458] {strides = array<i32>} : memref<3x16x512xf32, #tpu.memory_space<vmem>>, vector<1x1x16xf32>,
      %get3A_1460 = vector.shape_cast %get3A_1459 : vector<1x1x16xf32> to vector<16xf32>
      %get3A_1461 = arith.constant 2 : i32
      %get3A_1462 = arith.index_cast %get3A_1461 : i32 to index
      %get3A_1463 = arith.index_cast %shift_right_logical3A_1309 : i32 to index
      %get3A_1464 = arith.index_cast %multiple_of3A_1442 : i32 to index
      %get3A_1465 = tpu.vector_load %arg11[%get3A_1462, %get3A_1463, %get3A_1464] {strides = array<i32>} : memref<3x16x512xf32, #tpu.memory_space<vmem>>, vector<1x1x16xf32>,
      %get3A_1466 = vector.shape_cast %get3A_1465 : vector<1x1x16xf32> to vector<16xf32>
      %get3A_1467 = arith.constant 2 : i32
      %get3A_1468 = arith.index_cast %get3A_1467 : i32 to index
      %get3A_1469 = arith.index_cast %shift_right_logical3A_1309 : i32 to index
      %get3A_1470 = arith.index_cast %multiple_of3A_1442 : i32 to index
      %get3A_1471 = tpu.vector_load %arg12[%get3A_1468, %get3A_1469, %get3A_1470] {strides = array<i32>} : memref<3x16x512xf32, #tpu.memory_space<vmem>>, vector<1x1x16xf32>,
      %get3A_1472 = vector.shape_cast %get3A_1471 : vector<1x1x16xf32> to vector<16xf32>
      %sub3A_1473 = arith.subf %get3A_1460, %get3A_1448 : vector<16xf32>
      %mul3A_1474 = arith.mulf %sub3A_1473, %sub3A_1473 : vector<16xf32>
      %mul3A_1475 = arith.mulf %mul3A_1474, %get3A_1472 : vector<16xf32>
      %sub3A_1476 = arith.subf %get3A_1466, %get3A_1454 : vector<16xf32>
      %mul3A_1477 = arith.mulf %sub3A_1476, %sub3A_1476 : vector<16xf32>
      %mul3A_1478 = arith.mulf %mul3A_1477, %get3A_1472 : vector<16xf32>
      %ge3A_1479 = arith.constant 1.000000e-01 : f32
      %ge3A_1480 = vector.broadcast %ge3A_1479 : f32 to vector<16xf32>
      %ge3A_1481 = arith.cmpf oge, %get3A_1448, %ge3A_1480 : vector<16xf32>
      %ge3A_1482 = arith.constant 1.000000e-01 : f32
      %ge3A_1483 = vector.broadcast %ge3A_1482 : f32 to vector<16xf32>
      %ge3A_1484 = arith.cmpf oge, %get3A_1454, %ge3A_1483 : vector<16xf32>
      %jit3A_1485 = arith.constant 1.000000e+00 : f32
      %jit3A_1486 = arith.constant 0.000000e+00 : f32
      %broadcast_in_dim3A_1487 = vector.broadcast %jit3A_1485 : f32 to vector<16xf32>
      %broadcast_in_dim3A_1488 = vector.broadcast %jit3A_1486 : f32 to vector<16xf32>
      %select_n3A_1489 = arith.select %ge3A_1481, %broadcast_in_dim3A_1487, %broadcast_in_dim3A_1488 : vector<16xi1>, vector<16xf32>
      %add3A_1490 = arith.addf %add3A_1423, %select_n3A_1489 : vector<16xf32>
      %jit3A_1491 = arith.constant 0.000000e+00 : f32
      %broadcast_in_dim3A_1492 = vector.broadcast %jit3A_1491 : f32 to vector<16xf32>
      %select_n3A_1493 = arith.select %ge3A_1481, %mul3A_1475, %broadcast_in_dim3A_1492 : vector<16xi1>, vector<16xf32>
      %add3A_1494 = arith.addf %add3A_1427, %select_n3A_1493 : vector<16xf32>
      %add3A_1495 = arith.addf %add3A_1428, %mul3A_1475 : vector<16xf32>
      %jit3A_1496 = arith.constant 1.000000e+00 : f32
      %jit3A_1497 = arith.constant 0.000000e+00 : f32
      %broadcast_in_dim3A_1498 = vector.broadcast %jit3A_1496 : f32 to vector<16xf32>
      %broadcast_in_dim3A_1499 = vector.broadcast %jit3A_1497 : f32 to vector<16xf32>
      %select_n3A_1500 = arith.select %ge3A_1484, %broadcast_in_dim3A_1498, %broadcast_in_dim3A_1499 : vector<16xi1>, vector<16xf32>
      %add3A_1501 = arith.addf %add3A_1434, %select_n3A_1500 : vector<16xf32>
      %jit3A_1502 = arith.constant 0.000000e+00 : f32
      %broadcast_in_dim3A_1503 = vector.broadcast %jit3A_1502 : f32 to vector<16xf32>
      %select_n3A_1504 = arith.select %ge3A_1484, %mul3A_1478, %broadcast_in_dim3A_1503 : vector<16xi1>, vector<16xf32>
      %add3A_1505 = arith.addf %add3A_1438, %select_n3A_1504 : vector<16xf32>
      %add3A_1506 = arith.addf %add3A_1439, %mul3A_1478 : vector<16xf32>
      %add3A_1507 = arith.constant 48 : i32
      %add3A_1508 = arith.addi %shift_left3A_1311, %add3A_1507 : i32
      %multiple_of3A_1509 = tpu.assume_multiple %add3A_1508, 16 : i32
      %get3A_1510 = arith.constant 2 : i32
      %get3A_1511 = arith.index_cast %get3A_1510 : i32 to index
      %get3A_1512 = arith.index_cast %shift_right_logical3A_1309 : i32 to index
      %get3A_1513 = arith.index_cast %multiple_of3A_1509 : i32 to index
      %get3A_1514 = tpu.vector_load %arg8[%get3A_1511, %get3A_1512, %get3A_1513] {strides = array<i32>} : memref<3x16x512xf32, #tpu.memory_space<vmem>>, vector<1x1x16xf32>,
      %get3A_1515 = vector.shape_cast %get3A_1514 : vector<1x1x16xf32> to vector<16xf32>
      %get3A_1516 = arith.constant 2 : i32
      %get3A_1517 = arith.index_cast %get3A_1516 : i32 to index
      %get3A_1518 = arith.index_cast %shift_right_logical3A_1309 : i32 to index
      %get3A_1519 = arith.index_cast %multiple_of3A_1509 : i32 to index
      %get3A_1520 = tpu.vector_load %arg9[%get3A_1517, %get3A_1518, %get3A_1519] {strides = array<i32>} : memref<3x16x512xf32, #tpu.memory_space<vmem>>, vector<1x1x16xf32>,
      %get3A_1521 = vector.shape_cast %get3A_1520 : vector<1x1x16xf32> to vector<16xf32>
      %get3A_1522 = arith.constant 2 : i32
      %get3A_1523 = arith.index_cast %get3A_1522 : i32 to index
      %get3A_1524 = arith.index_cast %shift_right_logical3A_1309 : i32 to index
      %get3A_1525 = arith.index_cast %multiple_of3A_1509 : i32 to index
      %get3A_1526 = tpu.vector_load %arg10[%get3A_1523, %get3A_1524, %get3A_1525] {strides = array<i32>} : memref<3x16x512xf32, #tpu.memory_space<vmem>>, vector<1x1x16xf32>,
      %get3A_1527 = vector.shape_cast %get3A_1526 : vector<1x1x16xf32> to vector<16xf32>
      %get3A_1528 = arith.constant 2 : i32
      %get3A_1529 = arith.index_cast %get3A_1528 : i32 to index
      %get3A_1530 = arith.index_cast %shift_right_logical3A_1309 : i32 to index
      %get3A_1531 = arith.index_cast %multiple_of3A_1509 : i32 to index
      %get3A_1532 = tpu.vector_load %arg11[%get3A_1529, %get3A_1530, %get3A_1531] {strides = array<i32>} : memref<3x16x512xf32, #tpu.memory_space<vmem>>, vector<1x1x16xf32>,
      %get3A_1533 = vector.shape_cast %get3A_1532 : vector<1x1x16xf32> to vector<16xf32>
      %get3A_1534 = arith.constant 2 : i32
      %get3A_1535 = arith.index_cast %get3A_1534 : i32 to index
      %get3A_1536 = arith.index_cast %shift_right_logical3A_1309 : i32 to index
      %get3A_1537 = arith.index_cast %multiple_of3A_1509 : i32 to index
      %get3A_1538 = tpu.vector_load %arg12[%get3A_1535, %get3A_1536, %get3A_1537] {strides = array<i32>} : memref<3x16x512xf32, #tpu.memory_space<vmem>>, vector<1x1x16xf32>,
      %get3A_1539 = vector.shape_cast %get3A_1538 : vector<1x1x16xf32> to vector<16xf32>
      %sub3A_1540 = arith.subf %get3A_1527, %get3A_1515 : vector<16xf32>
      %mul3A_1541 = arith.mulf %sub3A_1540, %sub3A_1540 : vector<16xf32>
      %mul3A_1542 = arith.mulf %mul3A_1541, %get3A_1539 : vector<16xf32>
      %sub3A_1543 = arith.subf %get3A_1533, %get3A_1521 : vector<16xf32>
      %mul3A_1544 = arith.mulf %sub3A_1543, %sub3A_1543 : vector<16xf32>
      %mul3A_1545 = arith.mulf %mul3A_1544, %get3A_1539 : vector<16xf32>
      %ge3A_1546 = arith.constant 1.000000e-01 : f32
      %ge3A_1547 = vector.broadcast %ge3A_1546 : f32 to vector<16xf32>
      %ge3A_1548 = arith.cmpf oge, %get3A_1515, %ge3A_1547 : vector<16xf32>
      %ge3A_1549 = arith.constant 1.000000e-01 : f32
      %ge3A_1550 = vector.broadcast %ge3A_1549 : f32 to vector<16xf32>
      %ge3A_1551 = arith.cmpf oge, %get3A_1521, %ge3A_1550 : vector<16xf32>
      %jit3A_1552 = arith.constant 1.000000e+00 : f32
      %jit3A_1553 = arith.constant 0.000000e+00 : f32
      %broadcast_in_dim3A_1554 = vector.broadcast %jit3A_1552 : f32 to vector<16xf32>
      %broadcast_in_dim3A_1555 = vector.broadcast %jit3A_1553 : f32 to vector<16xf32>
      %select_n3A_1556 = arith.select %ge3A_1548, %broadcast_in_dim3A_1554, %broadcast_in_dim3A_1555 : vector<16xi1>, vector<16xf32>
      %add3A_1557 = arith.addf %add3A_1490, %select_n3A_1556 : vector<16xf32>
      %jit3A_1558 = arith.constant 0.000000e+00 : f32
      %broadcast_in_dim3A_1559 = vector.broadcast %jit3A_1558 : f32 to vector<16xf32>
      %select_n3A_1560 = arith.select %ge3A_1548, %mul3A_1542, %broadcast_in_dim3A_1559 : vector<16xi1>, vector<16xf32>
      %add3A_1561 = arith.addf %add3A_1494, %select_n3A_1560 : vector<16xf32>
      %add3A_1562 = arith.addf %add3A_1495, %mul3A_1542 : vector<16xf32>
      %jit3A_1563 = arith.constant 1.000000e+00 : f32
      %jit3A_1564 = arith.constant 0.000000e+00 : f32
      %broadcast_in_dim3A_1565 = vector.broadcast %jit3A_1563 : f32 to vector<16xf32>
      %broadcast_in_dim3A_1566 = vector.broadcast %jit3A_1564 : f32 to vector<16xf32>
      %select_n3A_1567 = arith.select %ge3A_1551, %broadcast_in_dim3A_1565, %broadcast_in_dim3A_1566 : vector<16xi1>, vector<16xf32>
      %add3A_1568 = arith.addf %add3A_1501, %select_n3A_1567 : vector<16xf32>
      %jit3A_1569 = arith.constant 0.000000e+00 : f32
      %broadcast_in_dim3A_1570 = vector.broadcast %jit3A_1569 : f32 to vector<16xf32>
      %select_n3A_1571 = arith.select %ge3A_1551, %mul3A_1545, %broadcast_in_dim3A_1570 : vector<16xi1>, vector<16xf32>
      %add3A_1572 = arith.addf %add3A_1505, %select_n3A_1571 : vector<16xf32>
      %add3A_1573 = arith.addf %add3A_1506, %mul3A_1545 : vector<16xf32>
      scf.yield %add3A_1557, %add3A_1561, %add3A_1562, %add3A_1568, %add3A_1572, %add3A_1573 : vector<16xf32>, vector<16xf32>, vector<16xf32>, vector<16xf32>, vector<16xf32>, vector<16xf32>
    }
    %scan3A_630 = arith.constant 128 : i32
    %dma_wait3A_631 = arith.constant 0 : i32
    %dma_wait3A_632 = arith.constant 0 : i32
    %dma_wait3A_633 = arith.constant 0 : i32
    %dma_wait3A_634 = tpu.memref_slice %arg8[%dma_wait3A_631, %dma_wait3A_632, %dma_wait3A_633] : memref<3x16x512xf32, #tpu.memory_space<vmem>> -> memref<1x16x512xf32, #tpu.memory_space<vmem>>
    %dma_wait3A_635 = tpu.memref_squeeze %dma_wait3A_634 : memref<1x16x512xf32, #tpu.memory_space<vmem>> -> memref<16x512xf32, #tpu.memory_space<vmem>>
    %dma_wait3A_636 = arith.constant 0 : i32
    %dma_wait3A_637 = tpu.memref_slice %arg2[%div3A_1, %add3A_391, %dma_wait3A_636] : memref<16x512x512xf32, #tpu.memory_space<hbm>> -> memref<1x16x512xf32, #tpu.memory_space<hbm>>
    %dma_wait3A_638 = tpu.memref_squeeze %dma_wait3A_637 : memref<1x16x512xf32, #tpu.memory_space<hbm>> -> memref<16x512xf32, #tpu.memory_space<hbm>>
    %dma_wait3A_639 = arith.constant 0 : i32
    %dma_wait3A_640 = arith.constant 0 : i32
    %dma_wait3A_641 = tpu.memref_slice %arg8[%dma_wait3A_631, %dma_wait3A_639, %dma_wait3A_640] : memref<3x16x512xf32, #tpu.memory_space<vmem>> -> memref<1x16x512xf32, #tpu.memory_space<vmem>>
    %dma_wait3A_642 = tpu.memref_squeeze %dma_wait3A_641 : memref<1x16x512xf32, #tpu.memory_space<vmem>> -> memref<16x512xf32, #tpu.memory_space<vmem>>
    %dma_wait3A_643 = arith.constant 0 : i32
    %dma_wait3A_644 = tpu.memref_slice %arg2[%div3A_1, %add3A_391, %dma_wait3A_643] : memref<16x512x512xf32, #tpu.memory_space<hbm>> -> memref<1x16x512xf32, #tpu.memory_space<hbm>>
    %dma_wait3A_645 = tpu.memref_squeeze %dma_wait3A_644 : memref<1x16x512xf32, #tpu.memory_space<hbm>> -> memref<16x512xf32, #tpu.memory_space<hbm>>
    tpu.wait_dma2 semaphore(%arg14 : memref<!tpu.dma_semaphore, #tpu.memory_space<semaphore_mem>>) src(%dma_wait3A_645 : memref<16x512xf32, #tpu.memory_space<hbm>>) dst(%dma_wait3A_642 : memref<16x512xf32, #tpu.memory_space<vmem>>)
    %dma_wait3A_646 = arith.constant 0 : i32
    %dma_wait3A_647 = arith.constant 0 : i32
    %dma_wait3A_648 = arith.constant 0 : i32
    %dma_wait3A_649 = tpu.memref_slice %arg9[%dma_wait3A_646, %dma_wait3A_647, %dma_wait3A_648] : memref<3x16x512xf32, #tpu.memory_space<vmem>> -> memref<1x16x512xf32, #tpu.memory_space<vmem>>
    %dma_wait3A_650 = tpu.memref_squeeze %dma_wait3A_649 : memref<1x16x512xf32, #tpu.memory_space<vmem>> -> memref<16x512xf32, #tpu.memory_space<vmem>>
    %dma_wait3A_651 = arith.constant 0 : i32
    %dma_wait3A_652 = tpu.memref_slice %arg3[%div3A_1, %add3A_391, %dma_wait3A_651] : memref<16x512x512xf32, #tpu.memory_space<hbm>> -> memref<1x16x512xf32, #tpu.memory_space<hbm>>
    %dma_wait3A_653 = tpu.memref_squeeze %dma_wait3A_652 : memref<1x16x512xf32, #tpu.memory_space<hbm>> -> memref<16x512xf32, #tpu.memory_space<hbm>>
    %dma_wait3A_654 = arith.constant 0 : i32
    %dma_wait3A_655 = arith.constant 0 : i32
    %dma_wait3A_656 = tpu.memref_slice %arg9[%dma_wait3A_646, %dma_wait3A_654, %dma_wait3A_655] : memref<3x16x512xf32, #tpu.memory_space<vmem>> -> memref<1x16x512xf32, #tpu.memory_space<vmem>>
    %dma_wait3A_657 = tpu.memref_squeeze %dma_wait3A_656 : memref<1x16x512xf32, #tpu.memory_space<vmem>> -> memref<16x512xf32, #tpu.memory_space<vmem>>
    %dma_wait3A_658 = arith.constant 0 : i32
    %dma_wait3A_659 = tpu.memref_slice %arg3[%div3A_1, %add3A_391, %dma_wait3A_658] : memref<16x512x512xf32, #tpu.memory_space<hbm>> -> memref<1x16x512xf32, #tpu.memory_space<hbm>>
    %dma_wait3A_660 = tpu.memref_squeeze %dma_wait3A_659 : memref<1x16x512xf32, #tpu.memory_space<hbm>> -> memref<16x512xf32, #tpu.memory_space<hbm>>
    tpu.wait_dma2 semaphore(%arg14 : memref<!tpu.dma_semaphore, #tpu.memory_space<semaphore_mem>>) src(%dma_wait3A_660 : memref<16x512xf32, #tpu.memory_space<hbm>>) dst(%dma_wait3A_657 : memref<16x512xf32, #tpu.memory_space<vmem>>)
    %dma_wait3A_661 = arith.constant 0 : i32
    %dma_wait3A_662 = arith.constant 0 : i32
    %dma_wait3A_663 = arith.constant 0 : i32
    %dma_wait3A_664 = tpu.memref_slice %arg10[%dma_wait3A_661, %dma_wait3A_662, %dma_wait3A_663] : memref<3x16x512xf32, #tpu.memory_space<vmem>> -> memref<1x16x512xf32, #tpu.memory_space<vmem>>
    %dma_wait3A_665 = tpu.memref_squeeze %dma_wait3A_664 : memref<1x16x512xf32, #tpu.memory_space<vmem>> -> memref<16x512xf32, #tpu.memory_space<vmem>>
    %dma_wait3A_666 = arith.constant 0 : i32
    %dma_wait3A_667 = tpu.memref_slice %arg4[%div3A_1, %add3A_391, %dma_wait3A_666] : memref<16x512x512xf32, #tpu.memory_space<hbm>> -> memref<1x16x512xf32, #tpu.memory_space<hbm>>
    %dma_wait3A_668 = tpu.memref_squeeze %dma_wait3A_667 : memref<1x16x512xf32, #tpu.memory_space<hbm>> -> memref<16x512xf32, #tpu.memory_space<hbm>>
    %dma_wait3A_669 = arith.constant 0 : i32
    %dma_wait3A_670 = arith.constant 0 : i32
    %dma_wait3A_671 = tpu.memref_slice %arg10[%dma_wait3A_661, %dma_wait3A_669, %dma_wait3A_670] : memref<3x16x512xf32, #tpu.memory_space<vmem>> -> memref<1x16x512xf32, #tpu.memory_space<vmem>>
    %dma_wait3A_672 = tpu.memref_squeeze %dma_wait3A_671 : memref<1x16x512xf32, #tpu.memory_space<vmem>> -> memref<16x512xf32, #tpu.memory_space<vmem>>
    %dma_wait3A_673 = arith.constant 0 : i32
    %dma_wait3A_674 = tpu.memref_slice %arg4[%div3A_1, %add3A_391, %dma_wait3A_673] : memref<16x512x512xf32, #tpu.memory_space<hbm>> -> memref<1x16x512xf32, #tpu.memory_space<hbm>>
    %dma_wait3A_675 = tpu.memref_squeeze %dma_wait3A_674 : memref<1x16x512xf32, #tpu.memory_space<hbm>> -> memref<16x512xf32, #tpu.memory_space<hbm>>
    tpu.wait_dma2 semaphore(%arg14 : memref<!tpu.dma_semaphore, #tpu.memory_space<semaphore_mem>>) src(%dma_wait3A_675 : memref<16x512xf32, #tpu.memory_space<hbm>>) dst(%dma_wait3A_672 : memref<16x512xf32, #tpu.memory_space<vmem>>)
    %dma_wait3A_676 = arith.constant 0 : i32
    %dma_wait3A_677 = arith.constant 0 : i32
    %dma_wait3A_678 = arith.constant 0 : i32
    %dma_wait3A_679 = tpu.memref_slice %arg11[%dma_wait3A_676, %dma_wait3A_677, %dma_wait3A_678] : memref<3x16x512xf32, #tpu.memory_space<vmem>> -> memref<1x16x512xf32, #tpu.memory_space<vmem>>
    %dma_wait3A_680 = tpu.memref_squeeze %dma_wait3A_679 : memref<1x16x512xf32, #tpu.memory_space<vmem>> -> memref<16x512xf32, #tpu.memory_space<vmem>>
    %dma_wait3A_681 = arith.constant 0 : i32
    %dma_wait3A_682 = tpu.memref_slice %arg5[%div3A_1, %add3A_391, %dma_wait3A_681] : memref<16x512x512xf32, #tpu.memory_space<hbm>> -> memref<1x16x512xf32, #tpu.memory_space<hbm>>
    %dma_wait3A_683 = tpu.memref_squeeze %dma_wait3A_682 : memref<1x16x512xf32, #tpu.memory_space<hbm>> -> memref<16x512xf32, #tpu.memory_space<hbm>>
    %dma_wait3A_684 = arith.constant 0 : i32
    %dma_wait3A_685 = arith.constant 0 : i32
    %dma_wait3A_686 = tpu.memref_slice %arg11[%dma_wait3A_676, %dma_wait3A_684, %dma_wait3A_685] : memref<3x16x512xf32, #tpu.memory_space<vmem>> -> memref<1x16x512xf32, #tpu.memory_space<vmem>>
    %dma_wait3A_687 = tpu.memref_squeeze %dma_wait3A_686 : memref<1x16x512xf32, #tpu.memory_space<vmem>> -> memref<16x512xf32, #tpu.memory_space<vmem>>
    %dma_wait3A_688 = arith.constant 0 : i32
    %dma_wait3A_689 = tpu.memref_slice %arg5[%div3A_1, %add3A_391, %dma_wait3A_688] : memref<16x512x512xf32, #tpu.memory_space<hbm>> -> memref<1x16x512xf32, #tpu.memory_space<hbm>>
    %dma_wait3A_690 = tpu.memref_squeeze %dma_wait3A_689 : memref<1x16x512xf32, #tpu.memory_space<hbm>> -> memref<16x512xf32, #tpu.memory_space<hbm>>
    tpu.wait_dma2 semaphore(%arg14 : memref<!tpu.dma_semaphore, #tpu.memory_space<semaphore_mem>>) src(%dma_wait3A_690 : memref<16x512xf32, #tpu.memory_space<hbm>>) dst(%dma_wait3A_687 : memref<16x512xf32, #tpu.memory_space<vmem>>)
    %dma_wait3A_691 = arith.constant 0 : i32
    %dma_wait3A_692 = arith.constant 0 : i32
    %dma_wait3A_693 = arith.constant 0 : i32
    %dma_wait3A_694 = tpu.memref_slice %arg12[%dma_wait3A_691, %dma_wait3A_692, %dma_wait3A_693] : memref<3x16x512xf32, #tpu.memory_space<vmem>> -> memref<1x16x512xf32, #tpu.memory_space<vmem>>
    %dma_wait3A_695 = tpu.memref_squeeze %dma_wait3A_694 : memref<1x16x512xf32, #tpu.memory_space<vmem>> -> memref<16x512xf32, #tpu.memory_space<vmem>>
    %dma_wait3A_696 = arith.constant 0 : i32
    %dma_wait3A_697 = tpu.memref_slice %arg6[%div3A_1, %add3A_391, %dma_wait3A_696] : memref<16x512x512xf32, #tpu.memory_space<hbm>> -> memref<1x16x512xf32, #tpu.memory_space<hbm>>
    %dma_wait3A_698 = tpu.memref_squeeze %dma_wait3A_697 : memref<1x16x512xf32, #tpu.memory_space<hbm>> -> memref<16x512xf32, #tpu.memory_space<hbm>>
    %dma_wait3A_699 = arith.constant 0 : i32
    %dma_wait3A_700 = arith.constant 0 : i32
    %dma_wait3A_701 = tpu.memref_slice %arg12[%dma_wait3A_691, %dma_wait3A_699, %dma_wait3A_700] : memref<3x16x512xf32, #tpu.memory_space<vmem>> -> memref<1x16x512xf32, #tpu.memory_space<vmem>>
    %dma_wait3A_702 = tpu.memref_squeeze %dma_wait3A_701 : memref<1x16x512xf32, #tpu.memory_space<vmem>> -> memref<16x512xf32, #tpu.memory_space<vmem>>
    %dma_wait3A_703 = arith.constant 0 : i32
    %dma_wait3A_704 = tpu.memref_slice %arg6[%div3A_1, %add3A_391, %dma_wait3A_703] : memref<16x512x512xf32, #tpu.memory_space<hbm>> -> memref<1x16x512xf32, #tpu.memory_space<hbm>>
    %dma_wait3A_705 = tpu.memref_squeeze %dma_wait3A_704 : memref<1x16x512xf32, #tpu.memory_space<hbm>> -> memref<16x512xf32, #tpu.memory_space<hbm>>
    tpu.wait_dma2 semaphore(%arg14 : memref<!tpu.dma_semaphore, #tpu.memory_space<semaphore_mem>>) src(%dma_wait3A_705 : memref<16x512xf32, #tpu.memory_space<hbm>>) dst(%dma_wait3A_702 : memref<16x512xf32, #tpu.memory_space<vmem>>)
    %add3A_706 = arith.constant 80 : i32
    %add3A_707 = arith.addi %mul3A_4, %add3A_706 : i32
    %dma_start3A_708 = arith.constant 2 : i32
    %dma_start3A_709 = arith.constant 0 : i32
    %dma_start3A_710 = arith.constant 0 : i32
    %dma_start3A_711 = tpu.memref_slice %arg8[%dma_start3A_708, %dma_start3A_709, %dma_start3A_710] : memref<3x16x512xf32, #tpu.memory_space<vmem>> -> memref<1x16x512xf32, #tpu.memory_space<vmem>>
    %dma_start3A_712 = tpu.memref_squeeze %dma_start3A_711 : memref<1x16x512xf32, #tpu.memory_space<vmem>> -> memref<16x512xf32, #tpu.memory_space<vmem>>
    %dma_start3A_713 = arith.constant 0 : i32
    %dma_start3A_714 = tpu.memref_slice %arg2[%div3A_1, %add3A_707, %dma_start3A_713] : memref<16x512x512xf32, #tpu.memory_space<hbm>> -> memref<1x16x512xf32, #tpu.memory_space<hbm>>
    %dma_start3A_715 = tpu.memref_squeeze %dma_start3A_714 : memref<1x16x512xf32, #tpu.memory_space<hbm>> -> memref<16x512xf32, #tpu.memory_space<hbm>>
    %dma_start3A_716 = arith.constant 0 : i32
    %dma_start3A_717 = arith.constant 0 : i32
    %dma_start3A_718 = tpu.memref_slice %arg8[%dma_start3A_708, %dma_start3A_716, %dma_start3A_717] : memref<3x16x512xf32, #tpu.memory_space<vmem>> -> memref<1x16x512xf32, #tpu.memory_space<vmem>>
    %dma_start3A_719 = tpu.memref_squeeze %dma_start3A_718 : memref<1x16x512xf32, #tpu.memory_space<vmem>> -> memref<16x512xf32, #tpu.memory_space<vmem>>
    %dma_start3A_720 = arith.constant 0 : i32
    %dma_start3A_721 = tpu.memref_slice %arg2[%div3A_1, %add3A_707, %dma_start3A_720] : memref<16x512x512xf32, #tpu.memory_space<hbm>> -> memref<1x16x512xf32, #tpu.memory_space<hbm>>
    %dma_start3A_722 = tpu.memref_squeeze %dma_start3A_721 : memref<1x16x512xf32, #tpu.memory_space<hbm>> -> memref<16x512xf32, #tpu.memory_space<hbm>>
    tpu.enqueue_dma source(%dma_start3A_722 : memref<16x512xf32, #tpu.memory_space<hbm>>) target(%dma_start3A_719 : memref<16x512xf32, #tpu.memory_space<vmem>>) target_semaphore(%arg14 : memref<!tpu.dma_semaphore, #tpu.memory_space<semaphore_mem>>)
    %dma_start3A_723 = arith.constant 2 : i32
    %dma_start3A_724 = arith.constant 0 : i32
    %dma_start3A_725 = arith.constant 0 : i32
    %dma_start3A_726 = tpu.memref_slice %arg9[%dma_start3A_723, %dma_start3A_724, %dma_start3A_725] : memref<3x16x512xf32, #tpu.memory_space<vmem>> -> memref<1x16x512xf32, #tpu.memory_space<vmem>>
    %dma_start3A_727 = tpu.memref_squeeze %dma_start3A_726 : memref<1x16x512xf32, #tpu.memory_space<vmem>> -> memref<16x512xf32, #tpu.memory_space<vmem>>
    %dma_start3A_728 = arith.constant 0 : i32
    %dma_start3A_729 = tpu.memref_slice %arg3[%div3A_1, %add3A_707, %dma_start3A_728] : memref<16x512x512xf32, #tpu.memory_space<hbm>> -> memref<1x16x512xf32, #tpu.memory_space<hbm>>
    %dma_start3A_730 = tpu.memref_squeeze %dma_start3A_729 : memref<1x16x512xf32, #tpu.memory_space<hbm>> -> memref<16x512xf32, #tpu.memory_space<hbm>>
    %dma_start3A_731 = arith.constant 0 : i32
    %dma_start3A_732 = arith.constant 0 : i32
    %dma_start3A_733 = tpu.memref_slice %arg9[%dma_start3A_723, %dma_start3A_731, %dma_start3A_732] : memref<3x16x512xf32, #tpu.memory_space<vmem>> -> memref<1x16x512xf32, #tpu.memory_space<vmem>>
    %dma_start3A_734 = tpu.memref_squeeze %dma_start3A_733 : memref<1x16x512xf32, #tpu.memory_space<vmem>> -> memref<16x512xf32, #tpu.memory_space<vmem>>
    %dma_start3A_735 = arith.constant 0 : i32
    %dma_start3A_736 = tpu.memref_slice %arg3[%div3A_1, %add3A_707, %dma_start3A_735] : memref<16x512x512xf32, #tpu.memory_space<hbm>> -> memref<1x16x512xf32, #tpu.memory_space<hbm>>
    %dma_start3A_737 = tpu.memref_squeeze %dma_start3A_736 : memref<1x16x512xf32, #tpu.memory_space<hbm>> -> memref<16x512xf32, #tpu.memory_space<hbm>>
    tpu.enqueue_dma source(%dma_start3A_737 : memref<16x512xf32, #tpu.memory_space<hbm>>) target(%dma_start3A_734 : memref<16x512xf32, #tpu.memory_space<vmem>>) target_semaphore(%arg14 : memref<!tpu.dma_semaphore, #tpu.memory_space<semaphore_mem>>)
    %dma_start3A_738 = arith.constant 2 : i32
    %dma_start3A_739 = arith.constant 0 : i32
    %dma_start3A_740 = arith.constant 0 : i32
    %dma_start3A_741 = tpu.memref_slice %arg10[%dma_start3A_738, %dma_start3A_739, %dma_start3A_740] : memref<3x16x512xf32, #tpu.memory_space<vmem>> -> memref<1x16x512xf32, #tpu.memory_space<vmem>>
    %dma_start3A_742 = tpu.memref_squeeze %dma_start3A_741 : memref<1x16x512xf32, #tpu.memory_space<vmem>> -> memref<16x512xf32, #tpu.memory_space<vmem>>
    %dma_start3A_743 = arith.constant 0 : i32
    %dma_start3A_744 = tpu.memref_slice %arg4[%div3A_1, %add3A_707, %dma_start3A_743] : memref<16x512x512xf32, #tpu.memory_space<hbm>> -> memref<1x16x512xf32, #tpu.memory_space<hbm>>
    %dma_start3A_745 = tpu.memref_squeeze %dma_start3A_744 : memref<1x16x512xf32, #tpu.memory_space<hbm>> -> memref<16x512xf32, #tpu.memory_space<hbm>>
    %dma_start3A_746 = arith.constant 0 : i32
    %dma_start3A_747 = arith.constant 0 : i32
    %dma_start3A_748 = tpu.memref_slice %arg10[%dma_start3A_738, %dma_start3A_746, %dma_start3A_747] : memref<3x16x512xf32, #tpu.memory_space<vmem>> -> memref<1x16x512xf32, #tpu.memory_space<vmem>>
    %dma_start3A_749 = tpu.memref_squeeze %dma_start3A_748 : memref<1x16x512xf32, #tpu.memory_space<vmem>> -> memref<16x512xf32, #tpu.memory_space<vmem>>
    %dma_start3A_750 = arith.constant 0 : i32
    %dma_start3A_751 = tpu.memref_slice %arg4[%div3A_1, %add3A_707, %dma_start3A_750] : memref<16x512x512xf32, #tpu.memory_space<hbm>> -> memref<1x16x512xf32, #tpu.memory_space<hbm>>
    %dma_start3A_752 = tpu.memref_squeeze %dma_start3A_751 : memref<1x16x512xf32, #tpu.memory_space<hbm>> -> memref<16x512xf32, #tpu.memory_space<hbm>>
    tpu.enqueue_dma source(%dma_start3A_752 : memref<16x512xf32, #tpu.memory_space<hbm>>) target(%dma_start3A_749 : memref<16x512xf32, #tpu.memory_space<vmem>>) target_semaphore(%arg14 : memref<!tpu.dma_semaphore, #tpu.memory_space<semaphore_mem>>)
    %dma_start3A_753 = arith.constant 2 : i32
    %dma_start3A_754 = arith.constant 0 : i32
    %dma_start3A_755 = arith.constant 0 : i32
    %dma_start3A_756 = tpu.memref_slice %arg11[%dma_start3A_753, %dma_start3A_754, %dma_start3A_755] : memref<3x16x512xf32, #tpu.memory_space<vmem>> -> memref<1x16x512xf32, #tpu.memory_space<vmem>>
    %dma_start3A_757 = tpu.memref_squeeze %dma_start3A_756 : memref<1x16x512xf32, #tpu.memory_space<vmem>> -> memref<16x512xf32, #tpu.memory_space<vmem>>
    %dma_start3A_758 = arith.constant 0 : i32
    %dma_start3A_759 = tpu.memref_slice %arg5[%div3A_1, %add3A_707, %dma_start3A_758] : memref<16x512x512xf32, #tpu.memory_space<hbm>> -> memref<1x16x512xf32, #tpu.memory_space<hbm>>
    %dma_start3A_760 = tpu.memref_squeeze %dma_start3A_759 : memref<1x16x512xf32, #tpu.memory_space<hbm>> -> memref<16x512xf32, #tpu.memory_space<hbm>>
    %dma_start3A_761 = arith.constant 0 : i32
    %dma_start3A_762 = arith.constant 0 : i32
    %dma_start3A_763 = tpu.memref_slice %arg11[%dma_start3A_753, %dma_start3A_761, %dma_start3A_762] : memref<3x16x512xf32, #tpu.memory_space<vmem>> -> memref<1x16x512xf32, #tpu.memory_space<vmem>>
    %dma_start3A_764 = tpu.memref_squeeze %dma_start3A_763 : memref<1x16x512xf32, #tpu.memory_space<vmem>> -> memref<16x512xf32, #tpu.memory_space<vmem>>
    %dma_start3A_765 = arith.constant 0 : i32
    %dma_start3A_766 = tpu.memref_slice %arg5[%div3A_1, %add3A_707, %dma_start3A_765] : memref<16x512x512xf32, #tpu.memory_space<hbm>> -> memref<1x16x512xf32, #tpu.memory_space<hbm>>
    %dma_start3A_767 = tpu.memref_squeeze %dma_start3A_766 : memref<1x16x512xf32, #tpu.memory_space<hbm>> -> memref<16x512xf32, #tpu.memory_space<hbm>>
    tpu.enqueue_dma source(%dma_start3A_767 : memref<16x512xf32, #tpu.memory_space<hbm>>) target(%dma_start3A_764 : memref<16x512xf32, #tpu.memory_space<vmem>>) target_semaphore(%arg14 : memref<!tpu.dma_semaphore, #tpu.memory_space<semaphore_mem>>)
    %dma_start3A_768 = arith.constant 2 : i32
    %dma_start3A_769 = arith.constant 0 : i32
    %dma_start3A_770 = arith.constant 0 : i32
    %dma_start3A_771 = tpu.memref_slice %arg12[%dma_start3A_768, %dma_start3A_769, %dma_start3A_770] : memref<3x16x512xf32, #tpu.memory_space<vmem>> -> memref<1x16x512xf32, #tpu.memory_space<vmem>>
    %dma_start3A_772 = tpu.memref_squeeze %dma_start3A_771 : memref<1x16x512xf32, #tpu.memory_space<vmem>> -> memref<16x512xf32, #tpu.memory_space<vmem>>
    %dma_start3A_773 = arith.constant 0 : i32
    %dma_start3A_774 = tpu.memref_slice %arg6[%div3A_1, %add3A_707, %dma_start3A_773] : memref<16x512x512xf32, #tpu.memory_space<hbm>> -> memref<1x16x512xf32, #tpu.memory_space<hbm>>
    %dma_start3A_775 = tpu.memref_squeeze %dma_start3A_774 : memref<1x16x512xf32, #tpu.memory_space<hbm>> -> memref<16x512xf32, #tpu.memory_space<hbm>>
    %dma_start3A_776 = arith.constant 0 : i32
    %dma_start3A_777 = arith.constant 0 : i32
    %dma_start3A_778 = tpu.memref_slice %arg12[%dma_start3A_768, %dma_start3A_776, %dma_start3A_777] : memref<3x16x512xf32, #tpu.memory_space<vmem>> -> memref<1x16x512xf32, #tpu.memory_space<vmem>>
    %dma_start3A_779 = tpu.memref_squeeze %dma_start3A_778 : memref<1x16x512xf32, #tpu.memory_space<vmem>> -> memref<16x512xf32, #tpu.memory_space<vmem>>
    %dma_start3A_780 = arith.constant 0 : i32
    %dma_start3A_781 = tpu.memref_slice %arg6[%div3A_1, %add3A_707, %dma_start3A_780] : memref<16x512x512xf32, #tpu.memory_space<hbm>> -> memref<1x16x512xf32, #tpu.memory_space<hbm>>
    %dma_start3A_782 = tpu.memref_squeeze %dma_start3A_781 : memref<1x16x512xf32, #tpu.memory_space<hbm>> -> memref<16x512xf32, #tpu.memory_space<hbm>>
    tpu.enqueue_dma source(%dma_start3A_782 : memref<16x512xf32, #tpu.memory_space<hbm>>) target(%dma_start3A_779 : memref<16x512xf32, #tpu.memory_space<vmem>>) target_semaphore(%arg14 : memref<!tpu.dma_semaphore, #tpu.memory_space<semaphore_mem>>)
    %scan3A_783 = arith.constant 0 : i32
    %scan3A_784 = arith.constant 128 : i32
    %scan3A_785 = arith.addi %scan3A_783, %scan3A_784 : i32
    %scan3A_786 = arith.constant 1 : i32
    %scan3A_787:6 = scf.for %scan3A_1302 = %scan3A_783 to %scan3A_785 step %scan3A_786 iter_args(%scan3A_1303 = %scan3A_629#0, %scan3A_1304 = %scan3A_629#1, %scan3A_1305 = %scan3A_629#2, %scan3A_1306 = %scan3A_629#3, %scan3A_1307 = %scan3A_629#4, %scan3A_1308 = %scan3A_629#5) -> (vector<16xf32>, vector<16xf32>, vector<16xf32>, vector<16xf32>, vector<16xf32>, vector<16xf32>)  : i32 {
      %shift_right_logical3A = arith.constant 3 : i32
      %shift_right_logical3A_1309 = arith.shrui %scan3A_1302, %shift_right_logical3A : i32
      %and3A = arith.constant 7 : i32
      %and3A_1310 = arith.andi %scan3A_1302, %and3A : i32
      %shift_left3A = arith.constant 6 : i32
      %shift_left3A_1311 = arith.shli %and3A_1310, %shift_left3A : i32
      %add3A_1312 = arith.constant 0 : i32
      %add3A_1313 = arith.addi %shift_left3A_1311, %add3A_1312 : i32
      %multiple_of3A = tpu.assume_multiple %add3A_1313, 16 : i32
      %get3A = arith.constant 0 : i32
      %get3A_1314 = arith.index_cast %get3A : i32 to index
      %get3A_1315 = arith.index_cast %shift_right_logical3A_1309 : i32 to index
      %get3A_1316 = arith.index_cast %multiple_of3A : i32 to index
      %get3A_1317 = tpu.vector_load %arg8[%get3A_1314, %get3A_1315, %get3A_1316] {strides = array<i32>} : memref<3x16x512xf32, #tpu.memory_space<vmem>>, vector<1x1x16xf32>,
      %get3A_1318 = vector.shape_cast %get3A_1317 : vector<1x1x16xf32> to vector<16xf32>
      %get3A_1319 = arith.constant 0 : i32
      %get3A_1320 = arith.index_cast %get3A_1319 : i32 to index
      %get3A_1321 = arith.index_cast %shift_right_logical3A_1309 : i32 to index
      %get3A_1322 = arith.index_cast %multiple_of3A : i32 to index
      %get3A_1323 = tpu.vector_load %arg9[%get3A_1320, %get3A_1321, %get3A_1322] {strides = array<i32>} : memref<3x16x512xf32, #tpu.memory_space<vmem>>, vector<1x1x16xf32>,
      %get3A_1324 = vector.shape_cast %get3A_1323 : vector<1x1x16xf32> to vector<16xf32>
      %get3A_1325 = arith.constant 0 : i32
      %get3A_1326 = arith.index_cast %get3A_1325 : i32 to index
      %get3A_1327 = arith.index_cast %shift_right_logical3A_1309 : i32 to index
      %get3A_1328 = arith.index_cast %multiple_of3A : i32 to index
      %get3A_1329 = tpu.vector_load %arg10[%get3A_1326, %get3A_1327, %get3A_1328] {strides = array<i32>} : memref<3x16x512xf32, #tpu.memory_space<vmem>>, vector<1x1x16xf32>,
      %get3A_1330 = vector.shape_cast %get3A_1329 : vector<1x1x16xf32> to vector<16xf32>
      %get3A_1331 = arith.constant 0 : i32
      %get3A_1332 = arith.index_cast %get3A_1331 : i32 to index
      %get3A_1333 = arith.index_cast %shift_right_logical3A_1309 : i32 to index
      %get3A_1334 = arith.index_cast %multiple_of3A : i32 to index
      %get3A_1335 = tpu.vector_load %arg11[%get3A_1332, %get3A_1333, %get3A_1334] {strides = array<i32>} : memref<3x16x512xf32, #tpu.memory_space<vmem>>, vector<1x1x16xf32>,
      %get3A_1336 = vector.shape_cast %get3A_1335 : vector<1x1x16xf32> to vector<16xf32>
      %get3A_1337 = arith.constant 0 : i32
      %get3A_1338 = arith.index_cast %get3A_1337 : i32 to index
      %get3A_1339 = arith.index_cast %shift_right_logical3A_1309 : i32 to index
      %get3A_1340 = arith.index_cast %multiple_of3A : i32 to index
      %get3A_1341 = tpu.vector_load %arg12[%get3A_1338, %get3A_1339, %get3A_1340] {strides = array<i32>} : memref<3x16x512xf32, #tpu.memory_space<vmem>>, vector<1x1x16xf32>,
      %get3A_1342 = vector.shape_cast %get3A_1341 : vector<1x1x16xf32> to vector<16xf32>
      %sub3A = arith.subf %get3A_1330, %get3A_1318 : vector<16xf32>
      %mul3A_1343 = arith.mulf %sub3A, %sub3A : vector<16xf32>
      %mul3A_1344 = arith.mulf %mul3A_1343, %get3A_1342 : vector<16xf32>
      %sub3A_1345 = arith.subf %get3A_1336, %get3A_1324 : vector<16xf32>
      %mul3A_1346 = arith.mulf %sub3A_1345, %sub3A_1345 : vector<16xf32>
      %mul3A_1347 = arith.mulf %mul3A_1346, %get3A_1342 : vector<16xf32>
      %ge3A = arith.constant 1.000000e-01 : f32
      %ge3A_1348 = vector.broadcast %ge3A : f32 to vector<16xf32>
      %ge3A_1349 = arith.cmpf oge, %get3A_1318, %ge3A_1348 : vector<16xf32>
      %ge3A_1350 = arith.constant 1.000000e-01 : f32
      %ge3A_1351 = vector.broadcast %ge3A_1350 : f32 to vector<16xf32>
      %ge3A_1352 = arith.cmpf oge, %get3A_1324, %ge3A_1351 : vector<16xf32>
      %jit3A = arith.constant 1.000000e+00 : f32
      %jit3A_1353 = arith.constant 0.000000e+00 : f32
      %broadcast_in_dim3A_1354 = vector.broadcast %jit3A : f32 to vector<16xf32>
      %broadcast_in_dim3A_1355 = vector.broadcast %jit3A_1353 : f32 to vector<16xf32>
      %select_n3A = arith.select %ge3A_1349, %broadcast_in_dim3A_1354, %broadcast_in_dim3A_1355 : vector<16xi1>, vector<16xf32>
      %add3A_1356 = arith.addf %scan3A_1303, %select_n3A : vector<16xf32>
      %jit3A_1357 = arith.constant 0.000000e+00 : f32
      %broadcast_in_dim3A_1358 = vector.broadcast %jit3A_1357 : f32 to vector<16xf32>
      %select_n3A_1359 = arith.select %ge3A_1349, %mul3A_1344, %broadcast_in_dim3A_1358 : vector<16xi1>, vector<16xf32>
      %add3A_1360 = arith.addf %scan3A_1304, %select_n3A_1359 : vector<16xf32>
      %add3A_1361 = arith.addf %scan3A_1305, %mul3A_1344 : vector<16xf32>
      %jit3A_1362 = arith.constant 1.000000e+00 : f32
      %jit3A_1363 = arith.constant 0.000000e+00 : f32
      %broadcast_in_dim3A_1364 = vector.broadcast %jit3A_1362 : f32 to vector<16xf32>
      %broadcast_in_dim3A_1365 = vector.broadcast %jit3A_1363 : f32 to vector<16xf32>
      %select_n3A_1366 = arith.select %ge3A_1352, %broadcast_in_dim3A_1364, %broadcast_in_dim3A_1365 : vector<16xi1>, vector<16xf32>
      %add3A_1367 = arith.addf %scan3A_1306, %select_n3A_1366 : vector<16xf32>
      %jit3A_1368 = arith.constant 0.000000e+00 : f32
      %broadcast_in_dim3A_1369 = vector.broadcast %jit3A_1368 : f32 to vector<16xf32>
      %select_n3A_1370 = arith.select %ge3A_1352, %mul3A_1347, %broadcast_in_dim3A_1369 : vector<16xi1>, vector<16xf32>
      %add3A_1371 = arith.addf %scan3A_1307, %select_n3A_1370 : vector<16xf32>
      %add3A_1372 = arith.addf %scan3A_1308, %mul3A_1347 : vector<16xf32>
      %add3A_1373 = arith.constant 16 : i32
      %add3A_1374 = arith.addi %shift_left3A_1311, %add3A_1373 : i32
      %multiple_of3A_1375 = tpu.assume_multiple %add3A_1374, 16 : i32
      %get3A_1376 = arith.constant 0 : i32
      %get3A_1377 = arith.index_cast %get3A_1376 : i32 to index
      %get3A_1378 = arith.index_cast %shift_right_logical3A_1309 : i32 to index
      %get3A_1379 = arith.index_cast %multiple_of3A_1375 : i32 to index
      %get3A_1380 = tpu.vector_load %arg8[%get3A_1377, %get3A_1378, %get3A_1379] {strides = array<i32>} : memref<3x16x512xf32, #tpu.memory_space<vmem>>, vector<1x1x16xf32>,
      %get3A_1381 = vector.shape_cast %get3A_1380 : vector<1x1x16xf32> to vector<16xf32>
      %get3A_1382 = arith.constant 0 : i32
      %get3A_1383 = arith.index_cast %get3A_1382 : i32 to index
      %get3A_1384 = arith.index_cast %shift_right_logical3A_1309 : i32 to index
      %get3A_1385 = arith.index_cast %multiple_of3A_1375 : i32 to index
      %get3A_1386 = tpu.vector_load %arg9[%get3A_1383, %get3A_1384, %get3A_1385] {strides = array<i32>} : memref<3x16x512xf32, #tpu.memory_space<vmem>>, vector<1x1x16xf32>,
      %get3A_1387 = vector.shape_cast %get3A_1386 : vector<1x1x16xf32> to vector<16xf32>
      %get3A_1388 = arith.constant 0 : i32
      %get3A_1389 = arith.index_cast %get3A_1388 : i32 to index
      %get3A_1390 = arith.index_cast %shift_right_logical3A_1309 : i32 to index
      %get3A_1391 = arith.index_cast %multiple_of3A_1375 : i32 to index
      %get3A_1392 = tpu.vector_load %arg10[%get3A_1389, %get3A_1390, %get3A_1391] {strides = array<i32>} : memref<3x16x512xf32, #tpu.memory_space<vmem>>, vector<1x1x16xf32>,
      %get3A_1393 = vector.shape_cast %get3A_1392 : vector<1x1x16xf32> to vector<16xf32>
      %get3A_1394 = arith.constant 0 : i32
      %get3A_1395 = arith.index_cast %get3A_1394 : i32 to index
      %get3A_1396 = arith.index_cast %shift_right_logical3A_1309 : i32 to index
      %get3A_1397 = arith.index_cast %multiple_of3A_1375 : i32 to index
      %get3A_1398 = tpu.vector_load %arg11[%get3A_1395, %get3A_1396, %get3A_1397] {strides = array<i32>} : memref<3x16x512xf32, #tpu.memory_space<vmem>>, vector<1x1x16xf32>,
      %get3A_1399 = vector.shape_cast %get3A_1398 : vector<1x1x16xf32> to vector<16xf32>
      %get3A_1400 = arith.constant 0 : i32
      %get3A_1401 = arith.index_cast %get3A_1400 : i32 to index
      %get3A_1402 = arith.index_cast %shift_right_logical3A_1309 : i32 to index
      %get3A_1403 = arith.index_cast %multiple_of3A_1375 : i32 to index
      %get3A_1404 = tpu.vector_load %arg12[%get3A_1401, %get3A_1402, %get3A_1403] {strides = array<i32>} : memref<3x16x512xf32, #tpu.memory_space<vmem>>, vector<1x1x16xf32>,
      %get3A_1405 = vector.shape_cast %get3A_1404 : vector<1x1x16xf32> to vector<16xf32>
      %sub3A_1406 = arith.subf %get3A_1393, %get3A_1381 : vector<16xf32>
      %mul3A_1407 = arith.mulf %sub3A_1406, %sub3A_1406 : vector<16xf32>
      %mul3A_1408 = arith.mulf %mul3A_1407, %get3A_1405 : vector<16xf32>
      %sub3A_1409 = arith.subf %get3A_1399, %get3A_1387 : vector<16xf32>
      %mul3A_1410 = arith.mulf %sub3A_1409, %sub3A_1409 : vector<16xf32>
      %mul3A_1411 = arith.mulf %mul3A_1410, %get3A_1405 : vector<16xf32>
      %ge3A_1412 = arith.constant 1.000000e-01 : f32
      %ge3A_1413 = vector.broadcast %ge3A_1412 : f32 to vector<16xf32>
      %ge3A_1414 = arith.cmpf oge, %get3A_1381, %ge3A_1413 : vector<16xf32>
      %ge3A_1415 = arith.constant 1.000000e-01 : f32
      %ge3A_1416 = vector.broadcast %ge3A_1415 : f32 to vector<16xf32>
      %ge3A_1417 = arith.cmpf oge, %get3A_1387, %ge3A_1416 : vector<16xf32>
      %jit3A_1418 = arith.constant 1.000000e+00 : f32
      %jit3A_1419 = arith.constant 0.000000e+00 : f32
      %broadcast_in_dim3A_1420 = vector.broadcast %jit3A_1418 : f32 to vector<16xf32>
      %broadcast_in_dim3A_1421 = vector.broadcast %jit3A_1419 : f32 to vector<16xf32>
      %select_n3A_1422 = arith.select %ge3A_1414, %broadcast_in_dim3A_1420, %broadcast_in_dim3A_1421 : vector<16xi1>, vector<16xf32>
      %add3A_1423 = arith.addf %add3A_1356, %select_n3A_1422 : vector<16xf32>
      %jit3A_1424 = arith.constant 0.000000e+00 : f32
      %broadcast_in_dim3A_1425 = vector.broadcast %jit3A_1424 : f32 to vector<16xf32>
      %select_n3A_1426 = arith.select %ge3A_1414, %mul3A_1408, %broadcast_in_dim3A_1425 : vector<16xi1>, vector<16xf32>
      %add3A_1427 = arith.addf %add3A_1360, %select_n3A_1426 : vector<16xf32>
      %add3A_1428 = arith.addf %add3A_1361, %mul3A_1408 : vector<16xf32>
      %jit3A_1429 = arith.constant 1.000000e+00 : f32
      %jit3A_1430 = arith.constant 0.000000e+00 : f32
      %broadcast_in_dim3A_1431 = vector.broadcast %jit3A_1429 : f32 to vector<16xf32>
      %broadcast_in_dim3A_1432 = vector.broadcast %jit3A_1430 : f32 to vector<16xf32>
      %select_n3A_1433 = arith.select %ge3A_1417, %broadcast_in_dim3A_1431, %broadcast_in_dim3A_1432 : vector<16xi1>, vector<16xf32>
      %add3A_1434 = arith.addf %add3A_1367, %select_n3A_1433 : vector<16xf32>
      %jit3A_1435 = arith.constant 0.000000e+00 : f32
      %broadcast_in_dim3A_1436 = vector.broadcast %jit3A_1435 : f32 to vector<16xf32>
      %select_n3A_1437 = arith.select %ge3A_1417, %mul3A_1411, %broadcast_in_dim3A_1436 : vector<16xi1>, vector<16xf32>
      %add3A_1438 = arith.addf %add3A_1371, %select_n3A_1437 : vector<16xf32>
      %add3A_1439 = arith.addf %add3A_1372, %mul3A_1411 : vector<16xf32>
      %add3A_1440 = arith.constant 32 : i32
      %add3A_1441 = arith.addi %shift_left3A_1311, %add3A_1440 : i32
      %multiple_of3A_1442 = tpu.assume_multiple %add3A_1441, 16 : i32
      %get3A_1443 = arith.constant 0 : i32
      %get3A_1444 = arith.index_cast %get3A_1443 : i32 to index
      %get3A_1445 = arith.index_cast %shift_right_logical3A_1309 : i32 to index
      %get3A_1446 = arith.index_cast %multiple_of3A_1442 : i32 to index
      %get3A_1447 = tpu.vector_load %arg8[%get3A_1444, %get3A_1445, %get3A_1446] {strides = array<i32>} : memref<3x16x512xf32, #tpu.memory_space<vmem>>, vector<1x1x16xf32>,
      %get3A_1448 = vector.shape_cast %get3A_1447 : vector<1x1x16xf32> to vector<16xf32>
      %get3A_1449 = arith.constant 0 : i32
      %get3A_1450 = arith.index_cast %get3A_1449 : i32 to index
      %get3A_1451 = arith.index_cast %shift_right_logical3A_1309 : i32 to index
      %get3A_1452 = arith.index_cast %multiple_of3A_1442 : i32 to index
      %get3A_1453 = tpu.vector_load %arg9[%get3A_1450, %get3A_1451, %get3A_1452] {strides = array<i32>} : memref<3x16x512xf32, #tpu.memory_space<vmem>>, vector<1x1x16xf32>,
      %get3A_1454 = vector.shape_cast %get3A_1453 : vector<1x1x16xf32> to vector<16xf32>
      %get3A_1455 = arith.constant 0 : i32
      %get3A_1456 = arith.index_cast %get3A_1455 : i32 to index
      %get3A_1457 = arith.index_cast %shift_right_logical3A_1309 : i32 to index
      %get3A_1458 = arith.index_cast %multiple_of3A_1442 : i32 to index
      %get3A_1459 = tpu.vector_load %arg10[%get3A_1456, %get3A_1457, %get3A_1458] {strides = array<i32>} : memref<3x16x512xf32, #tpu.memory_space<vmem>>, vector<1x1x16xf32>,
      %get3A_1460 = vector.shape_cast %get3A_1459 : vector<1x1x16xf32> to vector<16xf32>
      %get3A_1461 = arith.constant 0 : i32
      %get3A_1462 = arith.index_cast %get3A_1461 : i32 to index
      %get3A_1463 = arith.index_cast %shift_right_logical3A_1309 : i32 to index
      %get3A_1464 = arith.index_cast %multiple_of3A_1442 : i32 to index
      %get3A_1465 = tpu.vector_load %arg11[%get3A_1462, %get3A_1463, %get3A_1464] {strides = array<i32>} : memref<3x16x512xf32, #tpu.memory_space<vmem>>, vector<1x1x16xf32>,
      %get3A_1466 = vector.shape_cast %get3A_1465 : vector<1x1x16xf32> to vector<16xf32>
      %get3A_1467 = arith.constant 0 : i32
      %get3A_1468 = arith.index_cast %get3A_1467 : i32 to index
      %get3A_1469 = arith.index_cast %shift_right_logical3A_1309 : i32 to index
      %get3A_1470 = arith.index_cast %multiple_of3A_1442 : i32 to index
      %get3A_1471 = tpu.vector_load %arg12[%get3A_1468, %get3A_1469, %get3A_1470] {strides = array<i32>} : memref<3x16x512xf32, #tpu.memory_space<vmem>>, vector<1x1x16xf32>,
      %get3A_1472 = vector.shape_cast %get3A_1471 : vector<1x1x16xf32> to vector<16xf32>
      %sub3A_1473 = arith.subf %get3A_1460, %get3A_1448 : vector<16xf32>
      %mul3A_1474 = arith.mulf %sub3A_1473, %sub3A_1473 : vector<16xf32>
      %mul3A_1475 = arith.mulf %mul3A_1474, %get3A_1472 : vector<16xf32>
      %sub3A_1476 = arith.subf %get3A_1466, %get3A_1454 : vector<16xf32>
      %mul3A_1477 = arith.mulf %sub3A_1476, %sub3A_1476 : vector<16xf32>
      %mul3A_1478 = arith.mulf %mul3A_1477, %get3A_1472 : vector<16xf32>
      %ge3A_1479 = arith.constant 1.000000e-01 : f32
      %ge3A_1480 = vector.broadcast %ge3A_1479 : f32 to vector<16xf32>
      %ge3A_1481 = arith.cmpf oge, %get3A_1448, %ge3A_1480 : vector<16xf32>
      %ge3A_1482 = arith.constant 1.000000e-01 : f32
      %ge3A_1483 = vector.broadcast %ge3A_1482 : f32 to vector<16xf32>
      %ge3A_1484 = arith.cmpf oge, %get3A_1454, %ge3A_1483 : vector<16xf32>
      %jit3A_1485 = arith.constant 1.000000e+00 : f32
      %jit3A_1486 = arith.constant 0.000000e+00 : f32
      %broadcast_in_dim3A_1487 = vector.broadcast %jit3A_1485 : f32 to vector<16xf32>
      %broadcast_in_dim3A_1488 = vector.broadcast %jit3A_1486 : f32 to vector<16xf32>
      %select_n3A_1489 = arith.select %ge3A_1481, %broadcast_in_dim3A_1487, %broadcast_in_dim3A_1488 : vector<16xi1>, vector<16xf32>
      %add3A_1490 = arith.addf %add3A_1423, %select_n3A_1489 : vector<16xf32>
      %jit3A_1491 = arith.constant 0.000000e+00 : f32
      %broadcast_in_dim3A_1492 = vector.broadcast %jit3A_1491 : f32 to vector<16xf32>
      %select_n3A_1493 = arith.select %ge3A_1481, %mul3A_1475, %broadcast_in_dim3A_1492 : vector<16xi1>, vector<16xf32>
      %add3A_1494 = arith.addf %add3A_1427, %select_n3A_1493 : vector<16xf32>
      %add3A_1495 = arith.addf %add3A_1428, %mul3A_1475 : vector<16xf32>
      %jit3A_1496 = arith.constant 1.000000e+00 : f32
      %jit3A_1497 = arith.constant 0.000000e+00 : f32
      %broadcast_in_dim3A_1498 = vector.broadcast %jit3A_1496 : f32 to vector<16xf32>
      %broadcast_in_dim3A_1499 = vector.broadcast %jit3A_1497 : f32 to vector<16xf32>
      %select_n3A_1500 = arith.select %ge3A_1484, %broadcast_in_dim3A_1498, %broadcast_in_dim3A_1499 : vector<16xi1>, vector<16xf32>
      %add3A_1501 = arith.addf %add3A_1434, %select_n3A_1500 : vector<16xf32>
      %jit3A_1502 = arith.constant 0.000000e+00 : f32
      %broadcast_in_dim3A_1503 = vector.broadcast %jit3A_1502 : f32 to vector<16xf32>
      %select_n3A_1504 = arith.select %ge3A_1484, %mul3A_1478, %broadcast_in_dim3A_1503 : vector<16xi1>, vector<16xf32>
      %add3A_1505 = arith.addf %add3A_1438, %select_n3A_1504 : vector<16xf32>
      %add3A_1506 = arith.addf %add3A_1439, %mul3A_1478 : vector<16xf32>
      %add3A_1507 = arith.constant 48 : i32
      %add3A_1508 = arith.addi %shift_left3A_1311, %add3A_1507 : i32
      %multiple_of3A_1509 = tpu.assume_multiple %add3A_1508, 16 : i32
      %get3A_1510 = arith.constant 0 : i32
      %get3A_1511 = arith.index_cast %get3A_1510 : i32 to index
      %get3A_1512 = arith.index_cast %shift_right_logical3A_1309 : i32 to index
      %get3A_1513 = arith.index_cast %multiple_of3A_1509 : i32 to index
      %get3A_1514 = tpu.vector_load %arg8[%get3A_1511, %get3A_1512, %get3A_1513] {strides = array<i32>} : memref<3x16x512xf32, #tpu.memory_space<vmem>>, vector<1x1x16xf32>,
      %get3A_1515 = vector.shape_cast %get3A_1514 : vector<1x1x16xf32> to vector<16xf32>
      %get3A_1516 = arith.constant 0 : i32
      %get3A_1517 = arith.index_cast %get3A_1516 : i32 to index
      %get3A_1518 = arith.index_cast %shift_right_logical3A_1309 : i32 to index
      %get3A_1519 = arith.index_cast %multiple_of3A_1509 : i32 to index
      %get3A_1520 = tpu.vector_load %arg9[%get3A_1517, %get3A_1518, %get3A_1519] {strides = array<i32>} : memref<3x16x512xf32, #tpu.memory_space<vmem>>, vector<1x1x16xf32>,
      %get3A_1521 = vector.shape_cast %get3A_1520 : vector<1x1x16xf32> to vector<16xf32>
      %get3A_1522 = arith.constant 0 : i32
      %get3A_1523 = arith.index_cast %get3A_1522 : i32 to index
      %get3A_1524 = arith.index_cast %shift_right_logical3A_1309 : i32 to index
      %get3A_1525 = arith.index_cast %multiple_of3A_1509 : i32 to index
      %get3A_1526 = tpu.vector_load %arg10[%get3A_1523, %get3A_1524, %get3A_1525] {strides = array<i32>} : memref<3x16x512xf32, #tpu.memory_space<vmem>>, vector<1x1x16xf32>,
      %get3A_1527 = vector.shape_cast %get3A_1526 : vector<1x1x16xf32> to vector<16xf32>
      %get3A_1528 = arith.constant 0 : i32
      %get3A_1529 = arith.index_cast %get3A_1528 : i32 to index
      %get3A_1530 = arith.index_cast %shift_right_logical3A_1309 : i32 to index
      %get3A_1531 = arith.index_cast %multiple_of3A_1509 : i32 to index
      %get3A_1532 = tpu.vector_load %arg11[%get3A_1529, %get3A_1530, %get3A_1531] {strides = array<i32>} : memref<3x16x512xf32, #tpu.memory_space<vmem>>, vector<1x1x16xf32>,
      %get3A_1533 = vector.shape_cast %get3A_1532 : vector<1x1x16xf32> to vector<16xf32>
      %get3A_1534 = arith.constant 0 : i32
      %get3A_1535 = arith.index_cast %get3A_1534 : i32 to index
      %get3A_1536 = arith.index_cast %shift_right_logical3A_1309 : i32 to index
      %get3A_1537 = arith.index_cast %multiple_of3A_1509 : i32 to index
      %get3A_1538 = tpu.vector_load %arg12[%get3A_1535, %get3A_1536, %get3A_1537] {strides = array<i32>} : memref<3x16x512xf32, #tpu.memory_space<vmem>>, vector<1x1x16xf32>,
      %get3A_1539 = vector.shape_cast %get3A_1538 : vector<1x1x16xf32> to vector<16xf32>
      %sub3A_1540 = arith.subf %get3A_1527, %get3A_1515 : vector<16xf32>
      %mul3A_1541 = arith.mulf %sub3A_1540, %sub3A_1540 : vector<16xf32>
      %mul3A_1542 = arith.mulf %mul3A_1541, %get3A_1539 : vector<16xf32>
      %sub3A_1543 = arith.subf %get3A_1533, %get3A_1521 : vector<16xf32>
      %mul3A_1544 = arith.mulf %sub3A_1543, %sub3A_1543 : vector<16xf32>
      %mul3A_1545 = arith.mulf %mul3A_1544, %get3A_1539 : vector<16xf32>
      %ge3A_1546 = arith.constant 1.000000e-01 : f32
      %ge3A_1547 = vector.broadcast %ge3A_1546 : f32 to vector<16xf32>
      %ge3A_1548 = arith.cmpf oge, %get3A_1515, %ge3A_1547 : vector<16xf32>
      %ge3A_1549 = arith.constant 1.000000e-01 : f32
      %ge3A_1550 = vector.broadcast %ge3A_1549 : f32 to vector<16xf32>
      %ge3A_1551 = arith.cmpf oge, %get3A_1521, %ge3A_1550 : vector<16xf32>
      %jit3A_1552 = arith.constant 1.000000e+00 : f32
      %jit3A_1553 = arith.constant 0.000000e+00 : f32
      %broadcast_in_dim3A_1554 = vector.broadcast %jit3A_1552 : f32 to vector<16xf32>
      %broadcast_in_dim3A_1555 = vector.broadcast %jit3A_1553 : f32 to vector<16xf32>
      %select_n3A_1556 = arith.select %ge3A_1548, %broadcast_in_dim3A_1554, %broadcast_in_dim3A_1555 : vector<16xi1>, vector<16xf32>
      %add3A_1557 = arith.addf %add3A_1490, %select_n3A_1556 : vector<16xf32>
      %jit3A_1558 = arith.constant 0.000000e+00 : f32
      %broadcast_in_dim3A_1559 = vector.broadcast %jit3A_1558 : f32 to vector<16xf32>
      %select_n3A_1560 = arith.select %ge3A_1548, %mul3A_1542, %broadcast_in_dim3A_1559 : vector<16xi1>, vector<16xf32>
      %add3A_1561 = arith.addf %add3A_1494, %select_n3A_1560 : vector<16xf32>
      %add3A_1562 = arith.addf %add3A_1495, %mul3A_1542 : vector<16xf32>
      %jit3A_1563 = arith.constant 1.000000e+00 : f32
      %jit3A_1564 = arith.constant 0.000000e+00 : f32
      %broadcast_in_dim3A_1565 = vector.broadcast %jit3A_1563 : f32 to vector<16xf32>
      %broadcast_in_dim3A_1566 = vector.broadcast %jit3A_1564 : f32 to vector<16xf32>
      %select_n3A_1567 = arith.select %ge3A_1551, %broadcast_in_dim3A_1565, %broadcast_in_dim3A_1566 : vector<16xi1>, vector<16xf32>
      %add3A_1568 = arith.addf %add3A_1501, %select_n3A_1567 : vector<16xf32>
      %jit3A_1569 = arith.constant 0.000000e+00 : f32
      %broadcast_in_dim3A_1570 = vector.broadcast %jit3A_1569 : f32 to vector<16xf32>
      %select_n3A_1571 = arith.select %ge3A_1551, %mul3A_1545, %broadcast_in_dim3A_1570 : vector<16xi1>, vector<16xf32>
      %add3A_1572 = arith.addf %add3A_1505, %select_n3A_1571 : vector<16xf32>
      %add3A_1573 = arith.addf %add3A_1506, %mul3A_1545 : vector<16xf32>
      scf.yield %add3A_1557, %add3A_1561, %add3A_1562, %add3A_1568, %add3A_1572, %add3A_1573 : vector<16xf32>, vector<16xf32>, vector<16xf32>, vector<16xf32>, vector<16xf32>, vector<16xf32>
    }
    %scan3A_788 = arith.constant 128 : i32
    %dma_wait3A_789 = arith.constant 1 : i32
    %dma_wait3A_790 = arith.constant 0 : i32
    %dma_wait3A_791 = arith.constant 0 : i32
    %dma_wait3A_792 = tpu.memref_slice %arg8[%dma_wait3A_789, %dma_wait3A_790, %dma_wait3A_791] : memref<3x16x512xf32, #tpu.memory_space<vmem>> -> memref<1x16x512xf32, #tpu.memory_space<vmem>>
    %dma_wait3A_793 = tpu.memref_squeeze %dma_wait3A_792 : memref<1x16x512xf32, #tpu.memory_space<vmem>> -> memref<16x512xf32, #tpu.memory_space<vmem>>
    %dma_wait3A_794 = arith.constant 0 : i32
    %dma_wait3A_795 = tpu.memref_slice %arg2[%div3A_1, %add3A_549, %dma_wait3A_794] : memref<16x512x512xf32, #tpu.memory_space<hbm>> -> memref<1x16x512xf32, #tpu.memory_space<hbm>>
    %dma_wait3A_796 = tpu.memref_squeeze %dma_wait3A_795 : memref<1x16x512xf32, #tpu.memory_space<hbm>> -> memref<16x512xf32, #tpu.memory_space<hbm>>
    %dma_wait3A_797 = arith.constant 0 : i32
    %dma_wait3A_798 = arith.constant 0 : i32
    %dma_wait3A_799 = tpu.memref_slice %arg8[%dma_wait3A_789, %dma_wait3A_797, %dma_wait3A_798] : memref<3x16x512xf32, #tpu.memory_space<vmem>> -> memref<1x16x512xf32, #tpu.memory_space<vmem>>
    %dma_wait3A_800 = tpu.memref_squeeze %dma_wait3A_799 : memref<1x16x512xf32, #tpu.memory_space<vmem>> -> memref<16x512xf32, #tpu.memory_space<vmem>>
    %dma_wait3A_801 = arith.constant 0 : i32
    %dma_wait3A_802 = tpu.memref_slice %arg2[%div3A_1, %add3A_549, %dma_wait3A_801] : memref<16x512x512xf32, #tpu.memory_space<hbm>> -> memref<1x16x512xf32, #tpu.memory_space<hbm>>
    %dma_wait3A_803 = tpu.memref_squeeze %dma_wait3A_802 : memref<1x16x512xf32, #tpu.memory_space<hbm>> -> memref<16x512xf32, #tpu.memory_space<hbm>>
    tpu.wait_dma2 semaphore(%arg14 : memref<!tpu.dma_semaphore, #tpu.memory_space<semaphore_mem>>) src(%dma_wait3A_803 : memref<16x512xf32, #tpu.memory_space<hbm>>) dst(%dma_wait3A_800 : memref<16x512xf32, #tpu.memory_space<vmem>>)
    %dma_wait3A_804 = arith.constant 1 : i32
    %dma_wait3A_805 = arith.constant 0 : i32
    %dma_wait3A_806 = arith.constant 0 : i32
    %dma_wait3A_807 = tpu.memref_slice %arg9[%dma_wait3A_804, %dma_wait3A_805, %dma_wait3A_806] : memref<3x16x512xf32, #tpu.memory_space<vmem>> -> memref<1x16x512xf32, #tpu.memory_space<vmem>>
    %dma_wait3A_808 = tpu.memref_squeeze %dma_wait3A_807 : memref<1x16x512xf32, #tpu.memory_space<vmem>> -> memref<16x512xf32, #tpu.memory_space<vmem>>
    %dma_wait3A_809 = arith.constant 0 : i32
    %dma_wait3A_810 = tpu.memref_slice %arg3[%div3A_1, %add3A_549, %dma_wait3A_809] : memref<16x512x512xf32, #tpu.memory_space<hbm>> -> memref<1x16x512xf32, #tpu.memory_space<hbm>>
    %dma_wait3A_811 = tpu.memref_squeeze %dma_wait3A_810 : memref<1x16x512xf32, #tpu.memory_space<hbm>> -> memref<16x512xf32, #tpu.memory_space<hbm>>
    %dma_wait3A_812 = arith.constant 0 : i32
    %dma_wait3A_813 = arith.constant 0 : i32
    %dma_wait3A_814 = tpu.memref_slice %arg9[%dma_wait3A_804, %dma_wait3A_812, %dma_wait3A_813] : memref<3x16x512xf32, #tpu.memory_space<vmem>> -> memref<1x16x512xf32, #tpu.memory_space<vmem>>
    %dma_wait3A_815 = tpu.memref_squeeze %dma_wait3A_814 : memref<1x16x512xf32, #tpu.memory_space<vmem>> -> memref<16x512xf32, #tpu.memory_space<vmem>>
    %dma_wait3A_816 = arith.constant 0 : i32
    %dma_wait3A_817 = tpu.memref_slice %arg3[%div3A_1, %add3A_549, %dma_wait3A_816] : memref<16x512x512xf32, #tpu.memory_space<hbm>> -> memref<1x16x512xf32, #tpu.memory_space<hbm>>
    %dma_wait3A_818 = tpu.memref_squeeze %dma_wait3A_817 : memref<1x16x512xf32, #tpu.memory_space<hbm>> -> memref<16x512xf32, #tpu.memory_space<hbm>>
    tpu.wait_dma2 semaphore(%arg14 : memref<!tpu.dma_semaphore, #tpu.memory_space<semaphore_mem>>) src(%dma_wait3A_818 : memref<16x512xf32, #tpu.memory_space<hbm>>) dst(%dma_wait3A_815 : memref<16x512xf32, #tpu.memory_space<vmem>>)
    %dma_wait3A_819 = arith.constant 1 : i32
    %dma_wait3A_820 = arith.constant 0 : i32
    %dma_wait3A_821 = arith.constant 0 : i32
    %dma_wait3A_822 = tpu.memref_slice %arg10[%dma_wait3A_819, %dma_wait3A_820, %dma_wait3A_821] : memref<3x16x512xf32, #tpu.memory_space<vmem>> -> memref<1x16x512xf32, #tpu.memory_space<vmem>>
    %dma_wait3A_823 = tpu.memref_squeeze %dma_wait3A_822 : memref<1x16x512xf32, #tpu.memory_space<vmem>> -> memref<16x512xf32, #tpu.memory_space<vmem>>
    %dma_wait3A_824 = arith.constant 0 : i32
    %dma_wait3A_825 = tpu.memref_slice %arg4[%div3A_1, %add3A_549, %dma_wait3A_824] : memref<16x512x512xf32, #tpu.memory_space<hbm>> -> memref<1x16x512xf32, #tpu.memory_space<hbm>>
    %dma_wait3A_826 = tpu.memref_squeeze %dma_wait3A_825 : memref<1x16x512xf32, #tpu.memory_space<hbm>> -> memref<16x512xf32, #tpu.memory_space<hbm>>
    %dma_wait3A_827 = arith.constant 0 : i32
    %dma_wait3A_828 = arith.constant 0 : i32
    %dma_wait3A_829 = tpu.memref_slice %arg10[%dma_wait3A_819, %dma_wait3A_827, %dma_wait3A_828] : memref<3x16x512xf32, #tpu.memory_space<vmem>> -> memref<1x16x512xf32, #tpu.memory_space<vmem>>
    %dma_wait3A_830 = tpu.memref_squeeze %dma_wait3A_829 : memref<1x16x512xf32, #tpu.memory_space<vmem>> -> memref<16x512xf32, #tpu.memory_space<vmem>>
    %dma_wait3A_831 = arith.constant 0 : i32
    %dma_wait3A_832 = tpu.memref_slice %arg4[%div3A_1, %add3A_549, %dma_wait3A_831] : memref<16x512x512xf32, #tpu.memory_space<hbm>> -> memref<1x16x512xf32, #tpu.memory_space<hbm>>
    %dma_wait3A_833 = tpu.memref_squeeze %dma_wait3A_832 : memref<1x16x512xf32, #tpu.memory_space<hbm>> -> memref<16x512xf32, #tpu.memory_space<hbm>>
    tpu.wait_dma2 semaphore(%arg14 : memref<!tpu.dma_semaphore, #tpu.memory_space<semaphore_mem>>) src(%dma_wait3A_833 : memref<16x512xf32, #tpu.memory_space<hbm>>) dst(%dma_wait3A_830 : memref<16x512xf32, #tpu.memory_space<vmem>>)
    %dma_wait3A_834 = arith.constant 1 : i32
    %dma_wait3A_835 = arith.constant 0 : i32
    %dma_wait3A_836 = arith.constant 0 : i32
    %dma_wait3A_837 = tpu.memref_slice %arg11[%dma_wait3A_834, %dma_wait3A_835, %dma_wait3A_836] : memref<3x16x512xf32, #tpu.memory_space<vmem>> -> memref<1x16x512xf32, #tpu.memory_space<vmem>>
    %dma_wait3A_838 = tpu.memref_squeeze %dma_wait3A_837 : memref<1x16x512xf32, #tpu.memory_space<vmem>> -> memref<16x512xf32, #tpu.memory_space<vmem>>
    %dma_wait3A_839 = arith.constant 0 : i32
    %dma_wait3A_840 = tpu.memref_slice %arg5[%div3A_1, %add3A_549, %dma_wait3A_839] : memref<16x512x512xf32, #tpu.memory_space<hbm>> -> memref<1x16x512xf32, #tpu.memory_space<hbm>>
    %dma_wait3A_841 = tpu.memref_squeeze %dma_wait3A_840 : memref<1x16x512xf32, #tpu.memory_space<hbm>> -> memref<16x512xf32, #tpu.memory_space<hbm>>
    %dma_wait3A_842 = arith.constant 0 : i32
    %dma_wait3A_843 = arith.constant 0 : i32
    %dma_wait3A_844 = tpu.memref_slice %arg11[%dma_wait3A_834, %dma_wait3A_842, %dma_wait3A_843] : memref<3x16x512xf32, #tpu.memory_space<vmem>> -> memref<1x16x512xf32, #tpu.memory_space<vmem>>
    %dma_wait3A_845 = tpu.memref_squeeze %dma_wait3A_844 : memref<1x16x512xf32, #tpu.memory_space<vmem>> -> memref<16x512xf32, #tpu.memory_space<vmem>>
    %dma_wait3A_846 = arith.constant 0 : i32
    %dma_wait3A_847 = tpu.memref_slice %arg5[%div3A_1, %add3A_549, %dma_wait3A_846] : memref<16x512x512xf32, #tpu.memory_space<hbm>> -> memref<1x16x512xf32, #tpu.memory_space<hbm>>
    %dma_wait3A_848 = tpu.memref_squeeze %dma_wait3A_847 : memref<1x16x512xf32, #tpu.memory_space<hbm>> -> memref<16x512xf32, #tpu.memory_space<hbm>>
    tpu.wait_dma2 semaphore(%arg14 : memref<!tpu.dma_semaphore, #tpu.memory_space<semaphore_mem>>) src(%dma_wait3A_848 : memref<16x512xf32, #tpu.memory_space<hbm>>) dst(%dma_wait3A_845 : memref<16x512xf32, #tpu.memory_space<vmem>>)
    %dma_wait3A_849 = arith.constant 1 : i32
    %dma_wait3A_850 = arith.constant 0 : i32
    %dma_wait3A_851 = arith.constant 0 : i32
    %dma_wait3A_852 = tpu.memref_slice %arg12[%dma_wait3A_849, %dma_wait3A_850, %dma_wait3A_851] : memref<3x16x512xf32, #tpu.memory_space<vmem>> -> memref<1x16x512xf32, #tpu.memory_space<vmem>>
    %dma_wait3A_853 = tpu.memref_squeeze %dma_wait3A_852 : memref<1x16x512xf32, #tpu.memory_space<vmem>> -> memref<16x512xf32, #tpu.memory_space<vmem>>
    %dma_wait3A_854 = arith.constant 0 : i32
    %dma_wait3A_855 = tpu.memref_slice %arg6[%div3A_1, %add3A_549, %dma_wait3A_854] : memref<16x512x512xf32, #tpu.memory_space<hbm>> -> memref<1x16x512xf32, #tpu.memory_space<hbm>>
    %dma_wait3A_856 = tpu.memref_squeeze %dma_wait3A_855 : memref<1x16x512xf32, #tpu.memory_space<hbm>> -> memref<16x512xf32, #tpu.memory_space<hbm>>
    %dma_wait3A_857 = arith.constant 0 : i32
    %dma_wait3A_858 = arith.constant 0 : i32
    %dma_wait3A_859 = tpu.memref_slice %arg12[%dma_wait3A_849, %dma_wait3A_857, %dma_wait3A_858] : memref<3x16x512xf32, #tpu.memory_space<vmem>> -> memref<1x16x512xf32, #tpu.memory_space<vmem>>
    %dma_wait3A_860 = tpu.memref_squeeze %dma_wait3A_859 : memref<1x16x512xf32, #tpu.memory_space<vmem>> -> memref<16x512xf32, #tpu.memory_space<vmem>>
    %dma_wait3A_861 = arith.constant 0 : i32
    %dma_wait3A_862 = tpu.memref_slice %arg6[%div3A_1, %add3A_549, %dma_wait3A_861] : memref<16x512x512xf32, #tpu.memory_space<hbm>> -> memref<1x16x512xf32, #tpu.memory_space<hbm>>
    %dma_wait3A_863 = tpu.memref_squeeze %dma_wait3A_862 : memref<1x16x512xf32, #tpu.memory_space<hbm>> -> memref<16x512xf32, #tpu.memory_space<hbm>>
    tpu.wait_dma2 semaphore(%arg14 : memref<!tpu.dma_semaphore, #tpu.memory_space<semaphore_mem>>) src(%dma_wait3A_863 : memref<16x512xf32, #tpu.memory_space<hbm>>) dst(%dma_wait3A_860 : memref<16x512xf32, #tpu.memory_space<vmem>>)
    %add3A_864 = arith.constant 96 : i32
    %add3A_865 = arith.addi %mul3A_4, %add3A_864 : i32
    %dma_start3A_866 = arith.constant 0 : i32
    %dma_start3A_867 = arith.constant 0 : i32
    %dma_start3A_868 = arith.constant 0 : i32
    %dma_start3A_869 = tpu.memref_slice %arg8[%dma_start3A_866, %dma_start3A_867, %dma_start3A_868] : memref<3x16x512xf32, #tpu.memory_space<vmem>> -> memref<1x16x512xf32, #tpu.memory_space<vmem>>
    %dma_start3A_870 = tpu.memref_squeeze %dma_start3A_869 : memref<1x16x512xf32, #tpu.memory_space<vmem>> -> memref<16x512xf32, #tpu.memory_space<vmem>>
    %dma_start3A_871 = arith.constant 0 : i32
    %dma_start3A_872 = tpu.memref_slice %arg2[%div3A_1, %add3A_865, %dma_start3A_871] : memref<16x512x512xf32, #tpu.memory_space<hbm>> -> memref<1x16x512xf32, #tpu.memory_space<hbm>>
    %dma_start3A_873 = tpu.memref_squeeze %dma_start3A_872 : memref<1x16x512xf32, #tpu.memory_space<hbm>> -> memref<16x512xf32, #tpu.memory_space<hbm>>
    %dma_start3A_874 = arith.constant 0 : i32
    %dma_start3A_875 = arith.constant 0 : i32
    %dma_start3A_876 = tpu.memref_slice %arg8[%dma_start3A_866, %dma_start3A_874, %dma_start3A_875] : memref<3x16x512xf32, #tpu.memory_space<vmem>> -> memref<1x16x512xf32, #tpu.memory_space<vmem>>
    %dma_start3A_877 = tpu.memref_squeeze %dma_start3A_876 : memref<1x16x512xf32, #tpu.memory_space<vmem>> -> memref<16x512xf32, #tpu.memory_space<vmem>>
    %dma_start3A_878 = arith.constant 0 : i32
    %dma_start3A_879 = tpu.memref_slice %arg2[%div3A_1, %add3A_865, %dma_start3A_878] : memref<16x512x512xf32, #tpu.memory_space<hbm>> -> memref<1x16x512xf32, #tpu.memory_space<hbm>>
    %dma_start3A_880 = tpu.memref_squeeze %dma_start3A_879 : memref<1x16x512xf32, #tpu.memory_space<hbm>> -> memref<16x512xf32, #tpu.memory_space<hbm>>
    tpu.enqueue_dma source(%dma_start3A_880 : memref<16x512xf32, #tpu.memory_space<hbm>>) target(%dma_start3A_877 : memref<16x512xf32, #tpu.memory_space<vmem>>) target_semaphore(%arg14 : memref<!tpu.dma_semaphore, #tpu.memory_space<semaphore_mem>>)
    %dma_start3A_881 = arith.constant 0 : i32
    %dma_start3A_882 = arith.constant 0 : i32
    %dma_start3A_883 = arith.constant 0 : i32
    %dma_start3A_884 = tpu.memref_slice %arg9[%dma_start3A_881, %dma_start3A_882, %dma_start3A_883] : memref<3x16x512xf32, #tpu.memory_space<vmem>> -> memref<1x16x512xf32, #tpu.memory_space<vmem>>
    %dma_start3A_885 = tpu.memref_squeeze %dma_start3A_884 : memref<1x16x512xf32, #tpu.memory_space<vmem>> -> memref<16x512xf32, #tpu.memory_space<vmem>>
    %dma_start3A_886 = arith.constant 0 : i32
    %dma_start3A_887 = tpu.memref_slice %arg3[%div3A_1, %add3A_865, %dma_start3A_886] : memref<16x512x512xf32, #tpu.memory_space<hbm>> -> memref<1x16x512xf32, #tpu.memory_space<hbm>>
    %dma_start3A_888 = tpu.memref_squeeze %dma_start3A_887 : memref<1x16x512xf32, #tpu.memory_space<hbm>> -> memref<16x512xf32, #tpu.memory_space<hbm>>
    %dma_start3A_889 = arith.constant 0 : i32
    %dma_start3A_890 = arith.constant 0 : i32
    %dma_start3A_891 = tpu.memref_slice %arg9[%dma_start3A_881, %dma_start3A_889, %dma_start3A_890] : memref<3x16x512xf32, #tpu.memory_space<vmem>> -> memref<1x16x512xf32, #tpu.memory_space<vmem>>
    %dma_start3A_892 = tpu.memref_squeeze %dma_start3A_891 : memref<1x16x512xf32, #tpu.memory_space<vmem>> -> memref<16x512xf32, #tpu.memory_space<vmem>>
    %dma_start3A_893 = arith.constant 0 : i32
    %dma_start3A_894 = tpu.memref_slice %arg3[%div3A_1, %add3A_865, %dma_start3A_893] : memref<16x512x512xf32, #tpu.memory_space<hbm>> -> memref<1x16x512xf32, #tpu.memory_space<hbm>>
    %dma_start3A_895 = tpu.memref_squeeze %dma_start3A_894 : memref<1x16x512xf32, #tpu.memory_space<hbm>> -> memref<16x512xf32, #tpu.memory_space<hbm>>
    tpu.enqueue_dma source(%dma_start3A_895 : memref<16x512xf32, #tpu.memory_space<hbm>>) target(%dma_start3A_892 : memref<16x512xf32, #tpu.memory_space<vmem>>) target_semaphore(%arg14 : memref<!tpu.dma_semaphore, #tpu.memory_space<semaphore_mem>>)
    %dma_start3A_896 = arith.constant 0 : i32
    %dma_start3A_897 = arith.constant 0 : i32
    %dma_start3A_898 = arith.constant 0 : i32
    %dma_start3A_899 = tpu.memref_slice %arg10[%dma_start3A_896, %dma_start3A_897, %dma_start3A_898] : memref<3x16x512xf32, #tpu.memory_space<vmem>> -> memref<1x16x512xf32, #tpu.memory_space<vmem>>
    %dma_start3A_900 = tpu.memref_squeeze %dma_start3A_899 : memref<1x16x512xf32, #tpu.memory_space<vmem>> -> memref<16x512xf32, #tpu.memory_space<vmem>>
    %dma_start3A_901 = arith.constant 0 : i32
    %dma_start3A_902 = tpu.memref_slice %arg4[%div3A_1, %add3A_865, %dma_start3A_901] : memref<16x512x512xf32, #tpu.memory_space<hbm>> -> memref<1x16x512xf32, #tpu.memory_space<hbm>>
    %dma_start3A_903 = tpu.memref_squeeze %dma_start3A_902 : memref<1x16x512xf32, #tpu.memory_space<hbm>> -> memref<16x512xf32, #tpu.memory_space<hbm>>
    %dma_start3A_904 = arith.constant 0 : i32
    %dma_start3A_905 = arith.constant 0 : i32
    %dma_start3A_906 = tpu.memref_slice %arg10[%dma_start3A_896, %dma_start3A_904, %dma_start3A_905] : memref<3x16x512xf32, #tpu.memory_space<vmem>> -> memref<1x16x512xf32, #tpu.memory_space<vmem>>
    %dma_start3A_907 = tpu.memref_squeeze %dma_start3A_906 : memref<1x16x512xf32, #tpu.memory_space<vmem>> -> memref<16x512xf32, #tpu.memory_space<vmem>>
    %dma_start3A_908 = arith.constant 0 : i32
    %dma_start3A_909 = tpu.memref_slice %arg4[%div3A_1, %add3A_865, %dma_start3A_908] : memref<16x512x512xf32, #tpu.memory_space<hbm>> -> memref<1x16x512xf32, #tpu.memory_space<hbm>>
    %dma_start3A_910 = tpu.memref_squeeze %dma_start3A_909 : memref<1x16x512xf32, #tpu.memory_space<hbm>> -> memref<16x512xf32, #tpu.memory_space<hbm>>
    tpu.enqueue_dma source(%dma_start3A_910 : memref<16x512xf32, #tpu.memory_space<hbm>>) target(%dma_start3A_907 : memref<16x512xf32, #tpu.memory_space<vmem>>) target_semaphore(%arg14 : memref<!tpu.dma_semaphore, #tpu.memory_space<semaphore_mem>>)
    %dma_start3A_911 = arith.constant 0 : i32
    %dma_start3A_912 = arith.constant 0 : i32
    %dma_start3A_913 = arith.constant 0 : i32
    %dma_start3A_914 = tpu.memref_slice %arg11[%dma_start3A_911, %dma_start3A_912, %dma_start3A_913] : memref<3x16x512xf32, #tpu.memory_space<vmem>> -> memref<1x16x512xf32, #tpu.memory_space<vmem>>
    %dma_start3A_915 = tpu.memref_squeeze %dma_start3A_914 : memref<1x16x512xf32, #tpu.memory_space<vmem>> -> memref<16x512xf32, #tpu.memory_space<vmem>>
    %dma_start3A_916 = arith.constant 0 : i32
    %dma_start3A_917 = tpu.memref_slice %arg5[%div3A_1, %add3A_865, %dma_start3A_916] : memref<16x512x512xf32, #tpu.memory_space<hbm>> -> memref<1x16x512xf32, #tpu.memory_space<hbm>>
    %dma_start3A_918 = tpu.memref_squeeze %dma_start3A_917 : memref<1x16x512xf32, #tpu.memory_space<hbm>> -> memref<16x512xf32, #tpu.memory_space<hbm>>
    %dma_start3A_919 = arith.constant 0 : i32
    %dma_start3A_920 = arith.constant 0 : i32
    %dma_start3A_921 = tpu.memref_slice %arg11[%dma_start3A_911, %dma_start3A_919, %dma_start3A_920] : memref<3x16x512xf32, #tpu.memory_space<vmem>> -> memref<1x16x512xf32, #tpu.memory_space<vmem>>
    %dma_start3A_922 = tpu.memref_squeeze %dma_start3A_921 : memref<1x16x512xf32, #tpu.memory_space<vmem>> -> memref<16x512xf32, #tpu.memory_space<vmem>>
    %dma_start3A_923 = arith.constant 0 : i32
    %dma_start3A_924 = tpu.memref_slice %arg5[%div3A_1, %add3A_865, %dma_start3A_923] : memref<16x512x512xf32, #tpu.memory_space<hbm>> -> memref<1x16x512xf32, #tpu.memory_space<hbm>>
    %dma_start3A_925 = tpu.memref_squeeze %dma_start3A_924 : memref<1x16x512xf32, #tpu.memory_space<hbm>> -> memref<16x512xf32, #tpu.memory_space<hbm>>
    tpu.enqueue_dma source(%dma_start3A_925 : memref<16x512xf32, #tpu.memory_space<hbm>>) target(%dma_start3A_922 : memref<16x512xf32, #tpu.memory_space<vmem>>) target_semaphore(%arg14 : memref<!tpu.dma_semaphore, #tpu.memory_space<semaphore_mem>>)
    %dma_start3A_926 = arith.constant 0 : i32
    %dma_start3A_927 = arith.constant 0 : i32
    %dma_start3A_928 = arith.constant 0 : i32
    %dma_start3A_929 = tpu.memref_slice %arg12[%dma_start3A_926, %dma_start3A_927, %dma_start3A_928] : memref<3x16x512xf32, #tpu.memory_space<vmem>> -> memref<1x16x512xf32, #tpu.memory_space<vmem>>
    %dma_start3A_930 = tpu.memref_squeeze %dma_start3A_929 : memref<1x16x512xf32, #tpu.memory_space<vmem>> -> memref<16x512xf32, #tpu.memory_space<vmem>>
    %dma_start3A_931 = arith.constant 0 : i32
    %dma_start3A_932 = tpu.memref_slice %arg6[%div3A_1, %add3A_865, %dma_start3A_931] : memref<16x512x512xf32, #tpu.memory_space<hbm>> -> memref<1x16x512xf32, #tpu.memory_space<hbm>>
    %dma_start3A_933 = tpu.memref_squeeze %dma_start3A_932 : memref<1x16x512xf32, #tpu.memory_space<hbm>> -> memref<16x512xf32, #tpu.memory_space<hbm>>
    %dma_start3A_934 = arith.constant 0 : i32
    %dma_start3A_935 = arith.constant 0 : i32
    %dma_start3A_936 = tpu.memref_slice %arg12[%dma_start3A_926, %dma_start3A_934, %dma_start3A_935] : memref<3x16x512xf32, #tpu.memory_space<vmem>> -> memref<1x16x512xf32, #tpu.memory_space<vmem>>
    %dma_start3A_937 = tpu.memref_squeeze %dma_start3A_936 : memref<1x16x512xf32, #tpu.memory_space<vmem>> -> memref<16x512xf32, #tpu.memory_space<vmem>>
    %dma_start3A_938 = arith.constant 0 : i32
    %dma_start3A_939 = tpu.memref_slice %arg6[%div3A_1, %add3A_865, %dma_start3A_938] : memref<16x512x512xf32, #tpu.memory_space<hbm>> -> memref<1x16x512xf32, #tpu.memory_space<hbm>>
    %dma_start3A_940 = tpu.memref_squeeze %dma_start3A_939 : memref<1x16x512xf32, #tpu.memory_space<hbm>> -> memref<16x512xf32, #tpu.memory_space<hbm>>
    tpu.enqueue_dma source(%dma_start3A_940 : memref<16x512xf32, #tpu.memory_space<hbm>>) target(%dma_start3A_937 : memref<16x512xf32, #tpu.memory_space<vmem>>) target_semaphore(%arg14 : memref<!tpu.dma_semaphore, #tpu.memory_space<semaphore_mem>>)
    %scan3A_941 = arith.constant 0 : i32
    %scan3A_942 = arith.constant 128 : i32
    %scan3A_943 = arith.addi %scan3A_941, %scan3A_942 : i32
    %scan3A_944 = arith.constant 1 : i32
    %scan3A_945:6 = scf.for %scan3A_1302 = %scan3A_941 to %scan3A_943 step %scan3A_944 iter_args(%scan3A_1303 = %scan3A_787#0, %scan3A_1304 = %scan3A_787#1, %scan3A_1305 = %scan3A_787#2, %scan3A_1306 = %scan3A_787#3, %scan3A_1307 = %scan3A_787#4, %scan3A_1308 = %scan3A_787#5) -> (vector<16xf32>, vector<16xf32>, vector<16xf32>, vector<16xf32>, vector<16xf32>, vector<16xf32>)  : i32 {
      %shift_right_logical3A = arith.constant 3 : i32
      %shift_right_logical3A_1309 = arith.shrui %scan3A_1302, %shift_right_logical3A : i32
      %and3A = arith.constant 7 : i32
      %and3A_1310 = arith.andi %scan3A_1302, %and3A : i32
      %shift_left3A = arith.constant 6 : i32
      %shift_left3A_1311 = arith.shli %and3A_1310, %shift_left3A : i32
      %add3A_1312 = arith.constant 0 : i32
      %add3A_1313 = arith.addi %shift_left3A_1311, %add3A_1312 : i32
      %multiple_of3A = tpu.assume_multiple %add3A_1313, 16 : i32
      %get3A = arith.constant 1 : i32
      %get3A_1314 = arith.index_cast %get3A : i32 to index
      %get3A_1315 = arith.index_cast %shift_right_logical3A_1309 : i32 to index
      %get3A_1316 = arith.index_cast %multiple_of3A : i32 to index
      %get3A_1317 = tpu.vector_load %arg8[%get3A_1314, %get3A_1315, %get3A_1316] {strides = array<i32>} : memref<3x16x512xf32, #tpu.memory_space<vmem>>, vector<1x1x16xf32>,
      %get3A_1318 = vector.shape_cast %get3A_1317 : vector<1x1x16xf32> to vector<16xf32>
      %get3A_1319 = arith.constant 1 : i32
      %get3A_1320 = arith.index_cast %get3A_1319 : i32 to index
      %get3A_1321 = arith.index_cast %shift_right_logical3A_1309 : i32 to index
      %get3A_1322 = arith.index_cast %multiple_of3A : i32 to index
      %get3A_1323 = tpu.vector_load %arg9[%get3A_1320, %get3A_1321, %get3A_1322] {strides = array<i32>} : memref<3x16x512xf32, #tpu.memory_space<vmem>>, vector<1x1x16xf32>,
      %get3A_1324 = vector.shape_cast %get3A_1323 : vector<1x1x16xf32> to vector<16xf32>
      %get3A_1325 = arith.constant 1 : i32
      %get3A_1326 = arith.index_cast %get3A_1325 : i32 to index
      %get3A_1327 = arith.index_cast %shift_right_logical3A_1309 : i32 to index
      %get3A_1328 = arith.index_cast %multiple_of3A : i32 to index
      %get3A_1329 = tpu.vector_load %arg10[%get3A_1326, %get3A_1327, %get3A_1328] {strides = array<i32>} : memref<3x16x512xf32, #tpu.memory_space<vmem>>, vector<1x1x16xf32>,
      %get3A_1330 = vector.shape_cast %get3A_1329 : vector<1x1x16xf32> to vector<16xf32>
      %get3A_1331 = arith.constant 1 : i32
      %get3A_1332 = arith.index_cast %get3A_1331 : i32 to index
      %get3A_1333 = arith.index_cast %shift_right_logical3A_1309 : i32 to index
      %get3A_1334 = arith.index_cast %multiple_of3A : i32 to index
      %get3A_1335 = tpu.vector_load %arg11[%get3A_1332, %get3A_1333, %get3A_1334] {strides = array<i32>} : memref<3x16x512xf32, #tpu.memory_space<vmem>>, vector<1x1x16xf32>,
      %get3A_1336 = vector.shape_cast %get3A_1335 : vector<1x1x16xf32> to vector<16xf32>
      %get3A_1337 = arith.constant 1 : i32
      %get3A_1338 = arith.index_cast %get3A_1337 : i32 to index
      %get3A_1339 = arith.index_cast %shift_right_logical3A_1309 : i32 to index
      %get3A_1340 = arith.index_cast %multiple_of3A : i32 to index
      %get3A_1341 = tpu.vector_load %arg12[%get3A_1338, %get3A_1339, %get3A_1340] {strides = array<i32>} : memref<3x16x512xf32, #tpu.memory_space<vmem>>, vector<1x1x16xf32>,
      %get3A_1342 = vector.shape_cast %get3A_1341 : vector<1x1x16xf32> to vector<16xf32>
      %sub3A = arith.subf %get3A_1330, %get3A_1318 : vector<16xf32>
      %mul3A_1343 = arith.mulf %sub3A, %sub3A : vector<16xf32>
      %mul3A_1344 = arith.mulf %mul3A_1343, %get3A_1342 : vector<16xf32>
      %sub3A_1345 = arith.subf %get3A_1336, %get3A_1324 : vector<16xf32>
      %mul3A_1346 = arith.mulf %sub3A_1345, %sub3A_1345 : vector<16xf32>
      %mul3A_1347 = arith.mulf %mul3A_1346, %get3A_1342 : vector<16xf32>
      %ge3A = arith.constant 1.000000e-01 : f32
      %ge3A_1348 = vector.broadcast %ge3A : f32 to vector<16xf32>
      %ge3A_1349 = arith.cmpf oge, %get3A_1318, %ge3A_1348 : vector<16xf32>
      %ge3A_1350 = arith.constant 1.000000e-01 : f32
      %ge3A_1351 = vector.broadcast %ge3A_1350 : f32 to vector<16xf32>
      %ge3A_1352 = arith.cmpf oge, %get3A_1324, %ge3A_1351 : vector<16xf32>
      %jit3A = arith.constant 1.000000e+00 : f32
      %jit3A_1353 = arith.constant 0.000000e+00 : f32
      %broadcast_in_dim3A_1354 = vector.broadcast %jit3A : f32 to vector<16xf32>
      %broadcast_in_dim3A_1355 = vector.broadcast %jit3A_1353 : f32 to vector<16xf32>
      %select_n3A = arith.select %ge3A_1349, %broadcast_in_dim3A_1354, %broadcast_in_dim3A_1355 : vector<16xi1>, vector<16xf32>
      %add3A_1356 = arith.addf %scan3A_1303, %select_n3A : vector<16xf32>
      %jit3A_1357 = arith.constant 0.000000e+00 : f32
      %broadcast_in_dim3A_1358 = vector.broadcast %jit3A_1357 : f32 to vector<16xf32>
      %select_n3A_1359 = arith.select %ge3A_1349, %mul3A_1344, %broadcast_in_dim3A_1358 : vector<16xi1>, vector<16xf32>
      %add3A_1360 = arith.addf %scan3A_1304, %select_n3A_1359 : vector<16xf32>
      %add3A_1361 = arith.addf %scan3A_1305, %mul3A_1344 : vector<16xf32>
      %jit3A_1362 = arith.constant 1.000000e+00 : f32
      %jit3A_1363 = arith.constant 0.000000e+00 : f32
      %broadcast_in_dim3A_1364 = vector.broadcast %jit3A_1362 : f32 to vector<16xf32>
      %broadcast_in_dim3A_1365 = vector.broadcast %jit3A_1363 : f32 to vector<16xf32>
      %select_n3A_1366 = arith.select %ge3A_1352, %broadcast_in_dim3A_1364, %broadcast_in_dim3A_1365 : vector<16xi1>, vector<16xf32>
      %add3A_1367 = arith.addf %scan3A_1306, %select_n3A_1366 : vector<16xf32>
      %jit3A_1368 = arith.constant 0.000000e+00 : f32
      %broadcast_in_dim3A_1369 = vector.broadcast %jit3A_1368 : f32 to vector<16xf32>
      %select_n3A_1370 = arith.select %ge3A_1352, %mul3A_1347, %broadcast_in_dim3A_1369 : vector<16xi1>, vector<16xf32>
      %add3A_1371 = arith.addf %scan3A_1307, %select_n3A_1370 : vector<16xf32>
      %add3A_1372 = arith.addf %scan3A_1308, %mul3A_1347 : vector<16xf32>
      %add3A_1373 = arith.constant 16 : i32
      %add3A_1374 = arith.addi %shift_left3A_1311, %add3A_1373 : i32
      %multiple_of3A_1375 = tpu.assume_multiple %add3A_1374, 16 : i32
      %get3A_1376 = arith.constant 1 : i32
      %get3A_1377 = arith.index_cast %get3A_1376 : i32 to index
      %get3A_1378 = arith.index_cast %shift_right_logical3A_1309 : i32 to index
      %get3A_1379 = arith.index_cast %multiple_of3A_1375 : i32 to index
      %get3A_1380 = tpu.vector_load %arg8[%get3A_1377, %get3A_1378, %get3A_1379] {strides = array<i32>} : memref<3x16x512xf32, #tpu.memory_space<vmem>>, vector<1x1x16xf32>,
      %get3A_1381 = vector.shape_cast %get3A_1380 : vector<1x1x16xf32> to vector<16xf32>
      %get3A_1382 = arith.constant 1 : i32
      %get3A_1383 = arith.index_cast %get3A_1382 : i32 to index
      %get3A_1384 = arith.index_cast %shift_right_logical3A_1309 : i32 to index
      %get3A_1385 = arith.index_cast %multiple_of3A_1375 : i32 to index
      %get3A_1386 = tpu.vector_load %arg9[%get3A_1383, %get3A_1384, %get3A_1385] {strides = array<i32>} : memref<3x16x512xf32, #tpu.memory_space<vmem>>, vector<1x1x16xf32>,
      %get3A_1387 = vector.shape_cast %get3A_1386 : vector<1x1x16xf32> to vector<16xf32>
      %get3A_1388 = arith.constant 1 : i32
      %get3A_1389 = arith.index_cast %get3A_1388 : i32 to index
      %get3A_1390 = arith.index_cast %shift_right_logical3A_1309 : i32 to index
      %get3A_1391 = arith.index_cast %multiple_of3A_1375 : i32 to index
      %get3A_1392 = tpu.vector_load %arg10[%get3A_1389, %get3A_1390, %get3A_1391] {strides = array<i32>} : memref<3x16x512xf32, #tpu.memory_space<vmem>>, vector<1x1x16xf32>,
      %get3A_1393 = vector.shape_cast %get3A_1392 : vector<1x1x16xf32> to vector<16xf32>
      %get3A_1394 = arith.constant 1 : i32
      %get3A_1395 = arith.index_cast %get3A_1394 : i32 to index
      %get3A_1396 = arith.index_cast %shift_right_logical3A_1309 : i32 to index
      %get3A_1397 = arith.index_cast %multiple_of3A_1375 : i32 to index
      %get3A_1398 = tpu.vector_load %arg11[%get3A_1395, %get3A_1396, %get3A_1397] {strides = array<i32>} : memref<3x16x512xf32, #tpu.memory_space<vmem>>, vector<1x1x16xf32>,
      %get3A_1399 = vector.shape_cast %get3A_1398 : vector<1x1x16xf32> to vector<16xf32>
      %get3A_1400 = arith.constant 1 : i32
      %get3A_1401 = arith.index_cast %get3A_1400 : i32 to index
      %get3A_1402 = arith.index_cast %shift_right_logical3A_1309 : i32 to index
      %get3A_1403 = arith.index_cast %multiple_of3A_1375 : i32 to index
      %get3A_1404 = tpu.vector_load %arg12[%get3A_1401, %get3A_1402, %get3A_1403] {strides = array<i32>} : memref<3x16x512xf32, #tpu.memory_space<vmem>>, vector<1x1x16xf32>,
      %get3A_1405 = vector.shape_cast %get3A_1404 : vector<1x1x16xf32> to vector<16xf32>
      %sub3A_1406 = arith.subf %get3A_1393, %get3A_1381 : vector<16xf32>
      %mul3A_1407 = arith.mulf %sub3A_1406, %sub3A_1406 : vector<16xf32>
      %mul3A_1408 = arith.mulf %mul3A_1407, %get3A_1405 : vector<16xf32>
      %sub3A_1409 = arith.subf %get3A_1399, %get3A_1387 : vector<16xf32>
      %mul3A_1410 = arith.mulf %sub3A_1409, %sub3A_1409 : vector<16xf32>
      %mul3A_1411 = arith.mulf %mul3A_1410, %get3A_1405 : vector<16xf32>
      %ge3A_1412 = arith.constant 1.000000e-01 : f32
      %ge3A_1413 = vector.broadcast %ge3A_1412 : f32 to vector<16xf32>
      %ge3A_1414 = arith.cmpf oge, %get3A_1381, %ge3A_1413 : vector<16xf32>
      %ge3A_1415 = arith.constant 1.000000e-01 : f32
      %ge3A_1416 = vector.broadcast %ge3A_1415 : f32 to vector<16xf32>
      %ge3A_1417 = arith.cmpf oge, %get3A_1387, %ge3A_1416 : vector<16xf32>
      %jit3A_1418 = arith.constant 1.000000e+00 : f32
      %jit3A_1419 = arith.constant 0.000000e+00 : f32
      %broadcast_in_dim3A_1420 = vector.broadcast %jit3A_1418 : f32 to vector<16xf32>
      %broadcast_in_dim3A_1421 = vector.broadcast %jit3A_1419 : f32 to vector<16xf32>
      %select_n3A_1422 = arith.select %ge3A_1414, %broadcast_in_dim3A_1420, %broadcast_in_dim3A_1421 : vector<16xi1>, vector<16xf32>
      %add3A_1423 = arith.addf %add3A_1356, %select_n3A_1422 : vector<16xf32>
      %jit3A_1424 = arith.constant 0.000000e+00 : f32
      %broadcast_in_dim3A_1425 = vector.broadcast %jit3A_1424 : f32 to vector<16xf32>
      %select_n3A_1426 = arith.select %ge3A_1414, %mul3A_1408, %broadcast_in_dim3A_1425 : vector<16xi1>, vector<16xf32>
      %add3A_1427 = arith.addf %add3A_1360, %select_n3A_1426 : vector<16xf32>
      %add3A_1428 = arith.addf %add3A_1361, %mul3A_1408 : vector<16xf32>
      %jit3A_1429 = arith.constant 1.000000e+00 : f32
      %jit3A_1430 = arith.constant 0.000000e+00 : f32
      %broadcast_in_dim3A_1431 = vector.broadcast %jit3A_1429 : f32 to vector<16xf32>
      %broadcast_in_dim3A_1432 = vector.broadcast %jit3A_1430 : f32 to vector<16xf32>
      %select_n3A_1433 = arith.select %ge3A_1417, %broadcast_in_dim3A_1431, %broadcast_in_dim3A_1432 : vector<16xi1>, vector<16xf32>
      %add3A_1434 = arith.addf %add3A_1367, %select_n3A_1433 : vector<16xf32>
      %jit3A_1435 = arith.constant 0.000000e+00 : f32
      %broadcast_in_dim3A_1436 = vector.broadcast %jit3A_1435 : f32 to vector<16xf32>
      %select_n3A_1437 = arith.select %ge3A_1417, %mul3A_1411, %broadcast_in_dim3A_1436 : vector<16xi1>, vector<16xf32>
      %add3A_1438 = arith.addf %add3A_1371, %select_n3A_1437 : vector<16xf32>
      %add3A_1439 = arith.addf %add3A_1372, %mul3A_1411 : vector<16xf32>
      %add3A_1440 = arith.constant 32 : i32
      %add3A_1441 = arith.addi %shift_left3A_1311, %add3A_1440 : i32
      %multiple_of3A_1442 = tpu.assume_multiple %add3A_1441, 16 : i32
      %get3A_1443 = arith.constant 1 : i32
      %get3A_1444 = arith.index_cast %get3A_1443 : i32 to index
      %get3A_1445 = arith.index_cast %shift_right_logical3A_1309 : i32 to index
      %get3A_1446 = arith.index_cast %multiple_of3A_1442 : i32 to index
      %get3A_1447 = tpu.vector_load %arg8[%get3A_1444, %get3A_1445, %get3A_1446] {strides = array<i32>} : memref<3x16x512xf32, #tpu.memory_space<vmem>>, vector<1x1x16xf32>,
      %get3A_1448 = vector.shape_cast %get3A_1447 : vector<1x1x16xf32> to vector<16xf32>
      %get3A_1449 = arith.constant 1 : i32
      %get3A_1450 = arith.index_cast %get3A_1449 : i32 to index
      %get3A_1451 = arith.index_cast %shift_right_logical3A_1309 : i32 to index
      %get3A_1452 = arith.index_cast %multiple_of3A_1442 : i32 to index
      %get3A_1453 = tpu.vector_load %arg9[%get3A_1450, %get3A_1451, %get3A_1452] {strides = array<i32>} : memref<3x16x512xf32, #tpu.memory_space<vmem>>, vector<1x1x16xf32>,
      %get3A_1454 = vector.shape_cast %get3A_1453 : vector<1x1x16xf32> to vector<16xf32>
      %get3A_1455 = arith.constant 1 : i32
      %get3A_1456 = arith.index_cast %get3A_1455 : i32 to index
      %get3A_1457 = arith.index_cast %shift_right_logical3A_1309 : i32 to index
      %get3A_1458 = arith.index_cast %multiple_of3A_1442 : i32 to index
      %get3A_1459 = tpu.vector_load %arg10[%get3A_1456, %get3A_1457, %get3A_1458] {strides = array<i32>} : memref<3x16x512xf32, #tpu.memory_space<vmem>>, vector<1x1x16xf32>,
      %get3A_1460 = vector.shape_cast %get3A_1459 : vector<1x1x16xf32> to vector<16xf32>
      %get3A_1461 = arith.constant 1 : i32
      %get3A_1462 = arith.index_cast %get3A_1461 : i32 to index
      %get3A_1463 = arith.index_cast %shift_right_logical3A_1309 : i32 to index
      %get3A_1464 = arith.index_cast %multiple_of3A_1442 : i32 to index
      %get3A_1465 = tpu.vector_load %arg11[%get3A_1462, %get3A_1463, %get3A_1464] {strides = array<i32>} : memref<3x16x512xf32, #tpu.memory_space<vmem>>, vector<1x1x16xf32>,
      %get3A_1466 = vector.shape_cast %get3A_1465 : vector<1x1x16xf32> to vector<16xf32>
      %get3A_1467 = arith.constant 1 : i32
      %get3A_1468 = arith.index_cast %get3A_1467 : i32 to index
      %get3A_1469 = arith.index_cast %shift_right_logical3A_1309 : i32 to index
      %get3A_1470 = arith.index_cast %multiple_of3A_1442 : i32 to index
      %get3A_1471 = tpu.vector_load %arg12[%get3A_1468, %get3A_1469, %get3A_1470] {strides = array<i32>} : memref<3x16x512xf32, #tpu.memory_space<vmem>>, vector<1x1x16xf32>,
      %get3A_1472 = vector.shape_cast %get3A_1471 : vector<1x1x16xf32> to vector<16xf32>
      %sub3A_1473 = arith.subf %get3A_1460, %get3A_1448 : vector<16xf32>
      %mul3A_1474 = arith.mulf %sub3A_1473, %sub3A_1473 : vector<16xf32>
      %mul3A_1475 = arith.mulf %mul3A_1474, %get3A_1472 : vector<16xf32>
      %sub3A_1476 = arith.subf %get3A_1466, %get3A_1454 : vector<16xf32>
      %mul3A_1477 = arith.mulf %sub3A_1476, %sub3A_1476 : vector<16xf32>
      %mul3A_1478 = arith.mulf %mul3A_1477, %get3A_1472 : vector<16xf32>
      %ge3A_1479 = arith.constant 1.000000e-01 : f32
      %ge3A_1480 = vector.broadcast %ge3A_1479 : f32 to vector<16xf32>
      %ge3A_1481 = arith.cmpf oge, %get3A_1448, %ge3A_1480 : vector<16xf32>
      %ge3A_1482 = arith.constant 1.000000e-01 : f32
      %ge3A_1483 = vector.broadcast %ge3A_1482 : f32 to vector<16xf32>
      %ge3A_1484 = arith.cmpf oge, %get3A_1454, %ge3A_1483 : vector<16xf32>
      %jit3A_1485 = arith.constant 1.000000e+00 : f32
      %jit3A_1486 = arith.constant 0.000000e+00 : f32
      %broadcast_in_dim3A_1487 = vector.broadcast %jit3A_1485 : f32 to vector<16xf32>
      %broadcast_in_dim3A_1488 = vector.broadcast %jit3A_1486 : f32 to vector<16xf32>
      %select_n3A_1489 = arith.select %ge3A_1481, %broadcast_in_dim3A_1487, %broadcast_in_dim3A_1488 : vector<16xi1>, vector<16xf32>
      %add3A_1490 = arith.addf %add3A_1423, %select_n3A_1489 : vector<16xf32>
      %jit3A_1491 = arith.constant 0.000000e+00 : f32
      %broadcast_in_dim3A_1492 = vector.broadcast %jit3A_1491 : f32 to vector<16xf32>
      %select_n3A_1493 = arith.select %ge3A_1481, %mul3A_1475, %broadcast_in_dim3A_1492 : vector<16xi1>, vector<16xf32>
      %add3A_1494 = arith.addf %add3A_1427, %select_n3A_1493 : vector<16xf32>
      %add3A_1495 = arith.addf %add3A_1428, %mul3A_1475 : vector<16xf32>
      %jit3A_1496 = arith.constant 1.000000e+00 : f32
      %jit3A_1497 = arith.constant 0.000000e+00 : f32
      %broadcast_in_dim3A_1498 = vector.broadcast %jit3A_1496 : f32 to vector<16xf32>
      %broadcast_in_dim3A_1499 = vector.broadcast %jit3A_1497 : f32 to vector<16xf32>
      %select_n3A_1500 = arith.select %ge3A_1484, %broadcast_in_dim3A_1498, %broadcast_in_dim3A_1499 : vector<16xi1>, vector<16xf32>
      %add3A_1501 = arith.addf %add3A_1434, %select_n3A_1500 : vector<16xf32>
      %jit3A_1502 = arith.constant 0.000000e+00 : f32
      %broadcast_in_dim3A_1503 = vector.broadcast %jit3A_1502 : f32 to vector<16xf32>
      %select_n3A_1504 = arith.select %ge3A_1484, %mul3A_1478, %broadcast_in_dim3A_1503 : vector<16xi1>, vector<16xf32>
      %add3A_1505 = arith.addf %add3A_1438, %select_n3A_1504 : vector<16xf32>
      %add3A_1506 = arith.addf %add3A_1439, %mul3A_1478 : vector<16xf32>
      %add3A_1507 = arith.constant 48 : i32
      %add3A_1508 = arith.addi %shift_left3A_1311, %add3A_1507 : i32
      %multiple_of3A_1509 = tpu.assume_multiple %add3A_1508, 16 : i32
      %get3A_1510 = arith.constant 1 : i32
      %get3A_1511 = arith.index_cast %get3A_1510 : i32 to index
      %get3A_1512 = arith.index_cast %shift_right_logical3A_1309 : i32 to index
      %get3A_1513 = arith.index_cast %multiple_of3A_1509 : i32 to index
      %get3A_1514 = tpu.vector_load %arg8[%get3A_1511, %get3A_1512, %get3A_1513] {strides = array<i32>} : memref<3x16x512xf32, #tpu.memory_space<vmem>>, vector<1x1x16xf32>,
      %get3A_1515 = vector.shape_cast %get3A_1514 : vector<1x1x16xf32> to vector<16xf32>
      %get3A_1516 = arith.constant 1 : i32
      %get3A_1517 = arith.index_cast %get3A_1516 : i32 to index
      %get3A_1518 = arith.index_cast %shift_right_logical3A_1309 : i32 to index
      %get3A_1519 = arith.index_cast %multiple_of3A_1509 : i32 to index
      %get3A_1520 = tpu.vector_load %arg9[%get3A_1517, %get3A_1518, %get3A_1519] {strides = array<i32>} : memref<3x16x512xf32, #tpu.memory_space<vmem>>, vector<1x1x16xf32>,
      %get3A_1521 = vector.shape_cast %get3A_1520 : vector<1x1x16xf32> to vector<16xf32>
      %get3A_1522 = arith.constant 1 : i32
      %get3A_1523 = arith.index_cast %get3A_1522 : i32 to index
      %get3A_1524 = arith.index_cast %shift_right_logical3A_1309 : i32 to index
      %get3A_1525 = arith.index_cast %multiple_of3A_1509 : i32 to index
      %get3A_1526 = tpu.vector_load %arg10[%get3A_1523, %get3A_1524, %get3A_1525] {strides = array<i32>} : memref<3x16x512xf32, #tpu.memory_space<vmem>>, vector<1x1x16xf32>,
      %get3A_1527 = vector.shape_cast %get3A_1526 : vector<1x1x16xf32> to vector<16xf32>
      %get3A_1528 = arith.constant 1 : i32
      %get3A_1529 = arith.index_cast %get3A_1528 : i32 to index
      %get3A_1530 = arith.index_cast %shift_right_logical3A_1309 : i32 to index
      %get3A_1531 = arith.index_cast %multiple_of3A_1509 : i32 to index
      %get3A_1532 = tpu.vector_load %arg11[%get3A_1529, %get3A_1530, %get3A_1531] {strides = array<i32>} : memref<3x16x512xf32, #tpu.memory_space<vmem>>, vector<1x1x16xf32>,
      %get3A_1533 = vector.shape_cast %get3A_1532 : vector<1x1x16xf32> to vector<16xf32>
      %get3A_1534 = arith.constant 1 : i32
      %get3A_1535 = arith.index_cast %get3A_1534 : i32 to index
      %get3A_1536 = arith.index_cast %shift_right_logical3A_1309 : i32 to index
      %get3A_1537 = arith.index_cast %multiple_of3A_1509 : i32 to index
      %get3A_1538 = tpu.vector_load %arg12[%get3A_1535, %get3A_1536, %get3A_1537] {strides = array<i32>} : memref<3x16x512xf32, #tpu.memory_space<vmem>>, vector<1x1x16xf32>,
      %get3A_1539 = vector.shape_cast %get3A_1538 : vector<1x1x16xf32> to vector<16xf32>
      %sub3A_1540 = arith.subf %get3A_1527, %get3A_1515 : vector<16xf32>
      %mul3A_1541 = arith.mulf %sub3A_1540, %sub3A_1540 : vector<16xf32>
      %mul3A_1542 = arith.mulf %mul3A_1541, %get3A_1539 : vector<16xf32>
      %sub3A_1543 = arith.subf %get3A_1533, %get3A_1521 : vector<16xf32>
      %mul3A_1544 = arith.mulf %sub3A_1543, %sub3A_1543 : vector<16xf32>
      %mul3A_1545 = arith.mulf %mul3A_1544, %get3A_1539 : vector<16xf32>
      %ge3A_1546 = arith.constant 1.000000e-01 : f32
      %ge3A_1547 = vector.broadcast %ge3A_1546 : f32 to vector<16xf32>
      %ge3A_1548 = arith.cmpf oge, %get3A_1515, %ge3A_1547 : vector<16xf32>
      %ge3A_1549 = arith.constant 1.000000e-01 : f32
      %ge3A_1550 = vector.broadcast %ge3A_1549 : f32 to vector<16xf32>
      %ge3A_1551 = arith.cmpf oge, %get3A_1521, %ge3A_1550 : vector<16xf32>
      %jit3A_1552 = arith.constant 1.000000e+00 : f32
      %jit3A_1553 = arith.constant 0.000000e+00 : f32
      %broadcast_in_dim3A_1554 = vector.broadcast %jit3A_1552 : f32 to vector<16xf32>
      %broadcast_in_dim3A_1555 = vector.broadcast %jit3A_1553 : f32 to vector<16xf32>
      %select_n3A_1556 = arith.select %ge3A_1548, %broadcast_in_dim3A_1554, %broadcast_in_dim3A_1555 : vector<16xi1>, vector<16xf32>
      %add3A_1557 = arith.addf %add3A_1490, %select_n3A_1556 : vector<16xf32>
      %jit3A_1558 = arith.constant 0.000000e+00 : f32
      %broadcast_in_dim3A_1559 = vector.broadcast %jit3A_1558 : f32 to vector<16xf32>
      %select_n3A_1560 = arith.select %ge3A_1548, %mul3A_1542, %broadcast_in_dim3A_1559 : vector<16xi1>, vector<16xf32>
      %add3A_1561 = arith.addf %add3A_1494, %select_n3A_1560 : vector<16xf32>
      %add3A_1562 = arith.addf %add3A_1495, %mul3A_1542 : vector<16xf32>
      %jit3A_1563 = arith.constant 1.000000e+00 : f32
      %jit3A_1564 = arith.constant 0.000000e+00 : f32
      %broadcast_in_dim3A_1565 = vector.broadcast %jit3A_1563 : f32 to vector<16xf32>
      %broadcast_in_dim3A_1566 = vector.broadcast %jit3A_1564 : f32 to vector<16xf32>
      %select_n3A_1567 = arith.select %ge3A_1551, %broadcast_in_dim3A_1565, %broadcast_in_dim3A_1566 : vector<16xi1>, vector<16xf32>
      %add3A_1568 = arith.addf %add3A_1501, %select_n3A_1567 : vector<16xf32>
      %jit3A_1569 = arith.constant 0.000000e+00 : f32
      %broadcast_in_dim3A_1570 = vector.broadcast %jit3A_1569 : f32 to vector<16xf32>
      %select_n3A_1571 = arith.select %ge3A_1551, %mul3A_1545, %broadcast_in_dim3A_1570 : vector<16xi1>, vector<16xf32>
      %add3A_1572 = arith.addf %add3A_1505, %select_n3A_1571 : vector<16xf32>
      %add3A_1573 = arith.addf %add3A_1506, %mul3A_1545 : vector<16xf32>
      scf.yield %add3A_1557, %add3A_1561, %add3A_1562, %add3A_1568, %add3A_1572, %add3A_1573 : vector<16xf32>, vector<16xf32>, vector<16xf32>, vector<16xf32>, vector<16xf32>, vector<16xf32>
    }
    %scan3A_946 = arith.constant 128 : i32
    %dma_wait3A_947 = arith.constant 2 : i32
    %dma_wait3A_948 = arith.constant 0 : i32
    %dma_wait3A_949 = arith.constant 0 : i32
    %dma_wait3A_950 = tpu.memref_slice %arg8[%dma_wait3A_947, %dma_wait3A_948, %dma_wait3A_949] : memref<3x16x512xf32, #tpu.memory_space<vmem>> -> memref<1x16x512xf32, #tpu.memory_space<vmem>>
    %dma_wait3A_951 = tpu.memref_squeeze %dma_wait3A_950 : memref<1x16x512xf32, #tpu.memory_space<vmem>> -> memref<16x512xf32, #tpu.memory_space<vmem>>
    %dma_wait3A_952 = arith.constant 0 : i32
    %dma_wait3A_953 = tpu.memref_slice %arg2[%div3A_1, %add3A_707, %dma_wait3A_952] : memref<16x512x512xf32, #tpu.memory_space<hbm>> -> memref<1x16x512xf32, #tpu.memory_space<hbm>>
    %dma_wait3A_954 = tpu.memref_squeeze %dma_wait3A_953 : memref<1x16x512xf32, #tpu.memory_space<hbm>> -> memref<16x512xf32, #tpu.memory_space<hbm>>
    %dma_wait3A_955 = arith.constant 0 : i32
    %dma_wait3A_956 = arith.constant 0 : i32
    %dma_wait3A_957 = tpu.memref_slice %arg8[%dma_wait3A_947, %dma_wait3A_955, %dma_wait3A_956] : memref<3x16x512xf32, #tpu.memory_space<vmem>> -> memref<1x16x512xf32, #tpu.memory_space<vmem>>
    %dma_wait3A_958 = tpu.memref_squeeze %dma_wait3A_957 : memref<1x16x512xf32, #tpu.memory_space<vmem>> -> memref<16x512xf32, #tpu.memory_space<vmem>>
    %dma_wait3A_959 = arith.constant 0 : i32
    %dma_wait3A_960 = tpu.memref_slice %arg2[%div3A_1, %add3A_707, %dma_wait3A_959] : memref<16x512x512xf32, #tpu.memory_space<hbm>> -> memref<1x16x512xf32, #tpu.memory_space<hbm>>
    %dma_wait3A_961 = tpu.memref_squeeze %dma_wait3A_960 : memref<1x16x512xf32, #tpu.memory_space<hbm>> -> memref<16x512xf32, #tpu.memory_space<hbm>>
    tpu.wait_dma2 semaphore(%arg14 : memref<!tpu.dma_semaphore, #tpu.memory_space<semaphore_mem>>) src(%dma_wait3A_961 : memref<16x512xf32, #tpu.memory_space<hbm>>) dst(%dma_wait3A_958 : memref<16x512xf32, #tpu.memory_space<vmem>>)
    %dma_wait3A_962 = arith.constant 2 : i32
    %dma_wait3A_963 = arith.constant 0 : i32
    %dma_wait3A_964 = arith.constant 0 : i32
    %dma_wait3A_965 = tpu.memref_slice %arg9[%dma_wait3A_962, %dma_wait3A_963, %dma_wait3A_964] : memref<3x16x512xf32, #tpu.memory_space<vmem>> -> memref<1x16x512xf32, #tpu.memory_space<vmem>>
    %dma_wait3A_966 = tpu.memref_squeeze %dma_wait3A_965 : memref<1x16x512xf32, #tpu.memory_space<vmem>> -> memref<16x512xf32, #tpu.memory_space<vmem>>
    %dma_wait3A_967 = arith.constant 0 : i32
    %dma_wait3A_968 = tpu.memref_slice %arg3[%div3A_1, %add3A_707, %dma_wait3A_967] : memref<16x512x512xf32, #tpu.memory_space<hbm>> -> memref<1x16x512xf32, #tpu.memory_space<hbm>>
    %dma_wait3A_969 = tpu.memref_squeeze %dma_wait3A_968 : memref<1x16x512xf32, #tpu.memory_space<hbm>> -> memref<16x512xf32, #tpu.memory_space<hbm>>
    %dma_wait3A_970 = arith.constant 0 : i32
    %dma_wait3A_971 = arith.constant 0 : i32
    %dma_wait3A_972 = tpu.memref_slice %arg9[%dma_wait3A_962, %dma_wait3A_970, %dma_wait3A_971] : memref<3x16x512xf32, #tpu.memory_space<vmem>> -> memref<1x16x512xf32, #tpu.memory_space<vmem>>
    %dma_wait3A_973 = tpu.memref_squeeze %dma_wait3A_972 : memref<1x16x512xf32, #tpu.memory_space<vmem>> -> memref<16x512xf32, #tpu.memory_space<vmem>>
    %dma_wait3A_974 = arith.constant 0 : i32
    %dma_wait3A_975 = tpu.memref_slice %arg3[%div3A_1, %add3A_707, %dma_wait3A_974] : memref<16x512x512xf32, #tpu.memory_space<hbm>> -> memref<1x16x512xf32, #tpu.memory_space<hbm>>
    %dma_wait3A_976 = tpu.memref_squeeze %dma_wait3A_975 : memref<1x16x512xf32, #tpu.memory_space<hbm>> -> memref<16x512xf32, #tpu.memory_space<hbm>>
    tpu.wait_dma2 semaphore(%arg14 : memref<!tpu.dma_semaphore, #tpu.memory_space<semaphore_mem>>) src(%dma_wait3A_976 : memref<16x512xf32, #tpu.memory_space<hbm>>) dst(%dma_wait3A_973 : memref<16x512xf32, #tpu.memory_space<vmem>>)
    %dma_wait3A_977 = arith.constant 2 : i32
    %dma_wait3A_978 = arith.constant 0 : i32
    %dma_wait3A_979 = arith.constant 0 : i32
    %dma_wait3A_980 = tpu.memref_slice %arg10[%dma_wait3A_977, %dma_wait3A_978, %dma_wait3A_979] : memref<3x16x512xf32, #tpu.memory_space<vmem>> -> memref<1x16x512xf32, #tpu.memory_space<vmem>>
    %dma_wait3A_981 = tpu.memref_squeeze %dma_wait3A_980 : memref<1x16x512xf32, #tpu.memory_space<vmem>> -> memref<16x512xf32, #tpu.memory_space<vmem>>
    %dma_wait3A_982 = arith.constant 0 : i32
    %dma_wait3A_983 = tpu.memref_slice %arg4[%div3A_1, %add3A_707, %dma_wait3A_982] : memref<16x512x512xf32, #tpu.memory_space<hbm>> -> memref<1x16x512xf32, #tpu.memory_space<hbm>>
    %dma_wait3A_984 = tpu.memref_squeeze %dma_wait3A_983 : memref<1x16x512xf32, #tpu.memory_space<hbm>> -> memref<16x512xf32, #tpu.memory_space<hbm>>
    %dma_wait3A_985 = arith.constant 0 : i32
    %dma_wait3A_986 = arith.constant 0 : i32
    %dma_wait3A_987 = tpu.memref_slice %arg10[%dma_wait3A_977, %dma_wait3A_985, %dma_wait3A_986] : memref<3x16x512xf32, #tpu.memory_space<vmem>> -> memref<1x16x512xf32, #tpu.memory_space<vmem>>
    %dma_wait3A_988 = tpu.memref_squeeze %dma_wait3A_987 : memref<1x16x512xf32, #tpu.memory_space<vmem>> -> memref<16x512xf32, #tpu.memory_space<vmem>>
    %dma_wait3A_989 = arith.constant 0 : i32
    %dma_wait3A_990 = tpu.memref_slice %arg4[%div3A_1, %add3A_707, %dma_wait3A_989] : memref<16x512x512xf32, #tpu.memory_space<hbm>> -> memref<1x16x512xf32, #tpu.memory_space<hbm>>
    %dma_wait3A_991 = tpu.memref_squeeze %dma_wait3A_990 : memref<1x16x512xf32, #tpu.memory_space<hbm>> -> memref<16x512xf32, #tpu.memory_space<hbm>>
    tpu.wait_dma2 semaphore(%arg14 : memref<!tpu.dma_semaphore, #tpu.memory_space<semaphore_mem>>) src(%dma_wait3A_991 : memref<16x512xf32, #tpu.memory_space<hbm>>) dst(%dma_wait3A_988 : memref<16x512xf32, #tpu.memory_space<vmem>>)
    %dma_wait3A_992 = arith.constant 2 : i32
    %dma_wait3A_993 = arith.constant 0 : i32
    %dma_wait3A_994 = arith.constant 0 : i32
    %dma_wait3A_995 = tpu.memref_slice %arg11[%dma_wait3A_992, %dma_wait3A_993, %dma_wait3A_994] : memref<3x16x512xf32, #tpu.memory_space<vmem>> -> memref<1x16x512xf32, #tpu.memory_space<vmem>>
    %dma_wait3A_996 = tpu.memref_squeeze %dma_wait3A_995 : memref<1x16x512xf32, #tpu.memory_space<vmem>> -> memref<16x512xf32, #tpu.memory_space<vmem>>
    %dma_wait3A_997 = arith.constant 0 : i32
    %dma_wait3A_998 = tpu.memref_slice %arg5[%div3A_1, %add3A_707, %dma_wait3A_997] : memref<16x512x512xf32, #tpu.memory_space<hbm>> -> memref<1x16x512xf32, #tpu.memory_space<hbm>>
    %dma_wait3A_999 = tpu.memref_squeeze %dma_wait3A_998 : memref<1x16x512xf32, #tpu.memory_space<hbm>> -> memref<16x512xf32, #tpu.memory_space<hbm>>
    %dma_wait3A_1000 = arith.constant 0 : i32
    %dma_wait3A_1001 = arith.constant 0 : i32
    %dma_wait3A_1002 = tpu.memref_slice %arg11[%dma_wait3A_992, %dma_wait3A_1000, %dma_wait3A_1001] : memref<3x16x512xf32, #tpu.memory_space<vmem>> -> memref<1x16x512xf32, #tpu.memory_space<vmem>>
    %dma_wait3A_1003 = tpu.memref_squeeze %dma_wait3A_1002 : memref<1x16x512xf32, #tpu.memory_space<vmem>> -> memref<16x512xf32, #tpu.memory_space<vmem>>
    %dma_wait3A_1004 = arith.constant 0 : i32
    %dma_wait3A_1005 = tpu.memref_slice %arg5[%div3A_1, %add3A_707, %dma_wait3A_1004] : memref<16x512x512xf32, #tpu.memory_space<hbm>> -> memref<1x16x512xf32, #tpu.memory_space<hbm>>
    %dma_wait3A_1006 = tpu.memref_squeeze %dma_wait3A_1005 : memref<1x16x512xf32, #tpu.memory_space<hbm>> -> memref<16x512xf32, #tpu.memory_space<hbm>>
    tpu.wait_dma2 semaphore(%arg14 : memref<!tpu.dma_semaphore, #tpu.memory_space<semaphore_mem>>) src(%dma_wait3A_1006 : memref<16x512xf32, #tpu.memory_space<hbm>>) dst(%dma_wait3A_1003 : memref<16x512xf32, #tpu.memory_space<vmem>>)
    %dma_wait3A_1007 = arith.constant 2 : i32
    %dma_wait3A_1008 = arith.constant 0 : i32
    %dma_wait3A_1009 = arith.constant 0 : i32
    %dma_wait3A_1010 = tpu.memref_slice %arg12[%dma_wait3A_1007, %dma_wait3A_1008, %dma_wait3A_1009] : memref<3x16x512xf32, #tpu.memory_space<vmem>> -> memref<1x16x512xf32, #tpu.memory_space<vmem>>
    %dma_wait3A_1011 = tpu.memref_squeeze %dma_wait3A_1010 : memref<1x16x512xf32, #tpu.memory_space<vmem>> -> memref<16x512xf32, #tpu.memory_space<vmem>>
    %dma_wait3A_1012 = arith.constant 0 : i32
    %dma_wait3A_1013 = tpu.memref_slice %arg6[%div3A_1, %add3A_707, %dma_wait3A_1012] : memref<16x512x512xf32, #tpu.memory_space<hbm>> -> memref<1x16x512xf32, #tpu.memory_space<hbm>>
    %dma_wait3A_1014 = tpu.memref_squeeze %dma_wait3A_1013 : memref<1x16x512xf32, #tpu.memory_space<hbm>> -> memref<16x512xf32, #tpu.memory_space<hbm>>
    %dma_wait3A_1015 = arith.constant 0 : i32
    %dma_wait3A_1016 = arith.constant 0 : i32
    %dma_wait3A_1017 = tpu.memref_slice %arg12[%dma_wait3A_1007, %dma_wait3A_1015, %dma_wait3A_1016] : memref<3x16x512xf32, #tpu.memory_space<vmem>> -> memref<1x16x512xf32, #tpu.memory_space<vmem>>
    %dma_wait3A_1018 = tpu.memref_squeeze %dma_wait3A_1017 : memref<1x16x512xf32, #tpu.memory_space<vmem>> -> memref<16x512xf32, #tpu.memory_space<vmem>>
    %dma_wait3A_1019 = arith.constant 0 : i32
    %dma_wait3A_1020 = tpu.memref_slice %arg6[%div3A_1, %add3A_707, %dma_wait3A_1019] : memref<16x512x512xf32, #tpu.memory_space<hbm>> -> memref<1x16x512xf32, #tpu.memory_space<hbm>>
    %dma_wait3A_1021 = tpu.memref_squeeze %dma_wait3A_1020 : memref<1x16x512xf32, #tpu.memory_space<hbm>> -> memref<16x512xf32, #tpu.memory_space<hbm>>
    tpu.wait_dma2 semaphore(%arg14 : memref<!tpu.dma_semaphore, #tpu.memory_space<semaphore_mem>>) src(%dma_wait3A_1021 : memref<16x512xf32, #tpu.memory_space<hbm>>) dst(%dma_wait3A_1018 : memref<16x512xf32, #tpu.memory_space<vmem>>)
    %add3A_1022 = arith.constant 112 : i32
    %add3A_1023 = arith.addi %mul3A_4, %add3A_1022 : i32
    %dma_start3A_1024 = arith.constant 1 : i32
    %dma_start3A_1025 = arith.constant 0 : i32
    %dma_start3A_1026 = arith.constant 0 : i32
    %dma_start3A_1027 = tpu.memref_slice %arg8[%dma_start3A_1024, %dma_start3A_1025, %dma_start3A_1026] : memref<3x16x512xf32, #tpu.memory_space<vmem>> -> memref<1x16x512xf32, #tpu.memory_space<vmem>>
    %dma_start3A_1028 = tpu.memref_squeeze %dma_start3A_1027 : memref<1x16x512xf32, #tpu.memory_space<vmem>> -> memref<16x512xf32, #tpu.memory_space<vmem>>
    %dma_start3A_1029 = arith.constant 0 : i32
    %dma_start3A_1030 = tpu.memref_slice %arg2[%div3A_1, %add3A_1023, %dma_start3A_1029] : memref<16x512x512xf32, #tpu.memory_space<hbm>> -> memref<1x16x512xf32, #tpu.memory_space<hbm>>
    %dma_start3A_1031 = tpu.memref_squeeze %dma_start3A_1030 : memref<1x16x512xf32, #tpu.memory_space<hbm>> -> memref<16x512xf32, #tpu.memory_space<hbm>>
    %dma_start3A_1032 = arith.constant 0 : i32
    %dma_start3A_1033 = arith.constant 0 : i32
    %dma_start3A_1034 = tpu.memref_slice %arg8[%dma_start3A_1024, %dma_start3A_1032, %dma_start3A_1033] : memref<3x16x512xf32, #tpu.memory_space<vmem>> -> memref<1x16x512xf32, #tpu.memory_space<vmem>>
    %dma_start3A_1035 = tpu.memref_squeeze %dma_start3A_1034 : memref<1x16x512xf32, #tpu.memory_space<vmem>> -> memref<16x512xf32, #tpu.memory_space<vmem>>
    %dma_start3A_1036 = arith.constant 0 : i32
    %dma_start3A_1037 = tpu.memref_slice %arg2[%div3A_1, %add3A_1023, %dma_start3A_1036] : memref<16x512x512xf32, #tpu.memory_space<hbm>> -> memref<1x16x512xf32, #tpu.memory_space<hbm>>
    %dma_start3A_1038 = tpu.memref_squeeze %dma_start3A_1037 : memref<1x16x512xf32, #tpu.memory_space<hbm>> -> memref<16x512xf32, #tpu.memory_space<hbm>>
    tpu.enqueue_dma source(%dma_start3A_1038 : memref<16x512xf32, #tpu.memory_space<hbm>>) target(%dma_start3A_1035 : memref<16x512xf32, #tpu.memory_space<vmem>>) target_semaphore(%arg14 : memref<!tpu.dma_semaphore, #tpu.memory_space<semaphore_mem>>)
    %dma_start3A_1039 = arith.constant 1 : i32
    %dma_start3A_1040 = arith.constant 0 : i32
    %dma_start3A_1041 = arith.constant 0 : i32
    %dma_start3A_1042 = tpu.memref_slice %arg9[%dma_start3A_1039, %dma_start3A_1040, %dma_start3A_1041] : memref<3x16x512xf32, #tpu.memory_space<vmem>> -> memref<1x16x512xf32, #tpu.memory_space<vmem>>
    %dma_start3A_1043 = tpu.memref_squeeze %dma_start3A_1042 : memref<1x16x512xf32, #tpu.memory_space<vmem>> -> memref<16x512xf32, #tpu.memory_space<vmem>>
    %dma_start3A_1044 = arith.constant 0 : i32
    %dma_start3A_1045 = tpu.memref_slice %arg3[%div3A_1, %add3A_1023, %dma_start3A_1044] : memref<16x512x512xf32, #tpu.memory_space<hbm>> -> memref<1x16x512xf32, #tpu.memory_space<hbm>>
    %dma_start3A_1046 = tpu.memref_squeeze %dma_start3A_1045 : memref<1x16x512xf32, #tpu.memory_space<hbm>> -> memref<16x512xf32, #tpu.memory_space<hbm>>
    %dma_start3A_1047 = arith.constant 0 : i32
    %dma_start3A_1048 = arith.constant 0 : i32
    %dma_start3A_1049 = tpu.memref_slice %arg9[%dma_start3A_1039, %dma_start3A_1047, %dma_start3A_1048] : memref<3x16x512xf32, #tpu.memory_space<vmem>> -> memref<1x16x512xf32, #tpu.memory_space<vmem>>
    %dma_start3A_1050 = tpu.memref_squeeze %dma_start3A_1049 : memref<1x16x512xf32, #tpu.memory_space<vmem>> -> memref<16x512xf32, #tpu.memory_space<vmem>>
    %dma_start3A_1051 = arith.constant 0 : i32
    %dma_start3A_1052 = tpu.memref_slice %arg3[%div3A_1, %add3A_1023, %dma_start3A_1051] : memref<16x512x512xf32, #tpu.memory_space<hbm>> -> memref<1x16x512xf32, #tpu.memory_space<hbm>>
    %dma_start3A_1053 = tpu.memref_squeeze %dma_start3A_1052 : memref<1x16x512xf32, #tpu.memory_space<hbm>> -> memref<16x512xf32, #tpu.memory_space<hbm>>
    tpu.enqueue_dma source(%dma_start3A_1053 : memref<16x512xf32, #tpu.memory_space<hbm>>) target(%dma_start3A_1050 : memref<16x512xf32, #tpu.memory_space<vmem>>) target_semaphore(%arg14 : memref<!tpu.dma_semaphore, #tpu.memory_space<semaphore_mem>>)
    %dma_start3A_1054 = arith.constant 1 : i32
    %dma_start3A_1055 = arith.constant 0 : i32
    %dma_start3A_1056 = arith.constant 0 : i32
    %dma_start3A_1057 = tpu.memref_slice %arg10[%dma_start3A_1054, %dma_start3A_1055, %dma_start3A_1056] : memref<3x16x512xf32, #tpu.memory_space<vmem>> -> memref<1x16x512xf32, #tpu.memory_space<vmem>>
    %dma_start3A_1058 = tpu.memref_squeeze %dma_start3A_1057 : memref<1x16x512xf32, #tpu.memory_space<vmem>> -> memref<16x512xf32, #tpu.memory_space<vmem>>
    %dma_start3A_1059 = arith.constant 0 : i32
    %dma_start3A_1060 = tpu.memref_slice %arg4[%div3A_1, %add3A_1023, %dma_start3A_1059] : memref<16x512x512xf32, #tpu.memory_space<hbm>> -> memref<1x16x512xf32, #tpu.memory_space<hbm>>
    %dma_start3A_1061 = tpu.memref_squeeze %dma_start3A_1060 : memref<1x16x512xf32, #tpu.memory_space<hbm>> -> memref<16x512xf32, #tpu.memory_space<hbm>>
    %dma_start3A_1062 = arith.constant 0 : i32
    %dma_start3A_1063 = arith.constant 0 : i32
    %dma_start3A_1064 = tpu.memref_slice %arg10[%dma_start3A_1054, %dma_start3A_1062, %dma_start3A_1063] : memref<3x16x512xf32, #tpu.memory_space<vmem>> -> memref<1x16x512xf32, #tpu.memory_space<vmem>>
    %dma_start3A_1065 = tpu.memref_squeeze %dma_start3A_1064 : memref<1x16x512xf32, #tpu.memory_space<vmem>> -> memref<16x512xf32, #tpu.memory_space<vmem>>
    %dma_start3A_1066 = arith.constant 0 : i32
    %dma_start3A_1067 = tpu.memref_slice %arg4[%div3A_1, %add3A_1023, %dma_start3A_1066] : memref<16x512x512xf32, #tpu.memory_space<hbm>> -> memref<1x16x512xf32, #tpu.memory_space<hbm>>
    %dma_start3A_1068 = tpu.memref_squeeze %dma_start3A_1067 : memref<1x16x512xf32, #tpu.memory_space<hbm>> -> memref<16x512xf32, #tpu.memory_space<hbm>>
    tpu.enqueue_dma source(%dma_start3A_1068 : memref<16x512xf32, #tpu.memory_space<hbm>>) target(%dma_start3A_1065 : memref<16x512xf32, #tpu.memory_space<vmem>>) target_semaphore(%arg14 : memref<!tpu.dma_semaphore, #tpu.memory_space<semaphore_mem>>)
    %dma_start3A_1069 = arith.constant 1 : i32
    %dma_start3A_1070 = arith.constant 0 : i32
    %dma_start3A_1071 = arith.constant 0 : i32
    %dma_start3A_1072 = tpu.memref_slice %arg11[%dma_start3A_1069, %dma_start3A_1070, %dma_start3A_1071] : memref<3x16x512xf32, #tpu.memory_space<vmem>> -> memref<1x16x512xf32, #tpu.memory_space<vmem>>
    %dma_start3A_1073 = tpu.memref_squeeze %dma_start3A_1072 : memref<1x16x512xf32, #tpu.memory_space<vmem>> -> memref<16x512xf32, #tpu.memory_space<vmem>>
    %dma_start3A_1074 = arith.constant 0 : i32
    %dma_start3A_1075 = tpu.memref_slice %arg5[%div3A_1, %add3A_1023, %dma_start3A_1074] : memref<16x512x512xf32, #tpu.memory_space<hbm>> -> memref<1x16x512xf32, #tpu.memory_space<hbm>>
    %dma_start3A_1076 = tpu.memref_squeeze %dma_start3A_1075 : memref<1x16x512xf32, #tpu.memory_space<hbm>> -> memref<16x512xf32, #tpu.memory_space<hbm>>
    %dma_start3A_1077 = arith.constant 0 : i32
    %dma_start3A_1078 = arith.constant 0 : i32
    %dma_start3A_1079 = tpu.memref_slice %arg11[%dma_start3A_1069, %dma_start3A_1077, %dma_start3A_1078] : memref<3x16x512xf32, #tpu.memory_space<vmem>> -> memref<1x16x512xf32, #tpu.memory_space<vmem>>
    %dma_start3A_1080 = tpu.memref_squeeze %dma_start3A_1079 : memref<1x16x512xf32, #tpu.memory_space<vmem>> -> memref<16x512xf32, #tpu.memory_space<vmem>>
    %dma_start3A_1081 = arith.constant 0 : i32
    %dma_start3A_1082 = tpu.memref_slice %arg5[%div3A_1, %add3A_1023, %dma_start3A_1081] : memref<16x512x512xf32, #tpu.memory_space<hbm>> -> memref<1x16x512xf32, #tpu.memory_space<hbm>>
    %dma_start3A_1083 = tpu.memref_squeeze %dma_start3A_1082 : memref<1x16x512xf32, #tpu.memory_space<hbm>> -> memref<16x512xf32, #tpu.memory_space<hbm>>
    tpu.enqueue_dma source(%dma_start3A_1083 : memref<16x512xf32, #tpu.memory_space<hbm>>) target(%dma_start3A_1080 : memref<16x512xf32, #tpu.memory_space<vmem>>) target_semaphore(%arg14 : memref<!tpu.dma_semaphore, #tpu.memory_space<semaphore_mem>>)
    %dma_start3A_1084 = arith.constant 1 : i32
    %dma_start3A_1085 = arith.constant 0 : i32
    %dma_start3A_1086 = arith.constant 0 : i32
    %dma_start3A_1087 = tpu.memref_slice %arg12[%dma_start3A_1084, %dma_start3A_1085, %dma_start3A_1086] : memref<3x16x512xf32, #tpu.memory_space<vmem>> -> memref<1x16x512xf32, #tpu.memory_space<vmem>>
    %dma_start3A_1088 = tpu.memref_squeeze %dma_start3A_1087 : memref<1x16x512xf32, #tpu.memory_space<vmem>> -> memref<16x512xf32, #tpu.memory_space<vmem>>
    %dma_start3A_1089 = arith.constant 0 : i32
    %dma_start3A_1090 = tpu.memref_slice %arg6[%div3A_1, %add3A_1023, %dma_start3A_1089] : memref<16x512x512xf32, #tpu.memory_space<hbm>> -> memref<1x16x512xf32, #tpu.memory_space<hbm>>
    %dma_start3A_1091 = tpu.memref_squeeze %dma_start3A_1090 : memref<1x16x512xf32, #tpu.memory_space<hbm>> -> memref<16x512xf32, #tpu.memory_space<hbm>>
    %dma_start3A_1092 = arith.constant 0 : i32
    %dma_start3A_1093 = arith.constant 0 : i32
    %dma_start3A_1094 = tpu.memref_slice %arg12[%dma_start3A_1084, %dma_start3A_1092, %dma_start3A_1093] : memref<3x16x512xf32, #tpu.memory_space<vmem>> -> memref<1x16x512xf32, #tpu.memory_space<vmem>>
    %dma_start3A_1095 = tpu.memref_squeeze %dma_start3A_1094 : memref<1x16x512xf32, #tpu.memory_space<vmem>> -> memref<16x512xf32, #tpu.memory_space<vmem>>
    %dma_start3A_1096 = arith.constant 0 : i32
    %dma_start3A_1097 = tpu.memref_slice %arg6[%div3A_1, %add3A_1023, %dma_start3A_1096] : memref<16x512x512xf32, #tpu.memory_space<hbm>> -> memref<1x16x512xf32, #tpu.memory_space<hbm>>
    %dma_start3A_1098 = tpu.memref_squeeze %dma_start3A_1097 : memref<1x16x512xf32, #tpu.memory_space<hbm>> -> memref<16x512xf32, #tpu.memory_space<hbm>>
    tpu.enqueue_dma source(%dma_start3A_1098 : memref<16x512xf32, #tpu.memory_space<hbm>>) target(%dma_start3A_1095 : memref<16x512xf32, #tpu.memory_space<vmem>>) target_semaphore(%arg14 : memref<!tpu.dma_semaphore, #tpu.memory_space<semaphore_mem>>)
    %scan3A_1099 = arith.constant 0 : i32
    %scan3A_1100 = arith.constant 128 : i32
    %scan3A_1101 = arith.addi %scan3A_1099, %scan3A_1100 : i32
    %scan3A_1102 = arith.constant 1 : i32
    %scan3A_1103:6 = scf.for %scan3A_1302 = %scan3A_1099 to %scan3A_1101 step %scan3A_1102 iter_args(%scan3A_1303 = %scan3A_945#0, %scan3A_1304 = %scan3A_945#1, %scan3A_1305 = %scan3A_945#2, %scan3A_1306 = %scan3A_945#3, %scan3A_1307 = %scan3A_945#4, %scan3A_1308 = %scan3A_945#5) -> (vector<16xf32>, vector<16xf32>, vector<16xf32>, vector<16xf32>, vector<16xf32>, vector<16xf32>)  : i32 {
      %shift_right_logical3A = arith.constant 3 : i32
      %shift_right_logical3A_1309 = arith.shrui %scan3A_1302, %shift_right_logical3A : i32
      %and3A = arith.constant 7 : i32
      %and3A_1310 = arith.andi %scan3A_1302, %and3A : i32
      %shift_left3A = arith.constant 6 : i32
      %shift_left3A_1311 = arith.shli %and3A_1310, %shift_left3A : i32
      %add3A_1312 = arith.constant 0 : i32
      %add3A_1313 = arith.addi %shift_left3A_1311, %add3A_1312 : i32
      %multiple_of3A = tpu.assume_multiple %add3A_1313, 16 : i32
      %get3A = arith.constant 2 : i32
      %get3A_1314 = arith.index_cast %get3A : i32 to index
      %get3A_1315 = arith.index_cast %shift_right_logical3A_1309 : i32 to index
      %get3A_1316 = arith.index_cast %multiple_of3A : i32 to index
      %get3A_1317 = tpu.vector_load %arg8[%get3A_1314, %get3A_1315, %get3A_1316] {strides = array<i32>} : memref<3x16x512xf32, #tpu.memory_space<vmem>>, vector<1x1x16xf32>,
      %get3A_1318 = vector.shape_cast %get3A_1317 : vector<1x1x16xf32> to vector<16xf32>
      %get3A_1319 = arith.constant 2 : i32
      %get3A_1320 = arith.index_cast %get3A_1319 : i32 to index
      %get3A_1321 = arith.index_cast %shift_right_logical3A_1309 : i32 to index
      %get3A_1322 = arith.index_cast %multiple_of3A : i32 to index
      %get3A_1323 = tpu.vector_load %arg9[%get3A_1320, %get3A_1321, %get3A_1322] {strides = array<i32>} : memref<3x16x512xf32, #tpu.memory_space<vmem>>, vector<1x1x16xf32>,
      %get3A_1324 = vector.shape_cast %get3A_1323 : vector<1x1x16xf32> to vector<16xf32>
      %get3A_1325 = arith.constant 2 : i32
      %get3A_1326 = arith.index_cast %get3A_1325 : i32 to index
      %get3A_1327 = arith.index_cast %shift_right_logical3A_1309 : i32 to index
      %get3A_1328 = arith.index_cast %multiple_of3A : i32 to index
      %get3A_1329 = tpu.vector_load %arg10[%get3A_1326, %get3A_1327, %get3A_1328] {strides = array<i32>} : memref<3x16x512xf32, #tpu.memory_space<vmem>>, vector<1x1x16xf32>,
      %get3A_1330 = vector.shape_cast %get3A_1329 : vector<1x1x16xf32> to vector<16xf32>
      %get3A_1331 = arith.constant 2 : i32
      %get3A_1332 = arith.index_cast %get3A_1331 : i32 to index
      %get3A_1333 = arith.index_cast %shift_right_logical3A_1309 : i32 to index
      %get3A_1334 = arith.index_cast %multiple_of3A : i32 to index
      %get3A_1335 = tpu.vector_load %arg11[%get3A_1332, %get3A_1333, %get3A_1334] {strides = array<i32>} : memref<3x16x512xf32, #tpu.memory_space<vmem>>, vector<1x1x16xf32>,
      %get3A_1336 = vector.shape_cast %get3A_1335 : vector<1x1x16xf32> to vector<16xf32>
      %get3A_1337 = arith.constant 2 : i32
      %get3A_1338 = arith.index_cast %get3A_1337 : i32 to index
      %get3A_1339 = arith.index_cast %shift_right_logical3A_1309 : i32 to index
      %get3A_1340 = arith.index_cast %multiple_of3A : i32 to index
      %get3A_1341 = tpu.vector_load %arg12[%get3A_1338, %get3A_1339, %get3A_1340] {strides = array<i32>} : memref<3x16x512xf32, #tpu.memory_space<vmem>>, vector<1x1x16xf32>,
      %get3A_1342 = vector.shape_cast %get3A_1341 : vector<1x1x16xf32> to vector<16xf32>
      %sub3A = arith.subf %get3A_1330, %get3A_1318 : vector<16xf32>
      %mul3A_1343 = arith.mulf %sub3A, %sub3A : vector<16xf32>
      %mul3A_1344 = arith.mulf %mul3A_1343, %get3A_1342 : vector<16xf32>
      %sub3A_1345 = arith.subf %get3A_1336, %get3A_1324 : vector<16xf32>
      %mul3A_1346 = arith.mulf %sub3A_1345, %sub3A_1345 : vector<16xf32>
      %mul3A_1347 = arith.mulf %mul3A_1346, %get3A_1342 : vector<16xf32>
      %ge3A = arith.constant 1.000000e-01 : f32
      %ge3A_1348 = vector.broadcast %ge3A : f32 to vector<16xf32>
      %ge3A_1349 = arith.cmpf oge, %get3A_1318, %ge3A_1348 : vector<16xf32>
      %ge3A_1350 = arith.constant 1.000000e-01 : f32
      %ge3A_1351 = vector.broadcast %ge3A_1350 : f32 to vector<16xf32>
      %ge3A_1352 = arith.cmpf oge, %get3A_1324, %ge3A_1351 : vector<16xf32>
      %jit3A = arith.constant 1.000000e+00 : f32
      %jit3A_1353 = arith.constant 0.000000e+00 : f32
      %broadcast_in_dim3A_1354 = vector.broadcast %jit3A : f32 to vector<16xf32>
      %broadcast_in_dim3A_1355 = vector.broadcast %jit3A_1353 : f32 to vector<16xf32>
      %select_n3A = arith.select %ge3A_1349, %broadcast_in_dim3A_1354, %broadcast_in_dim3A_1355 : vector<16xi1>, vector<16xf32>
      %add3A_1356 = arith.addf %scan3A_1303, %select_n3A : vector<16xf32>
      %jit3A_1357 = arith.constant 0.000000e+00 : f32
      %broadcast_in_dim3A_1358 = vector.broadcast %jit3A_1357 : f32 to vector<16xf32>
      %select_n3A_1359 = arith.select %ge3A_1349, %mul3A_1344, %broadcast_in_dim3A_1358 : vector<16xi1>, vector<16xf32>
      %add3A_1360 = arith.addf %scan3A_1304, %select_n3A_1359 : vector<16xf32>
      %add3A_1361 = arith.addf %scan3A_1305, %mul3A_1344 : vector<16xf32>
      %jit3A_1362 = arith.constant 1.000000e+00 : f32
      %jit3A_1363 = arith.constant 0.000000e+00 : f32
      %broadcast_in_dim3A_1364 = vector.broadcast %jit3A_1362 : f32 to vector<16xf32>
      %broadcast_in_dim3A_1365 = vector.broadcast %jit3A_1363 : f32 to vector<16xf32>
      %select_n3A_1366 = arith.select %ge3A_1352, %broadcast_in_dim3A_1364, %broadcast_in_dim3A_1365 : vector<16xi1>, vector<16xf32>
      %add3A_1367 = arith.addf %scan3A_1306, %select_n3A_1366 : vector<16xf32>
      %jit3A_1368 = arith.constant 0.000000e+00 : f32
      %broadcast_in_dim3A_1369 = vector.broadcast %jit3A_1368 : f32 to vector<16xf32>
      %select_n3A_1370 = arith.select %ge3A_1352, %mul3A_1347, %broadcast_in_dim3A_1369 : vector<16xi1>, vector<16xf32>
      %add3A_1371 = arith.addf %scan3A_1307, %select_n3A_1370 : vector<16xf32>
      %add3A_1372 = arith.addf %scan3A_1308, %mul3A_1347 : vector<16xf32>
      %add3A_1373 = arith.constant 16 : i32
      %add3A_1374 = arith.addi %shift_left3A_1311, %add3A_1373 : i32
      %multiple_of3A_1375 = tpu.assume_multiple %add3A_1374, 16 : i32
      %get3A_1376 = arith.constant 2 : i32
      %get3A_1377 = arith.index_cast %get3A_1376 : i32 to index
      %get3A_1378 = arith.index_cast %shift_right_logical3A_1309 : i32 to index
      %get3A_1379 = arith.index_cast %multiple_of3A_1375 : i32 to index
      %get3A_1380 = tpu.vector_load %arg8[%get3A_1377, %get3A_1378, %get3A_1379] {strides = array<i32>} : memref<3x16x512xf32, #tpu.memory_space<vmem>>, vector<1x1x16xf32>,
      %get3A_1381 = vector.shape_cast %get3A_1380 : vector<1x1x16xf32> to vector<16xf32>
      %get3A_1382 = arith.constant 2 : i32
      %get3A_1383 = arith.index_cast %get3A_1382 : i32 to index
      %get3A_1384 = arith.index_cast %shift_right_logical3A_1309 : i32 to index
      %get3A_1385 = arith.index_cast %multiple_of3A_1375 : i32 to index
      %get3A_1386 = tpu.vector_load %arg9[%get3A_1383, %get3A_1384, %get3A_1385] {strides = array<i32>} : memref<3x16x512xf32, #tpu.memory_space<vmem>>, vector<1x1x16xf32>,
      %get3A_1387 = vector.shape_cast %get3A_1386 : vector<1x1x16xf32> to vector<16xf32>
      %get3A_1388 = arith.constant 2 : i32
      %get3A_1389 = arith.index_cast %get3A_1388 : i32 to index
      %get3A_1390 = arith.index_cast %shift_right_logical3A_1309 : i32 to index
      %get3A_1391 = arith.index_cast %multiple_of3A_1375 : i32 to index
      %get3A_1392 = tpu.vector_load %arg10[%get3A_1389, %get3A_1390, %get3A_1391] {strides = array<i32>} : memref<3x16x512xf32, #tpu.memory_space<vmem>>, vector<1x1x16xf32>,
      %get3A_1393 = vector.shape_cast %get3A_1392 : vector<1x1x16xf32> to vector<16xf32>
      %get3A_1394 = arith.constant 2 : i32
      %get3A_1395 = arith.index_cast %get3A_1394 : i32 to index
      %get3A_1396 = arith.index_cast %shift_right_logical3A_1309 : i32 to index
      %get3A_1397 = arith.index_cast %multiple_of3A_1375 : i32 to index
      %get3A_1398 = tpu.vector_load %arg11[%get3A_1395, %get3A_1396, %get3A_1397] {strides = array<i32>} : memref<3x16x512xf32, #tpu.memory_space<vmem>>, vector<1x1x16xf32>,
      %get3A_1399 = vector.shape_cast %get3A_1398 : vector<1x1x16xf32> to vector<16xf32>
      %get3A_1400 = arith.constant 2 : i32
      %get3A_1401 = arith.index_cast %get3A_1400 : i32 to index
      %get3A_1402 = arith.index_cast %shift_right_logical3A_1309 : i32 to index
      %get3A_1403 = arith.index_cast %multiple_of3A_1375 : i32 to index
      %get3A_1404 = tpu.vector_load %arg12[%get3A_1401, %get3A_1402, %get3A_1403] {strides = array<i32>} : memref<3x16x512xf32, #tpu.memory_space<vmem>>, vector<1x1x16xf32>,
      %get3A_1405 = vector.shape_cast %get3A_1404 : vector<1x1x16xf32> to vector<16xf32>
      %sub3A_1406 = arith.subf %get3A_1393, %get3A_1381 : vector<16xf32>
      %mul3A_1407 = arith.mulf %sub3A_1406, %sub3A_1406 : vector<16xf32>
      %mul3A_1408 = arith.mulf %mul3A_1407, %get3A_1405 : vector<16xf32>
      %sub3A_1409 = arith.subf %get3A_1399, %get3A_1387 : vector<16xf32>
      %mul3A_1410 = arith.mulf %sub3A_1409, %sub3A_1409 : vector<16xf32>
      %mul3A_1411 = arith.mulf %mul3A_1410, %get3A_1405 : vector<16xf32>
      %ge3A_1412 = arith.constant 1.000000e-01 : f32
      %ge3A_1413 = vector.broadcast %ge3A_1412 : f32 to vector<16xf32>
      %ge3A_1414 = arith.cmpf oge, %get3A_1381, %ge3A_1413 : vector<16xf32>
      %ge3A_1415 = arith.constant 1.000000e-01 : f32
      %ge3A_1416 = vector.broadcast %ge3A_1415 : f32 to vector<16xf32>
      %ge3A_1417 = arith.cmpf oge, %get3A_1387, %ge3A_1416 : vector<16xf32>
      %jit3A_1418 = arith.constant 1.000000e+00 : f32
      %jit3A_1419 = arith.constant 0.000000e+00 : f32
      %broadcast_in_dim3A_1420 = vector.broadcast %jit3A_1418 : f32 to vector<16xf32>
      %broadcast_in_dim3A_1421 = vector.broadcast %jit3A_1419 : f32 to vector<16xf32>
      %select_n3A_1422 = arith.select %ge3A_1414, %broadcast_in_dim3A_1420, %broadcast_in_dim3A_1421 : vector<16xi1>, vector<16xf32>
      %add3A_1423 = arith.addf %add3A_1356, %select_n3A_1422 : vector<16xf32>
      %jit3A_1424 = arith.constant 0.000000e+00 : f32
      %broadcast_in_dim3A_1425 = vector.broadcast %jit3A_1424 : f32 to vector<16xf32>
      %select_n3A_1426 = arith.select %ge3A_1414, %mul3A_1408, %broadcast_in_dim3A_1425 : vector<16xi1>, vector<16xf32>
      %add3A_1427 = arith.addf %add3A_1360, %select_n3A_1426 : vector<16xf32>
      %add3A_1428 = arith.addf %add3A_1361, %mul3A_1408 : vector<16xf32>
      %jit3A_1429 = arith.constant 1.000000e+00 : f32
      %jit3A_1430 = arith.constant 0.000000e+00 : f32
      %broadcast_in_dim3A_1431 = vector.broadcast %jit3A_1429 : f32 to vector<16xf32>
      %broadcast_in_dim3A_1432 = vector.broadcast %jit3A_1430 : f32 to vector<16xf32>
      %select_n3A_1433 = arith.select %ge3A_1417, %broadcast_in_dim3A_1431, %broadcast_in_dim3A_1432 : vector<16xi1>, vector<16xf32>
      %add3A_1434 = arith.addf %add3A_1367, %select_n3A_1433 : vector<16xf32>
      %jit3A_1435 = arith.constant 0.000000e+00 : f32
      %broadcast_in_dim3A_1436 = vector.broadcast %jit3A_1435 : f32 to vector<16xf32>
      %select_n3A_1437 = arith.select %ge3A_1417, %mul3A_1411, %broadcast_in_dim3A_1436 : vector<16xi1>, vector<16xf32>
      %add3A_1438 = arith.addf %add3A_1371, %select_n3A_1437 : vector<16xf32>
      %add3A_1439 = arith.addf %add3A_1372, %mul3A_1411 : vector<16xf32>
      %add3A_1440 = arith.constant 32 : i32
      %add3A_1441 = arith.addi %shift_left3A_1311, %add3A_1440 : i32
      %multiple_of3A_1442 = tpu.assume_multiple %add3A_1441, 16 : i32
      %get3A_1443 = arith.constant 2 : i32
      %get3A_1444 = arith.index_cast %get3A_1443 : i32 to index
      %get3A_1445 = arith.index_cast %shift_right_logical3A_1309 : i32 to index
      %get3A_1446 = arith.index_cast %multiple_of3A_1442 : i32 to index
      %get3A_1447 = tpu.vector_load %arg8[%get3A_1444, %get3A_1445, %get3A_1446] {strides = array<i32>} : memref<3x16x512xf32, #tpu.memory_space<vmem>>, vector<1x1x16xf32>,
      %get3A_1448 = vector.shape_cast %get3A_1447 : vector<1x1x16xf32> to vector<16xf32>
      %get3A_1449 = arith.constant 2 : i32
      %get3A_1450 = arith.index_cast %get3A_1449 : i32 to index
      %get3A_1451 = arith.index_cast %shift_right_logical3A_1309 : i32 to index
      %get3A_1452 = arith.index_cast %multiple_of3A_1442 : i32 to index
      %get3A_1453 = tpu.vector_load %arg9[%get3A_1450, %get3A_1451, %get3A_1452] {strides = array<i32>} : memref<3x16x512xf32, #tpu.memory_space<vmem>>, vector<1x1x16xf32>,
      %get3A_1454 = vector.shape_cast %get3A_1453 : vector<1x1x16xf32> to vector<16xf32>
      %get3A_1455 = arith.constant 2 : i32
      %get3A_1456 = arith.index_cast %get3A_1455 : i32 to index
      %get3A_1457 = arith.index_cast %shift_right_logical3A_1309 : i32 to index
      %get3A_1458 = arith.index_cast %multiple_of3A_1442 : i32 to index
      %get3A_1459 = tpu.vector_load %arg10[%get3A_1456, %get3A_1457, %get3A_1458] {strides = array<i32>} : memref<3x16x512xf32, #tpu.memory_space<vmem>>, vector<1x1x16xf32>,
      %get3A_1460 = vector.shape_cast %get3A_1459 : vector<1x1x16xf32> to vector<16xf32>
      %get3A_1461 = arith.constant 2 : i32
      %get3A_1462 = arith.index_cast %get3A_1461 : i32 to index
      %get3A_1463 = arith.index_cast %shift_right_logical3A_1309 : i32 to index
      %get3A_1464 = arith.index_cast %multiple_of3A_1442 : i32 to index
      %get3A_1465 = tpu.vector_load %arg11[%get3A_1462, %get3A_1463, %get3A_1464] {strides = array<i32>} : memref<3x16x512xf32, #tpu.memory_space<vmem>>, vector<1x1x16xf32>,
      %get3A_1466 = vector.shape_cast %get3A_1465 : vector<1x1x16xf32> to vector<16xf32>
      %get3A_1467 = arith.constant 2 : i32
      %get3A_1468 = arith.index_cast %get3A_1467 : i32 to index
      %get3A_1469 = arith.index_cast %shift_right_logical3A_1309 : i32 to index
      %get3A_1470 = arith.index_cast %multiple_of3A_1442 : i32 to index
      %get3A_1471 = tpu.vector_load %arg12[%get3A_1468, %get3A_1469, %get3A_1470] {strides = array<i32>} : memref<3x16x512xf32, #tpu.memory_space<vmem>>, vector<1x1x16xf32>,
      %get3A_1472 = vector.shape_cast %get3A_1471 : vector<1x1x16xf32> to vector<16xf32>
      %sub3A_1473 = arith.subf %get3A_1460, %get3A_1448 : vector<16xf32>
      %mul3A_1474 = arith.mulf %sub3A_1473, %sub3A_1473 : vector<16xf32>
      %mul3A_1475 = arith.mulf %mul3A_1474, %get3A_1472 : vector<16xf32>
      %sub3A_1476 = arith.subf %get3A_1466, %get3A_1454 : vector<16xf32>
      %mul3A_1477 = arith.mulf %sub3A_1476, %sub3A_1476 : vector<16xf32>
      %mul3A_1478 = arith.mulf %mul3A_1477, %get3A_1472 : vector<16xf32>
      %ge3A_1479 = arith.constant 1.000000e-01 : f32
      %ge3A_1480 = vector.broadcast %ge3A_1479 : f32 to vector<16xf32>
      %ge3A_1481 = arith.cmpf oge, %get3A_1448, %ge3A_1480 : vector<16xf32>
      %ge3A_1482 = arith.constant 1.000000e-01 : f32
      %ge3A_1483 = vector.broadcast %ge3A_1482 : f32 to vector<16xf32>
      %ge3A_1484 = arith.cmpf oge, %get3A_1454, %ge3A_1483 : vector<16xf32>
      %jit3A_1485 = arith.constant 1.000000e+00 : f32
      %jit3A_1486 = arith.constant 0.000000e+00 : f32
      %broadcast_in_dim3A_1487 = vector.broadcast %jit3A_1485 : f32 to vector<16xf32>
      %broadcast_in_dim3A_1488 = vector.broadcast %jit3A_1486 : f32 to vector<16xf32>
      %select_n3A_1489 = arith.select %ge3A_1481, %broadcast_in_dim3A_1487, %broadcast_in_dim3A_1488 : vector<16xi1>, vector<16xf32>
      %add3A_1490 = arith.addf %add3A_1423, %select_n3A_1489 : vector<16xf32>
      %jit3A_1491 = arith.constant 0.000000e+00 : f32
      %broadcast_in_dim3A_1492 = vector.broadcast %jit3A_1491 : f32 to vector<16xf32>
      %select_n3A_1493 = arith.select %ge3A_1481, %mul3A_1475, %broadcast_in_dim3A_1492 : vector<16xi1>, vector<16xf32>
      %add3A_1494 = arith.addf %add3A_1427, %select_n3A_1493 : vector<16xf32>
      %add3A_1495 = arith.addf %add3A_1428, %mul3A_1475 : vector<16xf32>
      %jit3A_1496 = arith.constant 1.000000e+00 : f32
      %jit3A_1497 = arith.constant 0.000000e+00 : f32
      %broadcast_in_dim3A_1498 = vector.broadcast %jit3A_1496 : f32 to vector<16xf32>
      %broadcast_in_dim3A_1499 = vector.broadcast %jit3A_1497 : f32 to vector<16xf32>
      %select_n3A_1500 = arith.select %ge3A_1484, %broadcast_in_dim3A_1498, %broadcast_in_dim3A_1499 : vector<16xi1>, vector<16xf32>
      %add3A_1501 = arith.addf %add3A_1434, %select_n3A_1500 : vector<16xf32>
      %jit3A_1502 = arith.constant 0.000000e+00 : f32
      %broadcast_in_dim3A_1503 = vector.broadcast %jit3A_1502 : f32 to vector<16xf32>
      %select_n3A_1504 = arith.select %ge3A_1484, %mul3A_1478, %broadcast_in_dim3A_1503 : vector<16xi1>, vector<16xf32>
      %add3A_1505 = arith.addf %add3A_1438, %select_n3A_1504 : vector<16xf32>
      %add3A_1506 = arith.addf %add3A_1439, %mul3A_1478 : vector<16xf32>
      %add3A_1507 = arith.constant 48 : i32
      %add3A_1508 = arith.addi %shift_left3A_1311, %add3A_1507 : i32
      %multiple_of3A_1509 = tpu.assume_multiple %add3A_1508, 16 : i32
      %get3A_1510 = arith.constant 2 : i32
      %get3A_1511 = arith.index_cast %get3A_1510 : i32 to index
      %get3A_1512 = arith.index_cast %shift_right_logical3A_1309 : i32 to index
      %get3A_1513 = arith.index_cast %multiple_of3A_1509 : i32 to index
      %get3A_1514 = tpu.vector_load %arg8[%get3A_1511, %get3A_1512, %get3A_1513] {strides = array<i32>} : memref<3x16x512xf32, #tpu.memory_space<vmem>>, vector<1x1x16xf32>,
      %get3A_1515 = vector.shape_cast %get3A_1514 : vector<1x1x16xf32> to vector<16xf32>
      %get3A_1516 = arith.constant 2 : i32
      %get3A_1517 = arith.index_cast %get3A_1516 : i32 to index
      %get3A_1518 = arith.index_cast %shift_right_logical3A_1309 : i32 to index
      %get3A_1519 = arith.index_cast %multiple_of3A_1509 : i32 to index
      %get3A_1520 = tpu.vector_load %arg9[%get3A_1517, %get3A_1518, %get3A_1519] {strides = array<i32>} : memref<3x16x512xf32, #tpu.memory_space<vmem>>, vector<1x1x16xf32>,
      %get3A_1521 = vector.shape_cast %get3A_1520 : vector<1x1x16xf32> to vector<16xf32>
      %get3A_1522 = arith.constant 2 : i32
      %get3A_1523 = arith.index_cast %get3A_1522 : i32 to index
      %get3A_1524 = arith.index_cast %shift_right_logical3A_1309 : i32 to index
      %get3A_1525 = arith.index_cast %multiple_of3A_1509 : i32 to index
      %get3A_1526 = tpu.vector_load %arg10[%get3A_1523, %get3A_1524, %get3A_1525] {strides = array<i32>} : memref<3x16x512xf32, #tpu.memory_space<vmem>>, vector<1x1x16xf32>,
      %get3A_1527 = vector.shape_cast %get3A_1526 : vector<1x1x16xf32> to vector<16xf32>
      %get3A_1528 = arith.constant 2 : i32
      %get3A_1529 = arith.index_cast %get3A_1528 : i32 to index
      %get3A_1530 = arith.index_cast %shift_right_logical3A_1309 : i32 to index
      %get3A_1531 = arith.index_cast %multiple_of3A_1509 : i32 to index
      %get3A_1532 = tpu.vector_load %arg11[%get3A_1529, %get3A_1530, %get3A_1531] {strides = array<i32>} : memref<3x16x512xf32, #tpu.memory_space<vmem>>, vector<1x1x16xf32>,
      %get3A_1533 = vector.shape_cast %get3A_1532 : vector<1x1x16xf32> to vector<16xf32>
      %get3A_1534 = arith.constant 2 : i32
      %get3A_1535 = arith.index_cast %get3A_1534 : i32 to index
      %get3A_1536 = arith.index_cast %shift_right_logical3A_1309 : i32 to index
      %get3A_1537 = arith.index_cast %multiple_of3A_1509 : i32 to index
      %get3A_1538 = tpu.vector_load %arg12[%get3A_1535, %get3A_1536, %get3A_1537] {strides = array<i32>} : memref<3x16x512xf32, #tpu.memory_space<vmem>>, vector<1x1x16xf32>,
      %get3A_1539 = vector.shape_cast %get3A_1538 : vector<1x1x16xf32> to vector<16xf32>
      %sub3A_1540 = arith.subf %get3A_1527, %get3A_1515 : vector<16xf32>
      %mul3A_1541 = arith.mulf %sub3A_1540, %sub3A_1540 : vector<16xf32>
      %mul3A_1542 = arith.mulf %mul3A_1541, %get3A_1539 : vector<16xf32>
      %sub3A_1543 = arith.subf %get3A_1533, %get3A_1521 : vector<16xf32>
      %mul3A_1544 = arith.mulf %sub3A_1543, %sub3A_1543 : vector<16xf32>
      %mul3A_1545 = arith.mulf %mul3A_1544, %get3A_1539 : vector<16xf32>
      %ge3A_1546 = arith.constant 1.000000e-01 : f32
      %ge3A_1547 = vector.broadcast %ge3A_1546 : f32 to vector<16xf32>
      %ge3A_1548 = arith.cmpf oge, %get3A_1515, %ge3A_1547 : vector<16xf32>
      %ge3A_1549 = arith.constant 1.000000e-01 : f32
      %ge3A_1550 = vector.broadcast %ge3A_1549 : f32 to vector<16xf32>
      %ge3A_1551 = arith.cmpf oge, %get3A_1521, %ge3A_1550 : vector<16xf32>
      %jit3A_1552 = arith.constant 1.000000e+00 : f32
      %jit3A_1553 = arith.constant 0.000000e+00 : f32
      %broadcast_in_dim3A_1554 = vector.broadcast %jit3A_1552 : f32 to vector<16xf32>
      %broadcast_in_dim3A_1555 = vector.broadcast %jit3A_1553 : f32 to vector<16xf32>
      %select_n3A_1556 = arith.select %ge3A_1548, %broadcast_in_dim3A_1554, %broadcast_in_dim3A_1555 : vector<16xi1>, vector<16xf32>
      %add3A_1557 = arith.addf %add3A_1490, %select_n3A_1556 : vector<16xf32>
      %jit3A_1558 = arith.constant 0.000000e+00 : f32
      %broadcast_in_dim3A_1559 = vector.broadcast %jit3A_1558 : f32 to vector<16xf32>
      %select_n3A_1560 = arith.select %ge3A_1548, %mul3A_1542, %broadcast_in_dim3A_1559 : vector<16xi1>, vector<16xf32>
      %add3A_1561 = arith.addf %add3A_1494, %select_n3A_1560 : vector<16xf32>
      %add3A_1562 = arith.addf %add3A_1495, %mul3A_1542 : vector<16xf32>
      %jit3A_1563 = arith.constant 1.000000e+00 : f32
      %jit3A_1564 = arith.constant 0.000000e+00 : f32
      %broadcast_in_dim3A_1565 = vector.broadcast %jit3A_1563 : f32 to vector<16xf32>
      %broadcast_in_dim3A_1566 = vector.broadcast %jit3A_1564 : f32 to vector<16xf32>
      %select_n3A_1567 = arith.select %ge3A_1551, %broadcast_in_dim3A_1565, %broadcast_in_dim3A_1566 : vector<16xi1>, vector<16xf32>
      %add3A_1568 = arith.addf %add3A_1501, %select_n3A_1567 : vector<16xf32>
      %jit3A_1569 = arith.constant 0.000000e+00 : f32
      %broadcast_in_dim3A_1570 = vector.broadcast %jit3A_1569 : f32 to vector<16xf32>
      %select_n3A_1571 = arith.select %ge3A_1551, %mul3A_1545, %broadcast_in_dim3A_1570 : vector<16xi1>, vector<16xf32>
      %add3A_1572 = arith.addf %add3A_1505, %select_n3A_1571 : vector<16xf32>
      %add3A_1573 = arith.addf %add3A_1506, %mul3A_1545 : vector<16xf32>
      scf.yield %add3A_1557, %add3A_1561, %add3A_1562, %add3A_1568, %add3A_1572, %add3A_1573 : vector<16xf32>, vector<16xf32>, vector<16xf32>, vector<16xf32>, vector<16xf32>, vector<16xf32>
    }
    %scan3A_1104 = arith.constant 128 : i32
    %dma_wait3A_1105 = arith.constant 0 : i32
    %dma_wait3A_1106 = arith.constant 0 : i32
    %dma_wait3A_1107 = arith.constant 0 : i32
    %dma_wait3A_1108 = tpu.memref_slice %arg8[%dma_wait3A_1105, %dma_wait3A_1106, %dma_wait3A_1107] : memref<3x16x512xf32, #tpu.memory_space<vmem>> -> memref<1x16x512xf32, #tpu.memory_space<vmem>>
    %dma_wait3A_1109 = tpu.memref_squeeze %dma_wait3A_1108 : memref<1x16x512xf32, #tpu.memory_space<vmem>> -> memref<16x512xf32, #tpu.memory_space<vmem>>
    %dma_wait3A_1110 = arith.constant 0 : i32
    %dma_wait3A_1111 = tpu.memref_slice %arg2[%div3A_1, %add3A_865, %dma_wait3A_1110] : memref<16x512x512xf32, #tpu.memory_space<hbm>> -> memref<1x16x512xf32, #tpu.memory_space<hbm>>
    %dma_wait3A_1112 = tpu.memref_squeeze %dma_wait3A_1111 : memref<1x16x512xf32, #tpu.memory_space<hbm>> -> memref<16x512xf32, #tpu.memory_space<hbm>>
    %dma_wait3A_1113 = arith.constant 0 : i32
    %dma_wait3A_1114 = arith.constant 0 : i32
    %dma_wait3A_1115 = tpu.memref_slice %arg8[%dma_wait3A_1105, %dma_wait3A_1113, %dma_wait3A_1114] : memref<3x16x512xf32, #tpu.memory_space<vmem>> -> memref<1x16x512xf32, #tpu.memory_space<vmem>>
    %dma_wait3A_1116 = tpu.memref_squeeze %dma_wait3A_1115 : memref<1x16x512xf32, #tpu.memory_space<vmem>> -> memref<16x512xf32, #tpu.memory_space<vmem>>
    %dma_wait3A_1117 = arith.constant 0 : i32
    %dma_wait3A_1118 = tpu.memref_slice %arg2[%div3A_1, %add3A_865, %dma_wait3A_1117] : memref<16x512x512xf32, #tpu.memory_space<hbm>> -> memref<1x16x512xf32, #tpu.memory_space<hbm>>
    %dma_wait3A_1119 = tpu.memref_squeeze %dma_wait3A_1118 : memref<1x16x512xf32, #tpu.memory_space<hbm>> -> memref<16x512xf32, #tpu.memory_space<hbm>>
    tpu.wait_dma2 semaphore(%arg14 : memref<!tpu.dma_semaphore, #tpu.memory_space<semaphore_mem>>) src(%dma_wait3A_1119 : memref<16x512xf32, #tpu.memory_space<hbm>>) dst(%dma_wait3A_1116 : memref<16x512xf32, #tpu.memory_space<vmem>>)
    %dma_wait3A_1120 = arith.constant 0 : i32
    %dma_wait3A_1121 = arith.constant 0 : i32
    %dma_wait3A_1122 = arith.constant 0 : i32
    %dma_wait3A_1123 = tpu.memref_slice %arg9[%dma_wait3A_1120, %dma_wait3A_1121, %dma_wait3A_1122] : memref<3x16x512xf32, #tpu.memory_space<vmem>> -> memref<1x16x512xf32, #tpu.memory_space<vmem>>
    %dma_wait3A_1124 = tpu.memref_squeeze %dma_wait3A_1123 : memref<1x16x512xf32, #tpu.memory_space<vmem>> -> memref<16x512xf32, #tpu.memory_space<vmem>>
    %dma_wait3A_1125 = arith.constant 0 : i32
    %dma_wait3A_1126 = tpu.memref_slice %arg3[%div3A_1, %add3A_865, %dma_wait3A_1125] : memref<16x512x512xf32, #tpu.memory_space<hbm>> -> memref<1x16x512xf32, #tpu.memory_space<hbm>>
    %dma_wait3A_1127 = tpu.memref_squeeze %dma_wait3A_1126 : memref<1x16x512xf32, #tpu.memory_space<hbm>> -> memref<16x512xf32, #tpu.memory_space<hbm>>
    %dma_wait3A_1128 = arith.constant 0 : i32
    %dma_wait3A_1129 = arith.constant 0 : i32
    %dma_wait3A_1130 = tpu.memref_slice %arg9[%dma_wait3A_1120, %dma_wait3A_1128, %dma_wait3A_1129] : memref<3x16x512xf32, #tpu.memory_space<vmem>> -> memref<1x16x512xf32, #tpu.memory_space<vmem>>
    %dma_wait3A_1131 = tpu.memref_squeeze %dma_wait3A_1130 : memref<1x16x512xf32, #tpu.memory_space<vmem>> -> memref<16x512xf32, #tpu.memory_space<vmem>>
    %dma_wait3A_1132 = arith.constant 0 : i32
    %dma_wait3A_1133 = tpu.memref_slice %arg3[%div3A_1, %add3A_865, %dma_wait3A_1132] : memref<16x512x512xf32, #tpu.memory_space<hbm>> -> memref<1x16x512xf32, #tpu.memory_space<hbm>>
    %dma_wait3A_1134 = tpu.memref_squeeze %dma_wait3A_1133 : memref<1x16x512xf32, #tpu.memory_space<hbm>> -> memref<16x512xf32, #tpu.memory_space<hbm>>
    tpu.wait_dma2 semaphore(%arg14 : memref<!tpu.dma_semaphore, #tpu.memory_space<semaphore_mem>>) src(%dma_wait3A_1134 : memref<16x512xf32, #tpu.memory_space<hbm>>) dst(%dma_wait3A_1131 : memref<16x512xf32, #tpu.memory_space<vmem>>)
    %dma_wait3A_1135 = arith.constant 0 : i32
    %dma_wait3A_1136 = arith.constant 0 : i32
    %dma_wait3A_1137 = arith.constant 0 : i32
    %dma_wait3A_1138 = tpu.memref_slice %arg10[%dma_wait3A_1135, %dma_wait3A_1136, %dma_wait3A_1137] : memref<3x16x512xf32, #tpu.memory_space<vmem>> -> memref<1x16x512xf32, #tpu.memory_space<vmem>>
    %dma_wait3A_1139 = tpu.memref_squeeze %dma_wait3A_1138 : memref<1x16x512xf32, #tpu.memory_space<vmem>> -> memref<16x512xf32, #tpu.memory_space<vmem>>
    %dma_wait3A_1140 = arith.constant 0 : i32
    %dma_wait3A_1141 = tpu.memref_slice %arg4[%div3A_1, %add3A_865, %dma_wait3A_1140] : memref<16x512x512xf32, #tpu.memory_space<hbm>> -> memref<1x16x512xf32, #tpu.memory_space<hbm>>
    %dma_wait3A_1142 = tpu.memref_squeeze %dma_wait3A_1141 : memref<1x16x512xf32, #tpu.memory_space<hbm>> -> memref<16x512xf32, #tpu.memory_space<hbm>>
    %dma_wait3A_1143 = arith.constant 0 : i32
    %dma_wait3A_1144 = arith.constant 0 : i32
    %dma_wait3A_1145 = tpu.memref_slice %arg10[%dma_wait3A_1135, %dma_wait3A_1143, %dma_wait3A_1144] : memref<3x16x512xf32, #tpu.memory_space<vmem>> -> memref<1x16x512xf32, #tpu.memory_space<vmem>>
    %dma_wait3A_1146 = tpu.memref_squeeze %dma_wait3A_1145 : memref<1x16x512xf32, #tpu.memory_space<vmem>> -> memref<16x512xf32, #tpu.memory_space<vmem>>
    %dma_wait3A_1147 = arith.constant 0 : i32
    %dma_wait3A_1148 = tpu.memref_slice %arg4[%div3A_1, %add3A_865, %dma_wait3A_1147] : memref<16x512x512xf32, #tpu.memory_space<hbm>> -> memref<1x16x512xf32, #tpu.memory_space<hbm>>
    %dma_wait3A_1149 = tpu.memref_squeeze %dma_wait3A_1148 : memref<1x16x512xf32, #tpu.memory_space<hbm>> -> memref<16x512xf32, #tpu.memory_space<hbm>>
    tpu.wait_dma2 semaphore(%arg14 : memref<!tpu.dma_semaphore, #tpu.memory_space<semaphore_mem>>) src(%dma_wait3A_1149 : memref<16x512xf32, #tpu.memory_space<hbm>>) dst(%dma_wait3A_1146 : memref<16x512xf32, #tpu.memory_space<vmem>>)
    %dma_wait3A_1150 = arith.constant 0 : i32
    %dma_wait3A_1151 = arith.constant 0 : i32
    %dma_wait3A_1152 = arith.constant 0 : i32
    %dma_wait3A_1153 = tpu.memref_slice %arg11[%dma_wait3A_1150, %dma_wait3A_1151, %dma_wait3A_1152] : memref<3x16x512xf32, #tpu.memory_space<vmem>> -> memref<1x16x512xf32, #tpu.memory_space<vmem>>
    %dma_wait3A_1154 = tpu.memref_squeeze %dma_wait3A_1153 : memref<1x16x512xf32, #tpu.memory_space<vmem>> -> memref<16x512xf32, #tpu.memory_space<vmem>>
    %dma_wait3A_1155 = arith.constant 0 : i32
    %dma_wait3A_1156 = tpu.memref_slice %arg5[%div3A_1, %add3A_865, %dma_wait3A_1155] : memref<16x512x512xf32, #tpu.memory_space<hbm>> -> memref<1x16x512xf32, #tpu.memory_space<hbm>>
    %dma_wait3A_1157 = tpu.memref_squeeze %dma_wait3A_1156 : memref<1x16x512xf32, #tpu.memory_space<hbm>> -> memref<16x512xf32, #tpu.memory_space<hbm>>
    %dma_wait3A_1158 = arith.constant 0 : i32
    %dma_wait3A_1159 = arith.constant 0 : i32
    %dma_wait3A_1160 = tpu.memref_slice %arg11[%dma_wait3A_1150, %dma_wait3A_1158, %dma_wait3A_1159] : memref<3x16x512xf32, #tpu.memory_space<vmem>> -> memref<1x16x512xf32, #tpu.memory_space<vmem>>
    %dma_wait3A_1161 = tpu.memref_squeeze %dma_wait3A_1160 : memref<1x16x512xf32, #tpu.memory_space<vmem>> -> memref<16x512xf32, #tpu.memory_space<vmem>>
    %dma_wait3A_1162 = arith.constant 0 : i32
    %dma_wait3A_1163 = tpu.memref_slice %arg5[%div3A_1, %add3A_865, %dma_wait3A_1162] : memref<16x512x512xf32, #tpu.memory_space<hbm>> -> memref<1x16x512xf32, #tpu.memory_space<hbm>>
    %dma_wait3A_1164 = tpu.memref_squeeze %dma_wait3A_1163 : memref<1x16x512xf32, #tpu.memory_space<hbm>> -> memref<16x512xf32, #tpu.memory_space<hbm>>
    tpu.wait_dma2 semaphore(%arg14 : memref<!tpu.dma_semaphore, #tpu.memory_space<semaphore_mem>>) src(%dma_wait3A_1164 : memref<16x512xf32, #tpu.memory_space<hbm>>) dst(%dma_wait3A_1161 : memref<16x512xf32, #tpu.memory_space<vmem>>)
    %dma_wait3A_1165 = arith.constant 0 : i32
    %dma_wait3A_1166 = arith.constant 0 : i32
    %dma_wait3A_1167 = arith.constant 0 : i32
    %dma_wait3A_1168 = tpu.memref_slice %arg12[%dma_wait3A_1165, %dma_wait3A_1166, %dma_wait3A_1167] : memref<3x16x512xf32, #tpu.memory_space<vmem>> -> memref<1x16x512xf32, #tpu.memory_space<vmem>>
    %dma_wait3A_1169 = tpu.memref_squeeze %dma_wait3A_1168 : memref<1x16x512xf32, #tpu.memory_space<vmem>> -> memref<16x512xf32, #tpu.memory_space<vmem>>
    %dma_wait3A_1170 = arith.constant 0 : i32
    %dma_wait3A_1171 = tpu.memref_slice %arg6[%div3A_1, %add3A_865, %dma_wait3A_1170] : memref<16x512x512xf32, #tpu.memory_space<hbm>> -> memref<1x16x512xf32, #tpu.memory_space<hbm>>
    %dma_wait3A_1172 = tpu.memref_squeeze %dma_wait3A_1171 : memref<1x16x512xf32, #tpu.memory_space<hbm>> -> memref<16x512xf32, #tpu.memory_space<hbm>>
    %dma_wait3A_1173 = arith.constant 0 : i32
    %dma_wait3A_1174 = arith.constant 0 : i32
    %dma_wait3A_1175 = tpu.memref_slice %arg12[%dma_wait3A_1165, %dma_wait3A_1173, %dma_wait3A_1174] : memref<3x16x512xf32, #tpu.memory_space<vmem>> -> memref<1x16x512xf32, #tpu.memory_space<vmem>>
    %dma_wait3A_1176 = tpu.memref_squeeze %dma_wait3A_1175 : memref<1x16x512xf32, #tpu.memory_space<vmem>> -> memref<16x512xf32, #tpu.memory_space<vmem>>
    %dma_wait3A_1177 = arith.constant 0 : i32
    %dma_wait3A_1178 = tpu.memref_slice %arg6[%div3A_1, %add3A_865, %dma_wait3A_1177] : memref<16x512x512xf32, #tpu.memory_space<hbm>> -> memref<1x16x512xf32, #tpu.memory_space<hbm>>
    %dma_wait3A_1179 = tpu.memref_squeeze %dma_wait3A_1178 : memref<1x16x512xf32, #tpu.memory_space<hbm>> -> memref<16x512xf32, #tpu.memory_space<hbm>>
    tpu.wait_dma2 semaphore(%arg14 : memref<!tpu.dma_semaphore, #tpu.memory_space<semaphore_mem>>) src(%dma_wait3A_1179 : memref<16x512xf32, #tpu.memory_space<hbm>>) dst(%dma_wait3A_1176 : memref<16x512xf32, #tpu.memory_space<vmem>>)
    %scan3A_1180 = arith.constant 0 : i32
    %scan3A_1181 = arith.constant 128 : i32
    %scan3A_1182 = arith.addi %scan3A_1180, %scan3A_1181 : i32
    %scan3A_1183 = arith.constant 1 : i32
    %scan3A_1184:6 = scf.for %scan3A_1302 = %scan3A_1180 to %scan3A_1182 step %scan3A_1183 iter_args(%scan3A_1303 = %scan3A_1103#0, %scan3A_1304 = %scan3A_1103#1, %scan3A_1305 = %scan3A_1103#2, %scan3A_1306 = %scan3A_1103#3, %scan3A_1307 = %scan3A_1103#4, %scan3A_1308 = %scan3A_1103#5) -> (vector<16xf32>, vector<16xf32>, vector<16xf32>, vector<16xf32>, vector<16xf32>, vector<16xf32>)  : i32 {
      %shift_right_logical3A = arith.constant 3 : i32
      %shift_right_logical3A_1309 = arith.shrui %scan3A_1302, %shift_right_logical3A : i32
      %and3A = arith.constant 7 : i32
      %and3A_1310 = arith.andi %scan3A_1302, %and3A : i32
      %shift_left3A = arith.constant 6 : i32
      %shift_left3A_1311 = arith.shli %and3A_1310, %shift_left3A : i32
      %add3A_1312 = arith.constant 0 : i32
      %add3A_1313 = arith.addi %shift_left3A_1311, %add3A_1312 : i32
      %multiple_of3A = tpu.assume_multiple %add3A_1313, 16 : i32
      %get3A = arith.constant 0 : i32
      %get3A_1314 = arith.index_cast %get3A : i32 to index
      %get3A_1315 = arith.index_cast %shift_right_logical3A_1309 : i32 to index
      %get3A_1316 = arith.index_cast %multiple_of3A : i32 to index
      %get3A_1317 = tpu.vector_load %arg8[%get3A_1314, %get3A_1315, %get3A_1316] {strides = array<i32>} : memref<3x16x512xf32, #tpu.memory_space<vmem>>, vector<1x1x16xf32>,
      %get3A_1318 = vector.shape_cast %get3A_1317 : vector<1x1x16xf32> to vector<16xf32>
      %get3A_1319 = arith.constant 0 : i32
      %get3A_1320 = arith.index_cast %get3A_1319 : i32 to index
      %get3A_1321 = arith.index_cast %shift_right_logical3A_1309 : i32 to index
      %get3A_1322 = arith.index_cast %multiple_of3A : i32 to index
      %get3A_1323 = tpu.vector_load %arg9[%get3A_1320, %get3A_1321, %get3A_1322] {strides = array<i32>} : memref<3x16x512xf32, #tpu.memory_space<vmem>>, vector<1x1x16xf32>,
      %get3A_1324 = vector.shape_cast %get3A_1323 : vector<1x1x16xf32> to vector<16xf32>
      %get3A_1325 = arith.constant 0 : i32
      %get3A_1326 = arith.index_cast %get3A_1325 : i32 to index
      %get3A_1327 = arith.index_cast %shift_right_logical3A_1309 : i32 to index
      %get3A_1328 = arith.index_cast %multiple_of3A : i32 to index
      %get3A_1329 = tpu.vector_load %arg10[%get3A_1326, %get3A_1327, %get3A_1328] {strides = array<i32>} : memref<3x16x512xf32, #tpu.memory_space<vmem>>, vector<1x1x16xf32>,
      %get3A_1330 = vector.shape_cast %get3A_1329 : vector<1x1x16xf32> to vector<16xf32>
      %get3A_1331 = arith.constant 0 : i32
      %get3A_1332 = arith.index_cast %get3A_1331 : i32 to index
      %get3A_1333 = arith.index_cast %shift_right_logical3A_1309 : i32 to index
      %get3A_1334 = arith.index_cast %multiple_of3A : i32 to index
      %get3A_1335 = tpu.vector_load %arg11[%get3A_1332, %get3A_1333, %get3A_1334] {strides = array<i32>} : memref<3x16x512xf32, #tpu.memory_space<vmem>>, vector<1x1x16xf32>,
      %get3A_1336 = vector.shape_cast %get3A_1335 : vector<1x1x16xf32> to vector<16xf32>
      %get3A_1337 = arith.constant 0 : i32
      %get3A_1338 = arith.index_cast %get3A_1337 : i32 to index
      %get3A_1339 = arith.index_cast %shift_right_logical3A_1309 : i32 to index
      %get3A_1340 = arith.index_cast %multiple_of3A : i32 to index
      %get3A_1341 = tpu.vector_load %arg12[%get3A_1338, %get3A_1339, %get3A_1340] {strides = array<i32>} : memref<3x16x512xf32, #tpu.memory_space<vmem>>, vector<1x1x16xf32>,
      %get3A_1342 = vector.shape_cast %get3A_1341 : vector<1x1x16xf32> to vector<16xf32>
      %sub3A = arith.subf %get3A_1330, %get3A_1318 : vector<16xf32>
      %mul3A_1343 = arith.mulf %sub3A, %sub3A : vector<16xf32>
      %mul3A_1344 = arith.mulf %mul3A_1343, %get3A_1342 : vector<16xf32>
      %sub3A_1345 = arith.subf %get3A_1336, %get3A_1324 : vector<16xf32>
      %mul3A_1346 = arith.mulf %sub3A_1345, %sub3A_1345 : vector<16xf32>
      %mul3A_1347 = arith.mulf %mul3A_1346, %get3A_1342 : vector<16xf32>
      %ge3A = arith.constant 1.000000e-01 : f32
      %ge3A_1348 = vector.broadcast %ge3A : f32 to vector<16xf32>
      %ge3A_1349 = arith.cmpf oge, %get3A_1318, %ge3A_1348 : vector<16xf32>
      %ge3A_1350 = arith.constant 1.000000e-01 : f32
      %ge3A_1351 = vector.broadcast %ge3A_1350 : f32 to vector<16xf32>
      %ge3A_1352 = arith.cmpf oge, %get3A_1324, %ge3A_1351 : vector<16xf32>
      %jit3A = arith.constant 1.000000e+00 : f32
      %jit3A_1353 = arith.constant 0.000000e+00 : f32
      %broadcast_in_dim3A_1354 = vector.broadcast %jit3A : f32 to vector<16xf32>
      %broadcast_in_dim3A_1355 = vector.broadcast %jit3A_1353 : f32 to vector<16xf32>
      %select_n3A = arith.select %ge3A_1349, %broadcast_in_dim3A_1354, %broadcast_in_dim3A_1355 : vector<16xi1>, vector<16xf32>
      %add3A_1356 = arith.addf %scan3A_1303, %select_n3A : vector<16xf32>
      %jit3A_1357 = arith.constant 0.000000e+00 : f32
      %broadcast_in_dim3A_1358 = vector.broadcast %jit3A_1357 : f32 to vector<16xf32>
      %select_n3A_1359 = arith.select %ge3A_1349, %mul3A_1344, %broadcast_in_dim3A_1358 : vector<16xi1>, vector<16xf32>
      %add3A_1360 = arith.addf %scan3A_1304, %select_n3A_1359 : vector<16xf32>
      %add3A_1361 = arith.addf %scan3A_1305, %mul3A_1344 : vector<16xf32>
      %jit3A_1362 = arith.constant 1.000000e+00 : f32
      %jit3A_1363 = arith.constant 0.000000e+00 : f32
      %broadcast_in_dim3A_1364 = vector.broadcast %jit3A_1362 : f32 to vector<16xf32>
      %broadcast_in_dim3A_1365 = vector.broadcast %jit3A_1363 : f32 to vector<16xf32>
      %select_n3A_1366 = arith.select %ge3A_1352, %broadcast_in_dim3A_1364, %broadcast_in_dim3A_1365 : vector<16xi1>, vector<16xf32>
      %add3A_1367 = arith.addf %scan3A_1306, %select_n3A_1366 : vector<16xf32>
      %jit3A_1368 = arith.constant 0.000000e+00 : f32
      %broadcast_in_dim3A_1369 = vector.broadcast %jit3A_1368 : f32 to vector<16xf32>
      %select_n3A_1370 = arith.select %ge3A_1352, %mul3A_1347, %broadcast_in_dim3A_1369 : vector<16xi1>, vector<16xf32>
      %add3A_1371 = arith.addf %scan3A_1307, %select_n3A_1370 : vector<16xf32>
      %add3A_1372 = arith.addf %scan3A_1308, %mul3A_1347 : vector<16xf32>
      %add3A_1373 = arith.constant 16 : i32
      %add3A_1374 = arith.addi %shift_left3A_1311, %add3A_1373 : i32
      %multiple_of3A_1375 = tpu.assume_multiple %add3A_1374, 16 : i32
      %get3A_1376 = arith.constant 0 : i32
      %get3A_1377 = arith.index_cast %get3A_1376 : i32 to index
      %get3A_1378 = arith.index_cast %shift_right_logical3A_1309 : i32 to index
      %get3A_1379 = arith.index_cast %multiple_of3A_1375 : i32 to index
      %get3A_1380 = tpu.vector_load %arg8[%get3A_1377, %get3A_1378, %get3A_1379] {strides = array<i32>} : memref<3x16x512xf32, #tpu.memory_space<vmem>>, vector<1x1x16xf32>,
      %get3A_1381 = vector.shape_cast %get3A_1380 : vector<1x1x16xf32> to vector<16xf32>
      %get3A_1382 = arith.constant 0 : i32
      %get3A_1383 = arith.index_cast %get3A_1382 : i32 to index
      %get3A_1384 = arith.index_cast %shift_right_logical3A_1309 : i32 to index
      %get3A_1385 = arith.index_cast %multiple_of3A_1375 : i32 to index
      %get3A_1386 = tpu.vector_load %arg9[%get3A_1383, %get3A_1384, %get3A_1385] {strides = array<i32>} : memref<3x16x512xf32, #tpu.memory_space<vmem>>, vector<1x1x16xf32>,
      %get3A_1387 = vector.shape_cast %get3A_1386 : vector<1x1x16xf32> to vector<16xf32>
      %get3A_1388 = arith.constant 0 : i32
      %get3A_1389 = arith.index_cast %get3A_1388 : i32 to index
      %get3A_1390 = arith.index_cast %shift_right_logical3A_1309 : i32 to index
      %get3A_1391 = arith.index_cast %multiple_of3A_1375 : i32 to index
      %get3A_1392 = tpu.vector_load %arg10[%get3A_1389, %get3A_1390, %get3A_1391] {strides = array<i32>} : memref<3x16x512xf32, #tpu.memory_space<vmem>>, vector<1x1x16xf32>,
      %get3A_1393 = vector.shape_cast %get3A_1392 : vector<1x1x16xf32> to vector<16xf32>
      %get3A_1394 = arith.constant 0 : i32
      %get3A_1395 = arith.index_cast %get3A_1394 : i32 to index
      %get3A_1396 = arith.index_cast %shift_right_logical3A_1309 : i32 to index
      %get3A_1397 = arith.index_cast %multiple_of3A_1375 : i32 to index
      %get3A_1398 = tpu.vector_load %arg11[%get3A_1395, %get3A_1396, %get3A_1397] {strides = array<i32>} : memref<3x16x512xf32, #tpu.memory_space<vmem>>, vector<1x1x16xf32>,
      %get3A_1399 = vector.shape_cast %get3A_1398 : vector<1x1x16xf32> to vector<16xf32>
      %get3A_1400 = arith.constant 0 : i32
      %get3A_1401 = arith.index_cast %get3A_1400 : i32 to index
      %get3A_1402 = arith.index_cast %shift_right_logical3A_1309 : i32 to index
      %get3A_1403 = arith.index_cast %multiple_of3A_1375 : i32 to index
      %get3A_1404 = tpu.vector_load %arg12[%get3A_1401, %get3A_1402, %get3A_1403] {strides = array<i32>} : memref<3x16x512xf32, #tpu.memory_space<vmem>>, vector<1x1x16xf32>,
      %get3A_1405 = vector.shape_cast %get3A_1404 : vector<1x1x16xf32> to vector<16xf32>
      %sub3A_1406 = arith.subf %get3A_1393, %get3A_1381 : vector<16xf32>
      %mul3A_1407 = arith.mulf %sub3A_1406, %sub3A_1406 : vector<16xf32>
      %mul3A_1408 = arith.mulf %mul3A_1407, %get3A_1405 : vector<16xf32>
      %sub3A_1409 = arith.subf %get3A_1399, %get3A_1387 : vector<16xf32>
      %mul3A_1410 = arith.mulf %sub3A_1409, %sub3A_1409 : vector<16xf32>
      %mul3A_1411 = arith.mulf %mul3A_1410, %get3A_1405 : vector<16xf32>
      %ge3A_1412 = arith.constant 1.000000e-01 : f32
      %ge3A_1413 = vector.broadcast %ge3A_1412 : f32 to vector<16xf32>
      %ge3A_1414 = arith.cmpf oge, %get3A_1381, %ge3A_1413 : vector<16xf32>
      %ge3A_1415 = arith.constant 1.000000e-01 : f32
      %ge3A_1416 = vector.broadcast %ge3A_1415 : f32 to vector<16xf32>
      %ge3A_1417 = arith.cmpf oge, %get3A_1387, %ge3A_1416 : vector<16xf32>
      %jit3A_1418 = arith.constant 1.000000e+00 : f32
      %jit3A_1419 = arith.constant 0.000000e+00 : f32
      %broadcast_in_dim3A_1420 = vector.broadcast %jit3A_1418 : f32 to vector<16xf32>
      %broadcast_in_dim3A_1421 = vector.broadcast %jit3A_1419 : f32 to vector<16xf32>
      %select_n3A_1422 = arith.select %ge3A_1414, %broadcast_in_dim3A_1420, %broadcast_in_dim3A_1421 : vector<16xi1>, vector<16xf32>
      %add3A_1423 = arith.addf %add3A_1356, %select_n3A_1422 : vector<16xf32>
      %jit3A_1424 = arith.constant 0.000000e+00 : f32
      %broadcast_in_dim3A_1425 = vector.broadcast %jit3A_1424 : f32 to vector<16xf32>
      %select_n3A_1426 = arith.select %ge3A_1414, %mul3A_1408, %broadcast_in_dim3A_1425 : vector<16xi1>, vector<16xf32>
      %add3A_1427 = arith.addf %add3A_1360, %select_n3A_1426 : vector<16xf32>
      %add3A_1428 = arith.addf %add3A_1361, %mul3A_1408 : vector<16xf32>
      %jit3A_1429 = arith.constant 1.000000e+00 : f32
      %jit3A_1430 = arith.constant 0.000000e+00 : f32
      %broadcast_in_dim3A_1431 = vector.broadcast %jit3A_1429 : f32 to vector<16xf32>
      %broadcast_in_dim3A_1432 = vector.broadcast %jit3A_1430 : f32 to vector<16xf32>
      %select_n3A_1433 = arith.select %ge3A_1417, %broadcast_in_dim3A_1431, %broadcast_in_dim3A_1432 : vector<16xi1>, vector<16xf32>
      %add3A_1434 = arith.addf %add3A_1367, %select_n3A_1433 : vector<16xf32>
      %jit3A_1435 = arith.constant 0.000000e+00 : f32
      %broadcast_in_dim3A_1436 = vector.broadcast %jit3A_1435 : f32 to vector<16xf32>
      %select_n3A_1437 = arith.select %ge3A_1417, %mul3A_1411, %broadcast_in_dim3A_1436 : vector<16xi1>, vector<16xf32>
      %add3A_1438 = arith.addf %add3A_1371, %select_n3A_1437 : vector<16xf32>
      %add3A_1439 = arith.addf %add3A_1372, %mul3A_1411 : vector<16xf32>
      %add3A_1440 = arith.constant 32 : i32
      %add3A_1441 = arith.addi %shift_left3A_1311, %add3A_1440 : i32
      %multiple_of3A_1442 = tpu.assume_multiple %add3A_1441, 16 : i32
      %get3A_1443 = arith.constant 0 : i32
      %get3A_1444 = arith.index_cast %get3A_1443 : i32 to index
      %get3A_1445 = arith.index_cast %shift_right_logical3A_1309 : i32 to index
      %get3A_1446 = arith.index_cast %multiple_of3A_1442 : i32 to index
      %get3A_1447 = tpu.vector_load %arg8[%get3A_1444, %get3A_1445, %get3A_1446] {strides = array<i32>} : memref<3x16x512xf32, #tpu.memory_space<vmem>>, vector<1x1x16xf32>,
      %get3A_1448 = vector.shape_cast %get3A_1447 : vector<1x1x16xf32> to vector<16xf32>
      %get3A_1449 = arith.constant 0 : i32
      %get3A_1450 = arith.index_cast %get3A_1449 : i32 to index
      %get3A_1451 = arith.index_cast %shift_right_logical3A_1309 : i32 to index
      %get3A_1452 = arith.index_cast %multiple_of3A_1442 : i32 to index
      %get3A_1453 = tpu.vector_load %arg9[%get3A_1450, %get3A_1451, %get3A_1452] {strides = array<i32>} : memref<3x16x512xf32, #tpu.memory_space<vmem>>, vector<1x1x16xf32>,
      %get3A_1454 = vector.shape_cast %get3A_1453 : vector<1x1x16xf32> to vector<16xf32>
      %get3A_1455 = arith.constant 0 : i32
      %get3A_1456 = arith.index_cast %get3A_1455 : i32 to index
      %get3A_1457 = arith.index_cast %shift_right_logical3A_1309 : i32 to index
      %get3A_1458 = arith.index_cast %multiple_of3A_1442 : i32 to index
      %get3A_1459 = tpu.vector_load %arg10[%get3A_1456, %get3A_1457, %get3A_1458] {strides = array<i32>} : memref<3x16x512xf32, #tpu.memory_space<vmem>>, vector<1x1x16xf32>,
      %get3A_1460 = vector.shape_cast %get3A_1459 : vector<1x1x16xf32> to vector<16xf32>
      %get3A_1461 = arith.constant 0 : i32
      %get3A_1462 = arith.index_cast %get3A_1461 : i32 to index
      %get3A_1463 = arith.index_cast %shift_right_logical3A_1309 : i32 to index
      %get3A_1464 = arith.index_cast %multiple_of3A_1442 : i32 to index
      %get3A_1465 = tpu.vector_load %arg11[%get3A_1462, %get3A_1463, %get3A_1464] {strides = array<i32>} : memref<3x16x512xf32, #tpu.memory_space<vmem>>, vector<1x1x16xf32>,
      %get3A_1466 = vector.shape_cast %get3A_1465 : vector<1x1x16xf32> to vector<16xf32>
      %get3A_1467 = arith.constant 0 : i32
      %get3A_1468 = arith.index_cast %get3A_1467 : i32 to index
      %get3A_1469 = arith.index_cast %shift_right_logical3A_1309 : i32 to index
      %get3A_1470 = arith.index_cast %multiple_of3A_1442 : i32 to index
      %get3A_1471 = tpu.vector_load %arg12[%get3A_1468, %get3A_1469, %get3A_1470] {strides = array<i32>} : memref<3x16x512xf32, #tpu.memory_space<vmem>>, vector<1x1x16xf32>,
      %get3A_1472 = vector.shape_cast %get3A_1471 : vector<1x1x16xf32> to vector<16xf32>
      %sub3A_1473 = arith.subf %get3A_1460, %get3A_1448 : vector<16xf32>
      %mul3A_1474 = arith.mulf %sub3A_1473, %sub3A_1473 : vector<16xf32>
      %mul3A_1475 = arith.mulf %mul3A_1474, %get3A_1472 : vector<16xf32>
      %sub3A_1476 = arith.subf %get3A_1466, %get3A_1454 : vector<16xf32>
      %mul3A_1477 = arith.mulf %sub3A_1476, %sub3A_1476 : vector<16xf32>
      %mul3A_1478 = arith.mulf %mul3A_1477, %get3A_1472 : vector<16xf32>
      %ge3A_1479 = arith.constant 1.000000e-01 : f32
      %ge3A_1480 = vector.broadcast %ge3A_1479 : f32 to vector<16xf32>
      %ge3A_1481 = arith.cmpf oge, %get3A_1448, %ge3A_1480 : vector<16xf32>
      %ge3A_1482 = arith.constant 1.000000e-01 : f32
      %ge3A_1483 = vector.broadcast %ge3A_1482 : f32 to vector<16xf32>
      %ge3A_1484 = arith.cmpf oge, %get3A_1454, %ge3A_1483 : vector<16xf32>
      %jit3A_1485 = arith.constant 1.000000e+00 : f32
      %jit3A_1486 = arith.constant 0.000000e+00 : f32
      %broadcast_in_dim3A_1487 = vector.broadcast %jit3A_1485 : f32 to vector<16xf32>
      %broadcast_in_dim3A_1488 = vector.broadcast %jit3A_1486 : f32 to vector<16xf32>
      %select_n3A_1489 = arith.select %ge3A_1481, %broadcast_in_dim3A_1487, %broadcast_in_dim3A_1488 : vector<16xi1>, vector<16xf32>
      %add3A_1490 = arith.addf %add3A_1423, %select_n3A_1489 : vector<16xf32>
      %jit3A_1491 = arith.constant 0.000000e+00 : f32
      %broadcast_in_dim3A_1492 = vector.broadcast %jit3A_1491 : f32 to vector<16xf32>
      %select_n3A_1493 = arith.select %ge3A_1481, %mul3A_1475, %broadcast_in_dim3A_1492 : vector<16xi1>, vector<16xf32>
      %add3A_1494 = arith.addf %add3A_1427, %select_n3A_1493 : vector<16xf32>
      %add3A_1495 = arith.addf %add3A_1428, %mul3A_1475 : vector<16xf32>
      %jit3A_1496 = arith.constant 1.000000e+00 : f32
      %jit3A_1497 = arith.constant 0.000000e+00 : f32
      %broadcast_in_dim3A_1498 = vector.broadcast %jit3A_1496 : f32 to vector<16xf32>
      %broadcast_in_dim3A_1499 = vector.broadcast %jit3A_1497 : f32 to vector<16xf32>
      %select_n3A_1500 = arith.select %ge3A_1484, %broadcast_in_dim3A_1498, %broadcast_in_dim3A_1499 : vector<16xi1>, vector<16xf32>
      %add3A_1501 = arith.addf %add3A_1434, %select_n3A_1500 : vector<16xf32>
      %jit3A_1502 = arith.constant 0.000000e+00 : f32
      %broadcast_in_dim3A_1503 = vector.broadcast %jit3A_1502 : f32 to vector<16xf32>
      %select_n3A_1504 = arith.select %ge3A_1484, %mul3A_1478, %broadcast_in_dim3A_1503 : vector<16xi1>, vector<16xf32>
      %add3A_1505 = arith.addf %add3A_1438, %select_n3A_1504 : vector<16xf32>
      %add3A_1506 = arith.addf %add3A_1439, %mul3A_1478 : vector<16xf32>
      %add3A_1507 = arith.constant 48 : i32
      %add3A_1508 = arith.addi %shift_left3A_1311, %add3A_1507 : i32
      %multiple_of3A_1509 = tpu.assume_multiple %add3A_1508, 16 : i32
      %get3A_1510 = arith.constant 0 : i32
      %get3A_1511 = arith.index_cast %get3A_1510 : i32 to index
      %get3A_1512 = arith.index_cast %shift_right_logical3A_1309 : i32 to index
      %get3A_1513 = arith.index_cast %multiple_of3A_1509 : i32 to index
      %get3A_1514 = tpu.vector_load %arg8[%get3A_1511, %get3A_1512, %get3A_1513] {strides = array<i32>} : memref<3x16x512xf32, #tpu.memory_space<vmem>>, vector<1x1x16xf32>,
      %get3A_1515 = vector.shape_cast %get3A_1514 : vector<1x1x16xf32> to vector<16xf32>
      %get3A_1516 = arith.constant 0 : i32
      %get3A_1517 = arith.index_cast %get3A_1516 : i32 to index
      %get3A_1518 = arith.index_cast %shift_right_logical3A_1309 : i32 to index
      %get3A_1519 = arith.index_cast %multiple_of3A_1509 : i32 to index
      %get3A_1520 = tpu.vector_load %arg9[%get3A_1517, %get3A_1518, %get3A_1519] {strides = array<i32>} : memref<3x16x512xf32, #tpu.memory_space<vmem>>, vector<1x1x16xf32>,
      %get3A_1521 = vector.shape_cast %get3A_1520 : vector<1x1x16xf32> to vector<16xf32>
      %get3A_1522 = arith.constant 0 : i32
      %get3A_1523 = arith.index_cast %get3A_1522 : i32 to index
      %get3A_1524 = arith.index_cast %shift_right_logical3A_1309 : i32 to index
      %get3A_1525 = arith.index_cast %multiple_of3A_1509 : i32 to index
      %get3A_1526 = tpu.vector_load %arg10[%get3A_1523, %get3A_1524, %get3A_1525] {strides = array<i32>} : memref<3x16x512xf32, #tpu.memory_space<vmem>>, vector<1x1x16xf32>,
      %get3A_1527 = vector.shape_cast %get3A_1526 : vector<1x1x16xf32> to vector<16xf32>
      %get3A_1528 = arith.constant 0 : i32
      %get3A_1529 = arith.index_cast %get3A_1528 : i32 to index
      %get3A_1530 = arith.index_cast %shift_right_logical3A_1309 : i32 to index
      %get3A_1531 = arith.index_cast %multiple_of3A_1509 : i32 to index
      %get3A_1532 = tpu.vector_load %arg11[%get3A_1529, %get3A_1530, %get3A_1531] {strides = array<i32>} : memref<3x16x512xf32, #tpu.memory_space<vmem>>, vector<1x1x16xf32>,
      %get3A_1533 = vector.shape_cast %get3A_1532 : vector<1x1x16xf32> to vector<16xf32>
      %get3A_1534 = arith.constant 0 : i32
      %get3A_1535 = arith.index_cast %get3A_1534 : i32 to index
      %get3A_1536 = arith.index_cast %shift_right_logical3A_1309 : i32 to index
      %get3A_1537 = arith.index_cast %multiple_of3A_1509 : i32 to index
      %get3A_1538 = tpu.vector_load %arg12[%get3A_1535, %get3A_1536, %get3A_1537] {strides = array<i32>} : memref<3x16x512xf32, #tpu.memory_space<vmem>>, vector<1x1x16xf32>,
      %get3A_1539 = vector.shape_cast %get3A_1538 : vector<1x1x16xf32> to vector<16xf32>
      %sub3A_1540 = arith.subf %get3A_1527, %get3A_1515 : vector<16xf32>
      %mul3A_1541 = arith.mulf %sub3A_1540, %sub3A_1540 : vector<16xf32>
      %mul3A_1542 = arith.mulf %mul3A_1541, %get3A_1539 : vector<16xf32>
      %sub3A_1543 = arith.subf %get3A_1533, %get3A_1521 : vector<16xf32>
      %mul3A_1544 = arith.mulf %sub3A_1543, %sub3A_1543 : vector<16xf32>
      %mul3A_1545 = arith.mulf %mul3A_1544, %get3A_1539 : vector<16xf32>
      %ge3A_1546 = arith.constant 1.000000e-01 : f32
      %ge3A_1547 = vector.broadcast %ge3A_1546 : f32 to vector<16xf32>
      %ge3A_1548 = arith.cmpf oge, %get3A_1515, %ge3A_1547 : vector<16xf32>
      %ge3A_1549 = arith.constant 1.000000e-01 : f32
      %ge3A_1550 = vector.broadcast %ge3A_1549 : f32 to vector<16xf32>
      %ge3A_1551 = arith.cmpf oge, %get3A_1521, %ge3A_1550 : vector<16xf32>
      %jit3A_1552 = arith.constant 1.000000e+00 : f32
      %jit3A_1553 = arith.constant 0.000000e+00 : f32
      %broadcast_in_dim3A_1554 = vector.broadcast %jit3A_1552 : f32 to vector<16xf32>
      %broadcast_in_dim3A_1555 = vector.broadcast %jit3A_1553 : f32 to vector<16xf32>
      %select_n3A_1556 = arith.select %ge3A_1548, %broadcast_in_dim3A_1554, %broadcast_in_dim3A_1555 : vector<16xi1>, vector<16xf32>
      %add3A_1557 = arith.addf %add3A_1490, %select_n3A_1556 : vector<16xf32>
      %jit3A_1558 = arith.constant 0.000000e+00 : f32
      %broadcast_in_dim3A_1559 = vector.broadcast %jit3A_1558 : f32 to vector<16xf32>
      %select_n3A_1560 = arith.select %ge3A_1548, %mul3A_1542, %broadcast_in_dim3A_1559 : vector<16xi1>, vector<16xf32>
      %add3A_1561 = arith.addf %add3A_1494, %select_n3A_1560 : vector<16xf32>
      %add3A_1562 = arith.addf %add3A_1495, %mul3A_1542 : vector<16xf32>
      %jit3A_1563 = arith.constant 1.000000e+00 : f32
      %jit3A_1564 = arith.constant 0.000000e+00 : f32
      %broadcast_in_dim3A_1565 = vector.broadcast %jit3A_1563 : f32 to vector<16xf32>
      %broadcast_in_dim3A_1566 = vector.broadcast %jit3A_1564 : f32 to vector<16xf32>
      %select_n3A_1567 = arith.select %ge3A_1551, %broadcast_in_dim3A_1565, %broadcast_in_dim3A_1566 : vector<16xi1>, vector<16xf32>
      %add3A_1568 = arith.addf %add3A_1501, %select_n3A_1567 : vector<16xf32>
      %jit3A_1569 = arith.constant 0.000000e+00 : f32
      %broadcast_in_dim3A_1570 = vector.broadcast %jit3A_1569 : f32 to vector<16xf32>
      %select_n3A_1571 = arith.select %ge3A_1551, %mul3A_1545, %broadcast_in_dim3A_1570 : vector<16xi1>, vector<16xf32>
      %add3A_1572 = arith.addf %add3A_1505, %select_n3A_1571 : vector<16xf32>
      %add3A_1573 = arith.addf %add3A_1506, %mul3A_1545 : vector<16xf32>
      scf.yield %add3A_1557, %add3A_1561, %add3A_1562, %add3A_1568, %add3A_1572, %add3A_1573 : vector<16xf32>, vector<16xf32>, vector<16xf32>, vector<16xf32>, vector<16xf32>, vector<16xf32>
    }
    %scan3A_1185 = arith.constant 128 : i32
    %dma_wait3A_1186 = arith.constant 1 : i32
    %dma_wait3A_1187 = arith.constant 0 : i32
    %dma_wait3A_1188 = arith.constant 0 : i32
    %dma_wait3A_1189 = tpu.memref_slice %arg8[%dma_wait3A_1186, %dma_wait3A_1187, %dma_wait3A_1188] : memref<3x16x512xf32, #tpu.memory_space<vmem>> -> memref<1x16x512xf32, #tpu.memory_space<vmem>>
    %dma_wait3A_1190 = tpu.memref_squeeze %dma_wait3A_1189 : memref<1x16x512xf32, #tpu.memory_space<vmem>> -> memref<16x512xf32, #tpu.memory_space<vmem>>
    %dma_wait3A_1191 = arith.constant 0 : i32
    %dma_wait3A_1192 = tpu.memref_slice %arg2[%div3A_1, %add3A_1023, %dma_wait3A_1191] : memref<16x512x512xf32, #tpu.memory_space<hbm>> -> memref<1x16x512xf32, #tpu.memory_space<hbm>>
    %dma_wait3A_1193 = tpu.memref_squeeze %dma_wait3A_1192 : memref<1x16x512xf32, #tpu.memory_space<hbm>> -> memref<16x512xf32, #tpu.memory_space<hbm>>
    %dma_wait3A_1194 = arith.constant 0 : i32
    %dma_wait3A_1195 = arith.constant 0 : i32
    %dma_wait3A_1196 = tpu.memref_slice %arg8[%dma_wait3A_1186, %dma_wait3A_1194, %dma_wait3A_1195] : memref<3x16x512xf32, #tpu.memory_space<vmem>> -> memref<1x16x512xf32, #tpu.memory_space<vmem>>
    %dma_wait3A_1197 = tpu.memref_squeeze %dma_wait3A_1196 : memref<1x16x512xf32, #tpu.memory_space<vmem>> -> memref<16x512xf32, #tpu.memory_space<vmem>>
    %dma_wait3A_1198 = arith.constant 0 : i32
    %dma_wait3A_1199 = tpu.memref_slice %arg2[%div3A_1, %add3A_1023, %dma_wait3A_1198] : memref<16x512x512xf32, #tpu.memory_space<hbm>> -> memref<1x16x512xf32, #tpu.memory_space<hbm>>
    %dma_wait3A_1200 = tpu.memref_squeeze %dma_wait3A_1199 : memref<1x16x512xf32, #tpu.memory_space<hbm>> -> memref<16x512xf32, #tpu.memory_space<hbm>>
    tpu.wait_dma2 semaphore(%arg14 : memref<!tpu.dma_semaphore, #tpu.memory_space<semaphore_mem>>) src(%dma_wait3A_1200 : memref<16x512xf32, #tpu.memory_space<hbm>>) dst(%dma_wait3A_1197 : memref<16x512xf32, #tpu.memory_space<vmem>>)
    %dma_wait3A_1201 = arith.constant 1 : i32
    %dma_wait3A_1202 = arith.constant 0 : i32
    %dma_wait3A_1203 = arith.constant 0 : i32
    %dma_wait3A_1204 = tpu.memref_slice %arg9[%dma_wait3A_1201, %dma_wait3A_1202, %dma_wait3A_1203] : memref<3x16x512xf32, #tpu.memory_space<vmem>> -> memref<1x16x512xf32, #tpu.memory_space<vmem>>
    %dma_wait3A_1205 = tpu.memref_squeeze %dma_wait3A_1204 : memref<1x16x512xf32, #tpu.memory_space<vmem>> -> memref<16x512xf32, #tpu.memory_space<vmem>>
    %dma_wait3A_1206 = arith.constant 0 : i32
    %dma_wait3A_1207 = tpu.memref_slice %arg3[%div3A_1, %add3A_1023, %dma_wait3A_1206] : memref<16x512x512xf32, #tpu.memory_space<hbm>> -> memref<1x16x512xf32, #tpu.memory_space<hbm>>
    %dma_wait3A_1208 = tpu.memref_squeeze %dma_wait3A_1207 : memref<1x16x512xf32, #tpu.memory_space<hbm>> -> memref<16x512xf32, #tpu.memory_space<hbm>>
    %dma_wait3A_1209 = arith.constant 0 : i32
    %dma_wait3A_1210 = arith.constant 0 : i32
    %dma_wait3A_1211 = tpu.memref_slice %arg9[%dma_wait3A_1201, %dma_wait3A_1209, %dma_wait3A_1210] : memref<3x16x512xf32, #tpu.memory_space<vmem>> -> memref<1x16x512xf32, #tpu.memory_space<vmem>>
    %dma_wait3A_1212 = tpu.memref_squeeze %dma_wait3A_1211 : memref<1x16x512xf32, #tpu.memory_space<vmem>> -> memref<16x512xf32, #tpu.memory_space<vmem>>
    %dma_wait3A_1213 = arith.constant 0 : i32
    %dma_wait3A_1214 = tpu.memref_slice %arg3[%div3A_1, %add3A_1023, %dma_wait3A_1213] : memref<16x512x512xf32, #tpu.memory_space<hbm>> -> memref<1x16x512xf32, #tpu.memory_space<hbm>>
    %dma_wait3A_1215 = tpu.memref_squeeze %dma_wait3A_1214 : memref<1x16x512xf32, #tpu.memory_space<hbm>> -> memref<16x512xf32, #tpu.memory_space<hbm>>
    tpu.wait_dma2 semaphore(%arg14 : memref<!tpu.dma_semaphore, #tpu.memory_space<semaphore_mem>>) src(%dma_wait3A_1215 : memref<16x512xf32, #tpu.memory_space<hbm>>) dst(%dma_wait3A_1212 : memref<16x512xf32, #tpu.memory_space<vmem>>)
    %dma_wait3A_1216 = arith.constant 1 : i32
    %dma_wait3A_1217 = arith.constant 0 : i32
    %dma_wait3A_1218 = arith.constant 0 : i32
    %dma_wait3A_1219 = tpu.memref_slice %arg10[%dma_wait3A_1216, %dma_wait3A_1217, %dma_wait3A_1218] : memref<3x16x512xf32, #tpu.memory_space<vmem>> -> memref<1x16x512xf32, #tpu.memory_space<vmem>>
    %dma_wait3A_1220 = tpu.memref_squeeze %dma_wait3A_1219 : memref<1x16x512xf32, #tpu.memory_space<vmem>> -> memref<16x512xf32, #tpu.memory_space<vmem>>
    %dma_wait3A_1221 = arith.constant 0 : i32
    %dma_wait3A_1222 = tpu.memref_slice %arg4[%div3A_1, %add3A_1023, %dma_wait3A_1221] : memref<16x512x512xf32, #tpu.memory_space<hbm>> -> memref<1x16x512xf32, #tpu.memory_space<hbm>>
    %dma_wait3A_1223 = tpu.memref_squeeze %dma_wait3A_1222 : memref<1x16x512xf32, #tpu.memory_space<hbm>> -> memref<16x512xf32, #tpu.memory_space<hbm>>
    %dma_wait3A_1224 = arith.constant 0 : i32
    %dma_wait3A_1225 = arith.constant 0 : i32
    %dma_wait3A_1226 = tpu.memref_slice %arg10[%dma_wait3A_1216, %dma_wait3A_1224, %dma_wait3A_1225] : memref<3x16x512xf32, #tpu.memory_space<vmem>> -> memref<1x16x512xf32, #tpu.memory_space<vmem>>
    %dma_wait3A_1227 = tpu.memref_squeeze %dma_wait3A_1226 : memref<1x16x512xf32, #tpu.memory_space<vmem>> -> memref<16x512xf32, #tpu.memory_space<vmem>>
    %dma_wait3A_1228 = arith.constant 0 : i32
    %dma_wait3A_1229 = tpu.memref_slice %arg4[%div3A_1, %add3A_1023, %dma_wait3A_1228] : memref<16x512x512xf32, #tpu.memory_space<hbm>> -> memref<1x16x512xf32, #tpu.memory_space<hbm>>
    %dma_wait3A_1230 = tpu.memref_squeeze %dma_wait3A_1229 : memref<1x16x512xf32, #tpu.memory_space<hbm>> -> memref<16x512xf32, #tpu.memory_space<hbm>>
    tpu.wait_dma2 semaphore(%arg14 : memref<!tpu.dma_semaphore, #tpu.memory_space<semaphore_mem>>) src(%dma_wait3A_1230 : memref<16x512xf32, #tpu.memory_space<hbm>>) dst(%dma_wait3A_1227 : memref<16x512xf32, #tpu.memory_space<vmem>>)
    %dma_wait3A_1231 = arith.constant 1 : i32
    %dma_wait3A_1232 = arith.constant 0 : i32
    %dma_wait3A_1233 = arith.constant 0 : i32
    %dma_wait3A_1234 = tpu.memref_slice %arg11[%dma_wait3A_1231, %dma_wait3A_1232, %dma_wait3A_1233] : memref<3x16x512xf32, #tpu.memory_space<vmem>> -> memref<1x16x512xf32, #tpu.memory_space<vmem>>
    %dma_wait3A_1235 = tpu.memref_squeeze %dma_wait3A_1234 : memref<1x16x512xf32, #tpu.memory_space<vmem>> -> memref<16x512xf32, #tpu.memory_space<vmem>>
    %dma_wait3A_1236 = arith.constant 0 : i32
    %dma_wait3A_1237 = tpu.memref_slice %arg5[%div3A_1, %add3A_1023, %dma_wait3A_1236] : memref<16x512x512xf32, #tpu.memory_space<hbm>> -> memref<1x16x512xf32, #tpu.memory_space<hbm>>
    %dma_wait3A_1238 = tpu.memref_squeeze %dma_wait3A_1237 : memref<1x16x512xf32, #tpu.memory_space<hbm>> -> memref<16x512xf32, #tpu.memory_space<hbm>>
    %dma_wait3A_1239 = arith.constant 0 : i32
    %dma_wait3A_1240 = arith.constant 0 : i32
    %dma_wait3A_1241 = tpu.memref_slice %arg11[%dma_wait3A_1231, %dma_wait3A_1239, %dma_wait3A_1240] : memref<3x16x512xf32, #tpu.memory_space<vmem>> -> memref<1x16x512xf32, #tpu.memory_space<vmem>>
    %dma_wait3A_1242 = tpu.memref_squeeze %dma_wait3A_1241 : memref<1x16x512xf32, #tpu.memory_space<vmem>> -> memref<16x512xf32, #tpu.memory_space<vmem>>
    %dma_wait3A_1243 = arith.constant 0 : i32
    %dma_wait3A_1244 = tpu.memref_slice %arg5[%div3A_1, %add3A_1023, %dma_wait3A_1243] : memref<16x512x512xf32, #tpu.memory_space<hbm>> -> memref<1x16x512xf32, #tpu.memory_space<hbm>>
    %dma_wait3A_1245 = tpu.memref_squeeze %dma_wait3A_1244 : memref<1x16x512xf32, #tpu.memory_space<hbm>> -> memref<16x512xf32, #tpu.memory_space<hbm>>
    tpu.wait_dma2 semaphore(%arg14 : memref<!tpu.dma_semaphore, #tpu.memory_space<semaphore_mem>>) src(%dma_wait3A_1245 : memref<16x512xf32, #tpu.memory_space<hbm>>) dst(%dma_wait3A_1242 : memref<16x512xf32, #tpu.memory_space<vmem>>)
    %dma_wait3A_1246 = arith.constant 1 : i32
    %dma_wait3A_1247 = arith.constant 0 : i32
    %dma_wait3A_1248 = arith.constant 0 : i32
    %dma_wait3A_1249 = tpu.memref_slice %arg12[%dma_wait3A_1246, %dma_wait3A_1247, %dma_wait3A_1248] : memref<3x16x512xf32, #tpu.memory_space<vmem>> -> memref<1x16x512xf32, #tpu.memory_space<vmem>>
    %dma_wait3A_1250 = tpu.memref_squeeze %dma_wait3A_1249 : memref<1x16x512xf32, #tpu.memory_space<vmem>> -> memref<16x512xf32, #tpu.memory_space<vmem>>
    %dma_wait3A_1251 = arith.constant 0 : i32
    %dma_wait3A_1252 = tpu.memref_slice %arg6[%div3A_1, %add3A_1023, %dma_wait3A_1251] : memref<16x512x512xf32, #tpu.memory_space<hbm>> -> memref<1x16x512xf32, #tpu.memory_space<hbm>>
    %dma_wait3A_1253 = tpu.memref_squeeze %dma_wait3A_1252 : memref<1x16x512xf32, #tpu.memory_space<hbm>> -> memref<16x512xf32, #tpu.memory_space<hbm>>
    %dma_wait3A_1254 = arith.constant 0 : i32
    %dma_wait3A_1255 = arith.constant 0 : i32
    %dma_wait3A_1256 = tpu.memref_slice %arg12[%dma_wait3A_1246, %dma_wait3A_1254, %dma_wait3A_1255] : memref<3x16x512xf32, #tpu.memory_space<vmem>> -> memref<1x16x512xf32, #tpu.memory_space<vmem>>
    %dma_wait3A_1257 = tpu.memref_squeeze %dma_wait3A_1256 : memref<1x16x512xf32, #tpu.memory_space<vmem>> -> memref<16x512xf32, #tpu.memory_space<vmem>>
    %dma_wait3A_1258 = arith.constant 0 : i32
    %dma_wait3A_1259 = tpu.memref_slice %arg6[%div3A_1, %add3A_1023, %dma_wait3A_1258] : memref<16x512x512xf32, #tpu.memory_space<hbm>> -> memref<1x16x512xf32, #tpu.memory_space<hbm>>
    %dma_wait3A_1260 = tpu.memref_squeeze %dma_wait3A_1259 : memref<1x16x512xf32, #tpu.memory_space<hbm>> -> memref<16x512xf32, #tpu.memory_space<hbm>>
    tpu.wait_dma2 semaphore(%arg14 : memref<!tpu.dma_semaphore, #tpu.memory_space<semaphore_mem>>) src(%dma_wait3A_1260 : memref<16x512xf32, #tpu.memory_space<hbm>>) dst(%dma_wait3A_1257 : memref<16x512xf32, #tpu.memory_space<vmem>>)
    %scan3A_1261 = arith.constant 0 : i32
    %scan3A_1262 = arith.constant 128 : i32
    %scan3A_1263 = arith.addi %scan3A_1261, %scan3A_1262 : i32
    %scan3A_1264 = arith.constant 1 : i32
    %scan3A_1265:6 = scf.for %scan3A_1302 = %scan3A_1261 to %scan3A_1263 step %scan3A_1264 iter_args(%scan3A_1303 = %scan3A_1184#0, %scan3A_1304 = %scan3A_1184#1, %scan3A_1305 = %scan3A_1184#2, %scan3A_1306 = %scan3A_1184#3, %scan3A_1307 = %scan3A_1184#4, %scan3A_1308 = %scan3A_1184#5) -> (vector<16xf32>, vector<16xf32>, vector<16xf32>, vector<16xf32>, vector<16xf32>, vector<16xf32>)  : i32 {
      %shift_right_logical3A = arith.constant 3 : i32
      %shift_right_logical3A_1309 = arith.shrui %scan3A_1302, %shift_right_logical3A : i32
      %and3A = arith.constant 7 : i32
      %and3A_1310 = arith.andi %scan3A_1302, %and3A : i32
      %shift_left3A = arith.constant 6 : i32
      %shift_left3A_1311 = arith.shli %and3A_1310, %shift_left3A : i32
      %add3A_1312 = arith.constant 0 : i32
      %add3A_1313 = arith.addi %shift_left3A_1311, %add3A_1312 : i32
      %multiple_of3A = tpu.assume_multiple %add3A_1313, 16 : i32
      %get3A = arith.constant 1 : i32
      %get3A_1314 = arith.index_cast %get3A : i32 to index
      %get3A_1315 = arith.index_cast %shift_right_logical3A_1309 : i32 to index
      %get3A_1316 = arith.index_cast %multiple_of3A : i32 to index
      %get3A_1317 = tpu.vector_load %arg8[%get3A_1314, %get3A_1315, %get3A_1316] {strides = array<i32>} : memref<3x16x512xf32, #tpu.memory_space<vmem>>, vector<1x1x16xf32>,
      %get3A_1318 = vector.shape_cast %get3A_1317 : vector<1x1x16xf32> to vector<16xf32>
      %get3A_1319 = arith.constant 1 : i32
      %get3A_1320 = arith.index_cast %get3A_1319 : i32 to index
      %get3A_1321 = arith.index_cast %shift_right_logical3A_1309 : i32 to index
      %get3A_1322 = arith.index_cast %multiple_of3A : i32 to index
      %get3A_1323 = tpu.vector_load %arg9[%get3A_1320, %get3A_1321, %get3A_1322] {strides = array<i32>} : memref<3x16x512xf32, #tpu.memory_space<vmem>>, vector<1x1x16xf32>,
      %get3A_1324 = vector.shape_cast %get3A_1323 : vector<1x1x16xf32> to vector<16xf32>
      %get3A_1325 = arith.constant 1 : i32
      %get3A_1326 = arith.index_cast %get3A_1325 : i32 to index
      %get3A_1327 = arith.index_cast %shift_right_logical3A_1309 : i32 to index
      %get3A_1328 = arith.index_cast %multiple_of3A : i32 to index
      %get3A_1329 = tpu.vector_load %arg10[%get3A_1326, %get3A_1327, %get3A_1328] {strides = array<i32>} : memref<3x16x512xf32, #tpu.memory_space<vmem>>, vector<1x1x16xf32>,
      %get3A_1330 = vector.shape_cast %get3A_1329 : vector<1x1x16xf32> to vector<16xf32>
      %get3A_1331 = arith.constant 1 : i32
      %get3A_1332 = arith.index_cast %get3A_1331 : i32 to index
      %get3A_1333 = arith.index_cast %shift_right_logical3A_1309 : i32 to index
      %get3A_1334 = arith.index_cast %multiple_of3A : i32 to index
      %get3A_1335 = tpu.vector_load %arg11[%get3A_1332, %get3A_1333, %get3A_1334] {strides = array<i32>} : memref<3x16x512xf32, #tpu.memory_space<vmem>>, vector<1x1x16xf32>,
      %get3A_1336 = vector.shape_cast %get3A_1335 : vector<1x1x16xf32> to vector<16xf32>
      %get3A_1337 = arith.constant 1 : i32
      %get3A_1338 = arith.index_cast %get3A_1337 : i32 to index
      %get3A_1339 = arith.index_cast %shift_right_logical3A_1309 : i32 to index
      %get3A_1340 = arith.index_cast %multiple_of3A : i32 to index
      %get3A_1341 = tpu.vector_load %arg12[%get3A_1338, %get3A_1339, %get3A_1340] {strides = array<i32>} : memref<3x16x512xf32, #tpu.memory_space<vmem>>, vector<1x1x16xf32>,
      %get3A_1342 = vector.shape_cast %get3A_1341 : vector<1x1x16xf32> to vector<16xf32>
      %sub3A = arith.subf %get3A_1330, %get3A_1318 : vector<16xf32>
      %mul3A_1343 = arith.mulf %sub3A, %sub3A : vector<16xf32>
      %mul3A_1344 = arith.mulf %mul3A_1343, %get3A_1342 : vector<16xf32>
      %sub3A_1345 = arith.subf %get3A_1336, %get3A_1324 : vector<16xf32>
      %mul3A_1346 = arith.mulf %sub3A_1345, %sub3A_1345 : vector<16xf32>
      %mul3A_1347 = arith.mulf %mul3A_1346, %get3A_1342 : vector<16xf32>
      %ge3A = arith.constant 1.000000e-01 : f32
      %ge3A_1348 = vector.broadcast %ge3A : f32 to vector<16xf32>
      %ge3A_1349 = arith.cmpf oge, %get3A_1318, %ge3A_1348 : vector<16xf32>
      %ge3A_1350 = arith.constant 1.000000e-01 : f32
      %ge3A_1351 = vector.broadcast %ge3A_1350 : f32 to vector<16xf32>
      %ge3A_1352 = arith.cmpf oge, %get3A_1324, %ge3A_1351 : vector<16xf32>
      %jit3A = arith.constant 1.000000e+00 : f32
      %jit3A_1353 = arith.constant 0.000000e+00 : f32
      %broadcast_in_dim3A_1354 = vector.broadcast %jit3A : f32 to vector<16xf32>
      %broadcast_in_dim3A_1355 = vector.broadcast %jit3A_1353 : f32 to vector<16xf32>
      %select_n3A = arith.select %ge3A_1349, %broadcast_in_dim3A_1354, %broadcast_in_dim3A_1355 : vector<16xi1>, vector<16xf32>
      %add3A_1356 = arith.addf %scan3A_1303, %select_n3A : vector<16xf32>
      %jit3A_1357 = arith.constant 0.000000e+00 : f32
      %broadcast_in_dim3A_1358 = vector.broadcast %jit3A_1357 : f32 to vector<16xf32>
      %select_n3A_1359 = arith.select %ge3A_1349, %mul3A_1344, %broadcast_in_dim3A_1358 : vector<16xi1>, vector<16xf32>
      %add3A_1360 = arith.addf %scan3A_1304, %select_n3A_1359 : vector<16xf32>
      %add3A_1361 = arith.addf %scan3A_1305, %mul3A_1344 : vector<16xf32>
      %jit3A_1362 = arith.constant 1.000000e+00 : f32
      %jit3A_1363 = arith.constant 0.000000e+00 : f32
      %broadcast_in_dim3A_1364 = vector.broadcast %jit3A_1362 : f32 to vector<16xf32>
      %broadcast_in_dim3A_1365 = vector.broadcast %jit3A_1363 : f32 to vector<16xf32>
      %select_n3A_1366 = arith.select %ge3A_1352, %broadcast_in_dim3A_1364, %broadcast_in_dim3A_1365 : vector<16xi1>, vector<16xf32>
      %add3A_1367 = arith.addf %scan3A_1306, %select_n3A_1366 : vector<16xf32>
      %jit3A_1368 = arith.constant 0.000000e+00 : f32
      %broadcast_in_dim3A_1369 = vector.broadcast %jit3A_1368 : f32 to vector<16xf32>
      %select_n3A_1370 = arith.select %ge3A_1352, %mul3A_1347, %broadcast_in_dim3A_1369 : vector<16xi1>, vector<16xf32>
      %add3A_1371 = arith.addf %scan3A_1307, %select_n3A_1370 : vector<16xf32>
      %add3A_1372 = arith.addf %scan3A_1308, %mul3A_1347 : vector<16xf32>
      %add3A_1373 = arith.constant 16 : i32
      %add3A_1374 = arith.addi %shift_left3A_1311, %add3A_1373 : i32
      %multiple_of3A_1375 = tpu.assume_multiple %add3A_1374, 16 : i32
      %get3A_1376 = arith.constant 1 : i32
      %get3A_1377 = arith.index_cast %get3A_1376 : i32 to index
      %get3A_1378 = arith.index_cast %shift_right_logical3A_1309 : i32 to index
      %get3A_1379 = arith.index_cast %multiple_of3A_1375 : i32 to index
      %get3A_1380 = tpu.vector_load %arg8[%get3A_1377, %get3A_1378, %get3A_1379] {strides = array<i32>} : memref<3x16x512xf32, #tpu.memory_space<vmem>>, vector<1x1x16xf32>,
      %get3A_1381 = vector.shape_cast %get3A_1380 : vector<1x1x16xf32> to vector<16xf32>
      %get3A_1382 = arith.constant 1 : i32
      %get3A_1383 = arith.index_cast %get3A_1382 : i32 to index
      %get3A_1384 = arith.index_cast %shift_right_logical3A_1309 : i32 to index
      %get3A_1385 = arith.index_cast %multiple_of3A_1375 : i32 to index
      %get3A_1386 = tpu.vector_load %arg9[%get3A_1383, %get3A_1384, %get3A_1385] {strides = array<i32>} : memref<3x16x512xf32, #tpu.memory_space<vmem>>, vector<1x1x16xf32>,
      %get3A_1387 = vector.shape_cast %get3A_1386 : vector<1x1x16xf32> to vector<16xf32>
      %get3A_1388 = arith.constant 1 : i32
      %get3A_1389 = arith.index_cast %get3A_1388 : i32 to index
      %get3A_1390 = arith.index_cast %shift_right_logical3A_1309 : i32 to index
      %get3A_1391 = arith.index_cast %multiple_of3A_1375 : i32 to index
      %get3A_1392 = tpu.vector_load %arg10[%get3A_1389, %get3A_1390, %get3A_1391] {strides = array<i32>} : memref<3x16x512xf32, #tpu.memory_space<vmem>>, vector<1x1x16xf32>,
      %get3A_1393 = vector.shape_cast %get3A_1392 : vector<1x1x16xf32> to vector<16xf32>
      %get3A_1394 = arith.constant 1 : i32
      %get3A_1395 = arith.index_cast %get3A_1394 : i32 to index
      %get3A_1396 = arith.index_cast %shift_right_logical3A_1309 : i32 to index
      %get3A_1397 = arith.index_cast %multiple_of3A_1375 : i32 to index
      %get3A_1398 = tpu.vector_load %arg11[%get3A_1395, %get3A_1396, %get3A_1397] {strides = array<i32>} : memref<3x16x512xf32, #tpu.memory_space<vmem>>, vector<1x1x16xf32>,
      %get3A_1399 = vector.shape_cast %get3A_1398 : vector<1x1x16xf32> to vector<16xf32>
      %get3A_1400 = arith.constant 1 : i32
      %get3A_1401 = arith.index_cast %get3A_1400 : i32 to index
      %get3A_1402 = arith.index_cast %shift_right_logical3A_1309 : i32 to index
      %get3A_1403 = arith.index_cast %multiple_of3A_1375 : i32 to index
      %get3A_1404 = tpu.vector_load %arg12[%get3A_1401, %get3A_1402, %get3A_1403] {strides = array<i32>} : memref<3x16x512xf32, #tpu.memory_space<vmem>>, vector<1x1x16xf32>,
      %get3A_1405 = vector.shape_cast %get3A_1404 : vector<1x1x16xf32> to vector<16xf32>
      %sub3A_1406 = arith.subf %get3A_1393, %get3A_1381 : vector<16xf32>
      %mul3A_1407 = arith.mulf %sub3A_1406, %sub3A_1406 : vector<16xf32>
      %mul3A_1408 = arith.mulf %mul3A_1407, %get3A_1405 : vector<16xf32>
      %sub3A_1409 = arith.subf %get3A_1399, %get3A_1387 : vector<16xf32>
      %mul3A_1410 = arith.mulf %sub3A_1409, %sub3A_1409 : vector<16xf32>
      %mul3A_1411 = arith.mulf %mul3A_1410, %get3A_1405 : vector<16xf32>
      %ge3A_1412 = arith.constant 1.000000e-01 : f32
      %ge3A_1413 = vector.broadcast %ge3A_1412 : f32 to vector<16xf32>
      %ge3A_1414 = arith.cmpf oge, %get3A_1381, %ge3A_1413 : vector<16xf32>
      %ge3A_1415 = arith.constant 1.000000e-01 : f32
      %ge3A_1416 = vector.broadcast %ge3A_1415 : f32 to vector<16xf32>
      %ge3A_1417 = arith.cmpf oge, %get3A_1387, %ge3A_1416 : vector<16xf32>
      %jit3A_1418 = arith.constant 1.000000e+00 : f32
      %jit3A_1419 = arith.constant 0.000000e+00 : f32
      %broadcast_in_dim3A_1420 = vector.broadcast %jit3A_1418 : f32 to vector<16xf32>
      %broadcast_in_dim3A_1421 = vector.broadcast %jit3A_1419 : f32 to vector<16xf32>
      %select_n3A_1422 = arith.select %ge3A_1414, %broadcast_in_dim3A_1420, %broadcast_in_dim3A_1421 : vector<16xi1>, vector<16xf32>
      %add3A_1423 = arith.addf %add3A_1356, %select_n3A_1422 : vector<16xf32>
      %jit3A_1424 = arith.constant 0.000000e+00 : f32
      %broadcast_in_dim3A_1425 = vector.broadcast %jit3A_1424 : f32 to vector<16xf32>
      %select_n3A_1426 = arith.select %ge3A_1414, %mul3A_1408, %broadcast_in_dim3A_1425 : vector<16xi1>, vector<16xf32>
      %add3A_1427 = arith.addf %add3A_1360, %select_n3A_1426 : vector<16xf32>
      %add3A_1428 = arith.addf %add3A_1361, %mul3A_1408 : vector<16xf32>
      %jit3A_1429 = arith.constant 1.000000e+00 : f32
      %jit3A_1430 = arith.constant 0.000000e+00 : f32
      %broadcast_in_dim3A_1431 = vector.broadcast %jit3A_1429 : f32 to vector<16xf32>
      %broadcast_in_dim3A_1432 = vector.broadcast %jit3A_1430 : f32 to vector<16xf32>
      %select_n3A_1433 = arith.select %ge3A_1417, %broadcast_in_dim3A_1431, %broadcast_in_dim3A_1432 : vector<16xi1>, vector<16xf32>
      %add3A_1434 = arith.addf %add3A_1367, %select_n3A_1433 : vector<16xf32>
      %jit3A_1435 = arith.constant 0.000000e+00 : f32
      %broadcast_in_dim3A_1436 = vector.broadcast %jit3A_1435 : f32 to vector<16xf32>
      %select_n3A_1437 = arith.select %ge3A_1417, %mul3A_1411, %broadcast_in_dim3A_1436 : vector<16xi1>, vector<16xf32>
      %add3A_1438 = arith.addf %add3A_1371, %select_n3A_1437 : vector<16xf32>
      %add3A_1439 = arith.addf %add3A_1372, %mul3A_1411 : vector<16xf32>
      %add3A_1440 = arith.constant 32 : i32
      %add3A_1441 = arith.addi %shift_left3A_1311, %add3A_1440 : i32
      %multiple_of3A_1442 = tpu.assume_multiple %add3A_1441, 16 : i32
      %get3A_1443 = arith.constant 1 : i32
      %get3A_1444 = arith.index_cast %get3A_1443 : i32 to index
      %get3A_1445 = arith.index_cast %shift_right_logical3A_1309 : i32 to index
      %get3A_1446 = arith.index_cast %multiple_of3A_1442 : i32 to index
      %get3A_1447 = tpu.vector_load %arg8[%get3A_1444, %get3A_1445, %get3A_1446] {strides = array<i32>} : memref<3x16x512xf32, #tpu.memory_space<vmem>>, vector<1x1x16xf32>,
      %get3A_1448 = vector.shape_cast %get3A_1447 : vector<1x1x16xf32> to vector<16xf32>
      %get3A_1449 = arith.constant 1 : i32
      %get3A_1450 = arith.index_cast %get3A_1449 : i32 to index
      %get3A_1451 = arith.index_cast %shift_right_logical3A_1309 : i32 to index
      %get3A_1452 = arith.index_cast %multiple_of3A_1442 : i32 to index
      %get3A_1453 = tpu.vector_load %arg9[%get3A_1450, %get3A_1451, %get3A_1452] {strides = array<i32>} : memref<3x16x512xf32, #tpu.memory_space<vmem>>, vector<1x1x16xf32>,
      %get3A_1454 = vector.shape_cast %get3A_1453 : vector<1x1x16xf32> to vector<16xf32>
      %get3A_1455 = arith.constant 1 : i32
      %get3A_1456 = arith.index_cast %get3A_1455 : i32 to index
      %get3A_1457 = arith.index_cast %shift_right_logical3A_1309 : i32 to index
      %get3A_1458 = arith.index_cast %multiple_of3A_1442 : i32 to index
      %get3A_1459 = tpu.vector_load %arg10[%get3A_1456, %get3A_1457, %get3A_1458] {strides = array<i32>} : memref<3x16x512xf32, #tpu.memory_space<vmem>>, vector<1x1x16xf32>,
      %get3A_1460 = vector.shape_cast %get3A_1459 : vector<1x1x16xf32> to vector<16xf32>
      %get3A_1461 = arith.constant 1 : i32
      %get3A_1462 = arith.index_cast %get3A_1461 : i32 to index
      %get3A_1463 = arith.index_cast %shift_right_logical3A_1309 : i32 to index
      %get3A_1464 = arith.index_cast %multiple_of3A_1442 : i32 to index
      %get3A_1465 = tpu.vector_load %arg11[%get3A_1462, %get3A_1463, %get3A_1464] {strides = array<i32>} : memref<3x16x512xf32, #tpu.memory_space<vmem>>, vector<1x1x16xf32>,
      %get3A_1466 = vector.shape_cast %get3A_1465 : vector<1x1x16xf32> to vector<16xf32>
      %get3A_1467 = arith.constant 1 : i32
      %get3A_1468 = arith.index_cast %get3A_1467 : i32 to index
      %get3A_1469 = arith.index_cast %shift_right_logical3A_1309 : i32 to index
      %get3A_1470 = arith.index_cast %multiple_of3A_1442 : i32 to index
      %get3A_1471 = tpu.vector_load %arg12[%get3A_1468, %get3A_1469, %get3A_1470] {strides = array<i32>} : memref<3x16x512xf32, #tpu.memory_space<vmem>>, vector<1x1x16xf32>,
      %get3A_1472 = vector.shape_cast %get3A_1471 : vector<1x1x16xf32> to vector<16xf32>
      %sub3A_1473 = arith.subf %get3A_1460, %get3A_1448 : vector<16xf32>
      %mul3A_1474 = arith.mulf %sub3A_1473, %sub3A_1473 : vector<16xf32>
      %mul3A_1475 = arith.mulf %mul3A_1474, %get3A_1472 : vector<16xf32>
      %sub3A_1476 = arith.subf %get3A_1466, %get3A_1454 : vector<16xf32>
      %mul3A_1477 = arith.mulf %sub3A_1476, %sub3A_1476 : vector<16xf32>
      %mul3A_1478 = arith.mulf %mul3A_1477, %get3A_1472 : vector<16xf32>
      %ge3A_1479 = arith.constant 1.000000e-01 : f32
      %ge3A_1480 = vector.broadcast %ge3A_1479 : f32 to vector<16xf32>
      %ge3A_1481 = arith.cmpf oge, %get3A_1448, %ge3A_1480 : vector<16xf32>
      %ge3A_1482 = arith.constant 1.000000e-01 : f32
      %ge3A_1483 = vector.broadcast %ge3A_1482 : f32 to vector<16xf32>
      %ge3A_1484 = arith.cmpf oge, %get3A_1454, %ge3A_1483 : vector<16xf32>
      %jit3A_1485 = arith.constant 1.000000e+00 : f32
      %jit3A_1486 = arith.constant 0.000000e+00 : f32
      %broadcast_in_dim3A_1487 = vector.broadcast %jit3A_1485 : f32 to vector<16xf32>
      %broadcast_in_dim3A_1488 = vector.broadcast %jit3A_1486 : f32 to vector<16xf32>
      %select_n3A_1489 = arith.select %ge3A_1481, %broadcast_in_dim3A_1487, %broadcast_in_dim3A_1488 : vector<16xi1>, vector<16xf32>
      %add3A_1490 = arith.addf %add3A_1423, %select_n3A_1489 : vector<16xf32>
      %jit3A_1491 = arith.constant 0.000000e+00 : f32
      %broadcast_in_dim3A_1492 = vector.broadcast %jit3A_1491 : f32 to vector<16xf32>
      %select_n3A_1493 = arith.select %ge3A_1481, %mul3A_1475, %broadcast_in_dim3A_1492 : vector<16xi1>, vector<16xf32>
      %add3A_1494 = arith.addf %add3A_1427, %select_n3A_1493 : vector<16xf32>
      %add3A_1495 = arith.addf %add3A_1428, %mul3A_1475 : vector<16xf32>
      %jit3A_1496 = arith.constant 1.000000e+00 : f32
      %jit3A_1497 = arith.constant 0.000000e+00 : f32
      %broadcast_in_dim3A_1498 = vector.broadcast %jit3A_1496 : f32 to vector<16xf32>
      %broadcast_in_dim3A_1499 = vector.broadcast %jit3A_1497 : f32 to vector<16xf32>
      %select_n3A_1500 = arith.select %ge3A_1484, %broadcast_in_dim3A_1498, %broadcast_in_dim3A_1499 : vector<16xi1>, vector<16xf32>
      %add3A_1501 = arith.addf %add3A_1434, %select_n3A_1500 : vector<16xf32>
      %jit3A_1502 = arith.constant 0.000000e+00 : f32
      %broadcast_in_dim3A_1503 = vector.broadcast %jit3A_1502 : f32 to vector<16xf32>
      %select_n3A_1504 = arith.select %ge3A_1484, %mul3A_1478, %broadcast_in_dim3A_1503 : vector<16xi1>, vector<16xf32>
      %add3A_1505 = arith.addf %add3A_1438, %select_n3A_1504 : vector<16xf32>
      %add3A_1506 = arith.addf %add3A_1439, %mul3A_1478 : vector<16xf32>
      %add3A_1507 = arith.constant 48 : i32
      %add3A_1508 = arith.addi %shift_left3A_1311, %add3A_1507 : i32
      %multiple_of3A_1509 = tpu.assume_multiple %add3A_1508, 16 : i32
      %get3A_1510 = arith.constant 1 : i32
      %get3A_1511 = arith.index_cast %get3A_1510 : i32 to index
      %get3A_1512 = arith.index_cast %shift_right_logical3A_1309 : i32 to index
      %get3A_1513 = arith.index_cast %multiple_of3A_1509 : i32 to index
      %get3A_1514 = tpu.vector_load %arg8[%get3A_1511, %get3A_1512, %get3A_1513] {strides = array<i32>} : memref<3x16x512xf32, #tpu.memory_space<vmem>>, vector<1x1x16xf32>,
      %get3A_1515 = vector.shape_cast %get3A_1514 : vector<1x1x16xf32> to vector<16xf32>
      %get3A_1516 = arith.constant 1 : i32
      %get3A_1517 = arith.index_cast %get3A_1516 : i32 to index
      %get3A_1518 = arith.index_cast %shift_right_logical3A_1309 : i32 to index
      %get3A_1519 = arith.index_cast %multiple_of3A_1509 : i32 to index
      %get3A_1520 = tpu.vector_load %arg9[%get3A_1517, %get3A_1518, %get3A_1519] {strides = array<i32>} : memref<3x16x512xf32, #tpu.memory_space<vmem>>, vector<1x1x16xf32>,
      %get3A_1521 = vector.shape_cast %get3A_1520 : vector<1x1x16xf32> to vector<16xf32>
      %get3A_1522 = arith.constant 1 : i32
      %get3A_1523 = arith.index_cast %get3A_1522 : i32 to index
      %get3A_1524 = arith.index_cast %shift_right_logical3A_1309 : i32 to index
      %get3A_1525 = arith.index_cast %multiple_of3A_1509 : i32 to index
      %get3A_1526 = tpu.vector_load %arg10[%get3A_1523, %get3A_1524, %get3A_1525] {strides = array<i32>} : memref<3x16x512xf32, #tpu.memory_space<vmem>>, vector<1x1x16xf32>,
      %get3A_1527 = vector.shape_cast %get3A_1526 : vector<1x1x16xf32> to vector<16xf32>
      %get3A_1528 = arith.constant 1 : i32
      %get3A_1529 = arith.index_cast %get3A_1528 : i32 to index
      %get3A_1530 = arith.index_cast %shift_right_logical3A_1309 : i32 to index
      %get3A_1531 = arith.index_cast %multiple_of3A_1509 : i32 to index
      %get3A_1532 = tpu.vector_load %arg11[%get3A_1529, %get3A_1530, %get3A_1531] {strides = array<i32>} : memref<3x16x512xf32, #tpu.memory_space<vmem>>, vector<1x1x16xf32>,
      %get3A_1533 = vector.shape_cast %get3A_1532 : vector<1x1x16xf32> to vector<16xf32>
      %get3A_1534 = arith.constant 1 : i32
      %get3A_1535 = arith.index_cast %get3A_1534 : i32 to index
      %get3A_1536 = arith.index_cast %shift_right_logical3A_1309 : i32 to index
      %get3A_1537 = arith.index_cast %multiple_of3A_1509 : i32 to index
      %get3A_1538 = tpu.vector_load %arg12[%get3A_1535, %get3A_1536, %get3A_1537] {strides = array<i32>} : memref<3x16x512xf32, #tpu.memory_space<vmem>>, vector<1x1x16xf32>,
      %get3A_1539 = vector.shape_cast %get3A_1538 : vector<1x1x16xf32> to vector<16xf32>
      %sub3A_1540 = arith.subf %get3A_1527, %get3A_1515 : vector<16xf32>
      %mul3A_1541 = arith.mulf %sub3A_1540, %sub3A_1540 : vector<16xf32>
      %mul3A_1542 = arith.mulf %mul3A_1541, %get3A_1539 : vector<16xf32>
      %sub3A_1543 = arith.subf %get3A_1533, %get3A_1521 : vector<16xf32>
      %mul3A_1544 = arith.mulf %sub3A_1543, %sub3A_1543 : vector<16xf32>
      %mul3A_1545 = arith.mulf %mul3A_1544, %get3A_1539 : vector<16xf32>
      %ge3A_1546 = arith.constant 1.000000e-01 : f32
      %ge3A_1547 = vector.broadcast %ge3A_1546 : f32 to vector<16xf32>
      %ge3A_1548 = arith.cmpf oge, %get3A_1515, %ge3A_1547 : vector<16xf32>
      %ge3A_1549 = arith.constant 1.000000e-01 : f32
      %ge3A_1550 = vector.broadcast %ge3A_1549 : f32 to vector<16xf32>
      %ge3A_1551 = arith.cmpf oge, %get3A_1521, %ge3A_1550 : vector<16xf32>
      %jit3A_1552 = arith.constant 1.000000e+00 : f32
      %jit3A_1553 = arith.constant 0.000000e+00 : f32
      %broadcast_in_dim3A_1554 = vector.broadcast %jit3A_1552 : f32 to vector<16xf32>
      %broadcast_in_dim3A_1555 = vector.broadcast %jit3A_1553 : f32 to vector<16xf32>
      %select_n3A_1556 = arith.select %ge3A_1548, %broadcast_in_dim3A_1554, %broadcast_in_dim3A_1555 : vector<16xi1>, vector<16xf32>
      %add3A_1557 = arith.addf %add3A_1490, %select_n3A_1556 : vector<16xf32>
      %jit3A_1558 = arith.constant 0.000000e+00 : f32
      %broadcast_in_dim3A_1559 = vector.broadcast %jit3A_1558 : f32 to vector<16xf32>
      %select_n3A_1560 = arith.select %ge3A_1548, %mul3A_1542, %broadcast_in_dim3A_1559 : vector<16xi1>, vector<16xf32>
      %add3A_1561 = arith.addf %add3A_1494, %select_n3A_1560 : vector<16xf32>
      %add3A_1562 = arith.addf %add3A_1495, %mul3A_1542 : vector<16xf32>
      %jit3A_1563 = arith.constant 1.000000e+00 : f32
      %jit3A_1564 = arith.constant 0.000000e+00 : f32
      %broadcast_in_dim3A_1565 = vector.broadcast %jit3A_1563 : f32 to vector<16xf32>
      %broadcast_in_dim3A_1566 = vector.broadcast %jit3A_1564 : f32 to vector<16xf32>
      %select_n3A_1567 = arith.select %ge3A_1551, %broadcast_in_dim3A_1565, %broadcast_in_dim3A_1566 : vector<16xi1>, vector<16xf32>
      %add3A_1568 = arith.addf %add3A_1501, %select_n3A_1567 : vector<16xf32>
      %jit3A_1569 = arith.constant 0.000000e+00 : f32
      %broadcast_in_dim3A_1570 = vector.broadcast %jit3A_1569 : f32 to vector<16xf32>
      %select_n3A_1571 = arith.select %ge3A_1551, %mul3A_1545, %broadcast_in_dim3A_1570 : vector<16xi1>, vector<16xf32>
      %add3A_1572 = arith.addf %add3A_1505, %select_n3A_1571 : vector<16xf32>
      %add3A_1573 = arith.addf %add3A_1506, %mul3A_1545 : vector<16xf32>
      scf.yield %add3A_1557, %add3A_1561, %add3A_1562, %add3A_1568, %add3A_1572, %add3A_1573 : vector<16xf32>, vector<16xf32>, vector<16xf32>, vector<16xf32>, vector<16xf32>, vector<16xf32>
    }
    %scan3A_1266 = arith.constant 128 : i32
    %swap3A = arith.constant 0 : i32
    %swap3A_1267 = arith.index_cast %swap3A : i32 to index
    %swap3A_1268 = arith.constant 0 : index
    %swap3A_1269 = tpu.vector_load %arg13[%swap3A_1267, %swap3A_1268] {strides = array<i32>} : memref<8x128xf32, #tpu.memory_space<vmem>>, vector<1x16xf32>,
    %swap3A_1270 = vector.shape_cast %swap3A_1269 : vector<1x16xf32> to vector<16xf32>
    %swap3A_1271 = vector.shape_cast %scan3A_1265#0 : vector<16xf32> to vector<1x16xf32>
    tpu.vector_store %arg13[%swap3A_1267, %swap3A_1268], %swap3A_1271 {strides = array<i32>} : memref<8x128xf32, #tpu.memory_space<vmem>>, vector<1x16xf32>,
    %swap3A_1272 = arith.constant 1 : i32
    %swap3A_1273 = arith.index_cast %swap3A_1272 : i32 to index
    %swap3A_1274 = arith.constant 0 : index
    %swap3A_1275 = tpu.vector_load %arg13[%swap3A_1273, %swap3A_1274] {strides = array<i32>} : memref<8x128xf32, #tpu.memory_space<vmem>>, vector<1x16xf32>,
    %swap3A_1276 = vector.shape_cast %swap3A_1275 : vector<1x16xf32> to vector<16xf32>
    %swap3A_1277 = vector.shape_cast %scan3A_1265#1 : vector<16xf32> to vector<1x16xf32>
    tpu.vector_store %arg13[%swap3A_1273, %swap3A_1274], %swap3A_1277 {strides = array<i32>} : memref<8x128xf32, #tpu.memory_space<vmem>>, vector<1x16xf32>,
    %swap3A_1278 = arith.constant 2 : i32
    %swap3A_1279 = arith.index_cast %swap3A_1278 : i32 to index
    %swap3A_1280 = arith.constant 0 : index
    %swap3A_1281 = tpu.vector_load %arg13[%swap3A_1279, %swap3A_1280] {strides = array<i32>} : memref<8x128xf32, #tpu.memory_space<vmem>>, vector<1x16xf32>,
    %swap3A_1282 = vector.shape_cast %swap3A_1281 : vector<1x16xf32> to vector<16xf32>
    %swap3A_1283 = vector.shape_cast %scan3A_1265#2 : vector<16xf32> to vector<1x16xf32>
    tpu.vector_store %arg13[%swap3A_1279, %swap3A_1280], %swap3A_1283 {strides = array<i32>} : memref<8x128xf32, #tpu.memory_space<vmem>>, vector<1x16xf32>,
    %swap3A_1284 = arith.constant 3 : i32
    %swap3A_1285 = arith.index_cast %swap3A_1284 : i32 to index
    %swap3A_1286 = arith.constant 0 : index
    %swap3A_1287 = tpu.vector_load %arg13[%swap3A_1285, %swap3A_1286] {strides = array<i32>} : memref<8x128xf32, #tpu.memory_space<vmem>>, vector<1x16xf32>,
    %swap3A_1288 = vector.shape_cast %swap3A_1287 : vector<1x16xf32> to vector<16xf32>
    %swap3A_1289 = vector.shape_cast %scan3A_1265#3 : vector<16xf32> to vector<1x16xf32>
    tpu.vector_store %arg13[%swap3A_1285, %swap3A_1286], %swap3A_1289 {strides = array<i32>} : memref<8x128xf32, #tpu.memory_space<vmem>>, vector<1x16xf32>,
    %swap3A_1290 = arith.constant 4 : i32
    %swap3A_1291 = arith.index_cast %swap3A_1290 : i32 to index
    %swap3A_1292 = arith.constant 0 : index
    %swap3A_1293 = tpu.vector_load %arg13[%swap3A_1291, %swap3A_1292] {strides = array<i32>} : memref<8x128xf32, #tpu.memory_space<vmem>>, vector<1x16xf32>,
    %swap3A_1294 = vector.shape_cast %swap3A_1293 : vector<1x16xf32> to vector<16xf32>
    %swap3A_1295 = vector.shape_cast %scan3A_1265#4 : vector<16xf32> to vector<1x16xf32>
    tpu.vector_store %arg13[%swap3A_1291, %swap3A_1292], %swap3A_1295 {strides = array<i32>} : memref<8x128xf32, #tpu.memory_space<vmem>>, vector<1x16xf32>,
    %swap3A_1296 = arith.constant 5 : i32
    %swap3A_1297 = arith.index_cast %swap3A_1296 : i32 to index
    %swap3A_1298 = arith.constant 0 : index
    %swap3A_1299 = tpu.vector_load %arg13[%swap3A_1297, %swap3A_1298] {strides = array<i32>} : memref<8x128xf32, #tpu.memory_space<vmem>>, vector<1x16xf32>,
    %swap3A_1300 = vector.shape_cast %swap3A_1299 : vector<1x16xf32> to vector<16xf32>
    %swap3A_1301 = vector.shape_cast %scan3A_1265#5 : vector<16xf32> to vector<1x16xf32>
    tpu.vector_store %arg13[%swap3A_1297, %swap3A_1298], %swap3A_1301 {strides = array<i32>} : memref<8x128xf32, #tpu.memory_space<vmem>>, vector<1x16xf32>,
    "tpu.region"() ({
      %run_scoped3A = tpu.sem_alloc : memref<!tpu.dma_semaphore, #tpu.memory_space<semaphore_mem>>
      %dma_start3A_1302 = arith.constant 0 : i32
      %dma_start3A_1303 = arith.constant 0 : i32
      %dma_start3A_1304 = tpu.memref_slice %arg7[%add3A, %dma_start3A_1302, %dma_start3A_1303] : memref<32x8x128xf32, #tpu.memory_space<hbm>> -> memref<1x8x128xf32, #tpu.memory_space<hbm>>
      %dma_start3A_1305 = tpu.memref_squeeze %dma_start3A_1304 : memref<1x8x128xf32, #tpu.memory_space<hbm>> -> memref<8x128xf32, #tpu.memory_space<hbm>>
      %dma_start3A_1306 = arith.constant 0 : i32
      %dma_start3A_1307 = arith.constant 0 : i32
      %dma_start3A_1308 = tpu.memref_slice %arg7[%add3A, %dma_start3A_1306, %dma_start3A_1307] : memref<32x8x128xf32, #tpu.memory_space<hbm>> -> memref<1x8x128xf32, #tpu.memory_space<hbm>>
      %dma_start3A_1309 = tpu.memref_squeeze %dma_start3A_1308 : memref<1x8x128xf32, #tpu.memory_space<hbm>> -> memref<8x128xf32, #tpu.memory_space<hbm>>
      tpu.enqueue_dma source(%arg13 : memref<8x128xf32, #tpu.memory_space<vmem>>) target(%dma_start3A_1309 : memref<8x128xf32, #tpu.memory_space<hbm>>) target_semaphore(%run_scoped3A : memref<!tpu.dma_semaphore, #tpu.memory_space<semaphore_mem>>)
      %dma_wait3A_1310 = arith.constant 0 : i32
      %dma_wait3A_1311 = arith.constant 0 : i32
      %dma_wait3A_1312 = tpu.memref_slice %arg7[%add3A, %dma_wait3A_1310, %dma_wait3A_1311] : memref<32x8x128xf32, #tpu.memory_space<hbm>> -> memref<1x8x128xf32, #tpu.memory_space<hbm>>
      %dma_wait3A_1313 = tpu.memref_squeeze %dma_wait3A_1312 : memref<1x8x128xf32, #tpu.memory_space<hbm>> -> memref<8x128xf32, #tpu.memory_space<hbm>>
      %dma_wait3A_1314 = arith.constant 0 : i32
      %dma_wait3A_1315 = arith.constant 0 : i32
      %dma_wait3A_1316 = tpu.memref_slice %arg7[%add3A, %dma_wait3A_1314, %dma_wait3A_1315] : memref<32x8x128xf32, #tpu.memory_space<hbm>> -> memref<1x8x128xf32, #tpu.memory_space<hbm>>
      %dma_wait3A_1317 = tpu.memref_squeeze %dma_wait3A_1316 : memref<1x8x128xf32, #tpu.memory_space<hbm>> -> memref<8x128xf32, #tpu.memory_space<hbm>>
      tpu.wait_dma2 semaphore(%run_scoped3A : memref<!tpu.dma_semaphore, #tpu.memory_space<semaphore_mem>>) src(%arg13 : memref<8x128xf32, #tpu.memory_space<vmem>>) dst(%dma_wait3A_1317 : memref<8x128xf32, #tpu.memory_space<hbm>>)
      tpu.yield
    }) : () -> ()
    return
  }
}

module attributes {stable_mosaic.version = 14 : i64} {
  func.func @body(%arg0: i32, %arg1: memref<1x512x512xf32, #tpu.memory_space<vmem>>, %arg2: memref<1x512x512xf32, #tpu.memory_space<vmem>>, %arg3: memref<1x512x512xf32, #tpu.memory_space<vmem>>, %arg4: memref<1x512x512xf32, #tpu.memory_space<vmem>>, %arg5: memref<1x512x512xf32, #tpu.memory_space<vmem>>, %arg6: memref<1x8x128xf32, #tpu.memory_space<vmem>>) attributes {dimension_semantics = [#tpu.dimension_semantics<arbitrary>], iteration_bounds = array<i64: 8>, scalar_prefetch = 0 : i64, scratch_operands = 0 : i64, tpu.core_type = #tpu.core_type<tc>, window_params = [{transform_indices = @transform_0, window_bounds = array<i64: 1, 512, 512>}, {transform_indices = @transform_1, window_bounds = array<i64: 1, 512, 512>}, {transform_indices = @transform_2, window_bounds = array<i64: 1, 512, 512>}, {transform_indices = @transform_3, window_bounds = array<i64: 1, 512, 512>}, {transform_indices = @transform_4, window_bounds = array<i64: 1, 512, 512>}, {transform_indices = @transform_5, window_bounds = array<i64: 1, 8, 128>}]} {
    %get3A = arith.constant 0 : index
    %get3A_0 = arith.constant 0 : index
    %get3A_1 = arith.constant 0 : index
    %get3A_2 = vector.load %arg5[%get3A, %get3A_0, %get3A_1] : memref<1x512x512xf32, #tpu.memory_space<vmem>>, vector<1x512x512xf32>
    %get3A_3 = vector.shape_cast %get3A_2 : vector<1x512x512xf32> to vector<512x512xf32>
    %get3A_4 = arith.constant 0 : index
    %get3A_5 = arith.constant 0 : index
    %get3A_6 = arith.constant 0 : index
    %get3A_7 = vector.load %arg1[%get3A_4, %get3A_5, %get3A_6] : memref<1x512x512xf32, #tpu.memory_space<vmem>>, vector<1x512x512xf32>
    %get3A_8 = vector.shape_cast %get3A_7 : vector<1x512x512xf32> to vector<512x512xf32>
    %get3A_9 = arith.constant 0 : index
    %get3A_10 = arith.constant 0 : index
    %get3A_11 = arith.constant 0 : index
    %get3A_12 = vector.load %arg3[%get3A_9, %get3A_10, %get3A_11] : memref<1x512x512xf32, #tpu.memory_space<vmem>>, vector<1x512x512xf32>
    %get3A_13 = vector.shape_cast %get3A_12 : vector<1x512x512xf32> to vector<512x512xf32>
    %get3A_14 = arith.constant 0 : index
    %get3A_15 = arith.constant 0 : index
    %get3A_16 = arith.constant 0 : index
    %get3A_17 = vector.load %arg2[%get3A_14, %get3A_15, %get3A_16] : memref<1x512x512xf32, #tpu.memory_space<vmem>>, vector<1x512x512xf32>
    %get3A_18 = vector.shape_cast %get3A_17 : vector<1x512x512xf32> to vector<512x512xf32>
    %get3A_19 = arith.constant 0 : index
    %get3A_20 = arith.constant 0 : index
    %get3A_21 = arith.constant 0 : index
    %get3A_22 = vector.load %arg4[%get3A_19, %get3A_20, %get3A_21] : memref<1x512x512xf32, #tpu.memory_space<vmem>>, vector<1x512x512xf32>
    %get3A_23 = vector.shape_cast %get3A_22 : vector<1x512x512xf32> to vector<512x512xf32>
    %sub3A = arith.subf %get3A_13, %get3A_8 : vector<512x512xf32>
    %mul3A = arith.mulf %sub3A, %sub3A : vector<512x512xf32>
    %mul3A_24 = arith.mulf %mul3A, %get3A_3 : vector<512x512xf32>
    %ge3A = arith.constant 1.000000e-01 : f32
    %ge3A_25 = vector.broadcast %ge3A : f32 to vector<512x512xf32>
    %ge3A_26 = arith.cmpf oge, %get3A_8, %ge3A_25 : vector<512x512xf32>
    %jit3A = arith.constant 1.000000e+00 : f32
    %jit3A_27 = arith.constant 0.000000e+00 : f32
    %broadcast_in_dim3A = vector.broadcast %jit3A : f32 to vector<512x512xf32>
    %broadcast_in_dim3A_28 = vector.broadcast %jit3A_27 : f32 to vector<512x512xf32>
    %select_n3A = arith.select %ge3A_26, %broadcast_in_dim3A, %broadcast_in_dim3A_28 : vector<512x512xi1>, vector<512x512xf32>
    %reduce_sum3A = vector.shape_cast %select_n3A : vector<512x512xf32> to vector<1x512x512xf32>
    %reduce_sum3A_29 = arith.constant dense<0.000000e+00> : vector<1xf32>
    %reduce_sum3A_30 = vector.multi_reduction <add>, %reduce_sum3A, %reduce_sum3A_29 [1, 2] : vector<1x512x512xf32> to vector<1xf32>
    %reduce_sum3A_31 = vector.shape_cast %reduce_sum3A_30 : vector<1xf32> to vector<1x1x1xf32>
    %reduce_sum3A_32 = vector.extract %reduce_sum3A_31[0, 0, 0] : f32 from vector<1x1x1xf32>
    %jit3A_33 = arith.constant 0.000000e+00 : f32
    %broadcast_in_dim3A_34 = vector.broadcast %jit3A_33 : f32 to vector<512x512xf32>
    %select_n3A_35 = arith.select %ge3A_26, %mul3A_24, %broadcast_in_dim3A_34 : vector<512x512xi1>, vector<512x512xf32>
    %reduce_sum3A_36 = vector.shape_cast %select_n3A_35 : vector<512x512xf32> to vector<1x512x512xf32>
    %reduce_sum3A_37 = arith.constant dense<0.000000e+00> : vector<1xf32>
    %reduce_sum3A_38 = vector.multi_reduction <add>, %reduce_sum3A_36, %reduce_sum3A_37 [1, 2] : vector<1x512x512xf32> to vector<1xf32>
    %reduce_sum3A_39 = vector.shape_cast %reduce_sum3A_38 : vector<1xf32> to vector<1x1x1xf32>
    %reduce_sum3A_40 = vector.extract %reduce_sum3A_39[0, 0, 0] : f32 from vector<1x1x1xf32>
    %reduce_sum3A_41 = vector.shape_cast %mul3A_24 : vector<512x512xf32> to vector<1x512x512xf32>
    %reduce_sum3A_42 = arith.constant dense<0.000000e+00> : vector<1xf32>
    %reduce_sum3A_43 = vector.multi_reduction <add>, %reduce_sum3A_41, %reduce_sum3A_42 [1, 2] : vector<1x512x512xf32> to vector<1xf32>
    %reduce_sum3A_44 = vector.shape_cast %reduce_sum3A_43 : vector<1xf32> to vector<1x1x1xf32>
    %reduce_sum3A_45 = vector.extract %reduce_sum3A_44[0, 0, 0] : f32 from vector<1x1x1xf32>
    %sub3A_46 = arith.subf %get3A_23, %get3A_18 : vector<512x512xf32>
    %mul3A_47 = arith.mulf %sub3A_46, %sub3A_46 : vector<512x512xf32>
    %mul3A_48 = arith.mulf %mul3A_47, %get3A_3 : vector<512x512xf32>
    %ge3A_49 = arith.constant 1.000000e-01 : f32
    %ge3A_50 = vector.broadcast %ge3A_49 : f32 to vector<512x512xf32>
    %ge3A_51 = arith.cmpf oge, %get3A_18, %ge3A_50 : vector<512x512xf32>
    %jit3A_52 = arith.constant 1.000000e+00 : f32
    %jit3A_53 = arith.constant 0.000000e+00 : f32
    %broadcast_in_dim3A_54 = vector.broadcast %jit3A_52 : f32 to vector<512x512xf32>
    %broadcast_in_dim3A_55 = vector.broadcast %jit3A_53 : f32 to vector<512x512xf32>
    %select_n3A_56 = arith.select %ge3A_51, %broadcast_in_dim3A_54, %broadcast_in_dim3A_55 : vector<512x512xi1>, vector<512x512xf32>
    %reduce_sum3A_57 = vector.shape_cast %select_n3A_56 : vector<512x512xf32> to vector<1x512x512xf32>
    %reduce_sum3A_58 = arith.constant dense<0.000000e+00> : vector<1xf32>
    %reduce_sum3A_59 = vector.multi_reduction <add>, %reduce_sum3A_57, %reduce_sum3A_58 [1, 2] : vector<1x512x512xf32> to vector<1xf32>
    %reduce_sum3A_60 = vector.shape_cast %reduce_sum3A_59 : vector<1xf32> to vector<1x1x1xf32>
    %reduce_sum3A_61 = vector.extract %reduce_sum3A_60[0, 0, 0] : f32 from vector<1x1x1xf32>
    %jit3A_62 = arith.constant 0.000000e+00 : f32
    %broadcast_in_dim3A_63 = vector.broadcast %jit3A_62 : f32 to vector<512x512xf32>
    %select_n3A_64 = arith.select %ge3A_51, %mul3A_48, %broadcast_in_dim3A_63 : vector<512x512xi1>, vector<512x512xf32>
    %reduce_sum3A_65 = vector.shape_cast %select_n3A_64 : vector<512x512xf32> to vector<1x512x512xf32>
    %reduce_sum3A_66 = arith.constant dense<0.000000e+00> : vector<1xf32>
    %reduce_sum3A_67 = vector.multi_reduction <add>, %reduce_sum3A_65, %reduce_sum3A_66 [1, 2] : vector<1x512x512xf32> to vector<1xf32>
    %reduce_sum3A_68 = vector.shape_cast %reduce_sum3A_67 : vector<1xf32> to vector<1x1x1xf32>
    %reduce_sum3A_69 = vector.extract %reduce_sum3A_68[0, 0, 0] : f32 from vector<1x1x1xf32>
    %reduce_sum3A_70 = vector.shape_cast %mul3A_48 : vector<512x512xf32> to vector<1x512x512xf32>
    %reduce_sum3A_71 = arith.constant dense<0.000000e+00> : vector<1xf32>
    %reduce_sum3A_72 = vector.multi_reduction <add>, %reduce_sum3A_70, %reduce_sum3A_71 [1, 2] : vector<1x512x512xf32> to vector<1xf32>
    %reduce_sum3A_73 = vector.shape_cast %reduce_sum3A_72 : vector<1xf32> to vector<1x1x1xf32>
    %reduce_sum3A_74 = vector.extract %reduce_sum3A_73[0, 0, 0] : f32 from vector<1x1x1xf32>
    %broadcast_in_dim3A_75 = vector.broadcast %reduce_sum3A_32 : f32 to vector<1x128xf32>
    %broadcast_in_dim3A_76 = vector.broadcast %reduce_sum3A_40 : f32 to vector<1x128xf32>
    %broadcast_in_dim3A_77 = vector.broadcast %reduce_sum3A_45 : f32 to vector<1x128xf32>
    %broadcast_in_dim3A_78 = vector.broadcast %reduce_sum3A_61 : f32 to vector<1x128xf32>
    %broadcast_in_dim3A_79 = vector.broadcast %reduce_sum3A_69 : f32 to vector<1x128xf32>
    %broadcast_in_dim3A_80 = vector.broadcast %reduce_sum3A_74 : f32 to vector<1x128xf32>
    %broadcast_in_dim3A_81 = arith.constant 0.000000e+00 : f32
    %broadcast_in_dim3A_82 = vector.broadcast %broadcast_in_dim3A_81 : f32 to vector<2x128xf32>
    %concatenate3A = tpu.concatenate %broadcast_in_dim3A_75, %broadcast_in_dim3A_76, %broadcast_in_dim3A_77, %broadcast_in_dim3A_78, %broadcast_in_dim3A_79, %broadcast_in_dim3A_80, %broadcast_in_dim3A_82 in 0 : vector<1x128xf32>, vector<1x128xf32>, vector<1x128xf32>, vector<1x128xf32>, vector<1x128xf32>, vector<1x128xf32>, vector<2x128xf32> -> vector<8x128xf32>
    %swap3A = arith.constant 0 : index
    %swap3A_83 = arith.constant 0 : index
    %swap3A_84 = arith.constant 0 : index
    %swap3A_85 = vector.load %arg6[%swap3A, %swap3A_83, %swap3A_84] : memref<1x8x128xf32, #tpu.memory_space<vmem>>, vector<1x8x128xf32>
    %swap3A_86 = vector.shape_cast %swap3A_85 : vector<1x8x128xf32> to vector<8x128xf32>
    %swap3A_87 = vector.shape_cast %concatenate3A : vector<8x128xf32> to vector<1x8x128xf32>
    tpu.vector_store %arg6[%swap3A, %swap3A_83, %swap3A_84], %swap3A_87 {strides = array<i32>} : memref<1x8x128xf32, #tpu.memory_space<vmem>>, vector<1x8x128xf32>,
    return
  }
  func.func @transform_0(%arg0: i32) -> (i32, i32, i32) {
    %add3A = arith.constant 8 : i32
    %add3A_0 = arith.addi %arg0, %add3A : i32
    %c0_i32 = arith.constant 0 : i32
    %c0_i32_1 = arith.constant 0 : i32
    %c0_i32_2 = arith.constant 0 : i32
    return %add3A_0, %c0_i32, %c0_i32_1 : i32, i32, i32
  }
  func.func @transform_1(%arg0: i32) -> (i32, i32, i32) {
    %add3A = arith.constant 8 : i32
    %add3A_0 = arith.addi %arg0, %add3A : i32
    %c0_i32 = arith.constant 0 : i32
    %c0_i32_1 = arith.constant 0 : i32
    %c0_i32_2 = arith.constant 0 : i32
    return %add3A_0, %c0_i32, %c0_i32_1 : i32, i32, i32
  }
  func.func @transform_2(%arg0: i32) -> (i32, i32, i32) {
    %add3A = arith.constant 8 : i32
    %add3A_0 = arith.addi %arg0, %add3A : i32
    %c0_i32 = arith.constant 0 : i32
    %c0_i32_1 = arith.constant 0 : i32
    %c0_i32_2 = arith.constant 0 : i32
    return %add3A_0, %c0_i32, %c0_i32_1 : i32, i32, i32
  }
  func.func @transform_3(%arg0: i32) -> (i32, i32, i32) {
    %add3A = arith.constant 8 : i32
    %add3A_0 = arith.addi %arg0, %add3A : i32
    %c0_i32 = arith.constant 0 : i32
    %c0_i32_1 = arith.constant 0 : i32
    %c0_i32_2 = arith.constant 0 : i32
    return %add3A_0, %c0_i32, %c0_i32_1 : i32, i32, i32
  }
  func.func @transform_4(%arg0: i32) -> (i32, i32, i32) {
    %add3A = arith.constant 8 : i32
    %add3A_0 = arith.addi %arg0, %add3A : i32
    %c0_i32 = arith.constant 0 : i32
    %c0_i32_1 = arith.constant 0 : i32
    %c0_i32_2 = arith.constant 0 : i32
    return %add3A_0, %c0_i32, %c0_i32_1 : i32, i32, i32
  }
  func.func @transform_5(%arg0: i32) -> (i32, i32, i32) {
    %c0_i32 = arith.constant 0 : i32
    %c0_i32_0 = arith.constant 0 : i32
    %c0_i32_1 = arith.constant 0 : i32
    return %arg0, %c0_i32, %c0_i32_0 : i32, i32, i32
  }
}

module attributes {stable_mosaic.version = 14 : i64} {
  func.func @_fb_body(%arg0: i32, %arg1: i32, %arg2: memref<1x1x512x512xf32, #tpu.memory_space<vmem>>, %arg3: memref<1x1x512x512xf32, #tpu.memory_space<vmem>>, %arg4: memref<1x512x512xf32, #tpu.memory_space<vmem>>, %arg5: memref<1x1x1x128xf32, #tpu.memory_space<vmem>>) attributes {dimension_semantics = [#tpu.dimension_semantics<arbitrary>, #tpu.dimension_semantics<arbitrary>], iteration_bounds = array<i64: 2, 16>, scalar_prefetch = 0 : i64, scratch_operands = 0 : i64, tpu.core_type = #tpu.core_type<tc>, window_params = [{transform_indices = @transform_0, window_bounds = array<i64: 1, 1, 512, 512>}, {transform_indices = @transform_1, window_bounds = array<i64: 1, 1, 512, 512>}, {transform_indices = @transform_2, window_bounds = array<i64: 1, 512, 512>}, {transform_indices = @transform_3, window_bounds = array<i64: 1, 1, 1, 128>}]} {
    %get3A = arith.constant 0 : index
    %get3A_0 = arith.constant 0 : index
    %get3A_1 = arith.constant 0 : index
    %get3A_2 = arith.constant 0 : index
    %get3A_3 = vector.load %arg2[%get3A, %get3A_0, %get3A_1, %get3A_2] : memref<1x1x512x512xf32, #tpu.memory_space<vmem>>, vector<1x1x512x512xf32>
    %get3A_4 = vector.shape_cast %get3A_3 : vector<1x1x512x512xf32> to vector<512x512xf32>
    %get3A_5 = arith.constant 0 : index
    %get3A_6 = arith.constant 0 : index
    %get3A_7 = arith.constant 0 : index
    %get3A_8 = arith.constant 0 : index
    %get3A_9 = vector.load %arg3[%get3A_5, %get3A_6, %get3A_7, %get3A_8] : memref<1x1x512x512xf32, #tpu.memory_space<vmem>>, vector<1x1x512x512xf32>
    %get3A_10 = vector.shape_cast %get3A_9 : vector<1x1x512x512xf32> to vector<512x512xf32>
    %get3A_11 = arith.constant 0 : index
    %get3A_12 = arith.constant 0 : index
    %get3A_13 = arith.constant 0 : index
    %get3A_14 = vector.load %arg4[%get3A_11, %get3A_12, %get3A_13] : memref<1x512x512xf32, #tpu.memory_space<vmem>>, vector<1x512x512xf32>
    %get3A_15 = vector.shape_cast %get3A_14 : vector<1x512x512xf32> to vector<512x512xf32>
    %sub3A = arith.subf %get3A_10, %get3A_4 : vector<512x512xf32>
    %mul3A = arith.mulf %sub3A, %sub3A : vector<512x512xf32>
    %mul3A_16 = arith.mulf %mul3A, %get3A_15 : vector<512x512xf32>
    %ge3A = arith.constant 1.000000e-01 : f32
    %ge3A_17 = vector.broadcast %ge3A : f32 to vector<512x512xf32>
    %ge3A_18 = arith.cmpf oge, %get3A_4, %ge3A_17 : vector<512x512xf32>
    %jit3A = arith.constant 1.000000e+00 : f32
    %jit3A_19 = arith.constant 0.000000e+00 : f32
    %broadcast_in_dim3A = vector.broadcast %jit3A : f32 to vector<512x512xf32>
    %broadcast_in_dim3A_20 = vector.broadcast %jit3A_19 : f32 to vector<512x512xf32>
    %select_n3A = arith.select %ge3A_18, %broadcast_in_dim3A, %broadcast_in_dim3A_20 : vector<512x512xi1>, vector<512x512xf32>
    %reduce_sum3A = vector.shape_cast %select_n3A : vector<512x512xf32> to vector<1x512x512xf32>
    %reduce_sum3A_21 = arith.constant dense<0.000000e+00> : vector<1xf32>
    %reduce_sum3A_22 = vector.multi_reduction <add>, %reduce_sum3A, %reduce_sum3A_21 [1, 2] : vector<1x512x512xf32> to vector<1xf32>
    %reduce_sum3A_23 = vector.shape_cast %reduce_sum3A_22 : vector<1xf32> to vector<1x1x1xf32>
    %reduce_sum3A_24 = vector.extract %reduce_sum3A_23[0, 0, 0] : f32 from vector<1x1x1xf32>
    %jit3A_25 = arith.constant 0.000000e+00 : f32
    %broadcast_in_dim3A_26 = vector.broadcast %jit3A_25 : f32 to vector<512x512xf32>
    %select_n3A_27 = arith.select %ge3A_18, %mul3A_16, %broadcast_in_dim3A_26 : vector<512x512xi1>, vector<512x512xf32>
    %reduce_sum3A_28 = vector.shape_cast %select_n3A_27 : vector<512x512xf32> to vector<1x512x512xf32>
    %reduce_sum3A_29 = arith.constant dense<0.000000e+00> : vector<1xf32>
    %reduce_sum3A_30 = vector.multi_reduction <add>, %reduce_sum3A_28, %reduce_sum3A_29 [1, 2] : vector<1x512x512xf32> to vector<1xf32>
    %reduce_sum3A_31 = vector.shape_cast %reduce_sum3A_30 : vector<1xf32> to vector<1x1x1xf32>
    %reduce_sum3A_32 = vector.extract %reduce_sum3A_31[0, 0, 0] : f32 from vector<1x1x1xf32>
    %jit3A_33 = arith.constant 0.000000e+00 : f32
    %broadcast_in_dim3A_34 = vector.broadcast %jit3A_33 : f32 to vector<512x512xf32>
    %select_n3A_35 = arith.select %ge3A_18, %broadcast_in_dim3A_34, %mul3A_16 : vector<512x512xi1>, vector<512x512xf32>
    %reduce_sum3A_36 = vector.shape_cast %select_n3A_35 : vector<512x512xf32> to vector<1x512x512xf32>
    %reduce_sum3A_37 = arith.constant dense<0.000000e+00> : vector<1xf32>
    %reduce_sum3A_38 = vector.multi_reduction <add>, %reduce_sum3A_36, %reduce_sum3A_37 [1, 2] : vector<1x512x512xf32> to vector<1xf32>
    %reduce_sum3A_39 = vector.shape_cast %reduce_sum3A_38 : vector<1xf32> to vector<1x1x1xf32>
    %reduce_sum3A_40 = vector.extract %reduce_sum3A_39[0, 0, 0] : f32 from vector<1x1x1xf32>
    %sub3A_41 = arith.constant 2.621440e+05 : f32
    %sub3A_42 = arith.subf %sub3A_41, %reduce_sum3A_24 : f32
    %mul3A_43 = arith.constant 3.000000e+00 : f32
    %mul3A_44 = arith.mulf %mul3A_43, %reduce_sum3A_24 : f32
    %jit3A_45 = arith.constant -1.000000e+00 : f32
    %broadcast_in_dim3A_46 = vector.broadcast %jit3A_45 : f32 to vector<512x512xf32>
    %select_n3A_47 = arith.select %ge3A_18, %broadcast_in_dim3A_46, %mul3A_16 : vector<512x512xi1>, vector<512x512xf32>
    %jit3A_48 = arith.constant 1.000000e+00 : f32
    %jit3A_49 = arith.constant 2.621440e+05 : f32
    %max3A = arith.maximumf %jit3A_48, %mul3A_44 : f32
    %min3A = arith.minimumf %jit3A_49, %max3A : f32
    %scan3A = arith.constant -2.000000e+00 : f32
    %scan3A_50 = arith.constant 2.000000e+00 : f32
    %scan3A_51 = arith.constant 0 : i32
    %scan3A_52 = arith.constant 220 : i32
    %scan3A_53 = arith.addi %scan3A_51, %scan3A_52 : i32
    %scan3A_54 = arith.constant 1 : i32
    %scan3A_55:2 = scf.for %scan3A_130 = %scan3A_51 to %scan3A_53 step %scan3A_54 iter_args(%scan3A_131 = %scan3A, %scan3A_132 = %scan3A_50) -> (f32, f32)  : i32 {
      %add3A_133 = arith.addf %scan3A_131, %scan3A_132 : f32
      %mul3A_134 = arith.constant 5.000000e-01 : f32
      %mul3A_135 = arith.mulf %add3A_133, %mul3A_134 : f32
      %gt3A_136 = vector.broadcast %mul3A_135 : f32 to vector<512x512xf32>
      %gt3A_137 = arith.cmpf ogt, %select_n3A_47, %gt3A_136 : vector<512x512xf32>
      %jit3A_138 = arith.constant 1.000000e+00 : f32
      %jit3A_139 = arith.constant 0.000000e+00 : f32
      %broadcast_in_dim3A_140 = vector.broadcast %jit3A_138 : f32 to vector<512x512xf32>
      %broadcast_in_dim3A_141 = vector.broadcast %jit3A_139 : f32 to vector<512x512xf32>
      %select_n3A_142 = arith.select %gt3A_137, %broadcast_in_dim3A_140, %broadcast_in_dim3A_141 : vector<512x512xi1>, vector<512x512xf32>
      %reduce_sum3A_143 = vector.shape_cast %select_n3A_142 : vector<512x512xf32> to vector<1x512x512xf32>
      %reduce_sum3A_144 = arith.constant dense<0.000000e+00> : vector<1xf32>
      %reduce_sum3A_145 = vector.multi_reduction <add>, %reduce_sum3A_143, %reduce_sum3A_144 [1, 2] : vector<1x512x512xf32> to vector<1xf32>
      %reduce_sum3A_146 = vector.shape_cast %reduce_sum3A_145 : vector<1xf32> to vector<1x1x1xf32>
      %reduce_sum3A_147 = vector.extract %reduce_sum3A_146[0, 0, 0] : f32 from vector<1x1x1xf32>
      %ge3A_148 = arith.cmpf oge, %reduce_sum3A_147, %min3A : f32
      %select_n3A_149 = arith.select %ge3A_148, %mul3A_135, %scan3A_131 : f32
      %select_n3A_150 = arith.select %ge3A_148, %scan3A_132, %mul3A_135 : f32
      scf.yield %select_n3A_149, %select_n3A_150 : f32, f32
    }
    %gt3A = vector.broadcast %scan3A_55#1 : f32 to vector<512x512xf32>
    %gt3A_56 = arith.cmpf ogt, %select_n3A_47, %gt3A : vector<512x512xf32>
    %jit3A_57 = arith.constant 1.000000e+00 : f32
    %jit3A_58 = arith.constant 0.000000e+00 : f32
    %broadcast_in_dim3A_59 = vector.broadcast %jit3A_57 : f32 to vector<512x512xf32>
    %broadcast_in_dim3A_60 = vector.broadcast %jit3A_58 : f32 to vector<512x512xf32>
    %select_n3A_61 = arith.select %gt3A_56, %broadcast_in_dim3A_59, %broadcast_in_dim3A_60 : vector<512x512xi1>, vector<512x512xf32>
    %reduce_sum3A_62 = vector.shape_cast %select_n3A_61 : vector<512x512xf32> to vector<1x512x512xf32>
    %reduce_sum3A_63 = arith.constant dense<0.000000e+00> : vector<1xf32>
    %reduce_sum3A_64 = vector.multi_reduction <add>, %reduce_sum3A_62, %reduce_sum3A_63 [1, 2] : vector<1x512x512xf32> to vector<1xf32>
    %reduce_sum3A_65 = vector.shape_cast %reduce_sum3A_64 : vector<1xf32> to vector<1x1x1xf32>
    %reduce_sum3A_66 = vector.extract %reduce_sum3A_65[0, 0, 0] : f32 from vector<1x1x1xf32>
    %jit3A_67 = arith.constant 0.000000e+00 : f32
    %broadcast_in_dim3A_68 = vector.broadcast %jit3A_67 : f32 to vector<512x512xf32>
    %select_n3A_69 = arith.select %gt3A_56, %select_n3A_47, %broadcast_in_dim3A_68 : vector<512x512xi1>, vector<512x512xf32>
    %reduce_sum3A_70 = vector.shape_cast %select_n3A_69 : vector<512x512xf32> to vector<1x512x512xf32>
    %reduce_sum3A_71 = arith.constant dense<0.000000e+00> : vector<1xf32>
    %reduce_sum3A_72 = vector.multi_reduction <add>, %reduce_sum3A_70, %reduce_sum3A_71 [1, 2] : vector<1x512x512xf32> to vector<1xf32>
    %reduce_sum3A_73 = vector.shape_cast %reduce_sum3A_72 : vector<1xf32> to vector<1x1x1xf32>
    %reduce_sum3A_74 = vector.extract %reduce_sum3A_73[0, 0, 0] : f32 from vector<1x1x1xf32>
    %sub3A_75 = arith.subf %min3A, %reduce_sum3A_66 : f32
    %mul3A_76 = arith.mulf %sub3A_75, %scan3A_55#1 : f32
    %add3A = arith.addf %reduce_sum3A_74, %mul3A_76 : f32
    %scan3A_77 = arith.constant -2.000000e+00 : f32
    %scan3A_78 = arith.constant 2.000000e+00 : f32
    %scan3A_79 = arith.constant 0 : i32
    %scan3A_80 = arith.constant 220 : i32
    %scan3A_81 = arith.addi %scan3A_79, %scan3A_80 : i32
    %scan3A_82 = arith.constant 1 : i32
    %scan3A_83:2 = scf.for %scan3A_130 = %scan3A_79 to %scan3A_81 step %scan3A_82 iter_args(%scan3A_131 = %scan3A_77, %scan3A_132 = %scan3A_78) -> (f32, f32)  : i32 {
      %add3A_133 = arith.addf %scan3A_131, %scan3A_132 : f32
      %mul3A_134 = arith.constant 5.000000e-01 : f32
      %mul3A_135 = arith.mulf %add3A_133, %mul3A_134 : f32
      %gt3A_136 = vector.broadcast %mul3A_135 : f32 to vector<512x512xf32>
      %gt3A_137 = arith.cmpf ogt, %mul3A_16, %gt3A_136 : vector<512x512xf32>
      %jit3A_138 = arith.constant 1.000000e+00 : f32
      %jit3A_139 = arith.constant 0.000000e+00 : f32
      %broadcast_in_dim3A_140 = vector.broadcast %jit3A_138 : f32 to vector<512x512xf32>
      %broadcast_in_dim3A_141 = vector.broadcast %jit3A_139 : f32 to vector<512x512xf32>
      %select_n3A_142 = arith.select %gt3A_137, %broadcast_in_dim3A_140, %broadcast_in_dim3A_141 : vector<512x512xi1>, vector<512x512xf32>
      %reduce_sum3A_143 = vector.shape_cast %select_n3A_142 : vector<512x512xf32> to vector<1x512x512xf32>
      %reduce_sum3A_144 = arith.constant dense<0.000000e+00> : vector<1xf32>
      %reduce_sum3A_145 = vector.multi_reduction <add>, %reduce_sum3A_143, %reduce_sum3A_144 [1, 2] : vector<1x512x512xf32> to vector<1xf32>
      %reduce_sum3A_146 = vector.shape_cast %reduce_sum3A_145 : vector<1xf32> to vector<1x1x1xf32>
      %reduce_sum3A_147 = vector.extract %reduce_sum3A_146[0, 0, 0] : f32 from vector<1x1x1xf32>
      %ge3A_148 = arith.constant 5.000000e+02 : f32
      %ge3A_149 = arith.cmpf oge, %reduce_sum3A_147, %ge3A_148 : f32
      %select_n3A_150 = arith.select %ge3A_149, %mul3A_135, %scan3A_131 : f32
      %select_n3A_151 = arith.select %ge3A_149, %scan3A_132, %mul3A_135 : f32
      scf.yield %select_n3A_150, %select_n3A_151 : f32, f32
    }
    %gt3A_84 = vector.broadcast %scan3A_83#1 : f32 to vector<512x512xf32>
    %gt3A_85 = arith.cmpf ogt, %mul3A_16, %gt3A_84 : vector<512x512xf32>
    %jit3A_86 = arith.constant 1.000000e+00 : f32
    %jit3A_87 = arith.constant 0.000000e+00 : f32
    %broadcast_in_dim3A_88 = vector.broadcast %jit3A_86 : f32 to vector<512x512xf32>
    %broadcast_in_dim3A_89 = vector.broadcast %jit3A_87 : f32 to vector<512x512xf32>
    %select_n3A_90 = arith.select %gt3A_85, %broadcast_in_dim3A_88, %broadcast_in_dim3A_89 : vector<512x512xi1>, vector<512x512xf32>
    %reduce_sum3A_91 = vector.shape_cast %select_n3A_90 : vector<512x512xf32> to vector<1x512x512xf32>
    %reduce_sum3A_92 = arith.constant dense<0.000000e+00> : vector<1xf32>
    %reduce_sum3A_93 = vector.multi_reduction <add>, %reduce_sum3A_91, %reduce_sum3A_92 [1, 2] : vector<1x512x512xf32> to vector<1xf32>
    %reduce_sum3A_94 = vector.shape_cast %reduce_sum3A_93 : vector<1xf32> to vector<1x1x1xf32>
    %reduce_sum3A_95 = vector.extract %reduce_sum3A_94[0, 0, 0] : f32 from vector<1x1x1xf32>
    %jit3A_96 = arith.constant 0.000000e+00 : f32
    %broadcast_in_dim3A_97 = vector.broadcast %jit3A_96 : f32 to vector<512x512xf32>
    %select_n3A_98 = arith.select %gt3A_85, %mul3A_16, %broadcast_in_dim3A_97 : vector<512x512xi1>, vector<512x512xf32>
    %reduce_sum3A_99 = vector.shape_cast %select_n3A_98 : vector<512x512xf32> to vector<1x512x512xf32>
    %reduce_sum3A_100 = arith.constant dense<0.000000e+00> : vector<1xf32>
    %reduce_sum3A_101 = vector.multi_reduction <add>, %reduce_sum3A_99, %reduce_sum3A_100 [1, 2] : vector<1x512x512xf32> to vector<1xf32>
    %reduce_sum3A_102 = vector.shape_cast %reduce_sum3A_101 : vector<1xf32> to vector<1x1x1xf32>
    %reduce_sum3A_103 = vector.extract %reduce_sum3A_102[0, 0, 0] : f32 from vector<1x1x1xf32>
    %sub3A_104 = arith.constant 5.000000e+02 : f32
    %sub3A_105 = arith.subf %sub3A_104, %reduce_sum3A_95 : f32
    %mul3A_106 = arith.mulf %sub3A_105, %scan3A_83#1 : f32
    %add3A_107 = arith.addf %reduce_sum3A_103, %mul3A_106 : f32
    %max3A_108 = arith.constant 1.000000e+00 : f32
    %max3A_109 = arith.maximumf %reduce_sum3A_24, %max3A_108 : f32
    %div3A = arith.divf %reduce_sum3A_32, %max3A_109 : f32
    %max3A_110 = arith.constant 1.000000e+00 : f32
    %max3A_111 = arith.maximumf %sub3A_42, %max3A_110 : f32
    %div3A_112 = arith.divf %reduce_sum3A_40, %max3A_111 : f32
    %max3A_113 = arith.constant 1.000000e+00 : f32
    %max3A_114 = arith.maximumf %mul3A_44, %max3A_113 : f32
    %div3A_115 = arith.divf %add3A, %max3A_114 : f32
    %lt3A = arith.cmpf olt, %sub3A_42, %mul3A_44 : f32
    %select_n3A_116 = arith.select %lt3A, %div3A_112, %div3A_115 : f32
    %gt3A_117 = arith.constant 0.000000e+00 : f32
    %gt3A_118 = arith.cmpf ogt, %reduce_sum3A_24, %gt3A_117 : f32
    %add3A_119 = arith.addf %div3A, %select_n3A_116 : f32
    %div3A_120 = arith.constant 5.000000e+02 : f32
    %div3A_121 = arith.divf %add3A_107, %div3A_120 : f32
    %select_n3A_122 = arith.select %gt3A_118, %add3A_119, %div3A_121 : f32
    %broadcast_in_dim3A_123 = vector.broadcast %select_n3A_122 : f32 to vector<128xf32>
    %swap3A = arith.constant 0 : index
    %swap3A_124 = arith.constant 0 : index
    %swap3A_125 = arith.constant 0 : index
    %swap3A_126 = arith.constant 0 : index
    %swap3A_127 = vector.load %arg5[%swap3A, %swap3A_124, %swap3A_125, %swap3A_126] : memref<1x1x1x128xf32, #tpu.memory_space<vmem>>, vector<1x1x1x128xf32>
    %swap3A_128 = vector.shape_cast %swap3A_127 : vector<1x1x1x128xf32> to vector<128xf32>
    %swap3A_129 = vector.shape_cast %broadcast_in_dim3A_123 : vector<128xf32> to vector<1x1x1x128xf32>
    tpu.vector_store %arg5[%swap3A, %swap3A_124, %swap3A_125, %swap3A_126], %swap3A_129 {strides = array<i32>} : memref<1x1x1x128xf32, #tpu.memory_space<vmem>>, vector<1x1x1x128xf32>,
    return
  }
  func.func @transform_0(%arg0: i32, %arg1: i32) -> (i32, i32, i32, i32) {
    %c0_i32 = arith.constant 0 : i32
    %c0_i32_0 = arith.constant 0 : i32
    %c0_i32_1 = arith.constant 0 : i32
    return %arg0, %arg1, %c0_i32, %c0_i32_0 : i32, i32, i32, i32
  }
  func.func @transform_1(%arg0: i32, %arg1: i32) -> (i32, i32, i32, i32) {
    %c0_i32 = arith.constant 0 : i32
    %c0_i32_0 = arith.constant 0 : i32
    %c0_i32_1 = arith.constant 0 : i32
    return %arg0, %arg1, %c0_i32, %c0_i32_0 : i32, i32, i32, i32
  }
  func.func @transform_2(%arg0: i32, %arg1: i32) -> (i32, i32, i32) {
    %c0_i32 = arith.constant 0 : i32
    %c0_i32_0 = arith.constant 0 : i32
    %c0_i32_1 = arith.constant 0 : i32
    return %arg1, %c0_i32, %c0_i32_0 : i32, i32, i32
  }
  func.func @transform_3(%arg0: i32, %arg1: i32) -> (i32, i32, i32, i32) {
    %c0_i32 = arith.constant 0 : i32
    %c0_i32_0 = arith.constant 0 : i32
    %c0_i32_1 = arith.constant 0 : i32
    return %arg0, %arg1, %c0_i32, %c0_i32_0 : i32, i32, i32, i32
  }
}

</mosaic_0001>

<sc_bundles>
// kernel: kernel.4.cloned.1.call-start
scs
__scs_entry_jumppad:
0x0: {  	(pc) =	sbr.rel $0x88, $3  }
0x1: {  	(tag) =	ssettag $0x0;
	lr =	simm.s32 $0x1  }
0x2: {  	[smem:$0x3F9C] =	sst lr;
	_ =	strace $0xD0000000  }
0x3: {  	_ = 	snop  }
0x4: {  	_ = 	snop  }
0x5: {  	_ = 	snop  }
0x6: {  	_ = 	snop  }
0x7: {  	_ = 	snop  }
__scs_overlays_trampoline_lowered:
0x8: {  	[smem:$0x3FAB] =	sst s0  }
0x9: {  	[smem:$0x3FAC] =	sst s1  }
0xa: {  	[smem:$0x3FAD] =	sst s2  }
0xb: {  	[smem:$0x3FAE] =	sst s3  }
0xc: {  	[smem:$0x3FAF] =	sst s4  }
0xd: {  	[smem:$0x3FB0] =	sst s5  }
0xe: {  	[smem:$0x3FB1] =	sst s6  }
0xf: {  	[smem:$0x3FB2] =	sst s7  }
0x10: {  	[smem:$0x3FB3] =	sst s8  }
0x11: {  	[smem:$0x3FB4] =	sst s9;
	s0 =	simm.s32 @!p0 $0x0  }
0x12: {  	s1 =	sld [smem:$0x3F9A];
	s0 =	simm.s32 @p0 $0x1  }
0x13: {  	[smem:$0x3FB5] =	sst s0;
	s0 =	simm.s32 @!p1 $0x0  }
0x14: {  	s2 =	sld [smem:$0x3F99];
	s0 =	simm.s32 @p1 $0x1  }
0x15: {  	[smem:$0x3FB6] =	sst s0;
	s0 =	simm.s32 @!p2 $0x0  }
0x16: {  	s3 =	sld [smem:$0x3FDB];
	s0 =	simm.s32 @p2 $0x1  }
0x17: {  	s4 =	simm.s32 $0x1BF5;
	[smem:$0x3FB8] =	sst s0  }
0x18: {  	s0 =	sld [smem:$0x3F9B];
	_ =	swait.ge [sflag:s4], $0x0  }
0x19: {  	s7 =	sld [smem:$0x3F9C]  }
0x1a: {  	s8 =	sadd.s32 $0xFFFFE003, lr  }
0x1b: {  	s9 =	sadd.s32 $0xFFFFFEF7, lr;
	s5 =	simm.s32 $0xFFFFFFFF;
	p2 =	slt.u32 s8, $0xFFFFF086  }
0x1c: {  	p1 =	slt.u32 s9, $0xF7A;
	s5 =	simm.s32 @!p2 $0x0  }
0x1d: {  	s5 =	simm.s32 @p1 $0x1;
	p0 =	seq.s32 s7, s2  }
0x1e: {  	s7 =	smul.u32 @!p0 $0xF7A, s2;
	p2 =	seq.s32 @!p0 s5, $0x0  }
0x1f: {  	s9 =	smul.u32 $0xF7A, s1;
	s8 =	simm.s32 @!p0 $0x1BF5;
	p2 =	por !p2, p0  }
0x20: {  	[sflag:s8] =	ssyncset.s32 @!p0 $0xFFFFF086;
	s6 =	sadd.s32 @!p0 s3, s7;
	s7 =	simm.s32 @!p0 $0x108  }
0x21: {  	s3 =	sadd.s32 s3, s9;
	s6 =	sadd.s32 @!p0 $0x88, s6;
	s7 =	simm.s32 @p2 $0x1082  }
0x22: {  	[simem:s7], [sflag:s8] =	dma.local @!p0 [hbm:s6], $0xF7A  }
0x23: {  	s9 =	sor.u32 $0xD0000000, s2;
	s6 =	simm.s32 $0x108;
	_ =	swait.ge @!p0 [sflag:s8], $0x0  }
0x24: {  	s3 =	sadd.s32 $0x88, s3;
	s6 =	simm.s32 @!p1 $0x1082;
	[sflag:s4] =	ssyncset.s32 $0xFFFFF086  }
0x25: {  	[simem:s6], [sflag:s4] =	dma.local [hbm:s3], $0xF7A  }
0x26: {  	[smem:$0x3F9C] =	sst s1;
	(tag) =	ssettag s2;
	_ =	strace s9  }
0x27: {  	s1 =	sld [smem:$0x3FAC]  }
0x28: {  	s2 =	sld [smem:$0x3FAD]  }
0x29: {  	s4 =	sld [smem:$0x3FAF]  }
0x2a: {  	p0 =	seq.s32 s5, $0x0;
	s5 =	sld [smem:$0x3FB0]  }
0x2b: {  	s6 =	sld [smem:$0x3FB1]  }
0x2c: {  	s7 =	sld [smem:$0x3FB2]  }
0x2d: {  	s3 =	simm.s32 $0x108;
	s8 =	sld [smem:$0x3FB3]  }
0x2e: {  	s3 =	simm.s32 @!p0 $0x1082;
	s9 =	sld [smem:$0x3FB4]  }
0x2f: {  	lr =	sadd.s32 s0, s3;
	s0 =	sld [smem:$0x3FAB]  }
0x30: {  	s3 =	sld [smem:$0x3FAE]  }
0x31: {  	[smem:$0x3FB7] =	sst s10  }
0x32: {  	s10 =	sld [smem:$0x3FB5];
	_ =	sdelay $0x3  }
0x33: {  	p0 =	seq.s32 s10, $0x1;
	s10 =	sld [smem:$0x3FB7];
	_ =	sdelay $0x3  }
0x34: {  	[smem:$0x3FB7] =	sst s10  }
0x35: {  	s10 =	sld [smem:$0x3FB6];
	_ =	sdelay $0x3  }
0x36: {  	p1 =	seq.s32 s10, $0x1;
	s10 =	sld [smem:$0x3FB7];
	_ =	sdelay $0x3  }
0x37: {  	[smem:$0x3FB7] =	sst s10  }
0x38: {  	s10 =	sld [smem:$0x3FB8]  }
0x39: {  	_ = 	snop;
	(pc) =	sbr.ind lr, $3  }
0x3a: {  	_ = 	snop  }
0x3b: {  	_ = 	snop  }
0x3c: {  	p2 =	seq.s32 s10, $0x1;
	s10 =	sld [smem:$0x3FB7]  }
0x3d: {  	_ =	shalt  }
0x3e: {  	_ =	shalt  }
0x3f: {  	_ =	shalt  }
0x40: {  	_ =	shalt  }
0x41: {  	_ =	shalt  }
0x42: {  	_ =	shalt  }
0x43: {  	_ =	shalt  }
0x44: {  	_ =	shalt  }
0x45: {  	_ =	shalt  }
0x46: {  	_ =	shalt  }
0x47: {  	_ =	shalt  }
0x48: {  	_ =	shalt  }
0x49: {  	_ =	shalt  }
0x4a: {  	_ =	shalt  }
0x4b: {  	_ =	shalt  }
0x4c: {  	_ =	shalt  }
0x4d: {  	_ =	shalt  }
0x4e: {  	_ =	shalt  }
0x4f: {  	_ =	shalt  }
0x50: {  	_ =	shalt  }
0x51: {  	_ =	shalt  }
0x52: {  	_ =	shalt  }
0x53: {  	_ =	shalt  }
0x54: {  	_ =	shalt  }
0x55: {  	_ =	shalt  }
0x56: {  	_ =	shalt  }
0x57: {  	_ =	shalt  }
0x58: {  	_ =	shalt  }
0x59: {  	_ =	shalt  }
0x5a: {  	_ =	shalt  }
0x5b: {  	_ =	shalt  }
0x5c: {  	_ =	shalt  }
0x5d: {  	_ =	shalt  }
0x5e: {  	_ =	shalt  }
0x5f: {  	_ =	shalt  }
0x60: {  	_ =	shalt  }
0x61: {  	_ =	shalt  }
0x62: {  	_ =	shalt  }
0x63: {  	_ =	shalt  }
0x64: {  	_ =	shalt  }
0x65: {  	_ =	shalt  }
0x66: {  	_ =	shalt  }
0x67: {  	_ =	shalt  }
0x68: {  	_ =	shalt  }
0x69: {  	_ =	shalt  }
0x6a: {  	_ =	shalt  }
0x6b: {  	_ =	shalt  }
0x6c: {  	_ =	shalt  }
0x6d: {  	_ =	shalt  }
0x6e: {  	_ =	shalt  }
0x6f: {  	_ =	shalt  }
0x70: {  	_ =	shalt  }
0x71: {  	_ =	shalt  }
0x72: {  	_ =	shalt  }
0x73: {  	_ =	shalt  }
0x74: {  	_ =	shalt  }
0x75: {  	_ =	shalt  }
0x76: {  	_ =	shalt  }
0x77: {  	_ =	shalt  }
0x78: {  	_ =	shalt  }
0x79: {  	_ =	shalt  }
0x7a: {  	_ =	shalt  }
0x7b: {  	_ =	shalt  }
0x7c: {  	_ =	shalt  }
0x7d: {  	_ =	shalt  }
0x7e: {  	_ =	shalt  }
0x7f: {  	_ =	shalt  }
0x80: {  	_ =	shalt  }
0x81: {  	_ =	shalt  }
0x82: {  	_ =	shalt  }
0x83: {  	_ =	shalt  }
0x84: {  	_ =	shalt  }
0x85: {  	_ =	shalt  }
0x86: {  	_ =	shalt  }
0x87: {  	_ =	shalt  }
.Lfunc_end0:
.L_simem_size_0:
called_computation_lowered:
.L_overlay_start_0:
0x88: {  	s2 =	sld [smem:$0x3FD9]  }
0x89: {  	s3 =	sld [smem:$0x3FFE];
	_ =	sdelay $0x1  }
0x8a: {  	s1 =	srdreg.scid  }
0x8b: {  	s0 =	sand.u32 $0x1, s1  }
0x8c: {  	s17 =	sshll.u32 s0, $0xA;
	s2 =	sadd.s32 s3, s2  }
0x8d: {  	s2 =	sadd.s32 s2, s17  }
0x8e: {  	[smem:$0x3FC3] =	sst s2  }
0x8f: {  	_ = 	snop  }
0x90: {  	s2 =	sld [smem:$0x3FC9]  }
0x91: {  	s18 =	sld [smem:$0x3FC8]  }
0x92: {  	s4 =	sld [smem:$0x3FC7]  }
0x93: {  	s5 =	sld [smem:$0x3FC6]  }
0x94: {  	s6 =	sld [smem:$0x3FC5];
	(tm) =	ssettm $0x1  }
0x95: {  	s7 =	sld [smem:$0x3FFB];
	_ =	sdelay $0x3  }
0x96: {  	_ =	strace s7  }
0x97: {  	s7 =	sld [smem:$0x3FFC];
	_ =	sdelay $0x3  }
0x98: {  	_ =	strace s7  }
0x99: {  	s7 =	sld [smem:$0x3FFD];
	_ =	sdelay $0x3  }
0x9a: {  	_ =	strace s7  }
0x9b: {  	_ =	strace $0x8FFFFFFF  }
0x9c: {  	s19 =	sld [smem:$0x3FDB];
	_ =	sdelay $0x1  }
0x9d: {  	s8 =	simm.s32 $_scs_section_size  }
0x9e: {  	s9 =	simm.s32 $_size__tile_overlayer_lowered;
	s10 =	simm.s32 $_tile_overlayer_lowered  }
0x9f: {  	s22 =	simm.s32 $0x1BFF;
	s21 =	sshll.u32 s10, $0x1;
	s7 =	sadd.s32 s8, s19  }
0xa0: {  	s11 =	simm.s32 $0x0;
	s20 =	sshll.u32 s9, $0x1;
	s9 =	sadd.s32 s21, s7  }
0xa1: {  	[timem:s11], [sflag:s22] =	dma.local [hbm:s9], s20  }
0xa2: {  	_ =	swait.ge [sflag:s22], s20  }
0xa3: {  	s8 =	ssub.s32 $0x0, s20;
	[sflag:s22] =	ssyncset.done $0x0  }
0xa4: {  	[sflag:s22] =	ssyncadd.s32 s8;
	_ =	sdelay $0x1  }
0xa5: {  	s23 =	simm.s32 $0x1B8B  }
0xa6: {  	_ =	swait.ge [sflag:s23], $0x1  }
0xa7: {  	[sflag:s23] =	ssyncset.done $0x0  }
0xa8: {  	s25 =	simm.s32 $0x1B8E;
	s24 =	sld [smem:$0x3FFE];
	[sflag:s23] =	ssyncadd.s32 $0xFFFFFFFF  }
0xa9: {  	s26 =	simm.s32 $execute0_lowered;
	[smem:$0x3FD2] =	sst s25  }
0xaa: {  	s9 =	sshll.u32 s26, $0x1;
	_ =	strace $0x80000046;
	[dreg:$0x1] =	wrdreg $0xFFFFFFFF  }
0xab: {  	s28 =	simm.s32 $_size_execute0_lowered;
	s7 =	sadd.s32 s7, s9;
	[dreg:$0x0] =	wrdreg $0x0  }
0xac: {  	s9 =	sshll.u32 s28, $0x1;
	[dreg:$0x2] =	wrdreg s7  }
0xad: {  	[dreg:$0x3] =	wrdreg s9  }
0xae: {  	[dreg:$0x4] =	wrdreg $0xC0  }
0xaf: {  	_ =	task [dreg:s11], $0x5FFFF  }
0xb0: {  	[dreg:$0x1] =	wrdreg $0xFFFFFFFF  }
0xb1: {  	[dreg:$0x0] =	wrdreg $0x60  }
0xb2: {  	[dreg:$0x2] =	wrdreg s2  }
0xb3: {  	[dreg:$0x3] =	wrdreg s18  }
0xb4: {  	[dreg:$0x4] =	wrdreg s4  }
0xb5: {  	[dreg:$0x5] =	wrdreg s5  }
0xb6: {  	[dreg:$0x6] =	wrdreg s6  }
0xb7: {  	[dreg:$0x7] =	wrdreg s24  }
0xb8: {  	[dreg:$0x8] =	wrdreg $0x9  }
0xb9: {  	_ =	task.clear_ibuf [dreg:s11], $0x9FFFF;
	_ =	strace $0x90000046  }
0xba: {  	s29 =	simm.s32 $0x9;
	_ =	strace $0x80000048  }
0xbb: {  	_ =	swait.ge [sflag:s29], $0x1  }
0xbc: {  	[sflag:s29] =	ssyncadd.s32 $0xFFFFFFFF  }
0xbd: {  	_ =	strace $0x90000048  }
0xbe: {  	_ =	sfence  }
0xbf: {  	s30 =	sld [smem:$0x0];
	_ =	sdelay $0x2  }
0xc0: {  	s31 =	sshll.u32 s1, $0xD;
	s1 =	sshrl.u32 s1, $0x2  }
0xc1: {  	s3 =	sand.u32 $0x4000, s31;
	s1 =	sadd.s32 s1, s30  }
0xc2: {  	s0 =	sor.u32 s3, s0;
	s1 =	sshll.u32 s1, $0x11  }
0xc3: {  	s0 =	sor.u32 s1, s0  }
0xc4: {  	s0 =	sadd.s32 $0x8F2B, s0  }
0xc5: {  	[sflag:s0] =	ssyncadd.remote.s32 $0x1  }
0xc6: {  	_ =	sfence.sel $0xFFFF  }
0xc7: {  	[dreg:$0x0] =	wrdreg $0xFFFFFFFF;
	(pc) =	sbr.abs _section_cstart, $3  }
0xc8: {  	[dreg:$0x1] =	wrdreg $0xFFFFFFFF  }
0xc9: {  	_ =	task.clear_ibuf [dreg:s11], $0x2FFFF;
	_ =	strace $0x9FFFFFFF  }
0xca: {  	(tm) =	ssettm $0x7FFFFFFF  }
0xcb: {  	_ =	shalt  }
tec
execute0_lowered:
.L_overlay_start_1:
0x0: {  	(tag) =	ssettag $0x1  }
0x1: {  	s0 =	srdreg.scid;
	s2 =	stileid.u32  }
0x2: {  	s0 =	sand.u32 $0x1, s0;
	s1 =	sshll.u32 s2, $0x1  }
0x3: {  	s7 =	rddreg [dreg:$0x0];
	s12 =	sor.u32 s0, s1  }
0x4: {  	s8 =	rddreg [dreg:$0x1];
	s15 =	sshll.u32 s2, $0xE;
	s16 =	sshll.u32 s12, $0xD  }
0x5: {  	s9 =	rddreg [dreg:$0x2];
	s1 =	sand.u32 $0x38000, s15;
	s2 =	sand.u32 $0x6000, s16  }
0x6: {  	s10 =	rddreg [dreg:$0x3];
	s2 =	sor.u32 s1, s2  }
0x7: {  	s11 =	rddreg [dreg:$0x4];
	s1 =	simm.s32 $0x0;
	s4 =	sor.u32 $0x400, s2  }
0x8: {  	[smem:$0x7FF] =	sst s1;
	s17 =	sadd.s32 s7, s4  }
0x9: {  	s18 =	sadd.s32 s8, s4;
	[dreg:$0x7] =	wrdreg s17  }
0xa: {  	s19 =	sadd.s32 s9, s4;
	[dreg:$0x8] =	wrdreg s18  }
0xb: {  	s21 =	sadd.s32 s10, s4;
	[dreg:$0x9] =	wrdreg s19  }
0xc: {  	s20 =	sor.u32 $0x800, s2;
	s22 =	sadd.s32 s11, s4;
	[dreg:$0xa] =	wrdreg s21  }
0xd: {  	s23 =	sadd.s32 s7, s20;
	[dreg:$0xb] =	wrdreg s22  }
0xe: {  	s0 =	ssub.s32 $0x2, s0;
	s24 =	sadd.s32 s8, s20;
	[dreg:$0xc] =	wrdreg s23  }
0xf: {  	s3 =	sshrl.u32 s0, $0x1;
	s25 =	sadd.s32 s9, s20;
	[dreg:$0xd] =	wrdreg s24  }
0x10: {  	s13 =	ssub.s32 s0, s3;
	s28 =	sadd.s32 s10, s20;
	[dreg:$0xe] =	wrdreg s25  }
0x11: {  	s26 =	sor.u32 $0xC00, s2;
	s0 =	sadd.s32 s11, s20;
	[dreg:$0xf] =	wrdreg s28  }
0x12: {  	s29 =	sadd.s32 s7, s26;
	[dreg:$0x10] =	wrdreg s0  }
0x13: {  	s31 =	sadd.s32 s8, s26;
	[dreg:$0x11] =	wrdreg s29  }
0x14: {  	s4 =	sadd.s32 s9, s26;
	[dreg:$0x12] =	wrdreg s31  }
0x15: {  	s6 =	sadd.s32 s10, s26;
	[dreg:$0x13] =	wrdreg s4  }
0x16: {  	s5 =	sor.u32 $0x1000, s2;
	s3 =	sadd.s32 s11, s26;
	[dreg:$0x14] =	wrdreg s6  }
0x17: {  	s14 =	sadd.s32 s7, s5;
	[dreg:$0x15] =	wrdreg s3  }
0x18: {  	s30 =	simm.s32 $0x0;
	s15 =	sadd.s32 s8, s5;
	[dreg:$0x16] =	wrdreg s14  }
0x19: {  	s12 =	sshll.u32 s12, $0x7;
	s16 =	sadd.s32 s9, s5;
	[dreg:$0x17] =	wrdreg s15  }
0x1a: {  	s13 =	smax.u32 s13, $0x1;
	s26 =	sadd.s32 s9, s2;
	[dreg:$0x18] =	wrdreg s16  }
0x1b: {  	s17 =	sor.u32 $0x1400, s2;
	s18 =	sadd.s32 s10, s5;
	[smem:$0x7FA] =	sst s26  }
0x1c: {  	s0 =	sadd.s32 s11, s5;
	s24 =	sadd.s32 s7, s2;
	s15 =	rddreg [dreg:$0x5]  }
0x1d: {  	s25 =	sadd.s32 s8, s2;
	s28 =	sadd.s32 s10, s2;
	[dreg:$0x19] =	wrdreg s18  }
0x1e: {  	s6 =	sor.u32 $0x1800, s2;
	s29 =	sadd.s32 s11, s2;
	[dreg:$0x1a] =	wrdreg s0  }
0x1f: {  	s14 =	sor.u32 $0x1C00, s2;
	s16 =	simm.s32 $0x12000;
	[smem:$0x7F8] =	sst s24  }
0x20: {  	s19 =	sadd.s32 s7, s17;
	s20 =	sadd.s32 s8, s17;
	[smem:$0x7F9] =	sst s25  }
0x21: {  	s21 =	sadd.s32 s9, s17;
	s22 =	sadd.s32 s10, s17;
	[smem:$0x7FB] =	sst s28  }
0x22: {  	s23 =	sadd.s32 s11, s17;
	[smem:$0x7FC] =	sst s29;
	s31 =	sadd.s32 s7, s6  }
0x23: {  	s3 =	sadd.s32 s8, s6;
	s4 =	sadd.s32 s9, s6;
	s5 =	sadd.s32 s10, s6  }
0x24: {  	s6 =	sadd.s32 s11, s6;
	s7 =	sadd.s32 s7, s14;
	[dreg:$0x1b] =	wrdreg s19  }
0x25: {  	s8 =	sadd.s32 s8, s14;
	s9 =	sadd.s32 s9, s14;
	[dreg:$0x1c] =	wrdreg s20  }
0x26: {  	s10 =	sadd.s32 s10, s14;
	s11 =	sadd.s32 s11, s14;
	[dreg:$0x1d] =	wrdreg s21  }
0x27: {  	s12 =	sadd.s32 s15, s12;
	s14 =	simm.s32 $0x6000;
	[dreg:$0x1e] =	wrdreg s22  }
0x28: {  	s15 =	simm.s32 $0xC000;
	s17 =	simm.s32 $0x18000;
	[dreg:$0x1f] =	wrdreg s23  }
0x29: {  	s18 =	simm.s32 $0x2000;
	s24 =	simm.s32 $0x2;
	[smem:$0x7FD] =	sst s31  }
0x2a: {  	s19 =	simm.s32 $0x8000;
	s20 =	simm.s32 $0xE000;
	s21 =	simm.s32 $0x14000  }
0x2b: {  	v0 =	vimm.f32 $0.0e+00;
	s22 =	simm.s32 $0x1A000;
	s23 =	simm.s32 $0x1;
	_ =	strace $0x80000047  }
.LBB2_1:
0x2c: {  	s0 =	sld [smem:$0x7F8];
	_ =	sdelay $0x1  }
0x2d: {  	s26 =	sld [smem:$0x7F9]  }
0x2e: {  	[tilespmem:s1], [sflag:$0x1] =	stream.linear.gather [hbm4b:s0+s1], $0x2000, $0x38;
	[tilespmem:$0x1E400] =	vst v63  }
0x2f: {  	s29 =	sld [smem:$0x7FA]  }
0x30: {  	[tilespmem:s14], [sflag:$0x1] =	stream.linear.gather [hbm4b:s26+s1], $0x2000, $0x38;
	[tilespmem:$0x1E400] =	vst v63  }
0x31: {  	s2 =	sld [smem:$0x7FB]  }
0x32: {  	[tilespmem:s15], [sflag:$0x1] =	stream.linear.gather [hbm4b:s29+s1], $0x2000, $0x38;
	[tilespmem:$0x1E400] =	vst v63  }
0x33: {  	s25 =	sld [smem:$0x7FC]  }
0x34: {  	[tilespmem:s16], [sflag:$0x1] =	stream.linear.gather [hbm4b:s2+s1], $0x2000, $0x38;
	[tilespmem:$0x1E400] =	vst v63  }
0x35: {  	_ = 	snop  }
0x36: {  	[tilespmem:s17], [sflag:$0x1] =	stream.linear.gather [hbm4b:s25+s1], $0x2000, $0x38;
	[tilespmem:$0x1E400] =	vst v63  }
0x37: {  	s26 =	rddreg [dreg:$0x7]  }
0x38: {  	[tilespmem:s18], [sflag:$0x1] =	stream.linear.gather [hbm4b:s26+s1], $0x2000, $0x38;
	[tilespmem:$0x1E400] =	vst v63  }
0x39: {  	s29 =	rddreg [dreg:$0x8]  }
0x3a: {  	[tilespmem:s19], [sflag:$0x1] =	stream.linear.gather [hbm4b:s29+s1], $0x2000, $0x38;
	[tilespmem:$0x1E400] =	vst v63  }
0x3b: {  	s2 =	rddreg [dreg:$0x9]  }
0x3c: {  	[tilespmem:s20], [sflag:$0x1] =	stream.linear.gather [hbm4b:s2+s1], $0x2000, $0x38;
	[tilespmem:$0x1E400] =	vst v63  }
0x3d: {  	s25 =	rddreg [dreg:$0xa]  }
0x3e: {  	[tilespmem:s21], [sflag:$0x1] =	stream.linear.gather [hbm4b:s25+s1], $0x2000, $0x38;
	[tilespmem:$0x1E400] =	vst v63  }
0x3f: {  	s26 =	rddreg [dreg:$0xb]  }
0x40: {  	[tilespmem:s22], [sflag:$0x1] =	stream.linear.gather [hbm4b:s26+s1], $0x2000, $0x38;
	[tilespmem:$0x1E400] =	vst v63  }
0x41: {  	_ =	swait.ge [sflag:s23], $0x2000  }
0x42: {  	[sflag:s23] =	ssyncset.done $0x0  }
0x43: {  	[sflag:s23] =	ssyncadd.s32 $0xFFFFE000  }
0x44: {  	_ =	swait.ge [sflag:s23], $0x2000  }
0x45: {  	[sflag:s23] =	ssyncset.done $0x0  }
0x46: {  	[sflag:s23] =	ssyncadd.s32 $0xFFFFE000  }
0x47: {  	_ =	swait.ge [sflag:s23], $0x2000  }
0x48: {  	[sflag:s23] =	ssyncset.done $0x0  }
0x49: {  	[sflag:s23] =	ssyncadd.s32 $0xFFFFE000  }
0x4a: {  	_ =	swait.ge [sflag:s23], $0x2000  }
0x4b: {  	[sflag:s23] =	ssyncset.done $0x0  }
0x4c: {  	[sflag:s23] =	ssyncadd.s32 $0xFFFFE000  }
0x4d: {  	_ =	swait.ge [sflag:s23], $0x2000  }
0x4e: {  	[sflag:s23] =	ssyncset.done $0x0  }
0x4f: {  	s2 =	simm.s32 $0x4000;
	s29 =	rddreg [dreg:$0xc];
	[sflag:s23] =	ssyncadd.s32 $0xFFFFE000  }
0x50: {  	[tilespmem:s2], [sflag:$0x1] =	stream.linear.gather [hbm4b:s29+s1], $0x2000, $0x38;
	[tilespmem:$0x1E400] =	vst v63  }
0x51: {  	s25 =	simm.s32 $0xA000;
	s2 =	rddreg [dreg:$0xd]  }
0x52: {  	[tilespmem:s25], [sflag:$0x1] =	stream.linear.gather [hbm4b:s2+s1], $0x2000, $0x38;
	[tilespmem:$0x1E400] =	vst v63  }
0x53: {  	s26 =	rddreg [dreg:$0xe];
	s29 =	simm.s32 $0x10000  }
0x54: {  	[tilespmem:s29], [sflag:$0x1] =	stream.linear.gather [hbm4b:s26+s1], $0x2000, $0x38;
	[tilespmem:$0x1E400] =	vst v63  }
0x55: {  	s2 =	rddreg [dreg:$0xf];
	s25 =	simm.s32 $0x16000  }
0x56: {  	[tilespmem:s25], [sflag:$0x1] =	stream.linear.gather [hbm4b:s2+s1], $0x2000, $0x38;
	[tilespmem:$0x1E400] =	vst v63  }
0x57: {  	s26 =	rddreg [dreg:$0x10];
	s29 =	simm.s32 $0x1C000  }
0x58: {  	[tilespmem:s29], [sflag:$0x1] =	stream.linear.gather [hbm4b:s26+s1], $0x2000, $0x38;
	[tilespmem:$0x1E400] =	vst v63  }
0x59: {  	s25 =	sand.u32 $0xC00, s1;
	s26 =	sand.u32 $0x1040, s1  }
0x5a: {  	s28 =	sand.u32 $0x380, s1;
	s25 =	sor.u32 s26, s25  }
0x5b: {  	s25 =	sor.u32 s28, s25  }
0x5c: {  	v1 =	vld [tilespmem:s25+$0x30]  }
0x5d: {  	v2 =	vld [tilespmem:s25+$0x6030]  }
0x5e: {  	v3 =	vld [tilespmem:s25+$0xC030]  }
0x5f: {  	v4 =	vld [tilespmem:s25+$0x12030]  }
0x60: {  	v7 =	vld [tilespmem:s25+$0x20]  }
0x61: {  	v8 =	vld [tilespmem:s25+$0x6020]  }
0x62: {  	v13 =	vld [tilespmem:s25+$0x10]  }
0x63: {  	v15 =	vld [tilespmem:s25+$0x6010]  }
0x64: {  	v5 =	vld [tilespmem:s25+$0x0]  }
0x65: {  	v6 =	vld [tilespmem:s25+$0xC000]  }
0x66: {  	v12 =	vld [tilespmem:s25+$0xC020]  }
0x67: {  	v14 =	vld [tilespmem:s25+$0x12020]  }
0x68: {  	v16 =	vld [tilespmem:s25+$0xC010];
	vm3 =	vge.f32 v1, $1.000000010e-01  }
0x69: {  	v17 =	vld [tilespmem:s25+$0x6000];
	vm4 =	vge.f32 v7, $1.000000010e-01;
	vm1 =	vge.f32 v8, $1.000000010e-01;
	vm0 =	vge.f32 v2, $1.000000010e-01  }
0x6a: {  	v18 =	vld [tilespmem:s25+$0x12010];
	vm5 =	vge.f32 v13, $1.000000010e-01;
	vm2 =	vge.f32 v15, $1.000000010e-01;
	v11 =	vsub.f32 v3, v1  }
0x6b: {  	v19 =	vld [tilespmem:s25+$0x12000];
	v20 =	vsub.f32 v6, v5;
	vm6 =	vge.f32 v5, $1.000000010e-01;
	v10 =	vsub.f32 v4, v2  }
0x6c: {  	v9 =	vld [tilespmem:s25+$0x18000];
	v3 =	vimm.f32 $0.0e+00;
	v4 =	vimm.f32 $0.0e+00;
	v1 =	vimm.f32 $0.0e+00  }
0x6d: {  	s31 =	simm.s32 $0x200;
	s26 =	simm.s32 $0x0;
	s28 =	simm.s32 $0x0;
	v5 =	vimm.f32 $0.0e+00;
	v6 =	vimm.f32 $0.0e+00;
	v2 =	vimm.f32 $0.0e+00  }
.LBB2_2:
0x6e: {  	p0 =	sne.s32 s31, $0xFE00;
	vm7 =	vge.f32 v17, $1.000000010e-01;
	v21 =	vld [tilespmem:s25+$0x18010];
	v7 =	vsub.f32 v12, v7;
	v12 =	vsub.f32 v14, v8  }
0x6f: {  	v13 =	vsub.f32 v16, v13;
	v8 =	vmul.f32 v20, v20;
	v14 =	vsub.f32 v18, v15  }
0x70: {  	s26 =	sadd.s32 $0x40, s26;
	v18 =	vsel vm3, $0x3F800000, v0;
	v15 =	vsub.f32 v19, v17;
	v16 =	vld [tilespmem:s25+$0x18020];
	v17 =	vsel vm4, $0x3F800000, v0  }
0x71: {  	s0 =	sand.u32 $0xC00, s31;
	s28 =	sadd.s32 $0x10, s28;
	s29 =	sand.u32 $0x1040, s26;
	v20 =	vsel vm1, $0x3F800000, v0;
	v19 =	vmul.f32 v9, v8;
	v8 =	vmul.f32 v13, v13  }
0x72: {  	v22 =	vsel vm5, $0x3F800000, v0;
	v23 =	vsel vm2, $0x3F800000, v0;
	s2 =	sand.u32 $0x380, s28;
	s0 =	sor.u32 s29, s0;
	v13 =	vsel vm6, $0x3F800000, v0;
	v24 =	vld [tilespmem:s25+$0x18030]  }
0x73: {  	v7 =	vmul.f32 v7, v7;
	s25 =	sor.u32 s2, s0;
	v25 =	vnsel vm6, $0x0, v19;
	v26 =	vmul.f32 v21, v8  }
0x74: {  	v3 =	vadd.f32 v13, v3;
	v13 =	vsel vm7, $0x3F800000, v0;
	v27 =	vld [tilespmem:s25+$0x30];
	v4 =	vadd.f32 v25, v4  }
0x75: {  	v25 =	vld [tilespmem:s25+$0x6030];
	v8 =	vnsel vm5, $0x0, v26;
	v28 =	vmul.f32 v16, v7;
	v7 =	vmul.f32 v11, v11  }
0x76: {  	v10 =	vmul.f32 v10, v10;
	v3 =	vadd.f32 v22, v3;
	v11 =	vld [tilespmem:s25+$0xC030];
	v4 =	vadd.f32 v8, v4  }
0x77: {  	v15 =	vmul.f32 v15, v15;
	v22 =	vld [tilespmem:s25+$0x12030];
	v8 =	vnsel vm4, $0x0, v28;
	v29 =	vmul.f32 v24, v7  }
0x78: {  	v14 =	vmul.f32 v14, v14;
	v3 =	vadd.f32 v17, v3;
	v7 =	vld [tilespmem:s25+$0x20];
	v4 =	vadd.f32 v8, v4  }
0x79: {  	v9 =	vmul.f32 v15, v9;
	v15 =	vmul.f32 v12, v12;
	v8 =	vld [tilespmem:s25+$0x6020];
	v17 =	vnsel vm3, $0x0, v29  }
0x7a: {  	v21 =	vmul.f32 v14, v21;
	v3 =	vadd.f32 v18, v3;
	v12 =	vld [tilespmem:s25+$0xC020];
	v4 =	vadd.f32 v17, v4  }
0x7b: {  	v1 =	vadd.f32 v19, v1;
	v5 =	vadd.f32 v13, v5;
	v17 =	vnsel vm7, $0x0, v9;
	v14 =	vld [tilespmem:s25+$0x12020]  }
0x7c: {  	v2 =	vadd.f32 v9, v2;
	v9 =	vmul.f32 v15, v16;
	v6 =	vadd.f32 v17, v6;
	v13 =	vld [tilespmem:s25+$0x10]  }
0x7d: {  	v1 =	vadd.f32 v26, v1;
	v5 =	vadd.f32 v23, v5;
	v17 =	vnsel vm2, $0x0, v21;
	v15 =	vld [tilespmem:s25+$0x6010]  }
0x7e: {  	v10 =	vmul.f32 v10, v24;
	v2 =	vadd.f32 v21, v2;
	v6 =	vadd.f32 v17, v6;
	v16 =	vld [tilespmem:s25+$0xC010]  }
0x7f: {  	v1 =	vadd.f32 v28, v1;
	v5 =	vadd.f32 v20, v5;
	v17 =	vnsel vm1, $0x0, v9;
	v21 =	vld [tilespmem:s25+$0x0]  }
0x80: {  	v2 =	vadd.f32 v9, v2;
	v9 =	vsel vm0, $0x3F800000, v0;
	v6 =	vadd.f32 v17, v6;
	v20 =	vld [tilespmem:s25+$0xC000]  }
.Ltmp0:
0x81: {  	v1 =	vadd.f32 v29, v1;
	v5 =	vadd.f32 v9, v5;
	v9 =	vnsel vm0, $0x0, v10;
	v17 =	vld [tilespmem:s25+$0x6000];
	(pc) =	sbr.rel @p0 .LBB2_2-.Ltmp0, $4  }
0x82: {  	vm3 =	vge.f32 v27, $1.000000010e-01;
	v2 =	vadd.f32 v10, v2;
	v6 =	vadd.f32 v9, v6;
	v18 =	vld [tilespmem:s25+$0x12010]  }
0x83: {  	vm4 =	vge.f32 v7, $1.000000010e-01;
	vm1 =	vge.f32 v8, $1.000000010e-01;
	vm0 =	vge.f32 v25, $1.000000010e-01;
	v19 =	vld [tilespmem:s25+$0x12000]  }
0x84: {  	v11 =	vsub.f32 v11, v27;
	vm5 =	vge.f32 v13, $1.000000010e-01;
	vm2 =	vge.f32 v15, $1.000000010e-01;
	v9 =	vld [tilespmem:s25+$0x18000]  }
0x85: {  	s31 =	sadd.s32 $0x200, s31;
	v10 =	vsub.f32 v22, v25;
	vm6 =	vge.f32 v21, $1.000000010e-01;
	v20 =	vsub.f32 v20, v21  }
0x86: {  	v21 =	vld [tilespmem:s25+$0x18010]  }
0x87: {  	v22 =	vld [tilespmem:s25+$0x18020]  }
0x88: {  	v23 =	vld [tilespmem:s25+$0x18030];
	_ =	swait.ge [sflag:s23], $0x2000  }
0x89: {  	[sflag:s23] =	ssyncset.done $0x0  }
0x8a: {  	[sflag:s23] =	ssyncadd.s32 $0xFFFFE000  }
0x8b: {  	_ =	swait.ge [sflag:s23], $0x2000  }
0x8c: {  	[sflag:s23] =	ssyncset.done $0x0  }
0x8d: {  	[sflag:s23] =	ssyncadd.s32 $0xFFFFE000  }
0x8e: {  	_ =	swait.ge [sflag:s23], $0x2000  }
0x8f: {  	[sflag:s23] =	ssyncset.done $0x0  }
0x90: {  	[sflag:s23] =	ssyncadd.s32 $0xFFFFE000  }
0x91: {  	_ =	swait.ge [sflag:s23], $0x2000  }
0x92: {  	[sflag:s23] =	ssyncset.done $0x0  }
0x93: {  	[sflag:s23] =	ssyncadd.s32 $0xFFFFE000  }
0x94: {  	_ =	swait.ge [sflag:s23], $0x2000  }
0x95: {  	[sflag:s23] =	ssyncset.done $0x0  }
0x96: {  	s25 =	simm.s32 $0x0;
	s0 =	rddreg [dreg:$0x11];
	[sflag:s23] =	ssyncadd.s32 $0xFFFFE000  }
0x97: {  	[tilespmem:s25], [sflag:$0x1] =	stream.linear.gather [hbm4b:s0+s25], $0x2000, $0x38;
	[tilespmem:$0x1E400] =	vst v63  }
0x98: {  	s26 =	rddreg [dreg:$0x12]  }
0x99: {  	[tilespmem:s14], [sflag:$0x1] =	stream.linear.gather [hbm4b:s26+s25], $0x2000, $0x38;
	[tilespmem:$0x1E400] =	vst v63  }
0x9a: {  	s29 =	rddreg [dreg:$0x13]  }
0x9b: {  	[tilespmem:s15], [sflag:$0x1] =	stream.linear.gather [hbm4b:s29+s25], $0x2000, $0x38;
	[tilespmem:$0x1E400] =	vst v63  }
0x9c: {  	s2 =	rddreg [dreg:$0x14]  }
0x9d: {  	v7 =	vsub.f32 v12, v7;
	v13 =	vsub.f32 v16, v13;
	vm7 =	vge.f32 v17, $1.000000010e-01;
	[tilespmem:s16], [sflag:$0x1] =	stream.linear.gather [hbm4b:s2+s25], $0x2000, $0x38;
	[tilespmem:$0x1E400] =	vst v63  }
0x9e: {  	v14 =	vsub.f32 v14, v8;
	v16 =	vsel vm4, $0x3F800000, v0;
	v12 =	vmul.f32 v20, v20;
	s26 =	rddreg [dreg:$0x15];
	s29 =	sand.u32 $0x40, s25;
	s2 =	sand.u32 $0xC00, s25  }
0x9f: {  	v11 =	vmul.f32 v11, v11;
	v25 =	vsel vm1, $0x3F800000, v0;
	v8 =	vsub.f32 v18, v15;
	[tilespmem:s17], [sflag:$0x1] =	stream.linear.gather [hbm4b:s26+s25], $0x2000, $0x38;
	[tilespmem:$0x1E400] =	vst v63  }
0xa0: {  	v18 =	vsel vm6, $0x3F800000, v0;
	v13 =	vmul.f32 v13, v13;
	v12 =	vmul.f32 v9, v12;
	s0 =	sor.u32 s29, s2;
	s26 =	sand.u32 $0x380, s25  }
0xa1: {  	v10 =	vmul.f32 v10, v10;
	v15 =	vsub.f32 v19, v17;
	v7 =	vmul.f32 v7, v7;
	s29 =	sand.u32 $0x1000, s25;
	s0 =	sor.u32 s26, s0  }
0xa2: {  	v3 =	vadd.f32 v18, v3;
	v19 =	vnsel vm6, $0x0, v12;
	v20 =	vmul.f32 v21, v13;
	s31 =	sor.u32 s0, s29  }
0xa3: {  	v14 =	vmul.f32 v14, v14;
	v13 =	vsel vm5, $0x3F800000, v0;
	v4 =	vadd.f32 v19, v4;
	v24 =	vld [tilespmem:s31+$0x2030]  }
0xa4: {  	v1 =	vadd.f32 v12, v1;
	v19 =	vmul.f32 v22, v7;
	v18 =	vnsel vm5, $0x0, v20;
	v7 =	vld [tilespmem:s31+$0x8030]  }
0xa5: {  	v3 =	vadd.f32 v13, v3;
	v13 =	vmul.f32 v15, v15;
	v4 =	vadd.f32 v18, v4;
	v26 =	vld [tilespmem:s31+$0xE030]  }
0xa6: {  	v15 =	vnsel vm4, $0x0, v19;
	v18 =	vmul.f32 v23, v11;
	v11 =	vmul.f32 v8, v8;
	v8 =	vld [tilespmem:s31+$0x14030]  }
0xa7: {  	v3 =	vadd.f32 v16, v3;
	v16 =	vmul.f32 v13, v9;
	v4 =	vadd.f32 v15, v4;
	v9 =	vld [tilespmem:s31+$0x2020]  }
0xa8: {  	v1 =	vadd.f32 v20, v1;
	v21 =	vmul.f32 v11, v21;
	v13 =	vnsel vm3, $0x0, v18;
	v11 =	vld [tilespmem:s31+$0x8020]  }
0xa9: {  	v15 =	vsel vm7, $0x3F800000, v0;
	v4 =	vadd.f32 v13, v4;
	v13 =	vnsel vm7, $0x0, v16;
	v12 =	vld [tilespmem:s31+$0xE020]  }
0xaa: {  	v17 =	vsel vm3, $0x3F800000, v0;
	v5 =	vadd.f32 v15, v5;
	v6 =	vadd.f32 v13, v6;
	v13 =	vld [tilespmem:s31+$0x14020]  }
0xab: {  	v2 =	vadd.f32 v16, v2;
	v15 =	vsel vm2, $0x3F800000, v0;
	v16 =	vmul.f32 v14, v22;
	v14 =	vld [tilespmem:s31+$0x2010]  }
0xac: {  	v3 =	vadd.f32 v17, v3;
	v17 =	vnsel vm2, $0x0, v21;
	v5 =	vadd.f32 v15, v5;
	v15 =	vld [tilespmem:s31+$0x8010]  }
0xad: {  	v10 =	vmul.f32 v10, v23;
	v2 =	vadd.f32 v21, v2;
	v6 =	vadd.f32 v17, v6;
	v17 =	vld [tilespmem:s31+$0xE010]  }
0xae: {  	v1 =	vadd.f32 v19, v1;
	v20 =	vadd.f32 v25, v5;
	v5 =	vnsel vm1, $0x0, v16;
	v19 =	vld [tilespmem:s31+$0x2000]  }
0xaf: {  	v2 =	vadd.f32 v16, v2;
	v16 =	vsel vm0, $0x3F800000, v0;
	v6 =	vadd.f32 v5, v6;
	v22 =	vld [tilespmem:s31+$0xE000]  }
0xb0: {  	v5 =	vadd.f32 v18, v1;
	v1 =	vadd.f32 v16, v20;
	v16 =	vnsel vm0, $0x0, v10;
	v18 =	vld [tilespmem:s31+$0x8000]  }
0xb1: {  	v2 =	vadd.f32 v10, v2;
	v6 =	vadd.f32 v16, v6;
	v20 =	vld [tilespmem:s31+$0x14010];
	vm3 =	vge.f32 v24, $1.000000010e-01  }
0xb2: {  	v21 =	vld [tilespmem:s31+$0x14000];
	vm4 =	vge.f32 v9, $1.000000010e-01;
	vm1 =	vge.f32 v11, $1.000000010e-01;
	vm0 =	vge.f32 v7, $1.000000010e-01  }
0xb3: {  	s28 =	simm.s32 $0x0;
	s26 =	simm.s32 $0x200;
	v10 =	vld [tilespmem:s31+$0x1A000];
	vm5 =	vge.f32 v14, $1.000000010e-01;
	vm2 =	vge.f32 v15, $1.000000010e-01;
	v16 =	vsub.f32 v26, v24  }
.LBB2_4:
0xb4: {  	p0 =	sne.s32 s26, $0xFE00;
	v22 =	vsub.f32 v22, v19;
	vm7 =	vge.f32 v19, $1.000000010e-01;
	v8 =	vsub.f32 v8, v7  }
0xb5: {  	v7 =	vsub.f32 v12, v9;
	v12 =	vsub.f32 v13, v11;
	vm6 =	vge.f32 v18, $1.000000010e-01;
	v19 =	vld [tilespmem:s31+$0x1A010]  }
0xb6: {  	v11 =	vsub.f32 v17, v14;
	s25 =	sadd.s32 $0x40, s25;
	v9 =	vmul.f32 v22, v22;
	v13 =	vsub.f32 v20, v15  }
0xb7: {  	s2 =	sand.u32 $0xC00, s26;
	v17 =	vsel vm4, $0x3F800000, v0;
	s28 =	sadd.s32 $0x10, s28;
	s0 =	sand.u32 $0x40, s25;
	v14 =	vsub.f32 v21, v18;
	v15 =	vld [tilespmem:s31+$0x1A020];
	v18 =	vsel vm3, $0x3F800000, v0  }
0xb8: {  	s29 =	sand.u32 $0x380, s28;
	s0 =	sor.u32 s0, s2;
	v21 =	vsel vm1, $0x3F800000, v0;
	v20 =	vmul.f32 v10, v9;
	v9 =	vmul.f32 v11, v11  }
0xb9: {  	v23 =	vsel vm2, $0x3F800000, v0;
	s2 =	sand.u32 $0x1000, s25;
	v22 =	vsel vm5, $0x3F800000, v0;
	s0 =	sor.u32 s29, s0;
	v11 =	vsel vm7, $0x3F800000, v0;
	v24 =	vld [tilespmem:s31+$0x1A030]  }
0xba: {  	s31 =	sor.u32 s0, s2;
	v25 =	vnsel vm7, $0x0, v20;
	v26 =	vmul.f32 v19, v9;
	v9 =	vmul.f32 v7, v7  }
0xbb: {  	v3 =	vadd.f32 v11, v3;
	v27 =	vld [tilespmem:s31+$0x2030];
	v4 =	vadd.f32 v25, v4;
	v25 =	vsel vm6, $0x3F800000, v0  }
0xbc: {  	v7 =	vld [tilespmem:s31+$0x8030];
	v11 =	vnsel vm5, $0x0, v26;
	v28 =	vmul.f32 v15, v9;
	v9 =	vmul.f32 v16, v16  }
0xbd: {  	v3 =	vadd.f32 v22, v3;
	v22 =	vmul.f32 v8, v8;
	v16 =	vld [tilespmem:s31+$0xE030];
	v4 =	vadd.f32 v11, v4  }
0xbe: {  	v14 =	vmul.f32 v14, v14;
	v8 =	vld [tilespmem:s31+$0x14030];
	v11 =	vnsel vm4, $0x0, v28;
	v29 =	vmul.f32 v24, v9  }
0xbf: {  	v13 =	vmul.f32 v13, v13;
	v3 =	vadd.f32 v17, v3;
	v9 =	vld [tilespmem:s31+$0x2020];
	v4 =	vadd.f32 v11, v4  }
0xc0: {  	v10 =	vmul.f32 v14, v10;
	v17 =	vmul.f32 v12, v12;
	v11 =	vld [tilespmem:s31+$0x8020];
	v14 =	vnsel vm3, $0x0, v29  }
0xc1: {  	v19 =	vmul.f32 v13, v19;
	v3 =	vadd.f32 v18, v3;
	v12 =	vld [tilespmem:s31+$0xE020];
	v4 =	vadd.f32 v14, v4  }
0xc2: {  	v5 =	vadd.f32 v20, v5;
	v1 =	vadd.f32 v25, v1;
	v18 =	vnsel vm6, $0x0, v10;
	v13 =	vld [tilespmem:s31+$0x14020]  }
0xc3: {  	v2 =	vadd.f32 v10, v2;
	v10 =	vmul.f32 v17, v15;
	v6 =	vadd.f32 v18, v6;
	v14 =	vld [tilespmem:s31+$0x2010]  }
0xc4: {  	v5 =	vadd.f32 v26, v5;
	v1 =	vadd.f32 v23, v1;
	v18 =	vnsel vm2, $0x0, v19;
	v15 =	vld [tilespmem:s31+$0x8010]  }
0xc5: {  	v23 =	vmul.f32 v22, v24;
	v2 =	vadd.f32 v19, v2;
	v6 =	vadd.f32 v18, v6;
	v17 =	vld [tilespmem:s31+$0xE010]  }
0xc6: {  	v5 =	vadd.f32 v28, v5;
	v1 =	vadd.f32 v21, v1;
	v18 =	vnsel vm1, $0x0, v10;
	v19 =	vld [tilespmem:s31+$0x2000]  }
.Ltmp1:
0xc7: {  	v2 =	vadd.f32 v10, v2;
	v10 =	vsel vm0, $0x3F800000, v0;
	v6 =	vadd.f32 v18, v6;
	v22 =	vld [tilespmem:s31+$0xE000];
	(pc) =	sbr.rel @p0 .LBB2_4-.Ltmp1, $4  }
0xc8: {  	v5 =	vadd.f32 v29, v5;
	v1 =	vadd.f32 v10, v1;
	v10 =	vnsel vm0, $0x0, v23;
	v18 =	vld [tilespmem:s31+$0x8000]  }
0xc9: {  	vm3 =	vge.f32 v27, $1.000000010e-01;
	v2 =	vadd.f32 v23, v2;
	v6 =	vadd.f32 v10, v6;
	v20 =	vld [tilespmem:s31+$0x14010]  }
0xca: {  	vm0 =	vge.f32 v7, $1.000000010e-01;
	vm4 =	vge.f32 v9, $1.000000010e-01;
	vm1 =	vge.f32 v11, $1.000000010e-01;
	v21 =	vld [tilespmem:s31+$0x14000]  }
0xcb: {  	s26 =	sadd.s32 $0x200, s26;
	v16 =	vsub.f32 v16, v27;
	vm5 =	vge.f32 v14, $1.000000010e-01;
	vm2 =	vge.f32 v15, $1.000000010e-01;
	v10 =	vld [tilespmem:s31+$0x1A000]  }
0xcc: {  	v23 =	vld [tilespmem:s31+$0x1A010]  }
0xcd: {  	v24 =	vld [tilespmem:s31+$0x1A020]  }
0xce: {  	v25 =	vld [tilespmem:s31+$0x1A030];
	_ =	swait.ge [sflag:s23], $0x2000  }
0xcf: {  	[sflag:s23] =	ssyncset.done $0x0  }
0xd0: {  	[sflag:s23] =	ssyncadd.s32 $0xFFFFE000  }
0xd1: {  	_ =	swait.ge [sflag:s23], $0x2000  }
0xd2: {  	[sflag:s23] =	ssyncset.done $0x0  }
0xd3: {  	[sflag:s23] =	ssyncadd.s32 $0xFFFFE000  }
0xd4: {  	_ =	swait.ge [sflag:s23], $0x2000  }
0xd5: {  	[sflag:s23] =	ssyncset.done $0x0  }
0xd6: {  	[sflag:s23] =	ssyncadd.s32 $0xFFFFE000  }
0xd7: {  	_ =	swait.ge [sflag:s23], $0x2000  }
0xd8: {  	[sflag:s23] =	ssyncset.done $0x0  }
0xd9: {  	[sflag:s23] =	ssyncadd.s32 $0xFFFFE000  }
0xda: {  	_ =	swait.ge [sflag:s23], $0x2000  }
0xdb: {  	[sflag:s23] =	ssyncset.done $0x0  }
0xdc: {  	s25 =	simm.s32 $0x0;
	s0 =	rddreg [dreg:$0x16];
	[sflag:s23] =	ssyncadd.s32 $0xFFFFE000  }
0xdd: {  	[tilespmem:s18], [sflag:$0x1] =	stream.linear.gather [hbm4b:s0+s25], $0x2000, $0x38;
	[tilespmem:$0x1E400] =	vst v63  }
0xde: {  	s26 =	rddreg [dreg:$0x17]  }
0xdf: {  	[tilespmem:s19], [sflag:$0x1] =	stream.linear.gather [hbm4b:s26+s25], $0x2000, $0x38;
	[tilespmem:$0x1E400] =	vst v63  }
0xe0: {  	s29 =	rddreg [dreg:$0x18]  }
0xe1: {  	v22 =	vsub.f32 v22, v19;
	[tilespmem:s20], [sflag:$0x1] =	stream.linear.gather [hbm4b:s29+s25], $0x2000, $0x38;
	[tilespmem:$0x1E400] =	vst v63  }
0xe2: {  	vm7 =	vge.f32 v19, $1.000000010e-01;
	v19 =	vsub.f32 v8, v7;
	v7 =	vsub.f32 v12, v9;
	s2 =	rddreg [dreg:$0x19]  }
0xe3: {  	v9 =	vsub.f32 v17, v14;
	v11 =	vsub.f32 v13, v11;
	[tilespmem:s21], [sflag:$0x1] =	stream.linear.gather [hbm4b:s2+s25], $0x2000, $0x38;
	[tilespmem:$0x1E400] =	vst v63  }
0xe4: {  	vm6 =	vge.f32 v18, $1.000000010e-01;
	v17 =	vsel vm7, $0x3F800000, v0;
	v8 =	vmul.f32 v22, v22;
	s26 =	rddreg [dreg:$0x1a];
	s29 =	sand.u32 $0x40, s25;
	s2 =	sand.u32 $0xC00, s25  }
0xe5: {  	v12 =	vsub.f32 v20, v15;
	v7 =	vmul.f32 v7, v7;
	v13 =	vsub.f32 v21, v18;
	[tilespmem:s22], [sflag:$0x1] =	stream.linear.gather [hbm4b:s26+s25], $0x2000, $0x38;
	[tilespmem:$0x1E400] =	vst v63  }
0xe6: {  	v15 =	vsel vm3, $0x3F800000, v0;
	v14 =	vmul.f32 v10, v8;
	v8 =	vmul.f32 v9, v9;
	s0 =	sor.u32 s29, s2;
	s26 =	sand.u32 $0x380, s25  }
0xe7: {  	v3 =	vadd.f32 v17, v3;
	v28 =	vmul.f32 v11, v11;
	v13 =	vmul.f32 v13, v13;
	s29 =	sand.u32 $0x1000, s25;
	s0 =	sor.u32 s26, s0  }
0xe8: {  	v18 =	vnsel vm7, $0x0, v14;
	v20 =	vmul.f32 v23, v8;
	v8 =	vsel vm5, $0x3F800000, v0;
	s31 =	sor.u32 s0, s29  }
0xe9: {  	v4 =	vadd.f32 v18, v4;
	v18 =	vmul.f32 v24, v7;
	v7 =	vmul.f32 v16, v16;
	v16 =	vld [tilespmem:s31+$0x4030]  }
0xea: {  	v9 =	vsel vm4, $0x3F800000, v0;
	v3 =	vadd.f32 v8, v3;
	v17 =	vnsel vm5, $0x0, v20;
	v8 =	vld [tilespmem:s31+$0xA030]  }
0xeb: {  	v22 =	vmul.f32 v13, v10;
	v4 =	vadd.f32 v17, v4;
	v17 =	vnsel vm4, $0x0, v18;
	v27 =	vld [tilespmem:s31+$0x10030]  }
0xec: {  	v26 =	vmul.f32 v25, v7;
	v7 =	vmul.f32 v12, v12;
	v3 =	vadd.f32 v9, v3;
	v9 =	vld [tilespmem:s31+$0x16030]  }
0xed: {  	v21 =	vsel vm1, $0x3F800000, v0;
	v2 =	vadd.f32 v22, v2;
	v4 =	vadd.f32 v17, v4;
	v10 =	vld [tilespmem:s31+$0x4020]  }
0xee: {  	v17 =	vsel vm6, $0x3F800000, v0;
	v23 =	vmul.f32 v7, v23;
	v12 =	vnsel vm3, $0x0, v26;
	v11 =	vld [tilespmem:s31+$0xA020]  }
0xef: {  	v7 =	vadd.f32 v15, v3;
	v15 =	vsel vm2, $0x3F800000, v0;
	v3 =	vadd.f32 v12, v4;
	v12 =	vld [tilespmem:s31+$0x10020]  }
0xf0: {  	v1 =	vadd.f32 v17, v1;
	v4 =	vadd.f32 v14, v5;
	v5 =	vnsel vm6, $0x0, v22;
	v13 =	vld [tilespmem:s31+$0x16020]  }
0xf1: {  	v22 =	vmul.f32 v28, v24;
	v5 =	vadd.f32 v5, v6;
	v6 =	vmul.f32 v19, v19;
	v14 =	vld [tilespmem:s31+$0x4010]  }
0xf2: {  	v17 =	vnsel vm2, $0x0, v23;
	v1 =	vadd.f32 v15, v1;
	v4 =	vadd.f32 v20, v4;
	v15 =	vld [tilespmem:s31+$0xA010]  }
0xf3: {  	v2 =	vadd.f32 v23, v2;
	v5 =	vadd.f32 v17, v5;
	v6 =	vmul.f32 v6, v25;
	v17 =	vld [tilespmem:s31+$0x10010]  }
0xf4: {  	v4 =	vadd.f32 v18, v4;
	v18 =	vadd.f32 v21, v1;
	v1 =	vnsel vm1, $0x0, v22;
	v19 =	vld [tilespmem:s31+$0x4000]  }
0xf5: {  	v20 =	vadd.f32 v22, v2;
	v2 =	vsel vm0, $0x3F800000, v0;
	v5 =	vadd.f32 v1, v5;
	v22 =	vld [tilespmem:s31+$0x10000]  }
0xf6: {  	v1 =	vadd.f32 v26, v4;
	v2 =	vadd.f32 v2, v18;
	v4 =	vnsel vm0, $0x0, v6;
	v18 =	vld [tilespmem:s31+$0xA000]  }
0xf7: {  	v4 =	vadd.f32 v4, v5;
	v5 =	vadd.f32 v6, v20;
	v20 =	vld [tilespmem:s31+$0x16010];
	vm3 =	vge.f32 v16, $1.000000010e-01  }
0xf8: {  	v21 =	vld [tilespmem:s31+$0x16000];
	vm4 =	vge.f32 v10, $1.000000010e-01;
	vm1 =	vge.f32 v11, $1.000000010e-01;
	vm0 =	vge.f32 v8, $1.000000010e-01  }
0xf9: {  	s28 =	simm.s32 $0x0;
	s26 =	simm.s32 $0x200;
	v6 =	vld [tilespmem:s31+$0x1C000];
	vm5 =	vge.f32 v14, $1.000000010e-01;
	vm2 =	vge.f32 v15, $1.000000010e-01;
	v16 =	vsub.f32 v27, v16  }
.LBB2_6:
0xfa: {  	p0 =	sne.s32 s26, $0xFE00;
	v22 =	vsub.f32 v22, v19;
	vm7 =	vge.f32 v19, $1.000000010e-01;
	v9 =	vsub.f32 v9, v8  }
0xfb: {  	v8 =	vsub.f32 v12, v10;
	v12 =	vsub.f32 v13, v11;
	vm6 =	vge.f32 v18, $1.000000010e-01;
	v19 =	vld [tilespmem:s31+$0x1C010]  }
0xfc: {  	v11 =	vsub.f32 v17, v14;
	s25 =	sadd.s32 $0x40, s25;
	v10 =	vmul.f32 v22, v22;
	v13 =	vsub.f32 v20, v15  }
0xfd: {  	s2 =	sand.u32 $0xC00, s26;
	v17 =	vsel vm4, $0x3F800000, v0;
	s28 =	sadd.s32 $0x10, s28;
	s0 =	sand.u32 $0x40, s25;
	v14 =	vsub.f32 v21, v18;
	v15 =	vld [tilespmem:s31+$0x1C020];
	v18 =	vsel vm3, $0x3F800000, v0  }
0xfe: {  	s29 =	sand.u32 $0x380, s28;
	s0 =	sor.u32 s0, s2;
	v21 =	vsel vm1, $0x3F800000, v0;
	v20 =	vmul.f32 v6, v10;
	v10 =	vmul.f32 v11, v11  }
0xff: {  	v23 =	vsel vm2, $0x3F800000, v0;
	s2 =	sand.u32 $0x1000, s25;
	v22 =	vsel vm5, $0x3F800000, v0;
	s0 =	sor.u32 s29, s0;
	v11 =	vsel vm7, $0x3F800000, v0;
	v24 =	vld [tilespmem:s31+$0x1C030]  }
0x100: {  	s31 =	sor.u32 s0, s2;
	v25 =	vnsel vm7, $0x0, v20;
	v26 =	vmul.f32 v19, v10;
	v10 =	vmul.f32 v8, v8  }
0x101: {  	v7 =	vadd.f32 v11, v7;
	v27 =	vld [tilespmem:s31+$0x4030];
	v3 =	vadd.f32 v25, v3;
	v25 =	vsel vm6, $0x3F800000, v0  }
0x102: {  	v8 =	vld [tilespmem:s31+$0xA030];
	v11 =	vnsel vm5, $0x0, v26;
	v28 =	vmul.f32 v15, v10;
	v10 =	vmul.f32 v16, v16  }
0x103: {  	v7 =	vadd.f32 v22, v7;
	v22 =	vmul.f32 v9, v9;
	v16 =	vld [tilespmem:s31+$0x10030];
	v3 =	vadd.f32 v11, v3  }
0x104: {  	v14 =	vmul.f32 v14, v14;
	v9 =	vld [tilespmem:s31+$0x16030];
	v11 =	vnsel vm4, $0x0, v28;
	v29 =	vmul.f32 v24, v10  }
0x105: {  	v13 =	vmul.f32 v13, v13;
	v7 =	vadd.f32 v17, v7;
	v10 =	vld [tilespmem:s31+$0x4020];
	v3 =	vadd.f32 v11, v3  }
0x106: {  	v6 =	vmul.f32 v14, v6;
	v17 =	vmul.f32 v12, v12;
	v11 =	vld [tilespmem:s31+$0xA020];
	v14 =	vnsel vm3, $0x0, v29  }
0x107: {  	v19 =	vmul.f32 v13, v19;
	v7 =	vadd.f32 v18, v7;
	v12 =	vld [tilespmem:s31+$0x10020];
	v3 =	vadd.f32 v14, v3  }
0x108: {  	v1 =	vadd.f32 v20, v1;
	v2 =	vadd.f32 v25, v2;
	v18 =	vnsel vm6, $0x0, v6;
	v13 =	vld [tilespmem:s31+$0x16020]  }
0x109: {  	v5 =	vadd.f32 v6, v5;
	v6 =	vmul.f32 v17, v15;
	v4 =	vadd.f32 v18, v4;
	v14 =	vld [tilespmem:s31+$0x4010]  }
0x10a: {  	v1 =	vadd.f32 v26, v1;
	v2 =	vadd.f32 v23, v2;
	v18 =	vnsel vm2, $0x0, v19;
	v15 =	vld [tilespmem:s31+$0xA010]  }
0x10b: {  	v23 =	vmul.f32 v22, v24;
	v5 =	vadd.f32 v19, v5;
	v4 =	vadd.f32 v18, v4;
	v17 =	vld [tilespmem:s31+$0x10010]  }
0x10c: {  	v1 =	vadd.f32 v28, v1;
	v2 =	vadd.f32 v21, v2;
	v18 =	vnsel vm1, $0x0, v6;
	v19 =	vld [tilespmem:s31+$0x4000]  }
.Ltmp2:
0x10d: {  	v5 =	vadd.f32 v6, v5;
	v6 =	vsel vm0, $0x3F800000, v0;
	v4 =	vadd.f32 v18, v4;
	v22 =	vld [tilespmem:s31+$0x10000];
	(pc) =	sbr.rel @p0 .LBB2_6-.Ltmp2, $4  }
0x10e: {  	v1 =	vadd.f32 v29, v1;
	v2 =	vadd.f32 v6, v2;
	v6 =	vnsel vm0, $0x0, v23;
	v18 =	vld [tilespmem:s31+$0xA000]  }
0x10f: {  	vm3 =	vge.f32 v27, $1.000000010e-01;
	v5 =	vadd.f32 v23, v5;
	v4 =	vadd.f32 v6, v4;
	v20 =	vld [tilespmem:s31+$0x16010]  }
0x110: {  	vm0 =	vge.f32 v8, $1.000000010e-01;
	vm4 =	vge.f32 v10, $1.000000010e-01;
	vm1 =	vge.f32 v11, $1.000000010e-01;
	v21 =	vld [tilespmem:s31+$0x16000]  }
0x111: {  	s26 =	sadd.s32 $0x200, s26;
	v16 =	vsub.f32 v16, v27;
	vm5 =	vge.f32 v14, $1.000000010e-01;
	vm2 =	vge.f32 v15, $1.000000010e-01;
	v6 =	vld [tilespmem:s31+$0x1C000]  }
0x112: {  	v23 =	vld [tilespmem:s31+$0x1C010]  }
0x113: {  	v24 =	vld [tilespmem:s31+$0x1C020]  }
0x114: {  	v25 =	vld [tilespmem:s31+$0x1C030];
	_ =	swait.ge [sflag:s23], $0x2000  }
0x115: {  	[sflag:s23] =	ssyncset.done $0x0  }
0x116: {  	[sflag:s23] =	ssyncadd.s32 $0xFFFFE000  }
0x117: {  	_ =	swait.ge [sflag:s23], $0x2000  }
0x118: {  	[sflag:s23] =	ssyncset.done $0x0  }
0x119: {  	[sflag:s23] =	ssyncadd.s32 $0xFFFFE000  }
0x11a: {  	_ =	swait.ge [sflag:s23], $0x2000  }
0x11b: {  	[sflag:s23] =	ssyncset.done $0x0  }
0x11c: {  	[sflag:s23] =	ssyncadd.s32 $0xFFFFE000  }
0x11d: {  	_ =	swait.ge [sflag:s23], $0x2000  }
0x11e: {  	[sflag:s23] =	ssyncset.done $0x0  }
0x11f: {  	[sflag:s23] =	ssyncadd.s32 $0xFFFFE000  }
0x120: {  	_ =	swait.ge [sflag:s23], $0x2000  }
0x121: {  	s25 =	simm.s32 $0x0;
	[sflag:s23] =	ssyncset.done $0x0  }
0x122: {  	s2 =	simm.s32 $0x4000;
	s0 =	rddreg [dreg:$0x1b];
	[sflag:s23] =	ssyncadd.s32 $0xFFFFE000  }
0x123: {  	[tilespmem:s2], [sflag:$0x1] =	stream.linear.gather [hbm4b:s0+s25], $0x2000, $0x38;
	[tilespmem:$0x1E400] =	vst v63  }
0x124: {  	s29 =	simm.s32 $0xA000;
	s26 =	rddreg [dreg:$0x1c]  }
0x125: {  	[tilespmem:s29], [sflag:$0x1] =	stream.linear.gather [hbm4b:s26+s25], $0x2000, $0x38;
	[tilespmem:$0x1E400] =	vst v63  }
0x126: {  	v22 =	vsub.f32 v22, v19;
	s26 =	rddreg [dreg:$0x1d];
	s29 =	simm.s32 $0x10000  }
0x127: {  	v9 =	vsub.f32 v9, v8;
	v8 =	vsub.f32 v12, v10;
	[tilespmem:s29], [sflag:$0x1] =	stream.linear.gather [hbm4b:s26+s25], $0x2000, $0x38;
	[tilespmem:$0x1E400] =	vst v63  }
0x128: {  	vm7 =	vge.f32 v19, $1.000000010e-01;
	v10 =	vsub.f32 v13, v11;
	v12 =	vsub.f32 v17, v14;
	s26 =	rddreg [dreg:$0x1e];
	s29 =	simm.s32 $0x16000  }
0x129: {  	v17 =	vsel vm3, $0x3F800000, v0;
	vm6 =	vge.f32 v18, $1.000000010e-01;
	v19 =	vsel vm7, $0x3F800000, v0;
	[tilespmem:s29], [sflag:$0x1] =	stream.linear.gather [hbm4b:s26+s25], $0x2000, $0x38;
	[tilespmem:$0x1E400] =	vst v63  }
0x12a: {  	v11 =	vmul.f32 v22, v22;
	v13 =	vsub.f32 v20, v15;
	v7 =	vadd.f32 v19, v7;
	s26 =	rddreg [dreg:$0x1f];
	s29 =	simm.s32 $0x1C000  }
0x12b: {  	v15 =	vsel vm4, $0x3F800000, v0;
	v12 =	vmul.f32 v12, v12;
	v20 =	vsel vm5, $0x3F800000, v0;
	[tilespmem:s29], [sflag:$0x1] =	stream.linear.gather [hbm4b:s26+s25], $0x2000, $0x38;
	[tilespmem:$0x1E400] =	vst v63  }
0x12c: {  	v8 =	vmul.f32 v8, v8;
	v11 =	vmul.f32 v6, v11;
	v7 =	vadd.f32 v20, v7;
	s2 =	sand.u32 $0xC00, s25;
	s29 =	sand.u32 $0x1040, s25  }
0x12d: {  	v10 =	vmul.f32 v10, v10;
	v14 =	vsub.f32 v21, v18;
	v22 =	vmul.f32 v23, v12;
	s26 =	sand.u32 $0x380, s25;
	s0 =	sor.u32 s29, s2  }
0x12e: {  	v12 =	vmul.f32 v16, v16;
	v21 =	vnsel vm7, $0x0, v11;
	v7 =	vadd.f32 v15, v7;
	s31 =	sor.u32 s26, s0  }
0x12f: {  	v1 =	vadd.f32 v11, v1;
	v3 =	vadd.f32 v21, v3;
	v21 =	vmul.f32 v24, v8;
	v20 =	vld [tilespmem:s31+$0x30]  }
0x130: {  	v8 =	vnsel vm5, $0x0, v22;
	v16 =	vmul.f32 v25, v12;
	v12 =	vmul.f32 v13, v13;
	v26 =	vld [tilespmem:s31+$0x6030]  }
0x131: {  	v1 =	vadd.f32 v22, v1;
	v3 =	vadd.f32 v8, v3;
	v8 =	vmul.f32 v14, v14;
	v15 =	vld [tilespmem:s31+$0xC030]  }
0x132: {  	v14 =	vnsel vm4, $0x0, v21;
	v23 =	vmul.f32 v12, v23;
	v12 =	vnsel vm3, $0x0, v16;
	v27 =	vld [tilespmem:s31+$0x12030]  }
0x133: {  	v1 =	vadd.f32 v21, v1;
	v13 =	vadd.f32 v14, v3;
	v6 =	vmul.f32 v8, v6;
	v8 =	vld [tilespmem:s31+$0x20]  }
0x134: {  	v14 =	vsel vm6, $0x3F800000, v0;
	v3 =	vadd.f32 v17, v7;
	v17 =	vmul.f32 v9, v9;
	v9 =	vld [tilespmem:s31+$0x6020]  }
0x135: {  	v2 =	vadd.f32 v14, v2;
	v7 =	vadd.f32 v12, v13;
	v12 =	vnsel vm6, $0x0, v6;
	v11 =	vld [tilespmem:s31+$0xC020]  }
0x136: {  	v19 =	vsel vm2, $0x3F800000, v0;
	v5 =	vadd.f32 v6, v5;
	v4 =	vadd.f32 v12, v4;
	v12 =	vld [tilespmem:s31+$0x12020]  }
0x137: {  	v6 =	vmul.f32 v10, v24;
	v10 =	vnsel vm2, $0x0, v23;
	v2 =	vadd.f32 v19, v2;
	v13 =	vld [tilespmem:s31+$0x10]  }
0x138: {  	v18 =	vsel vm1, $0x3F800000, v0;
	v5 =	vadd.f32 v23, v5;
	v4 =	vadd.f32 v10, v4;
	v14 =	vld [tilespmem:s31+$0x6010]  }
0x139: {  	v10 =	vmul.f32 v17, v25;
	v2 =	vadd.f32 v18, v2;
	v17 =	vnsel vm1, $0x0, v6;
	v21 =	vld [tilespmem:s31+$0x0]  }
0x13a: {  	v4 =	vadd.f32 v17, v4;
	v17 =	vadd.f32 v6, v5;
	v6 =	vsel vm0, $0x3F800000, v0;
	v22 =	vld [tilespmem:s31+$0xC000]  }
0x13b: {  	v5 =	vadd.f32 v16, v1;
	v1 =	vadd.f32 v6, v2;
	v2 =	vnsel vm0, $0x0, v10;
	v16 =	vld [tilespmem:s31+$0xC010]  }
0x13c: {  	v6 =	vadd.f32 v2, v4;
	v2 =	vadd.f32 v10, v17;
	v17 =	vld [tilespmem:s31+$0x6000]  }
0x13d: {  	v18 =	vld [tilespmem:s31+$0x12010];
	vm3 =	vge.f32 v20, $1.000000010e-01  }
0x13e: {  	v19 =	vld [tilespmem:s31+$0x12000];
	vm4 =	vge.f32 v8, $1.000000010e-01;
	vm1 =	vge.f32 v9, $1.000000010e-01;
	vm0 =	vge.f32 v26, $1.000000010e-01  }
0x13f: {  	v4 =	vld [tilespmem:s31+$0x18000];
	vm5 =	vge.f32 v13, $1.000000010e-01;
	vm2 =	vge.f32 v14, $1.000000010e-01;
	v15 =	vsub.f32 v15, v20  }
0x140: {  	s28 =	simm.s32 $0x0;
	s26 =	simm.s32 $0x200;
	v20 =	vsub.f32 v22, v21;
	vm6 =	vge.f32 v21, $1.000000010e-01;
	v10 =	vsub.f32 v27, v26  }
.LBB2_8:
0x141: {  	p0 =	sne.s32 s26, $0xFE00;
	vm7 =	vge.f32 v17, $1.000000010e-01;
	v21 =	vld [tilespmem:s31+$0x18010];
	v8 =	vsub.f32 v11, v8;
	v11 =	vsub.f32 v12, v9  }
0x142: {  	v12 =	vsub.f32 v16, v13;
	v9 =	vmul.f32 v20, v20;
	v13 =	vsub.f32 v18, v14  }
0x143: {  	s25 =	sadd.s32 $0x40, s25;
	v18 =	vsel vm3, $0x3F800000, v0;
	v14 =	vsub.f32 v19, v17;
	v16 =	vld [tilespmem:s31+$0x18020];
	v17 =	vsel vm4, $0x3F800000, v0  }
0x144: {  	s0 =	sand.u32 $0xC00, s26;
	s28 =	sadd.s32 $0x10, s28;
	s2 =	sand.u32 $0x1040, s25;
	v20 =	vsel vm1, $0x3F800000, v0;
	v19 =	vmul.f32 v4, v9;
	v9 =	vmul.f32 v12, v12  }
0x145: {  	v22 =	vsel vm5, $0x3F800000, v0;
	v23 =	vsel vm2, $0x3F800000, v0;
	s29 =	sand.u32 $0x380, s28;
	s0 =	sor.u32 s2, s0;
	v12 =	vsel vm6, $0x3F800000, v0;
	v24 =	vld [tilespmem:s31+$0x18030]  }
0x146: {  	v8 =	vmul.f32 v8, v8;
	s31 =	sor.u32 s29, s0;
	v25 =	vnsel vm6, $0x0, v19;
	v26 =	vmul.f32 v21, v9  }
0x147: {  	v3 =	vadd.f32 v12, v3;
	v27 =	vld [tilespmem:s31+$0x30];
	v7 =	vadd.f32 v25, v7;
	v25 =	vsel vm7, $0x3F800000, v0  }
0x148: {  	v28 =	vld [tilespmem:s31+$0x6030];
	v9 =	vnsel vm5, $0x0, v26;
	v29 =	vmul.f32 v16, v8;
	v8 =	vmul.f32 v15, v15  }
0x149: {  	v10 =	vmul.f32 v10, v10;
	v3 =	vadd.f32 v22, v3;
	v15 =	vld [tilespmem:s31+$0xC030];
	v7 =	vadd.f32 v9, v7  }
0x14a: {  	v12 =	vmul.f32 v14, v14;
	v22 =	vld [tilespmem:s31+$0x12030];
	v9 =	vnsel vm4, $0x0, v29;
	v30 =	vmul.f32 v24, v8  }
0x14b: {  	v13 =	vmul.f32 v13, v13;
	v3 =	vadd.f32 v17, v3;
	v8 =	vld [tilespmem:s31+$0x20];
	v7 =	vadd.f32 v9, v7  }
0x14c: {  	v14 =	vmul.f32 v11, v11;
	v4 =	vmul.f32 v12, v4;
	v9 =	vld [tilespmem:s31+$0x6020];
	v12 =	vnsel vm3, $0x0, v30  }
0x14d: {  	v17 =	vmul.f32 v13, v21;
	v3 =	vadd.f32 v18, v3;
	v11 =	vld [tilespmem:s31+$0xC020];
	v7 =	vadd.f32 v12, v7  }
0x14e: {  	v5 =	vadd.f32 v19, v5;
	v1 =	vadd.f32 v25, v1;
	v18 =	vnsel vm7, $0x0, v4;
	v12 =	vld [tilespmem:s31+$0x12020]  }
0x14f: {  	v2 =	vadd.f32 v4, v2;
	v4 =	vmul.f32 v14, v16;
	v6 =	vadd.f32 v18, v6;
	v13 =	vld [tilespmem:s31+$0x10]  }
0x150: {  	v5 =	vadd.f32 v26, v5;
	v1 =	vadd.f32 v23, v1;
	v18 =	vnsel vm2, $0x0, v17;
	v14 =	vld [tilespmem:s31+$0x6010]  }
0x151: {  	v10 =	vmul.f32 v10, v24;
	v2 =	vadd.f32 v17, v2;
	v6 =	vadd.f32 v18, v6;
	v16 =	vld [tilespmem:s31+$0xC010]  }
0x152: {  	v5 =	vadd.f32 v29, v5;
	v1 =	vadd.f32 v20, v1;
	v17 =	vnsel vm1, $0x0, v4;
	v21 =	vld [tilespmem:s31+$0x0]  }
0x153: {  	v2 =	vadd.f32 v4, v2;
	v4 =	vsel vm0, $0x3F800000, v0;
	v6 =	vadd.f32 v17, v6;
	v20 =	vld [tilespmem:s31+$0xC000]  }
.Ltmp3:
0x154: {  	v5 =	vadd.f32 v30, v5;
	v1 =	vadd.f32 v4, v1;
	v4 =	vnsel vm0, $0x0, v10;
	v17 =	vld [tilespmem:s31+$0x6000];
	(pc) =	sbr.rel @p0 .LBB2_8-.Ltmp3, $4  }
0x155: {  	vm3 =	vge.f32 v27, $1.000000010e-01;
	v2 =	vadd.f32 v10, v2;
	v6 =	vadd.f32 v4, v6;
	v18 =	vld [tilespmem:s31+$0x12010]  }
0x156: {  	vm0 =	vge.f32 v28, $1.000000010e-01;
	vm4 =	vge.f32 v8, $1.000000010e-01;
	vm1 =	vge.f32 v9, $1.000000010e-01;
	v19 =	vld [tilespmem:s31+$0x12000]  }
0x157: {  	v15 =	vsub.f32 v15, v27;
	vm5 =	vge.f32 v13, $1.000000010e-01;
	vm2 =	vge.f32 v14, $1.000000010e-01;
	v4 =	vld [tilespmem:s31+$0x18000]  }
0x158: {  	s26 =	sadd.s32 $0x200, s26;
	v10 =	vsub.f32 v22, v28;
	vm6 =	vge.f32 v21, $1.000000010e-01;
	v20 =	vsub.f32 v20, v21  }
0x159: {  	v21 =	vld [tilespmem:s31+$0x18010]  }
0x15a: {  	v22 =	vld [tilespmem:s31+$0x18020]  }
0x15b: {  	v23 =	vld [tilespmem:s31+$0x18030];
	_ =	swait.ge [sflag:s23], $0x2000  }
0x15c: {  	[sflag:s23] =	ssyncset.done $0x0  }
0x15d: {  	[sflag:s23] =	ssyncadd.s32 $0xFFFFE000  }
0x15e: {  	_ =	swait.ge [sflag:s23], $0x2000  }
0x15f: {  	[sflag:s23] =	ssyncset.done $0x0  }
0x160: {  	[sflag:s23] =	ssyncadd.s32 $0xFFFFE000  }
0x161: {  	_ =	swait.ge [sflag:s23], $0x2000  }
0x162: {  	[sflag:s23] =	ssyncset.done $0x0  }
0x163: {  	[sflag:s23] =	ssyncadd.s32 $0xFFFFE000  }
0x164: {  	_ =	swait.ge [sflag:s23], $0x2000  }
0x165: {  	[sflag:s23] =	ssyncset.done $0x0  }
0x166: {  	[sflag:s23] =	ssyncadd.s32 $0xFFFFE000  }
0x167: {  	_ =	swait.ge [sflag:s23], $0x2000  }
0x168: {  	s0 =	sld [smem:$0x7FD]  }
0x169: {  	[sflag:s23] =	ssyncset.done $0x0  }
0x16a: {  	s25 =	simm.s32 $0x0;
	[sflag:s23] =	ssyncadd.s32 $0xFFFFE000  }
0x16b: {  	[tilespmem:s25], [sflag:$0x1] =	stream.linear.gather [hbm4b:s0+s25], $0x2000, $0x38;
	[tilespmem:$0x1E400] =	vst v63  }
0x16c: {  	s29 =	sand.u32 $0x40, s25;
	s2 =	sand.u32 $0xC00, s25  }
0x16d: {  	[tilespmem:s14], [sflag:$0x1] =	stream.linear.gather [hbm4b:s3+s25], $0x2000, $0x38;
	[tilespmem:$0x1E400] =	vst v63  }
0x16e: {  	v8 =	vsub.f32 v11, v8;
	v13 =	vsub.f32 v16, v13;
	v11 =	vmul.f32 v20, v20;
	s26 =	sand.u32 $0x380, s25;
	s0 =	sor.u32 s29, s2  }
0x16f: {  	vm7 =	vge.f32 v17, $1.000000010e-01;
	v9 =	vsub.f32 v12, v9;
	v25 =	vsel vm1, $0x3F800000, v0;
	[tilespmem:s15], [sflag:$0x1] =	stream.linear.gather [hbm4b:s4+s25], $0x2000, $0x38;
	[tilespmem:$0x1E400] =	vst v63  }
0x170: {  	v12 =	vsub.f32 v18, v14;
	v16 =	vmul.f32 v4, v11;
	v11 =	vmul.f32 v13, v13;
	s29 =	sand.u32 $0x1000, s25;
	s0 =	sor.u32 s26, s0  }
0x171: {  	v18 =	vsel vm6, $0x3F800000, v0;
	v10 =	vmul.f32 v10, v10;
	v14 =	vsub.f32 v19, v17;
	[tilespmem:s16], [sflag:$0x1] =	stream.linear.gather [hbm4b:s5+s25], $0x2000, $0x38;
	[tilespmem:$0x1E400] =	vst v63  }
0x172: {  	v8 =	vmul.f32 v8, v8;
	v19 =	vnsel vm6, $0x0, v16;
	v20 =	vmul.f32 v21, v11;
	s31 =	sor.u32 s0, s29  }
0x173: {  	v17 =	vsel vm3, $0x3F800000, v0;
	v3 =	vadd.f32 v18, v3;
	v7 =	vadd.f32 v19, v7;
	[tilespmem:s17], [sflag:$0x1] =	stream.linear.gather [hbm4b:s6+s25], $0x2000, $0x38;
	[tilespmem:$0x1E400] =	vst v63  }
0x174: {  	v11 =	vsel vm5, $0x3F800000, v0;
	v19 =	vmul.f32 v22, v8;
	v18 =	vnsel vm5, $0x0, v20;
	v24 =	vld [tilespmem:s31+$0x2030]  }
0x175: {  	v8 =	vmul.f32 v15, v15;
	v3 =	vadd.f32 v11, v3;
	v11 =	vadd.f32 v18, v7;
	v7 =	vld [tilespmem:s31+$0x8030]  }
0x176: {  	v27 =	vmul.f32 v9, v9;
	v13 =	vsel vm4, $0x3F800000, v0;
	v14 =	vmul.f32 v14, v14;
	v26 =	vld [tilespmem:s31+$0xE030]  }
0x177: {  	v12 =	vmul.f32 v12, v12;
	v15 =	vnsel vm4, $0x0, v19;
	v18 =	vmul.f32 v23, v8;
	v8 =	vld [tilespmem:s31+$0x14030]  }
0x178: {  	v14 =	vmul.f32 v14, v4;
	v3 =	vadd.f32 v13, v3;
	v13 =	vadd.f32 v15, v11;
	v9 =	vld [tilespmem:s31+$0x2020]  }
0x179: {  	v21 =	vmul.f32 v12, v21;
	v5 =	vadd.f32 v16, v5;
	v4 =	vnsel vm3, $0x0, v18;
	v11 =	vld [tilespmem:s31+$0x8020]  }
0x17a: {  	v15 =	vsel vm7, $0x3F800000, v0;
	v4 =	vadd.f32 v4, v13;
	v13 =	vnsel vm7, $0x0, v14;
	v12 =	vld [tilespmem:s31+$0xE020]  }
0x17b: {  	v16 =	vmul.f32 v27, v22;
	v1 =	vadd.f32 v15, v1;
	v6 =	vadd.f32 v13, v6;
	v13 =	vld [tilespmem:s31+$0x14020]  }
0x17c: {  	v5 =	vadd.f32 v20, v5;
	v2 =	vadd.f32 v14, v2;
	v15 =	vsel vm2, $0x3F800000, v0;
	v14 =	vld [tilespmem:s31+$0x2010]  }
0x17d: {  	v3 =	vadd.f32 v17, v3;
	v17 =	vnsel vm2, $0x0, v21;
	v1 =	vadd.f32 v15, v1;
	v15 =	vld [tilespmem:s31+$0x8010]  }
0x17e: {  	v10 =	vmul.f32 v10, v23;
	v2 =	vadd.f32 v21, v2;
	v6 =	vadd.f32 v17, v6;
	v17 =	vld [tilespmem:s31+$0xE010]  }
0x17f: {  	v20 =	vnsel vm1, $0x0, v16;
	v5 =	vadd.f32 v19, v5;
	v1 =	vadd.f32 v25, v1;
	v19 =	vld [tilespmem:s31+$0x2000]  }
0x180: {  	v2 =	vadd.f32 v16, v2;
	v16 =	vsel vm0, $0x3F800000, v0;
	v6 =	vadd.f32 v20, v6;
	v22 =	vld [tilespmem:s31+$0xE000]  }
0x181: {  	v5 =	vadd.f32 v18, v5;
	v1 =	vadd.f32 v16, v1;
	v16 =	vnsel vm0, $0x0, v10;
	v18 =	vld [tilespmem:s31+$0x8000]  }
0x182: {  	v2 =	vadd.f32 v10, v2;
	v6 =	vadd.f32 v16, v6;
	v20 =	vld [tilespmem:s31+$0x14010];
	vm3 =	vge.f32 v24, $1.000000010e-01  }
0x183: {  	v21 =	vld [tilespmem:s31+$0x14000];
	vm4 =	vge.f32 v9, $1.000000010e-01;
	vm1 =	vge.f32 v11, $1.000000010e-01;
	vm0 =	vge.f32 v7, $1.000000010e-01  }
0x184: {  	s28 =	simm.s32 $0x0;
	s26 =	simm.s32 $0x200;
	v10 =	vld [tilespmem:s31+$0x1A000];
	vm5 =	vge.f32 v14, $1.000000010e-01;
	vm2 =	vge.f32 v15, $1.000000010e-01;
	v16 =	vsub.f32 v26, v24  }
.LBB2_10:
0x185: {  	p0 =	sne.s32 s26, $0xFE00;
	v22 =	vsub.f32 v22, v19;
	vm7 =	vge.f32 v19, $1.000000010e-01;
	v8 =	vsub.f32 v8, v7  }
0x186: {  	v7 =	vsub.f32 v12, v9;
	v12 =	vsub.f32 v13, v11;
	vm6 =	vge.f32 v18, $1.000000010e-01;
	v19 =	vld [tilespmem:s31+$0x1A010]  }
0x187: {  	v11 =	vsub.f32 v17, v14;
	s25 =	sadd.s32 $0x40, s25;
	v9 =	vmul.f32 v22, v22;
	v13 =	vsub.f32 v20, v15  }
0x188: {  	s2 =	sand.u32 $0xC00, s26;
	v17 =	vsel vm4, $0x3F800000, v0;
	s28 =	sadd.s32 $0x10, s28;
	s0 =	sand.u32 $0x40, s25;
	v14 =	vsub.f32 v21, v18;
	v15 =	vld [tilespmem:s31+$0x1A020];
	v18 =	vsel vm3, $0x3F800000, v0  }
0x189: {  	s29 =	sand.u32 $0x380, s28;
	s0 =	sor.u32 s0, s2;
	v21 =	vsel vm1, $0x3F800000, v0;
	v20 =	vmul.f32 v10, v9;
	v9 =	vmul.f32 v11, v11  }
0x18a: {  	v23 =	vsel vm2, $0x3F800000, v0;
	s2 =	sand.u32 $0x1000, s25;
	v22 =	vsel vm5, $0x3F800000, v0;
	s0 =	sor.u32 s29, s0;
	v11 =	vsel vm7, $0x3F800000, v0;
	v24 =	vld [tilespmem:s31+$0x1A030]  }
0x18b: {  	s31 =	sor.u32 s0, s2;
	v25 =	vnsel vm7, $0x0, v20;
	v26 =	vmul.f32 v19, v9;
	v9 =	vmul.f32 v7, v7  }
0x18c: {  	v3 =	vadd.f32 v11, v3;
	v27 =	vld [tilespmem:s31+$0x2030];
	v4 =	vadd.f32 v25, v4;
	v25 =	vsel vm6, $0x3F800000, v0  }
0x18d: {  	v7 =	vld [tilespmem:s31+$0x8030];
	v11 =	vnsel vm5, $0x0, v26;
	v28 =	vmul.f32 v15, v9;
	v9 =	vmul.f32 v16, v16  }
0x18e: {  	v3 =	vadd.f32 v22, v3;
	v22 =	vmul.f32 v8, v8;
	v16 =	vld [tilespmem:s31+$0xE030];
	v4 =	vadd.f32 v11, v4  }
0x18f: {  	v14 =	vmul.f32 v14, v14;
	v8 =	vld [tilespmem:s31+$0x14030];
	v11 =	vnsel vm4, $0x0, v28;
	v29 =	vmul.f32 v24, v9  }
0x190: {  	v13 =	vmul.f32 v13, v13;
	v3 =	vadd.f32 v17, v3;
	v9 =	vld [tilespmem:s31+$0x2020];
	v4 =	vadd.f32 v11, v4  }
0x191: {  	v10 =	vmul.f32 v14, v10;
	v17 =	vmul.f32 v12, v12;
	v11 =	vld [tilespmem:s31+$0x8020];
	v14 =	vnsel vm3, $0x0, v29  }
0x192: {  	v19 =	vmul.f32 v13, v19;
	v3 =	vadd.f32 v18, v3;
	v12 =	vld [tilespmem:s31+$0xE020];
	v4 =	vadd.f32 v14, v4  }
0x193: {  	v5 =	vadd.f32 v20, v5;
	v1 =	vadd.f32 v25, v1;
	v18 =	vnsel vm6, $0x0, v10;
	v13 =	vld [tilespmem:s31+$0x14020]  }
0x194: {  	v2 =	vadd.f32 v10, v2;
	v10 =	vmul.f32 v17, v15;
	v6 =	vadd.f32 v18, v6;
	v14 =	vld [tilespmem:s31+$0x2010]  }
0x195: {  	v5 =	vadd.f32 v26, v5;
	v1 =	vadd.f32 v23, v1;
	v18 =	vnsel vm2, $0x0, v19;
	v15 =	vld [tilespmem:s31+$0x8010]  }
0x196: {  	v23 =	vmul.f32 v22, v24;
	v2 =	vadd.f32 v19, v2;
	v6 =	vadd.f32 v18, v6;
	v17 =	vld [tilespmem:s31+$0xE010]  }
0x197: {  	v5 =	vadd.f32 v28, v5;
	v1 =	vadd.f32 v21, v1;
	v18 =	vnsel vm1, $0x0, v10;
	v19 =	vld [tilespmem:s31+$0x2000]  }
.Ltmp4:
0x198: {  	v2 =	vadd.f32 v10, v2;
	v10 =	vsel vm0, $0x3F800000, v0;
	v6 =	vadd.f32 v18, v6;
	v22 =	vld [tilespmem:s31+$0xE000];
	(pc) =	sbr.rel @p0 .LBB2_10-.Ltmp4, $4  }
0x199: {  	v5 =	vadd.f32 v29, v5;
	v1 =	vadd.f32 v10, v1;
	v10 =	vnsel vm0, $0x0, v23;
	v18 =	vld [tilespmem:s31+$0x8000]  }
0x19a: {  	vm3 =	vge.f32 v27, $1.000000010e-01;
	v2 =	vadd.f32 v23, v2;
	v6 =	vadd.f32 v10, v6;
	v20 =	vld [tilespmem:s31+$0x14010]  }
0x19b: {  	vm0 =	vge.f32 v7, $1.000000010e-01;
	vm4 =	vge.f32 v9, $1.000000010e-01;
	vm1 =	vge.f32 v11, $1.000000010e-01;
	v21 =	vld [tilespmem:s31+$0x14000]  }
0x19c: {  	s26 =	sadd.s32 $0x200, s26;
	v16 =	vsub.f32 v16, v27;
	vm5 =	vge.f32 v14, $1.000000010e-01;
	vm2 =	vge.f32 v15, $1.000000010e-01;
	v10 =	vld [tilespmem:s31+$0x1A000]  }
0x19d: {  	v23 =	vld [tilespmem:s31+$0x1A010]  }
0x19e: {  	v24 =	vld [tilespmem:s31+$0x1A020]  }
0x19f: {  	v25 =	vld [tilespmem:s31+$0x1A030];
	_ =	swait.ge [sflag:s23], $0x2000  }
0x1a0: {  	[sflag:s23] =	ssyncset.done $0x0  }
0x1a1: {  	[sflag:s23] =	ssyncadd.s32 $0xFFFFE000  }
0x1a2: {  	_ =	swait.ge [sflag:s23], $0x2000  }
0x1a3: {  	[sflag:s23] =	ssyncset.done $0x0  }
0x1a4: {  	[sflag:s23] =	ssyncadd.s32 $0xFFFFE000  }
0x1a5: {  	_ =	swait.ge [sflag:s23], $0x2000  }
0x1a6: {  	[sflag:s23] =	ssyncset.done $0x0  }
0x1a7: {  	[sflag:s23] =	ssyncadd.s32 $0xFFFFE000  }
0x1a8: {  	_ =	swait.ge [sflag:s23], $0x2000  }
0x1a9: {  	[sflag:s23] =	ssyncset.done $0x0  }
0x1aa: {  	[sflag:s23] =	ssyncadd.s32 $0xFFFFE000  }
0x1ab: {  	_ =	swait.ge [sflag:s23], $0x2000  }
0x1ac: {  	[sflag:s23] =	ssyncset.done $0x0  }
0x1ad: {  	s25 =	simm.s32 $0x0;
	[sflag:s23] =	ssyncadd.s32 $0xFFFFE000  }
0x1ae: {  	[tilespmem:s18], [sflag:$0x1] =	stream.linear.gather [hbm4b:s7+s25], $0x2000, $0x38;
	[tilespmem:$0x1E400] =	vst v63  }
0x1af: {  	v22 =	vsub.f32 v22, v19;
	s0 =	sand.u32 $0x40, s25;
	s2 =	sand.u32 $0xC00, s25  }
0x1b0: {  	vm7 =	vge.f32 v19, $1.000000010e-01;
	v19 =	vsub.f32 v8, v7;
	v7 =	vsub.f32 v12, v9;
	[tilespmem:s19], [sflag:$0x1] =	stream.linear.gather [hbm4b:s8+s25], $0x2000, $0x38;
	[tilespmem:$0x1E400] =	vst v63  }
0x1b1: {  	v9 =	vsub.f32 v17, v14;
	v11 =	vsub.f32 v13, v11;
	s26 =	sand.u32 $0x380, s25;
	s0 =	sor.u32 s0, s2  }
0x1b2: {  	vm6 =	vge.f32 v18, $1.000000010e-01;
	v17 =	vsel vm7, $0x3F800000, v0;
	v8 =	vmul.f32 v22, v22;
	[tilespmem:s20], [sflag:$0x1] =	stream.linear.gather [hbm4b:s9+s25], $0x2000, $0x38;
	[tilespmem:$0x1E400] =	vst v63  }
0x1b3: {  	s29 =	sand.u32 $0x1000, s25;
	v12 =	vsub.f32 v20, v15;
	v7 =	vmul.f32 v7, v7;
	v13 =	vsub.f32 v21, v18;
	s0 =	sor.u32 s26, s0  }
0x1b4: {  	v15 =	vsel vm3, $0x3F800000, v0;
	v14 =	vmul.f32 v10, v8;
	v8 =	vmul.f32 v9, v9;
	[tilespmem:s21], [sflag:$0x1] =	stream.linear.gather [hbm4b:s10+s25], $0x2000, $0x38;
	[tilespmem:$0x1E400] =	vst v63  }
0x1b5: {  	v3 =	vadd.f32 v17, v3;
	v28 =	vmul.f32 v11, v11;
	s31 =	sor.u32 s0, s29;
	v13 =	vmul.f32 v13, v13  }
0x1b6: {  	v18 =	vnsel vm7, $0x0, v14;
	v20 =	vmul.f32 v23, v8;
	v8 =	vsel vm5, $0x3F800000, v0;
	[tilespmem:s22], [sflag:$0x1] =	stream.linear.gather [hbm4b:s11+s25], $0x2000, $0x38;
	[tilespmem:$0x1E400] =	vst v63  }
0x1b7: {  	v4 =	vadd.f32 v18, v4;
	v18 =	vmul.f32 v24, v7;
	v7 =	vmul.f32 v16, v16;
	v16 =	vld [tilespmem:s31+$0x4030]  }
0x1b8: {  	v9 =	vsel vm4, $0x3F800000, v0;
	v3 =	vadd.f32 v8, v3;
	v17 =	vnsel vm5, $0x0, v20;
	v8 =	vld [tilespmem:s31+$0xA030]  }
0x1b9: {  	v22 =	vmul.f32 v13, v10;
	v4 =	vadd.f32 v17, v4;
	v17 =	vnsel vm4, $0x0, v18;
	v27 =	vld [tilespmem:s31+$0x10030]  }
0x1ba: {  	v26 =	vmul.f32 v25, v7;
	v7 =	vmul.f32 v12, v12;
	v3 =	vadd.f32 v9, v3;
	v9 =	vld [tilespmem:s31+$0x16030]  }
0x1bb: {  	v21 =	vsel vm1, $0x3F800000, v0;
	v2 =	vadd.f32 v22, v2;
	v4 =	vadd.f32 v17, v4;
	v10 =	vld [tilespmem:s31+$0x4020]  }
0x1bc: {  	v17 =	vsel vm6, $0x3F800000, v0;
	v23 =	vmul.f32 v7, v23;
	v12 =	vnsel vm3, $0x0, v26;
	v11 =	vld [tilespmem:s31+$0xA020]  }
0x1bd: {  	v7 =	vadd.f32 v15, v3;
	v15 =	vsel vm2, $0x3F800000, v0;
	v3 =	vadd.f32 v12, v4;
	v12 =	vld [tilespmem:s31+$0x10020]  }
0x1be: {  	v1 =	vadd.f32 v17, v1;
	v4 =	vadd.f32 v14, v5;
	v5 =	vnsel vm6, $0x0, v22;
	v13 =	vld [tilespmem:s31+$0x16020]  }
0x1bf: {  	v22 =	vmul.f32 v28, v24;
	v5 =	vadd.f32 v5, v6;
	v6 =	vmul.f32 v19, v19;
	v14 =	vld [tilespmem:s31+$0x4010]  }
0x1c0: {  	v17 =	vnsel vm2, $0x0, v23;
	v1 =	vadd.f32 v15, v1;
	v4 =	vadd.f32 v20, v4;
	v15 =	vld [tilespmem:s31+$0xA010]  }
0x1c1: {  	v2 =	vadd.f32 v23, v2;
	v5 =	vadd.f32 v17, v5;
	v6 =	vmul.f32 v6, v25;
	v17 =	vld [tilespmem:s31+$0x10010]  }
0x1c2: {  	v4 =	vadd.f32 v18, v4;
	v18 =	vadd.f32 v21, v1;
	v1 =	vnsel vm1, $0x0, v22;
	v19 =	vld [tilespmem:s31+$0x4000]  }
0x1c3: {  	v20 =	vadd.f32 v22, v2;
	v2 =	vsel vm0, $0x3F800000, v0;
	v5 =	vadd.f32 v1, v5;
	v22 =	vld [tilespmem:s31+$0x10000]  }
0x1c4: {  	v1 =	vadd.f32 v26, v4;
	v2 =	vadd.f32 v2, v18;
	v4 =	vnsel vm0, $0x0, v6;
	v18 =	vld [tilespmem:s31+$0xA000]  }
0x1c5: {  	v4 =	vadd.f32 v4, v5;
	v5 =	vadd.f32 v6, v20;
	v20 =	vld [tilespmem:s31+$0x16010];
	vm3 =	vge.f32 v16, $1.000000010e-01  }
0x1c6: {  	v21 =	vld [tilespmem:s31+$0x16000];
	vm4 =	vge.f32 v10, $1.000000010e-01;
	vm1 =	vge.f32 v11, $1.000000010e-01;
	vm0 =	vge.f32 v8, $1.000000010e-01  }
0x1c7: {  	s28 =	simm.s32 $0x0;
	s26 =	simm.s32 $0x200;
	v6 =	vld [tilespmem:s31+$0x1C000];
	vm5 =	vge.f32 v14, $1.000000010e-01;
	vm2 =	vge.f32 v15, $1.000000010e-01;
	v16 =	vsub.f32 v27, v16  }
.LBB2_12:
0x1c8: {  	p0 =	sne.s32 s26, $0xFE00;
	v22 =	vsub.f32 v22, v19;
	vm7 =	vge.f32 v19, $1.000000010e-01;
	v9 =	vsub.f32 v9, v8  }
0x1c9: {  	v8 =	vsub.f32 v12, v10;
	v12 =	vsub.f32 v13, v11;
	vm6 =	vge.f32 v18, $1.000000010e-01;
	v19 =	vld [tilespmem:s31+$0x1C010]  }
0x1ca: {  	v11 =	vsub.f32 v17, v14;
	s25 =	sadd.s32 $0x40, s25;
	v10 =	vmul.f32 v22, v22;
	v13 =	vsub.f32 v20, v15  }
0x1cb: {  	s2 =	sand.u32 $0xC00, s26;
	v17 =	vsel vm4, $0x3F800000, v0;
	s28 =	sadd.s32 $0x10, s28;
	s0 =	sand.u32 $0x40, s25;
	v14 =	vsub.f32 v21, v18;
	v15 =	vld [tilespmem:s31+$0x1C020];
	v18 =	vsel vm3, $0x3F800000, v0  }
0x1cc: {  	s29 =	sand.u32 $0x380, s28;
	s0 =	sor.u32 s0, s2;
	v21 =	vsel vm1, $0x3F800000, v0;
	v20 =	vmul.f32 v6, v10;
	v10 =	vmul.f32 v11, v11  }
0x1cd: {  	v23 =	vsel vm2, $0x3F800000, v0;
	s2 =	sand.u32 $0x1000, s25;
	v22 =	vsel vm5, $0x3F800000, v0;
	s0 =	sor.u32 s29, s0;
	v11 =	vsel vm7, $0x3F800000, v0;
	v24 =	vld [tilespmem:s31+$0x1C030]  }
0x1ce: {  	s31 =	sor.u32 s0, s2;
	v25 =	vnsel vm7, $0x0, v20;
	v26 =	vmul.f32 v19, v10;
	v10 =	vmul.f32 v8, v8  }
0x1cf: {  	v7 =	vadd.f32 v11, v7;
	v27 =	vld [tilespmem:s31+$0x4030];
	v3 =	vadd.f32 v25, v3;
	v25 =	vsel vm6, $0x3F800000, v0  }
0x1d0: {  	v8 =	vld [tilespmem:s31+$0xA030];
	v11 =	vnsel vm5, $0x0, v26;
	v28 =	vmul.f32 v15, v10;
	v10 =	vmul.f32 v16, v16  }
0x1d1: {  	v7 =	vadd.f32 v22, v7;
	v22 =	vmul.f32 v9, v9;
	v16 =	vld [tilespmem:s31+$0x10030];
	v3 =	vadd.f32 v11, v3  }
0x1d2: {  	v14 =	vmul.f32 v14, v14;
	v9 =	vld [tilespmem:s31+$0x16030];
	v11 =	vnsel vm4, $0x0, v28;
	v29 =	vmul.f32 v24, v10  }
0x1d3: {  	v13 =	vmul.f32 v13, v13;
	v7 =	vadd.f32 v17, v7;
	v10 =	vld [tilespmem:s31+$0x4020];
	v3 =	vadd.f32 v11, v3  }
0x1d4: {  	v6 =	vmul.f32 v14, v6;
	v17 =	vmul.f32 v12, v12;
	v11 =	vld [tilespmem:s31+$0xA020];
	v14 =	vnsel vm3, $0x0, v29  }
0x1d5: {  	v19 =	vmul.f32 v13, v19;
	v7 =	vadd.f32 v18, v7;
	v12 =	vld [tilespmem:s31+$0x10020];
	v3 =	vadd.f32 v14, v3  }
0x1d6: {  	v1 =	vadd.f32 v20, v1;
	v2 =	vadd.f32 v25, v2;
	v18 =	vnsel vm6, $0x0, v6;
	v13 =	vld [tilespmem:s31+$0x16020]  }
0x1d7: {  	v5 =	vadd.f32 v6, v5;
	v6 =	vmul.f32 v17, v15;
	v4 =	vadd.f32 v18, v4;
	v14 =	vld [tilespmem:s31+$0x4010]  }
0x1d8: {  	v1 =	vadd.f32 v26, v1;
	v2 =	vadd.f32 v23, v2;
	v18 =	vnsel vm2, $0x0, v19;
	v15 =	vld [tilespmem:s31+$0xA010]  }
0x1d9: {  	v23 =	vmul.f32 v22, v24;
	v5 =	vadd.f32 v19, v5;
	v4 =	vadd.f32 v18, v4;
	v17 =	vld [tilespmem:s31+$0x10010]  }
0x1da: {  	v1 =	vadd.f32 v28, v1;
	v2 =	vadd.f32 v21, v2;
	v18 =	vnsel vm1, $0x0, v6;
	v19 =	vld [tilespmem:s31+$0x4000]  }
.Ltmp5:
0x1db: {  	v5 =	vadd.f32 v6, v5;
	v6 =	vsel vm0, $0x3F800000, v0;
	v4 =	vadd.f32 v18, v4;
	v22 =	vld [tilespmem:s31+$0x10000];
	(pc) =	sbr.rel @p0 .LBB2_12-.Ltmp5, $4  }
0x1dc: {  	v1 =	vadd.f32 v29, v1;
	v2 =	vadd.f32 v6, v2;
	v6 =	vnsel vm0, $0x0, v23;
	v18 =	vld [tilespmem:s31+$0xA000]  }
0x1dd: {  	vm3 =	vge.f32 v27, $1.000000010e-01;
	v5 =	vadd.f32 v23, v5;
	v4 =	vadd.f32 v6, v4;
	v20 =	vld [tilespmem:s31+$0x16010]  }
0x1de: {  	vm0 =	vge.f32 v8, $1.000000010e-01;
	vm4 =	vge.f32 v10, $1.000000010e-01;
	vm1 =	vge.f32 v11, $1.000000010e-01;
	v21 =	vld [tilespmem:s31+$0x16000]  }
0x1df: {  	s26 =	sadd.s32 $0x200, s26;
	v16 =	vsub.f32 v16, v27;
	vm5 =	vge.f32 v14, $1.000000010e-01;
	vm2 =	vge.f32 v15, $1.000000010e-01;
	v6 =	vld [tilespmem:s31+$0x1C000]  }
0x1e0: {  	v23 =	vld [tilespmem:s31+$0x1C010]  }
0x1e1: {  	v24 =	vld [tilespmem:s31+$0x1C020]  }
0x1e2: {  	v25 =	vld [tilespmem:s31+$0x1C030];
	_ =	swait.ge [sflag:s23], $0x2000  }
0x1e3: {  	[sflag:s23] =	ssyncset.done $0x0  }
0x1e4: {  	[sflag:s23] =	ssyncadd.s32 $0xFFFFE000  }
0x1e5: {  	_ =	swait.ge [sflag:s23], $0x2000  }
0x1e6: {  	[sflag:s23] =	ssyncset.done $0x0  }
0x1e7: {  	[sflag:s23] =	ssyncadd.s32 $0xFFFFE000  }
0x1e8: {  	_ =	swait.ge [sflag:s23], $0x2000  }
0x1e9: {  	v22 =	vsub.f32 v22, v19;
	[sflag:s23] =	ssyncset.done $0x0  }
0x1ea: {  	v8 =	vsub.f32 v9, v8;
	v9 =	vsub.f32 v12, v10;
	[sflag:s23] =	ssyncadd.s32 $0xFFFFE000  }
0x1eb: {  	vm7 =	vge.f32 v19, $1.000000010e-01;
	v10 =	vsub.f32 v13, v11;
	v12 =	vsub.f32 v17, v14;
	_ =	swait.ge [sflag:s23], $0x2000  }
0x1ec: {  	v17 =	vsel vm3, $0x3F800000, v0;
	vm6 =	vge.f32 v18, $1.000000010e-01;
	v11 =	vmul.f32 v22, v22;
	[sflag:s23] =	ssyncset.done $0x0  }
0x1ed: {  	s25 =	simm.s32 $0x0;
	v19 =	vsel vm7, $0x3F800000, v0;
	v13 =	vsub.f32 v20, v15;
	v15 =	vsel vm4, $0x3F800000, v0;
	[sflag:s23] =	ssyncadd.s32 $0xFFFFE000  }
0x1ee: {  	s0 =	sand.u32 $0xC00, s25;
	s2 =	sand.u32 $0x1040, s25;
	v12 =	vmul.f32 v12, v12;
	v7 =	vadd.f32 v19, v7;
	v11 =	vmul.f32 v6, v11;
	_ =	swait.ge [sflag:s23], $0x2000  }
0x1ef: {  	s26 =	sand.u32 $0x380, s25;
	v20 =	vsel vm5, $0x3F800000, v0;
	v9 =	vmul.f32 v9, v9;
	s0 =	sor.u32 s2, s0;
	v14 =	vsub.f32 v21, v18;
	[sflag:s23] =	ssyncset.done $0x0  }
0x1f0: {  	s31 =	sor.u32 s26, s0;
	v7 =	vadd.f32 v20, v7;
	v22 =	vmul.f32 v23, v12;
	v21 =	vnsel vm7, $0x0, v11;
	[sflag:s23] =	ssyncadd.s32 $0xFFFFE000  }
0x1f1: {  	v19 =	vsel vm2, $0x3F800000, v0;
	v12 =	vmul.f32 v16, v16;
	v3 =	vadd.f32 v21, v3;
	v20 =	vld [tilespmem:s31+$0x30]  }
0x1f2: {  	v7 =	vadd.f32 v15, v7;
	v21 =	vmul.f32 v24, v9;
	v9 =	vnsel vm5, $0x0, v22;
	v26 =	vld [tilespmem:s31+$0x6030]  }
0x1f3: {  	v1 =	vadd.f32 v11, v1;
	v3 =	vadd.f32 v9, v3;
	v9 =	vmul.f32 v14, v14;
	v27 =	vld [tilespmem:s31+$0xC030]  }
0x1f4: {  	v16 =	vmul.f32 v25, v12;
	v12 =	vmul.f32 v13, v13;
	v14 =	vnsel vm4, $0x0, v21;
	v28 =	vld [tilespmem:s31+$0x12030]  }
0x1f5: {  	v13 =	vadd.f32 v14, v3;
	v15 =	vmul.f32 v9, v6;
	v3 =	vadd.f32 v17, v7;
	v7 =	vld [tilespmem:s31+$0x20]  }
0x1f6: {  	v8 =	vmul.f32 v8, v8;
	v10 =	vmul.f32 v10, v10;
	v1 =	vadd.f32 v22, v1;
	v9 =	vld [tilespmem:s31+$0x6020]  }
0x1f7: {  	v23 =	vmul.f32 v12, v23;
	v14 =	vsel vm6, $0x3F800000, v0;
	v12 =	vnsel vm6, $0x0, v15;
	v11 =	vld [tilespmem:s31+$0xC020]  }
0x1f8: {  	v6 =	vnsel vm3, $0x0, v16;
	v2 =	vadd.f32 v14, v2;
	v4 =	vadd.f32 v12, v4;
	v12 =	vld [tilespmem:s31+$0x12020]  }
0x1f9: {  	v10 =	vmul.f32 v10, v24;
	v6 =	vadd.f32 v6, v13;
	v5 =	vadd.f32 v15, v5;
	v13 =	vld [tilespmem:s31+$0x10]  }
0x1fa: {  	v1 =	vadd.f32 v21, v1;
	v14 =	vnsel vm2, $0x0, v23;
	v2 =	vadd.f32 v19, v2;
	v15 =	vld [tilespmem:s31+$0x6010]  }
0x1fb: {  	v18 =	vsel vm1, $0x3F800000, v0;
	v5 =	vadd.f32 v23, v5;
	v21 =	vld [tilespmem:s31+$0x0];
	v4 =	vadd.f32 v14, v4  }
0x1fc: {  	v8 =	vmul.f32 v8, v25;
	v22 =	vld [tilespmem:s31+$0xC000];
	v2 =	vadd.f32 v18, v2;
	v14 =	vnsel vm1, $0x0, v10  }
0x1fd: {  	v17 =	vld [tilespmem:s31+$0x6000];
	v10 =	vadd.f32 v10, v5;
	v5 =	vsel vm0, $0x3F800000, v0;
	v14 =	vadd.f32 v14, v4  }
0x1fe: {  	v18 =	vld [tilespmem:s31+$0x12010];
	v4 =	vadd.f32 v16, v1;
	v1 =	vadd.f32 v5, v2;
	v2 =	vnsel vm0, $0x0, v8  }
0x1ff: {  	v16 =	vld [tilespmem:s31+$0xC010];
	v5 =	vadd.f32 v2, v14;
	v2 =	vadd.f32 v8, v10;
	vm3 =	vge.f32 v20, $1.000000010e-01  }
0x200: {  	v19 =	vld [tilespmem:s31+$0x12000];
	vm4 =	vge.f32 v7, $1.000000010e-01;
	vm1 =	vge.f32 v9, $1.000000010e-01;
	vm0 =	vge.f32 v26, $1.000000010e-01  }
0x201: {  	vm5 =	vge.f32 v13, $1.000000010e-01;
	vm2 =	vge.f32 v15, $1.000000010e-01;
	v14 =	vsub.f32 v27, v20;
	v8 =	vld [tilespmem:s31+$0x18000]  }
0x202: {  	s28 =	simm.s32 $0x0;
	s26 =	simm.s32 $0x200;
	v20 =	vsub.f32 v22, v21;
	vm6 =	vge.f32 v21, $1.000000010e-01;
	v10 =	vsub.f32 v28, v26  }
.LBB2_14:
0x203: {  	p0 =	sne.s32 s26, $0xFE00;
	vm7 =	vge.f32 v17, $1.000000010e-01;
	v21 =	vld [tilespmem:s31+$0x18010];
	v7 =	vsub.f32 v11, v7;
	v11 =	vsub.f32 v12, v9  }
0x204: {  	v12 =	vsub.f32 v16, v13;
	v9 =	vmul.f32 v20, v20;
	v13 =	vsub.f32 v18, v15  }
0x205: {  	s25 =	sadd.s32 $0x40, s25;
	v18 =	vsel vm3, $0x3F800000, v0;
	v15 =	vsub.f32 v19, v17;
	v16 =	vld [tilespmem:s31+$0x18020];
	v17 =	vsel vm4, $0x3F800000, v0  }
0x206: {  	s0 =	sand.u32 $0xC00, s26;
	s28 =	sadd.s32 $0x10, s28;
	s2 =	sand.u32 $0x1040, s25;
	v20 =	vsel vm1, $0x3F800000, v0;
	v19 =	vmul.f32 v8, v9;
	v9 =	vmul.f32 v12, v12  }
0x207: {  	v22 =	vsel vm5, $0x3F800000, v0;
	v23 =	vsel vm2, $0x3F800000, v0;
	s29 =	sand.u32 $0x380, s28;
	s0 =	sor.u32 s2, s0;
	v12 =	vsel vm6, $0x3F800000, v0;
	v24 =	vld [tilespmem:s31+$0x18030]  }
0x208: {  	v7 =	vmul.f32 v7, v7;
	s31 =	sor.u32 s29, s0;
	v25 =	vnsel vm6, $0x0, v19;
	v26 =	vmul.f32 v21, v9  }
0x209: {  	v3 =	vadd.f32 v12, v3;
	v27 =	vld [tilespmem:s31+$0x30];
	v6 =	vadd.f32 v25, v6;
	v25 =	vsel vm7, $0x3F800000, v0  }
0x20a: {  	v28 =	vld [tilespmem:s31+$0x6030];
	v9 =	vnsel vm5, $0x0, v26;
	v29 =	vmul.f32 v16, v7;
	v7 =	vmul.f32 v14, v14  }
0x20b: {  	v10 =	vmul.f32 v10, v10;
	v3 =	vadd.f32 v22, v3;
	v14 =	vld [tilespmem:s31+$0xC030];
	v6 =	vadd.f32 v9, v6  }
0x20c: {  	v12 =	vmul.f32 v15, v15;
	v22 =	vld [tilespmem:s31+$0x12030];
	v9 =	vnsel vm4, $0x0, v29;
	v30 =	vmul.f32 v24, v7  }
0x20d: {  	v13 =	vmul.f32 v13, v13;
	v3 =	vadd.f32 v17, v3;
	v7 =	vld [tilespmem:s31+$0x20];
	v6 =	vadd.f32 v9, v6  }
0x20e: {  	v15 =	vmul.f32 v11, v11;
	v8 =	vmul.f32 v12, v8;
	v9 =	vld [tilespmem:s31+$0x6020];
	v12 =	vnsel vm3, $0x0, v30  }
0x20f: {  	v17 =	vmul.f32 v13, v21;
	v3 =	vadd.f32 v18, v3;
	v11 =	vld [tilespmem:s31+$0xC020];
	v6 =	vadd.f32 v12, v6  }
0x210: {  	v4 =	vadd.f32 v19, v4;
	v1 =	vadd.f32 v25, v1;
	v18 =	vnsel vm7, $0x0, v8;
	v12 =	vld [tilespmem:s31+$0x12020]  }
0x211: {  	v2 =	vadd.f32 v8, v2;
	v8 =	vmul.f32 v15, v16;
	v5 =	vadd.f32 v18, v5;
	v13 =	vld [tilespmem:s31+$0x10]  }
0x212: {  	v4 =	vadd.f32 v26, v4;
	v1 =	vadd.f32 v23, v1;
	v18 =	vnsel vm2, $0x0, v17;
	v15 =	vld [tilespmem:s31+$0x6010]  }
0x213: {  	v10 =	vmul.f32 v10, v24;
	v2 =	vadd.f32 v17, v2;
	v5 =	vadd.f32 v18, v5;
	v16 =	vld [tilespmem:s31+$0xC010]  }
0x214: {  	v4 =	vadd.f32 v29, v4;
	v1 =	vadd.f32 v20, v1;
	v17 =	vnsel vm1, $0x0, v8;
	v21 =	vld [tilespmem:s31+$0x0]  }
0x215: {  	v2 =	vadd.f32 v8, v2;
	v8 =	vsel vm0, $0x3F800000, v0;
	v5 =	vadd.f32 v17, v5;
	v20 =	vld [tilespmem:s31+$0xC000]  }
.Ltmp6:
0x216: {  	v4 =	vadd.f32 v30, v4;
	v1 =	vadd.f32 v8, v1;
	v8 =	vnsel vm0, $0x0, v10;
	v17 =	vld [tilespmem:s31+$0x6000];
	(pc) =	sbr.rel @p0 .LBB2_14-.Ltmp6, $4  }
0x217: {  	vm3 =	vge.f32 v27, $1.000000010e-01;
	v2 =	vadd.f32 v10, v2;
	v5 =	vadd.f32 v8, v5;
	v18 =	vld [tilespmem:s31+$0x12010]  }
0x218: {  	vm0 =	vge.f32 v28, $1.000000010e-01;
	vm4 =	vge.f32 v7, $1.000000010e-01;
	vm1 =	vge.f32 v9, $1.000000010e-01;
	v19 =	vld [tilespmem:s31+$0x12000]  }
0x219: {  	v14 =	vsub.f32 v14, v27;
	vm5 =	vge.f32 v13, $1.000000010e-01;
	vm2 =	vge.f32 v15, $1.000000010e-01;
	v8 =	vld [tilespmem:s31+$0x18000]  }
0x21a: {  	s26 =	sadd.s32 $0x200, s26;
	v10 =	vsub.f32 v22, v28;
	vm6 =	vge.f32 v21, $1.000000010e-01;
	v20 =	vsub.f32 v20, v21  }
0x21b: {  	v21 =	vld [tilespmem:s31+$0x18010]  }
0x21c: {  	v22 =	vld [tilespmem:s31+$0x18020]  }
0x21d: {  	v23 =	vld [tilespmem:s31+$0x18030];
	_ =	swait.ge [sflag:s23], $0x2000  }
0x21e: {  	[sflag:s23] =	ssyncset.done $0x0  }
0x21f: {  	[sflag:s23] =	ssyncadd.s32 $0xFFFFE000  }
0x220: {  	_ =	swait.ge [sflag:s23], $0x2000  }
0x221: {  	[sflag:s23] =	ssyncset.done $0x0  }
0x222: {  	[sflag:s23] =	ssyncadd.s32 $0xFFFFE000  }
0x223: {  	_ =	swait.ge [sflag:s23], $0x2000  }
0x224: {  	[sflag:s23] =	ssyncset.done $0x0  }
0x225: {  	[sflag:s23] =	ssyncadd.s32 $0xFFFFE000  }
0x226: {  	v7 =	vsub.f32 v11, v7;
	v13 =	vsub.f32 v16, v13;
	vm7 =	vge.f32 v17, $1.000000010e-01;
	_ =	swait.ge [sflag:s23], $0x2000  }
0x227: {  	v12 =	vsub.f32 v12, v9;
	s25 =	simm.s32 $0x0;
	v14 =	vmul.f32 v14, v14;
	v11 =	vmul.f32 v20, v20;
	[sflag:s23] =	ssyncset.done $0x0  }
0x228: {  	v25 =	vsel vm1, $0x3F800000, v0;
	v9 =	vsub.f32 v18, v15;
	s0 =	sand.u32 $0x40, s25;
	s2 =	sand.u32 $0xC00, s25;
	v10 =	vmul.f32 v10, v10;
	[sflag:s23] =	ssyncadd.s32 $0xFFFFE000  }
0x229: {  	v18 =	vsel vm6, $0x3F800000, v0;
	s26 =	sand.u32 $0x380, s25;
	s0 =	sor.u32 s0, s2;
	v16 =	vmul.f32 v8, v11;
	v11 =	vmul.f32 v13, v13;
	_ =	swait.ge [sflag:s23], $0x2000  }
0x22a: {  	s29 =	sand.u32 $0x1000, s25;
	v15 =	vsub.f32 v19, v17;
	v17 =	vsel vm3, $0x3F800000, v0;
	v7 =	vmul.f32 v7, v7;
	s0 =	sor.u32 s26, s0;
	[sflag:s23] =	ssyncset.done $0x0  }
0x22b: {  	v3 =	vadd.f32 v18, v3;
	s31 =	sor.u32 s0, s29;
	v19 =	vnsel vm6, $0x0, v16;
	v20 =	vmul.f32 v21, v11;
	[sflag:s23] =	ssyncadd.s32 $0xFFFFE000  }
0x22c: {  	v27 =	vmul.f32 v12, v12;
	v11 =	vsel vm5, $0x3F800000, v0;
	v6 =	vadd.f32 v19, v6;
	v24 =	vld [tilespmem:s31+$0x2030]  }
0x22d: {  	v4 =	vadd.f32 v16, v4;
	v19 =	vmul.f32 v22, v7;
	v18 =	vnsel vm5, $0x0, v20;
	v7 =	vld [tilespmem:s31+$0x8030]  }
0x22e: {  	v3 =	vadd.f32 v11, v3;
	v11 =	vmul.f32 v15, v15;
	v6 =	vadd.f32 v18, v6;
	v26 =	vld [tilespmem:s31+$0xE030]  }
0x22f: {  	v15 =	vnsel vm4, $0x0, v19;
	v18 =	vmul.f32 v23, v14;
	v14 =	vmul.f32 v9, v9;
	v9 =	vld [tilespmem:s31+$0x14030]  }
0x230: {  	v13 =	vsel vm4, $0x3F800000, v0;
	v6 =	vadd.f32 v15, v6;
	v15 =	vmul.f32 v11, v8;
	v8 =	vld [tilespmem:s31+$0x2020]  }
0x231: {  	v16 =	vsel vm2, $0x3F800000, v0;
	v4 =	vadd.f32 v20, v4;
	v12 =	vnsel vm3, $0x0, v18;
	v11 =	vld [tilespmem:s31+$0x8020]  }
0x232: {  	v3 =	vadd.f32 v13, v3;
	v13 =	vsel vm7, $0x3F800000, v0;
	v6 =	vadd.f32 v12, v6;
	v12 =	vld [tilespmem:s31+$0xE020]  }
0x233: {  	v1 =	vadd.f32 v13, v1;
	v21 =	vmul.f32 v14, v21;
	v14 =	vnsel vm7, $0x0, v15;
	v13 =	vld [tilespmem:s31+$0x14020]  }
0x234: {  	v22 =	vmul.f32 v27, v22;
	v2 =	vadd.f32 v15, v2;
	v5 =	vadd.f32 v14, v5;
	v14 =	vld [tilespmem:s31+$0x2010]  }
0x235: {  	v3 =	vadd.f32 v17, v3;
	v1 =	vadd.f32 v16, v1;
	v16 =	vnsel vm2, $0x0, v21;
	v15 =	vld [tilespmem:s31+$0x8010]  }
0x236: {  	v10 =	vmul.f32 v10, v23;
	v2 =	vadd.f32 v21, v2;
	v5 =	vadd.f32 v16, v5;
	v17 =	vld [tilespmem:s31+$0xE010]  }
0x237: {  	v4 =	vadd.f32 v19, v4;
	v1 =	vadd.f32 v25, v1;
	v16 =	vnsel vm1, $0x0, v22;
	v19 =	vld [tilespmem:s31+$0x2000]  }
0x238: {  	v20 =	vsel vm0, $0x3F800000, v0;
	v5 =	vadd.f32 v16, v5;
	v16 =	vadd.f32 v22, v2;
	v22 =	vld [tilespmem:s31+$0xE000]  }
0x239: {  	v1 =	vadd.f32 v20, v1;
	v2 =	vadd.f32 v18, v4;
	v4 =	vnsel vm0, $0x0, v10;
	v18 =	vld [tilespmem:s31+$0x8000]  }
0x23a: {  	v20 =	vld [tilespmem:s31+$0x14010];
	v4 =	vadd.f32 v4, v5;
	v5 =	vadd.f32 v10, v16;
	vm3 =	vge.f32 v24, $1.000000010e-01  }
0x23b: {  	v21 =	vld [tilespmem:s31+$0x14000];
	vm4 =	vge.f32 v8, $1.000000010e-01;
	vm1 =	vge.f32 v11, $1.000000010e-01;
	vm0 =	vge.f32 v7, $1.000000010e-01  }
0x23c: {  	s28 =	simm.s32 $0x0;
	s26 =	simm.s32 $0x200;
	v10 =	vld [tilespmem:s31+$0x1A000];
	vm5 =	vge.f32 v14, $1.000000010e-01;
	vm2 =	vge.f32 v15, $1.000000010e-01;
	v16 =	vsub.f32 v26, v24  }
.LBB2_16:
0x23d: {  	p0 =	sne.s32 s26, $0xFE00;
	v22 =	vsub.f32 v22, v19;
	vm7 =	vge.f32 v19, $1.000000010e-01;
	v9 =	vsub.f32 v9, v7  }
0x23e: {  	v7 =	vsub.f32 v12, v8;
	v12 =	vsub.f32 v13, v11;
	vm6 =	vge.f32 v18, $1.000000010e-01;
	v19 =	vld [tilespmem:s31+$0x1A010]  }
0x23f: {  	v11 =	vsub.f32 v17, v14;
	s25 =	sadd.s32 $0x40, s25;
	v8 =	vmul.f32 v22, v22;
	v13 =	vsub.f32 v20, v15  }
0x240: {  	s2 =	sand.u32 $0xC00, s26;
	v17 =	vsel vm4, $0x3F800000, v0;
	s28 =	sadd.s32 $0x10, s28;
	s0 =	sand.u32 $0x40, s25;
	v14 =	vsub.f32 v21, v18;
	v15 =	vld [tilespmem:s31+$0x1A020];
	v18 =	vsel vm3, $0x3F800000, v0  }
0x241: {  	s29 =	sand.u32 $0x380, s28;
	s0 =	sor.u32 s0, s2;
	v21 =	vsel vm1, $0x3F800000, v0;
	v20 =	vmul.f32 v10, v8;
	v8 =	vmul.f32 v11, v11  }
0x242: {  	v23 =	vsel vm2, $0x3F800000, v0;
	s2 =	sand.u32 $0x1000, s25;
	v22 =	vsel vm5, $0x3F800000, v0;
	s0 =	sor.u32 s29, s0;
	v11 =	vsel vm7, $0x3F800000, v0;
	v24 =	vld [tilespmem:s31+$0x1A030]  }
0x243: {  	s31 =	sor.u32 s0, s2;
	v25 =	vnsel vm7, $0x0, v20;
	v26 =	vmul.f32 v19, v8;
	v8 =	vmul.f32 v7, v7  }
0x244: {  	v3 =	vadd.f32 v11, v3;
	v27 =	vld [tilespmem:s31+$0x2030];
	v6 =	vadd.f32 v25, v6;
	v25 =	vsel vm6, $0x3F800000, v0  }
0x245: {  	v7 =	vld [tilespmem:s31+$0x8030];
	v11 =	vnsel vm5, $0x0, v26;
	v28 =	vmul.f32 v15, v8;
	v8 =	vmul.f32 v16, v16  }
0x246: {  	v3 =	vadd.f32 v22, v3;
	v22 =	vmul.f32 v9, v9;
	v16 =	vld [tilespmem:s31+$0xE030];
	v6 =	vadd.f32 v11, v6  }
0x247: {  	v14 =	vmul.f32 v14, v14;
	v9 =	vld [tilespmem:s31+$0x14030];
	v11 =	vnsel vm4, $0x0, v28;
	v29 =	vmul.f32 v24, v8  }
0x248: {  	v13 =	vmul.f32 v13, v13;
	v3 =	vadd.f32 v17, v3;
	v8 =	vld [tilespmem:s31+$0x2020];
	v6 =	vadd.f32 v11, v6  }
0x249: {  	v10 =	vmul.f32 v14, v10;
	v17 =	vmul.f32 v12, v12;
	v11 =	vld [tilespmem:s31+$0x8020];
	v14 =	vnsel vm3, $0x0, v29  }
0x24a: {  	v19 =	vmul.f32 v13, v19;
	v3 =	vadd.f32 v18, v3;
	v12 =	vld [tilespmem:s31+$0xE020];
	v6 =	vadd.f32 v14, v6  }
0x24b: {  	v2 =	vadd.f32 v20, v2;
	v1 =	vadd.f32 v25, v1;
	v18 =	vnsel vm6, $0x0, v10;
	v13 =	vld [tilespmem:s31+$0x14020]  }
0x24c: {  	v5 =	vadd.f32 v10, v5;
	v10 =	vmul.f32 v17, v15;
	v4 =	vadd.f32 v18, v4;
	v14 =	vld [tilespmem:s31+$0x2010]  }
0x24d: {  	v2 =	vadd.f32 v26, v2;
	v1 =	vadd.f32 v23, v1;
	v18 =	vnsel vm2, $0x0, v19;
	v15 =	vld [tilespmem:s31+$0x8010]  }
0x24e: {  	v23 =	vmul.f32 v22, v24;
	v5 =	vadd.f32 v19, v5;
	v4 =	vadd.f32 v18, v4;
	v17 =	vld [tilespmem:s31+$0xE010]  }
0x24f: {  	v2 =	vadd.f32 v28, v2;
	v1 =	vadd.f32 v21, v1;
	v18 =	vnsel vm1, $0x0, v10;
	v19 =	vld [tilespmem:s31+$0x2000]  }
.Ltmp7:
0x250: {  	v5 =	vadd.f32 v10, v5;
	v10 =	vsel vm0, $0x3F800000, v0;
	v4 =	vadd.f32 v18, v4;
	v22 =	vld [tilespmem:s31+$0xE000];
	(pc) =	sbr.rel @p0 .LBB2_16-.Ltmp7, $4  }
0x251: {  	v2 =	vadd.f32 v29, v2;
	v1 =	vadd.f32 v10, v1;
	v10 =	vnsel vm0, $0x0, v23;
	v18 =	vld [tilespmem:s31+$0x8000]  }
0x252: {  	vm3 =	vge.f32 v27, $1.000000010e-01;
	v5 =	vadd.f32 v23, v5;
	v4 =	vadd.f32 v10, v4;
	v20 =	vld [tilespmem:s31+$0x14010]  }
0x253: {  	vm0 =	vge.f32 v7, $1.000000010e-01;
	vm4 =	vge.f32 v8, $1.000000010e-01;
	vm1 =	vge.f32 v11, $1.000000010e-01;
	v21 =	vld [tilespmem:s31+$0x14000]  }
0x254: {  	s26 =	sadd.s32 $0x200, s26;
	v16 =	vsub.f32 v16, v27;
	vm5 =	vge.f32 v14, $1.000000010e-01;
	vm2 =	vge.f32 v15, $1.000000010e-01;
	v10 =	vld [tilespmem:s31+$0x1A000]  }
0x255: {  	v22 =	vsub.f32 v22, v19  }
0x256: {  	v7 =	vsub.f32 v9, v7;
	v8 =	vsub.f32 v12, v8  }
0x257: {  	vm7 =	vge.f32 v19, $1.000000010e-01;
	v11 =	vsub.f32 v13, v11;
	v44 =	vsub.f32 v17, v14  }
0x258: {  	v48 =	vsel vm4, $0x3F800000, v0;
	v49 =	vsel vm3, $0x3F800000, v0;
	v51 =	vsel vm5, $0x3F800000, v0  }
0x259: {  	v42 =	vld [tilespmem:s31+$0x1A010];
	v52 =	vsel vm2, $0x3F800000, v0;
	v60 =	vsel vm1, $0x3F800000, v0;
	v62 =	vsel vm0, $0x3F800000, v0  }
0x25a: {  	v46 =	vld [tilespmem:s31+$0x1A020];
	vm6 =	vge.f32 v18, $1.000000010e-01;
	v50 =	vsel vm7, $0x3F800000, v0;
	v16 =	vmul.f32 v16, v16  }
0x25b: {  	v23 =	vld [tilespmem:s31+$0x1A030];
	v43 =	vmul.f32 v22, v22;
	v45 =	vsub.f32 v20, v15;
	v13 =	vmul.f32 v44, v44  }
0x25c: {  	v8 =	vmul.f32 v8, v8;
	v3 =	vadd.f32 v50, v3;
	v7 =	vmul.f32 v7, v7  }
0x25d: {  	v11 =	vmul.f32 v11, v11;
	v47 =	vsub.f32 v21, v18;
	v12 =	vmul.f32 v10, v43  }
0x25e: {  	v53 =	vsel vm6, $0x3F800000, v0;
	v14 =	vmul.f32 v45, v45;
	v13 =	vmul.f32 v42, v13  }
0x25f: {  	v1 =	vadd.f32 v53, v1;
	v8 =	vmul.f32 v46, v8;
	v17 =	vmul.f32 v47, v47  }
0x260: {  	v3 =	vadd.f32 v51, v3;
	v16 =	vmul.f32 v23, v16;
	v11 =	vmul.f32 v11, v46  }
0x261: {  	v1 =	vadd.f32 v52, v1;
	v7 =	vmul.f32 v7, v23;
	v24 =	vnsel vm7, $0x0, v12  }
0x262: {  	v3 =	vadd.f32 v48, v3;
	v9 =	vmul.f32 v14, v42;
	v2 =	vadd.f32 v12, v2  }
0x263: {  	v6 =	vadd.f32 v24, v6;
	v56 =	vmul.f32 v17, v10;
	v1 =	vadd.f32 v60, v1  }
0x264: {  	v54 =	vnsel vm5, $0x0, v13;
	v3 =	vadd.f32 v49, v3;
	v2 =	vadd.f32 v13, v2  }
0x265: {  	v6 =	vadd.f32 v54, v6;
	v58 =	vnsel vm6, $0x0, v56;
	v5 =	vadd.f32 v56, v5  }
0x266: {  	v55 =	vnsel vm4, $0x0, v8;
	v1 =	vadd.f32 v62, v1;
	v4 =	vadd.f32 v58, v4  }
0x267: {  	v59 =	vnsel vm2, $0x0, v9;
	v2 =	vadd.f32 v8, v2;
	v5 =	vadd.f32 v9, v5  }
0x268: {  	v57 =	vnsel vm3, $0x0, v16;
	v6 =	vadd.f32 v55, v6;
	v4 =	vadd.f32 v59, v4  }
0x269: {  	v61 =	vnsel vm1, $0x0, v11;
	[tilespmem:$0x1E000] =	vst v3;
	v2 =	vadd.f32 v16, v2;
	v3 =	vadd.f32 v11, v5  }
0x26a: {  	[tilespmem:$0x1E180] =	vst v1;
	v6 =	vadd.f32 v57, v6;
	v4 =	vadd.f32 v61, v4  }
0x26b: {  	v63 =	vnsel vm0, $0x0, v7;
	[tilespmem:$0x1E100] =	vst v2;
	v2 =	vadd.f32 v7, v3  }
0x26c: {  	s30 =	sadd.s32 $0x1, s30;
	[tilespmem:$0x1E080] =	vst v6;
	v4 =	vadd.f32 v63, v4  }
0x26d: {  	p0 =	sne.s32 s30, s13;
	[tilespmem:$0x1E280] =	vst v2  }
.Ltmp8:
0x26e: {  	s0 =	simm.s32 $0x1E000;
	[tilespmem:$0x1E200] =	vst v4;
	(pc) =	sbr.rel @p0 .LBB2_1-.Ltmp8, $4  }
0x26f: {  	[hbm4b:s12+s1] =	stream.linear.scatter [tilespmem:s0], [sflag:$0x2], $0x400, $0x38;
	[tilespmem:$0x1E400] =	vst v63  }
0x270: {  	_ =	swait.ge [sflag:s24], $0x400  }
0x271: {  	[sflag:s24] =	ssyncset.done $0x0  }
0x272: {  	[sflag:s24] =	ssyncadd.s32 $0xFFFFFC00  }
0x273: {  	_ =	sfence.sel $0x180000  }
0x274: {  	[bflag:$0x0] =	sbarrier.arrive $0xFFFF  }
0x275: {  	_ =	strace $0x90000047  }
0x276: {  	s0 =	stileid.u32;
	[bflag:$0x2] =	sbarrier.arrive $0xFFFF  }
0x277: {  	p0 =	sne.s32 s0, $0x0;
	s0 =	rddreg [dreg:$0x6]  }
0x278: {  	s0 =	sadd.s32 @!p0 $0x100000, s0  }
0x279: {  	[sflag:s0] =	ssyncadd.tile.s32 @!p0 $0x1;
	_ =	shalt  }
.Lfunc_end2:
_tile_overlayer_lowered:
.L_overlay_start_2:
0x27a: {  	(tag) =	ssettag $0x2  }
0x27b: {  	s0 =	rddreg [dreg:$0x0];
	s2 =	stileid.u32  }
0x27c: {  	s1 =	rddreg [dreg:$0x1];
	p0 =	sne.s32 s2, $0x0  }
0x27d: {  	s3 =	rddreg [dreg:$0x2];
	[bflag:$0x3] =	sbarrier.arrive $0xFFFF;
	s2 =	simm.s32 @!p0 $0x1C02  }
0x27e: {  	[timem:s3], [sflag:s2] =	dma.local @!p0 [hbm:s0], s1  }
0x27f: {  	s0 =	simm.s32 @!p0 $0x2  }
0x280: {  	_ =	swait.ge @!p0 [sflag:s0], s1  }
0x281: {  	s1 =	ssub.s32 @!p0 $0x0, s1;
	[sflag:s0] =	ssyncset.done @!p0 $0x0  }
0x282: {  	[sflag:s0] =	ssyncadd.s32 @!p0 s1  }
0x283: {  	[bflag:$0x3] =	sbarrier.arrive $0xFFFF  }
0x284: {  	_ =	shalt  }

</sc_bundles>
